<compile_context>
chip_gen: v7x
topology: tpu7x:2x2x1
jax: 0.10.2.dev20260603
libtpu: 0.0.44.dev20260713+nightly
codegen_flags: <defaults>
</compile_context>

<pallas_src>
import math

import jax
import jax.numpy as jnp
from jax import lax
from jax.experimental import pallas as pl
from jax.experimental.pallas import tpu as pltpu
from jax.experimental.pallas import tpu_sc as plsc

BOHR = 0.5291772108
N_ATOMS = 10000
N_EDGES = 640000
NZ = 95
NREF = 25
ROW = 80
NTILES = 16
NCORES = 2

EA = N_EDGES // NTILES
CA = 4000
EB = N_EDGES // (NCORES * NTILES)
CB = 400
NCH = EB // CB
ZCH = 2000

S6 = 1.0
S8 = 0.9171
A1 = 0.3385
A2 = 2.883
K1 = 16.0
K3 = -4.0
A1S3 = A1 * math.sqrt(3.0)


def _sc_body(za_h, dij_h, ii_h, jj_h, rows_h, rcov_h, st_h, out_h,
             nc_sh, e_sh, za_v, nc_v, rcov_v, st_v,
             iia, jja, da, damp_a, sema,
             iiB, jjB, dB, semI0, semI1,
             p0, rows0, semR0, p1, rows1, semR1,
             ebuf, isc, rd_t, c0_t, zero_v):
  cid = lax.axis_index("c")
  sid = lax.axis_index("s")
  wid = cid * NTILES + sid

  lane = lax.iota(jnp.int32, 16)
  zf = jnp.zeros((16,), jnp.float32)

  pltpu.sync_copy(za_h, za_v)
  pltpu.sync_copy(rcov_h, rcov_v)
  pltpu.sync_copy(st_h, st_v)

  @pl.when(sid == 0)
  def _():
    def zi_(i, _):
      zero_v[pl.ds(i * 16, 16)] = zf
      return 0
    lax.fori_loop(0, ZCH // 16, zi_, 0)

    def zcopy(i, _):
      pltpu.sync_copy(zero_v, nc_sh.at[pl.ds(i * ZCH, ZCH)])
      pltpu.sync_copy(zero_v, e_sh.at[pl.ds(i * ZCH, ZCH)])
      return 0
    lax.fori_loop(0, N_ATOMS // ZCH, zcopy, 0)

  plsc.subcore_barrier()

  base_a = sid * EA

  def chunk_a(c, _):
    off = base_a + c * CA
    pltpu.async_copy(ii_h.at[pl.ds(off, CA)], iia, sema)
    pltpu.async_copy(jj_h.at[pl.ds(off, CA)], jja, sema)
    pltpu.async_copy(dij_h.at[pl.ds(off, CA)], da, sema)
    pltpu.make_async_copy(ii_h.at[pl.ds(off, CA)], iia, sema).wait()
    pltpu.make_async_copy(jj_h.at[pl.ds(off, CA)], jja, sema).wait()
    pltpu.make_async_copy(dij_h.at[pl.ds(off, CA)], da, sema).wait()

    def grp(g, _):
      for u in range(5):
        o = g * 80 + u * 16
        ii = iia[pl.ds(o, 16)]
        jj = jja[pl.ds(o, 16)]
        d = da[pl.ds(o, 16)]
        zi = plsc.load_gather(za_v, [ii])
        zj = plsc.load_gather(za_v, [jj])
        rci = plsc.load_gather(rcov_v, [zi])
        rcj = plsc.load_gather(rcov_v, [zj])
        rr = (rci + rcj) * (BOHR) / d
        damp = 1.0 / (1.0 + jnp.exp(-K1 * (rr - 1.0)))
        damp_a[pl.ds(o, 16)] = damp
      return 0

    lax.fori_loop(0, CA // 80, grp, 0)
    pltpu.sync_copy(damp_a, nc_sh.at[iia], add=True)
    return 0

  with jax.named_scope("phaseA"):
    lax.fori_loop(0, EA // CA, chunk_a, 0)
  plsc.subcore_barrier()

  pltpu.sync_copy(nc_sh, nc_v)

  base_b = wid * EB
  isets = ((semI0,), (semI1,))
  rsets = ((p0, rows0, semR0), (p1, rows1, semR1))

  def idx_refs(s):
    return (iiB.at[pl.ds(s * CB, CB)], jjB.at[pl.ds(s * CB, CB)],
            dB.at[pl.ds(s * CB, CB)])

  def idx_fire(c, s):
    off = base_b + c * CB
    ii_r, jj_r, d_r = idx_refs(s)
    sem = isets[s][0]
    pltpu.async_copy(ii_h.at[pl.ds(off, CB)], ii_r, sem)
    pltpu.async_copy(jj_h.at[pl.ds(off, CB)], jj_r, sem)
    pltpu.async_copy(dij_h.at[pl.ds(off, CB)], d_r, sem)

  def idx_wait(c, s):
    off = base_b + c * CB
    ii_r, jj_r, d_r = idx_refs(s)
    sem = isets[s][0]
    pltpu.make_async_copy(ii_h.at[pl.ds(off, CB)], ii_r, sem).wait()
    pltpu.make_async_copy(jj_h.at[pl.ds(off, CB)], jj_r, sem).wait()
    pltpu.make_async_copy(dij_h.at[pl.ds(off, CB)], d_r, sem).wait()

  def rows_fire(s, r):
    PP, RR, semr = rsets[r]
    sbase = s * CB

    def pgrp(g, _):
      o = g * 16
      ii = iiB[pl.ds(sbase + o, 16)]
      jj = jjB[pl.ds(sbase + o, 16)]
      zi = plsc.load_gather(za_v, [ii])
      zj = plsc.load_gather(za_v, [jj])
      PP[pl.ds(o, 16)] = zi * NZ + zj
      return 0

    lax.fori_loop(0, CB // 16, pgrp, 0)
    pltpu.async_copy(rows_h.at[PP], RR, semr)

  def compute_chunk(s, r):
    PP, RR, semr = rsets[r]
    sbase = s * CB
    pltpu.make_async_copy(rows_h.at[PP], RR, semr).wait()

    def egrp(g, _):
      o = g * 16
      ii = iiB[pl.ds(sbase + o, 16)]
      jj = jjB[pl.ds(sbase + o, 16)]
      d = dB[pl.ds(sbase + o, 16)]
      zi = plsc.load_gather(za_v, [ii])
      zj = plsc.load_gather(za_v, [jj])
      nci = plsc.load_gather(nc_v, [ii])
      ncj = plsc.load_gather(nc_v, [jj])
      row = lane + o

      m = jnp.full((16,), 1e30, jnp.float32)
      for k in range(NREF):
        t = lane + k
        vrot = jnp.where(t >= NREF, t - NREF, t)
        colv = 3 * vrot
        slotv = vrot * 16 + lane
        c0 = plsc.load_gather(RR, [row, colv])
        c1 = plsc.load_gather(RR, [row, colv + 1])
        c2 = plsc.load_gather(RR, [row, colv + 2])
        dd1 = c1 - nci
        dd2 = c2 - ncj
        rk = dd1 * dd1 + dd2 * dd2
        plsc.store_scatter(rd_t, [slotv], rk)
        plsc.store_scatter(c0_t, [slotv], c0)
        m = jnp.minimum(m, rk)

      su = zf
      acc = zf
      for k in range(NREF):
        rk = rd_t[pl.ds(k * 16, 16)]
        c0 = c0_t[pl.ds(k * 16, 16)]
        w = jnp.exp(K3 * (rk - m))
        su = su + w
        acc = acc + w * c0
      c6 = acc / su

      sti = plsc.load_gather(st_v, [zi])
      stj = plsc.load_gather(st_v, [zj])
      u = sti * stj
      c8 = (3.0 * c6) * (u * u)
      tmp = A1S3 * u + A2
      rr_ = d * (1.0 / BOHR)
      r2 = rr_ * rr_
      r6 = r2 * r2 * r2
      r8 = r6 * r2
      t2 = tmp * tmp
      t6 = t2 * t2 * t2
      t8 = t6 * t2
      e = (-0.5 * S6) * c6 / (r6 + t6) + (-0.5 * S8) * c8 / (r8 + t8)
      ebuf[pl.ds(o, 16)] = e
      isc[pl.ds(o, 16)] = ii
      return 0

    lax.fori_loop(0, CB // 16, egrp, 0)
    pltpu.sync_copy(ebuf, e_sh.at[isc], add=True)

  idx_fire(0, 0)
  idx_fire(1, 1)
  idx_wait(0, 0)
  rows_fire(0, 0)

  def outer(c2_, _):
    for b in range(2):
      c = c2_ * 2 + b

      @pl.when(c + 1 < NCH)
      def _():
        idx_wait(c + 1, (b + 1) % 2)
        rows_fire((b + 1) % 2, (b + 1) % 2)

      compute_chunk(b, b)

      @pl.when(c + 2 < NCH)
      def _():
        idx_fire(c + 2, b)
    return 0

  with jax.named_scope("phaseB"):
    lax.fori_loop(0, NCH // 2, outer, 0)
  plsc.subcore_barrier()

  @pl.when(sid == 0)
  def _():
    pltpu.sync_copy(e_sh, out_h.at[cid])


def _combine_body(p_ref, o_ref):
  o_ref[...] = p_ref[0, :] + p_ref[1, :]


def kernel(Za, Dij, idx_i, idx_j, c6ab, rcov, r2r4):
  Za = Za.astype(jnp.int32)
  idx_i = idx_i.astype(jnp.int32)
  idx_j = idx_j.astype(jnp.int32)
  Dij = Dij.astype(jnp.float32)
  rows = jnp.pad(c6ab.astype(jnp.float32).reshape(NZ * NZ, 75),
                 ((0, 0), (0, ROW - 75)))
  rcov_p = jnp.pad(rcov.astype(jnp.float32), (0, 1))
  st_p = jnp.pad(jnp.sqrt(r2r4.astype(jnp.float32)), (0, 1))

  mesh = plsc.VectorSubcoreMesh(core_axis_name="c", subcore_axis_name="s")
  sc = pl.kernel(
      _sc_body,
      out_type=jax.ShapeDtypeStruct((NCORES, N_ATOMS), jnp.float32),
      mesh=mesh,
      compiler_params=pltpu.CompilerParams(
          needs_layout_passes=False, use_tc_tiling_on_sc=False),
      scratch_types=[
          pltpu.VMEM_SHARED((N_ATOMS,), jnp.float32),
          pltpu.VMEM_SHARED((N_ATOMS,), jnp.float32),
          pltpu.VMEM((N_ATOMS,), jnp.int32),
          pltpu.VMEM((N_ATOMS,), jnp.float32),
          pltpu.VMEM((NZ + 1,), jnp.float32),
          pltpu.VMEM((NZ + 1,), jnp.float32),
          pltpu.VMEM((CA,), jnp.int32),
          pltpu.VMEM((CA,), jnp.int32),
          pltpu.VMEM((CA,), jnp.float32),
          pltpu.VMEM((CA,), jnp.float32),
          pltpu.SemaphoreType.DMA,
          pltpu.VMEM((2 * CB,), jnp.int32),
          pltpu.VMEM((2 * CB,), jnp.int32),
          pltpu.VMEM((2 * CB,), jnp.float32),
          pltpu.SemaphoreType.DMA,
          pltpu.SemaphoreType.DMA,
          pltpu.VMEM((CB,), jnp.int32),
          pltpu.VMEM((CB, ROW), jnp.float32),
          pltpu.SemaphoreType.DMA,
          pltpu.VMEM((CB,), jnp.int32),
          pltpu.VMEM((CB, ROW), jnp.float32),
          pltpu.SemaphoreType.DMA,
          pltpu.VMEM((CB,), jnp.float32),
          pltpu.VMEM((CB,), jnp.int32),
          pltpu.VMEM((NREF * 16,), jnp.float32),
          pltpu.VMEM((NREF * 16,), jnp.float32),
          pltpu.VMEM((ZCH,), jnp.float32),
      ],
  )
  partials = sc(Za, Dij, idx_i, idx_j, rows, rcov_p, st_p)

  return pl.pallas_call(
      _combine_body,
      out_shape=jax.ShapeDtypeStruct((N_ATOMS,), jnp.float32),
  )(partials)

# --- scband reference (transcript-rebuilt; emitter-appended) ---
"""Pipeline reference for scband-grimme-d3-energy-layer-78529182040406 (READ-ONLY COPY).

The authoritative reference and input builder live on the scoring server;
editing this copy changes nothing except your own understanding.
"""

import jax, jax.numpy as jnp
import numpy as np

N_ATOMS = 10000
N_EDGES = 640000
BOHR = 0.5291772108

def setup_inputs(seed: int = 0):
    key = jax.random.key(seed)
    ks = jax.random.split(key, 7)
    Za = jax.random.randint(ks[0], (N_ATOMS,), 0, 87)
    Dij = jax.random.uniform(ks[1], (N_EDGES,), dtype=jnp.float32, minval=1.0, maxval=8.0)
    idx_i = jnp.sort(jax.random.randint(ks[2], (N_EDGES,), 0, N_ATOMS))
    idx_j = jax.random.randint(ks[3], (N_EDGES,), 0, N_ATOMS)
    c6ab = jax.random.uniform(ks[4], (95, 95, 5, 5, 3), dtype=jnp.float32, minval=0.1, maxval=10.0)
    rcov = jax.random.uniform(ks[5], (95,), dtype=jnp.float32, minval=0.5, maxval=2.0)
    r2r4 = jax.random.uniform(ks[6], (95,), dtype=jnp.float32, minval=0.5, maxval=2.0)
    return {"Za": Za, "Dij": Dij, "idx_i": idx_i, "idx_j": idx_j, "c6ab": c6ab, "rcov": rcov, "r2r4": r2r4}

def reference(Za, Dij, idx_i, idx_j, c6ab, rcov, r2r4):
    s6 = 1.0; s8 = 0.9171; a1 = 0.3385; a2 = 2.883
    k1 = 16.0; k3 = -4.0; eps = 1e-10
    Hartree_in_E = 1.0
    r = Dij / BOHR
    Zi = Za[idx_i]
    Zj = Za[idx_j]
    # _ncoord: coordination numbers via inverse damping + segment_sum
    rco = rcov[Zi] + rcov[Zj]
    rr = rco / r
    damp = 1.0 / (1.0 + jnp.exp(-k1 * (rr - 1.0)))
    nc = jax.ops.segment_sum(damp, idx_i, num_segments=N_ATOMS)
    nci = nc[idx_i]
    ncj = nc[idx_j]
    # _getc6_v2: gather_nd(c6ab, [Zi, Zj]) then softmax interpolation over 25 reference pairs
    c6ab_ = c6ab[Zi, Zj].reshape(-1, 25, 3)
    rdist = (c6ab_[:, :, 1] - nci[:, None]) ** 2 + (c6ab_[:, :, 2] - ncj[:, None]) ** 2
    weight = jax.nn.softmax(k3 * rdist, axis=1)
    c6 = jnp.sum(weight * c6ab_[:, :, 0], axis=1)
    c8 = 3.0 * c6 * r2r4[Zi] * r2r4[Zj]
    r2 = r ** 2
    r6 = r2 ** 3
    r8 = r6 * r2
    tmp = a1 * jnp.sqrt(c8 / (c6 + eps) + eps) + a2
    tmp2 = tmp ** 2
    tmp6 = tmp2 ** 3
    tmp8 = tmp6 * tmp2
    e6 = 1.0 / (r6 + tmp6)
    e8 = 1.0 / (r8 + tmp8)
    e6 = -0.5 * s6 * c6 * e6
    e8 = -0.5 * s8 * c8 * e8
    E_disp_a = Hartree_in_E * jax.ops.segment_sum(e6 + e8, idx_i, num_segments=N_ATOMS)
    return E_disp_a

if __name__ == "__main__":
    import jax
    _d = setup_inputs()
    print(jax.jit(kernel)(*tuple(_d.values())))

</pallas_src>

<mosaic_0001>
#map = affine_map<(d0, d1) -> (0)>
#map1 = affine_map<(d0, d1) -> (0, 0)>
module attributes {stable_mosaic.version = 14 : i64} {
  func.func @_sc_body(%arg0: i32, %arg1: i32, %arg2: memref<10000xi32, #tpu.memory_space<hbm>>, %arg3: memref<640000xf32, #tpu.memory_space<hbm>>, %arg4: memref<640000xi32, #tpu.memory_space<hbm>>, %arg5: memref<640000xi32, #tpu.memory_space<hbm>>, %arg6: memref<9025x80xf32, #tpu.memory_space<hbm>>, %arg7: memref<96xf32, #tpu.memory_space<hbm>>, %arg8: memref<96xf32, #tpu.memory_space<hbm>>, %arg9: memref<2x10000xf32, #tpu.memory_space<hbm>>, %arg10: memref<10000xf32, #tpu.memory_space<vmem_shared>>, %arg11: memref<10000xf32, #tpu.memory_space<vmem_shared>>, %arg12: memref<10000xi32, #tpu.memory_space<vmem>>, %arg13: memref<10000xf32, #tpu.memory_space<vmem>>, %arg14: memref<96xf32, #tpu.memory_space<vmem>>, %arg15: memref<96xf32, #tpu.memory_space<vmem>>, %arg16: memref<4000xi32, #tpu.memory_space<vmem>>, %arg17: memref<4000xi32, #tpu.memory_space<vmem>>, %arg18: memref<4000xf32, #tpu.memory_space<vmem>>, %arg19: memref<4000xf32, #tpu.memory_space<vmem>>, %arg20: memref<!tpu.dma_semaphore, #tpu.memory_space<semaphore_mem>>, %arg21: memref<800xi32, #tpu.memory_space<vmem>>, %arg22: memref<800xi32, #tpu.memory_space<vmem>>, %arg23: memref<800xf32, #tpu.memory_space<vmem>>, %arg24: memref<!tpu.dma_semaphore, #tpu.memory_space<semaphore_mem>>, %arg25: memref<!tpu.dma_semaphore, #tpu.memory_space<semaphore_mem>>, %arg26: memref<400xi32, #tpu.memory_space<vmem>>, %arg27: memref<400x80xf32, #tpu.memory_space<vmem>>, %arg28: memref<!tpu.dma_semaphore, #tpu.memory_space<semaphore_mem>>, %arg29: memref<400xi32, #tpu.memory_space<vmem>>, %arg30: memref<400x80xf32, #tpu.memory_space<vmem>>, %arg31: memref<!tpu.dma_semaphore, #tpu.memory_space<semaphore_mem>>, %arg32: memref<400xf32, #tpu.memory_space<vmem>>, %arg33: memref<400xi32, #tpu.memory_space<vmem>>, %arg34: memref<400xf32, #tpu.memory_space<vmem>>, %arg35: memref<400xf32, #tpu.memory_space<vmem>>, %arg36: memref<2000xf32, #tpu.memory_space<vmem>>) attributes {dimension_semantics = [#tpu.dimension_semantics<core_parallel>, #tpu.dimension_semantics<subcore_parallel>], iteration_bounds = array<i64: 2, 16>, scalar_prefetch = 0 : i64, scratch_operands = 27 : i64, tpu.core_type = #tpu.core_type<sc_vector_subcore>, window_params = [{transform_indices = #map}, {transform_indices = #map}, {transform_indices = #map}, {transform_indices = #map}, {transform_indices = #map1}, {transform_indices = #map}, {transform_indices = #map}, {transform_indices = #map1}]} {
    %mul3A = arith.constant 16 : i32
    %mul3A_0 = arith.muli %arg0, %mul3A : i32
    %add3A = arith.addi %mul3A_0, %arg1 : i32
    %iota3A = tpu.iota {dimensions = array<i32: 0>} : vector<16xi32>
    %broadcast_in_dim3A = arith.constant 0.000000e+00 : f32
    %broadcast_in_dim3A_1 = vector.broadcast %broadcast_in_dim3A : f32 to vector<16xf32>
    "tpu.region"() ({
      %run_scoped3A = tpu.sem_alloc : memref<!tpu.dma_semaphore, #tpu.memory_space<semaphore_mem>>
      tpu.enqueue_dma source(%arg2 : memref<10000xi32, #tpu.memory_space<hbm>>) target(%arg12 : memref<10000xi32, #tpu.memory_space<vmem>>) target_semaphore(%run_scoped3A : memref<!tpu.dma_semaphore, #tpu.memory_space<semaphore_mem>>)
      tpu.wait_dma2 semaphore(%run_scoped3A : memref<!tpu.dma_semaphore, #tpu.memory_space<semaphore_mem>>) src(%arg2 : memref<10000xi32, #tpu.memory_space<hbm>>) dst(%arg12 : memref<10000xi32, #tpu.memory_space<vmem>>)
      tpu.yield
    }) : () -> ()
    "tpu.region"() ({
      %run_scoped3A = tpu.sem_alloc : memref<!tpu.dma_semaphore, #tpu.memory_space<semaphore_mem>>
      tpu.enqueue_dma source(%arg7 : memref<96xf32, #tpu.memory_space<hbm>>) target(%arg14 : memref<96xf32, #tpu.memory_space<vmem>>) target_semaphore(%run_scoped3A : memref<!tpu.dma_semaphore, #tpu.memory_space<semaphore_mem>>)
      tpu.wait_dma2 semaphore(%run_scoped3A : memref<!tpu.dma_semaphore, #tpu.memory_space<semaphore_mem>>) src(%arg7 : memref<96xf32, #tpu.memory_space<hbm>>) dst(%arg14 : memref<96xf32, #tpu.memory_space<vmem>>)
      tpu.yield
    }) : () -> ()
    "tpu.region"() ({
      %run_scoped3A = tpu.sem_alloc : memref<!tpu.dma_semaphore, #tpu.memory_space<semaphore_mem>>
      tpu.enqueue_dma source(%arg8 : memref<96xf32, #tpu.memory_space<hbm>>) target(%arg15 : memref<96xf32, #tpu.memory_space<vmem>>) target_semaphore(%run_scoped3A : memref<!tpu.dma_semaphore, #tpu.memory_space<semaphore_mem>>)
      tpu.wait_dma2 semaphore(%run_scoped3A : memref<!tpu.dma_semaphore, #tpu.memory_space<semaphore_mem>>) src(%arg8 : memref<96xf32, #tpu.memory_space<hbm>>) dst(%arg15 : memref<96xf32, #tpu.memory_space<vmem>>)
      tpu.yield
    }) : () -> ()
    %eq3A = arith.constant 0 : i32
    %eq3A_2 = arith.cmpi eq, %arg1, %eq3A : i32
    %convert_element_type3A = arith.extui %eq3A_2 : i1 to i32
    %cond3A = arith.constant 0 : i32
    %cond3A_3 = arith.cmpi ne, %convert_element_type3A, %cond3A : i32
    scf.if %cond3A_3 {
      %scan3A_96 = arith.constant 0 : i32
      %scan3A_97 = arith.constant 0 : i32
      %scan3A_98 = arith.constant 125 : i32
      %scan3A_99 = arith.addi %scan3A_97, %scan3A_98 : i32
      %scan3A_100 = arith.constant 1 : i32
      %scan3A_101 = scf.for %scan3A_110 = %scan3A_97 to %scan3A_99 step %scan3A_100 iter_args(%scan3A_111 = %scan3A_96) -> (i32)  : i32 {
        %mul3A_112 = arith.constant 16 : i32
        %mul3A_113 = arith.muli %scan3A_110, %mul3A_112 : i32
        %swap3A = arith.index_cast %mul3A_113 : i32 to index
        %swap3A_114 = tpu.vector_load %arg36[%swap3A] {strides = array<i32>} : memref<2000xf32, #tpu.memory_space<vmem>>, vector<16xf32>,
        tpu.vector_store %arg36[%swap3A], %broadcast_in_dim3A_1 {strides = array<i32>} : memref<2000xf32, #tpu.memory_space<vmem>>, vector<16xf32>,
        %scan3A_115 = arith.constant 0 : i32
        scf.yield %scan3A_115 : i32
      }
      %scan3A_102 = arith.constant 125 : i32
      %scan3A_103 = arith.constant 0 : i32
      %scan3A_104 = arith.constant 0 : i32
      %scan3A_105 = arith.constant 5 : i32
      %scan3A_106 = arith.addi %scan3A_104, %scan3A_105 : i32
      %scan3A_107 = arith.constant 1 : i32
      %scan3A_108 = scf.for %scan3A_110 = %scan3A_104 to %scan3A_106 step %scan3A_107 iter_args(%scan3A_111 = %scan3A_103) -> (i32)  : i32 {
        %mul3A_112 = arith.constant 2000 : i32
        %mul3A_113 = arith.muli %scan3A_110, %mul3A_112 : i32
        "tpu.region"() ({
          %run_scoped3A = tpu.sem_alloc : memref<!tpu.dma_semaphore, #tpu.memory_space<semaphore_mem>>
          %dma_start3A_117 = tpu.memref_slice %arg10[%mul3A_113] : memref<10000xf32, #tpu.memory_space<vmem_shared>> -> memref<2000xf32, #tpu.memory_space<vmem_shared>>
          %dma_start3A_118 = tpu.memref_slice %arg10[%mul3A_113] : memref<10000xf32, #tpu.memory_space<vmem_shared>> -> memref<2000xf32, #tpu.memory_space<vmem_shared>>
          tpu.enqueue_dma source(%arg36 : memref<2000xf32, #tpu.memory_space<vmem>>) target(%dma_start3A_118 : memref<2000xf32, #tpu.memory_space<vmem_shared>>) target_semaphore(%run_scoped3A : memref<!tpu.dma_semaphore, #tpu.memory_space<semaphore_mem>>)
          %dma_wait3A_119 = tpu.memref_slice %arg10[%mul3A_113] : memref<10000xf32, #tpu.memory_space<vmem_shared>> -> memref<2000xf32, #tpu.memory_space<vmem_shared>>
          %dma_wait3A_120 = tpu.memref_slice %arg10[%mul3A_113] : memref<10000xf32, #tpu.memory_space<vmem_shared>> -> memref<2000xf32, #tpu.memory_space<vmem_shared>>
          tpu.wait_dma2 semaphore(%run_scoped3A : memref<!tpu.dma_semaphore, #tpu.memory_space<semaphore_mem>>) src(%arg36 : memref<2000xf32, #tpu.memory_space<vmem>>) dst(%dma_wait3A_120 : memref<2000xf32, #tpu.memory_space<vmem_shared>>)
          tpu.yield
        }) : () -> ()
        %mul3A_114 = arith.constant 2000 : i32
        %mul3A_115 = arith.muli %scan3A_110, %mul3A_114 : i32
        "tpu.region"() ({
          %run_scoped3A = tpu.sem_alloc : memref<!tpu.dma_semaphore, #tpu.memory_space<semaphore_mem>>
          %dma_start3A_117 = tpu.memref_slice %arg11[%mul3A_115] : memref<10000xf32, #tpu.memory_space<vmem_shared>> -> memref<2000xf32, #tpu.memory_space<vmem_shared>>
          %dma_start3A_118 = tpu.memref_slice %arg11[%mul3A_115] : memref<10000xf32, #tpu.memory_space<vmem_shared>> -> memref<2000xf32, #tpu.memory_space<vmem_shared>>
          tpu.enqueue_dma source(%arg36 : memref<2000xf32, #tpu.memory_space<vmem>>) target(%dma_start3A_118 : memref<2000xf32, #tpu.memory_space<vmem_shared>>) target_semaphore(%run_scoped3A : memref<!tpu.dma_semaphore, #tpu.memory_space<semaphore_mem>>)
          %dma_wait3A_119 = tpu.memref_slice %arg11[%mul3A_115] : memref<10000xf32, #tpu.memory_space<vmem_shared>> -> memref<2000xf32, #tpu.memory_space<vmem_shared>>
          %dma_wait3A_120 = tpu.memref_slice %arg11[%mul3A_115] : memref<10000xf32, #tpu.memory_space<vmem_shared>> -> memref<2000xf32, #tpu.memory_space<vmem_shared>>
          tpu.wait_dma2 semaphore(%run_scoped3A : memref<!tpu.dma_semaphore, #tpu.memory_space<semaphore_mem>>) src(%arg36 : memref<2000xf32, #tpu.memory_space<vmem>>) dst(%dma_wait3A_120 : memref<2000xf32, #tpu.memory_space<vmem_shared>>)
          tpu.yield
        }) : () -> ()
        %scan3A_116 = arith.constant 0 : i32
        scf.yield %scan3A_116 : i32
      }
      %scan3A_109 = arith.constant 5 : i32
    } else {
    }
    %barrier3A = arith.constant 0 : index
    tpu.barrier barrier_id(%barrier3A)
    %mul3A_4 = arith.constant 40000 : i32
    %mul3A_5 = arith.muli %arg1, %mul3A_4 : i32
    "tpu.trace_start"() <{level = 10 : i32, message = "phaseA"}> : () -> ()
    %scan3A = arith.constant 0 : i32
    %scan3A_6 = arith.constant 0 : i32
    %scan3A_7 = arith.constant 10 : i32
    %scan3A_8 = arith.addi %scan3A_6, %scan3A_7 : i32
    %scan3A_9 = arith.constant 1 : i32
    %scan3A_10 = scf.for %scan3A_96 = %scan3A_6 to %scan3A_8 step %scan3A_9 iter_args(%scan3A_97 = %scan3A) -> (i32)  : i32 {
      %mul3A_98 = arith.constant 4000 : i32
      %mul3A_99 = arith.muli %scan3A_96, %mul3A_98 : i32
      %add3A_100 = arith.addi %mul3A_5, %mul3A_99 : i32
      %dma_start3A_101 = tpu.memref_slice %arg4[%add3A_100] : memref<640000xi32, #tpu.memory_space<hbm>> -> memref<4000xi32, #tpu.memory_space<hbm>>
      %dma_start3A_102 = tpu.memref_slice %arg4[%add3A_100] : memref<640000xi32, #tpu.memory_space<hbm>> -> memref<4000xi32, #tpu.memory_space<hbm>>
      tpu.enqueue_dma source(%dma_start3A_102 : memref<4000xi32, #tpu.memory_space<hbm>>) target(%arg16 : memref<4000xi32, #tpu.memory_space<vmem>>) target_semaphore(%arg20 : memref<!tpu.dma_semaphore, #tpu.memory_space<semaphore_mem>>)
      %dma_start3A_103 = tpu.memref_slice %arg5[%add3A_100] : memref<640000xi32, #tpu.memory_space<hbm>> -> memref<4000xi32, #tpu.memory_space<hbm>>
      %dma_start3A_104 = tpu.memref_slice %arg5[%add3A_100] : memref<640000xi32, #tpu.memory_space<hbm>> -> memref<4000xi32, #tpu.memory_space<hbm>>
      tpu.enqueue_dma source(%dma_start3A_104 : memref<4000xi32, #tpu.memory_space<hbm>>) target(%arg17 : memref<4000xi32, #tpu.memory_space<vmem>>) target_semaphore(%arg20 : memref<!tpu.dma_semaphore, #tpu.memory_space<semaphore_mem>>)
      %dma_start3A_105 = tpu.memref_slice %arg3[%add3A_100] : memref<640000xf32, #tpu.memory_space<hbm>> -> memref<4000xf32, #tpu.memory_space<hbm>>
      %dma_start3A_106 = tpu.memref_slice %arg3[%add3A_100] : memref<640000xf32, #tpu.memory_space<hbm>> -> memref<4000xf32, #tpu.memory_space<hbm>>
      tpu.enqueue_dma source(%dma_start3A_106 : memref<4000xf32, #tpu.memory_space<hbm>>) target(%arg18 : memref<4000xf32, #tpu.memory_space<vmem>>) target_semaphore(%arg20 : memref<!tpu.dma_semaphore, #tpu.memory_space<semaphore_mem>>)
      %dma_wait3A_107 = tpu.memref_slice %arg4[%add3A_100] : memref<640000xi32, #tpu.memory_space<hbm>> -> memref<4000xi32, #tpu.memory_space<hbm>>
      %dma_wait3A_108 = tpu.memref_slice %arg4[%add3A_100] : memref<640000xi32, #tpu.memory_space<hbm>> -> memref<4000xi32, #tpu.memory_space<hbm>>
      tpu.wait_dma2 semaphore(%arg20 : memref<!tpu.dma_semaphore, #tpu.memory_space<semaphore_mem>>) src(%dma_wait3A_108 : memref<4000xi32, #tpu.memory_space<hbm>>) dst(%arg16 : memref<4000xi32, #tpu.memory_space<vmem>>)
      %dma_wait3A_109 = tpu.memref_slice %arg5[%add3A_100] : memref<640000xi32, #tpu.memory_space<hbm>> -> memref<4000xi32, #tpu.memory_space<hbm>>
      %dma_wait3A_110 = tpu.memref_slice %arg5[%add3A_100] : memref<640000xi32, #tpu.memory_space<hbm>> -> memref<4000xi32, #tpu.memory_space<hbm>>
      tpu.wait_dma2 semaphore(%arg20 : memref<!tpu.dma_semaphore, #tpu.memory_space<semaphore_mem>>) src(%dma_wait3A_110 : memref<4000xi32, #tpu.memory_space<hbm>>) dst(%arg17 : memref<4000xi32, #tpu.memory_space<vmem>>)
      %dma_wait3A_111 = tpu.memref_slice %arg3[%add3A_100] : memref<640000xf32, #tpu.memory_space<hbm>> -> memref<4000xf32, #tpu.memory_space<hbm>>
      %dma_wait3A_112 = tpu.memref_slice %arg3[%add3A_100] : memref<640000xf32, #tpu.memory_space<hbm>> -> memref<4000xf32, #tpu.memory_space<hbm>>
      tpu.wait_dma2 semaphore(%arg20 : memref<!tpu.dma_semaphore, #tpu.memory_space<semaphore_mem>>) src(%dma_wait3A_112 : memref<4000xf32, #tpu.memory_space<hbm>>) dst(%arg18 : memref<4000xf32, #tpu.memory_space<vmem>>)
      %scan3A_113 = arith.constant 0 : i32
      %scan3A_114 = arith.constant 0 : i32
      %scan3A_115 = arith.constant 50 : i32
      %scan3A_116 = arith.addi %scan3A_114, %scan3A_115 : i32
      %scan3A_117 = arith.constant 1 : i32
      %scan3A_118 = scf.for %scan3A_121 = %scan3A_114 to %scan3A_116 step %scan3A_117 iter_args(%scan3A_122 = %scan3A_113) -> (i32)  : i32 {
        %mul3A_123 = arith.constant 80 : i32
        %mul3A_124 = arith.muli %scan3A_121, %mul3A_123 : i32
        %add3A_125 = arith.constant 0 : i32
        %add3A_126 = arith.addi %mul3A_124, %add3A_125 : i32
        %get3A = arith.index_cast %add3A_126 : i32 to index
        %get3A_127 = tpu.vector_load %arg16[%get3A] {strides = array<i32>} : memref<4000xi32, #tpu.memory_space<vmem>>, vector<16xi32>,
        %get3A_128 = arith.index_cast %add3A_126 : i32 to index
        %get3A_129 = tpu.vector_load %arg17[%get3A_128] {strides = array<i32>} : memref<4000xi32, #tpu.memory_space<vmem>>, vector<16xi32>,
        %get3A_130 = arith.index_cast %add3A_126 : i32 to index
        %get3A_131 = tpu.vector_load %arg18[%get3A_130] {strides = array<i32>} : memref<4000xf32, #tpu.memory_space<vmem>>, vector<16xf32>,
        %gather3A = tpu.vector_load_idx %arg12[%get3A_127] : memref<10000xi32, #tpu.memory_space<vmem>>[vector<16xi32>], vector<16xi32>,
        %gather3A_132 = tpu.vector_load_idx %arg12[%get3A_129] : memref<10000xi32, #tpu.memory_space<vmem>>[vector<16xi32>], vector<16xi32>,
        %gather3A_133 = tpu.vector_load_idx %arg14[%gather3A] : memref<96xf32, #tpu.memory_space<vmem>>[vector<16xi32>], vector<16xf32>,
        %gather3A_134 = tpu.vector_load_idx %arg14[%gather3A_132] : memref<96xf32, #tpu.memory_space<vmem>>[vector<16xi32>], vector<16xf32>,
        %add3A_135 = arith.addf %gather3A_133, %gather3A_134 : vector<16xf32>
        %mul3A_136 = arith.constant 0.529177189 : f32
        %mul3A_137 = vector.broadcast %mul3A_136 : f32 to vector<16xf32>
        %mul3A_138 = arith.mulf %add3A_135, %mul3A_137 : vector<16xf32>
        %div3A = arith.divf %mul3A_138, %get3A_131 : vector<16xf32>
        %sub3A = arith.constant 1.000000e+00 : f32
        %sub3A_139 = vector.broadcast %sub3A : f32 to vector<16xf32>
        %sub3A_140 = arith.subf %div3A, %sub3A_139 : vector<16xf32>
        %mul3A_141 = arith.constant -1.600000e+01 : f32
        %mul3A_142 = vector.broadcast %mul3A_141 : f32 to vector<16xf32>
        %mul3A_143 = arith.mulf %mul3A_142, %sub3A_140 : vector<16xf32>
        %exp3A = math.exp %mul3A_143 : vector<16xf32>
        %add3A_144 = arith.constant 1.000000e+00 : f32
        %add3A_145 = vector.broadcast %add3A_144 : f32 to vector<16xf32>
        %add3A_146 = arith.addf %add3A_145, %exp3A : vector<16xf32>
        %div3A_147 = arith.constant 1.000000e+00 : f32
        %div3A_148 = vector.broadcast %div3A_147 : f32 to vector<16xf32>
        %div3A_149 = arith.divf %div3A_148, %add3A_146 : vector<16xf32>
        %swap3A = arith.index_cast %add3A_126 : i32 to index
        %swap3A_150 = tpu.vector_load %arg19[%swap3A] {strides = array<i32>} : memref<4000xf32, #tpu.memory_space<vmem>>, vector<16xf32>,
        tpu.vector_store %arg19[%swap3A], %div3A_149 {strides = array<i32>} : memref<4000xf32, #tpu.memory_space<vmem>>, vector<16xf32>,
        %mul3A_151 = arith.constant 80 : i32
        %mul3A_152 = arith.muli %scan3A_121, %mul3A_151 : i32
        %add3A_153 = arith.constant 16 : i32
        %add3A_154 = arith.addi %mul3A_152, %add3A_153 : i32
        %get3A_155 = arith.index_cast %add3A_154 : i32 to index
        %get3A_156 = tpu.vector_load %arg16[%get3A_155] {strides = array<i32>} : memref<4000xi32, #tpu.memory_space<vmem>>, vector<16xi32>,
        %get3A_157 = arith.index_cast %add3A_154 : i32 to index
        %get3A_158 = tpu.vector_load %arg17[%get3A_157] {strides = array<i32>} : memref<4000xi32, #tpu.memory_space<vmem>>, vector<16xi32>,
        %get3A_159 = arith.index_cast %add3A_154 : i32 to index
        %get3A_160 = tpu.vector_load %arg18[%get3A_159] {strides = array<i32>} : memref<4000xf32, #tpu.memory_space<vmem>>, vector<16xf32>,
        %gather3A_161 = tpu.vector_load_idx %arg12[%get3A_156] : memref<10000xi32, #tpu.memory_space<vmem>>[vector<16xi32>], vector<16xi32>,
        %gather3A_162 = tpu.vector_load_idx %arg12[%get3A_158] : memref<10000xi32, #tpu.memory_space<vmem>>[vector<16xi32>], vector<16xi32>,
        %gather3A_163 = tpu.vector_load_idx %arg14[%gather3A_161] : memref<96xf32, #tpu.memory_space<vmem>>[vector<16xi32>], vector<16xf32>,
        %gather3A_164 = tpu.vector_load_idx %arg14[%gather3A_162] : memref<96xf32, #tpu.memory_space<vmem>>[vector<16xi32>], vector<16xf32>,
        %add3A_165 = arith.addf %gather3A_163, %gather3A_164 : vector<16xf32>
        %mul3A_166 = arith.constant 0.529177189 : f32
        %mul3A_167 = vector.broadcast %mul3A_166 : f32 to vector<16xf32>
        %mul3A_168 = arith.mulf %add3A_165, %mul3A_167 : vector<16xf32>
        %div3A_169 = arith.divf %mul3A_168, %get3A_160 : vector<16xf32>
        %sub3A_170 = arith.constant 1.000000e+00 : f32
        %sub3A_171 = vector.broadcast %sub3A_170 : f32 to vector<16xf32>
        %sub3A_172 = arith.subf %div3A_169, %sub3A_171 : vector<16xf32>
        %mul3A_173 = arith.constant -1.600000e+01 : f32
        %mul3A_174 = vector.broadcast %mul3A_173 : f32 to vector<16xf32>
        %mul3A_175 = arith.mulf %mul3A_174, %sub3A_172 : vector<16xf32>
        %exp3A_176 = math.exp %mul3A_175 : vector<16xf32>
        %add3A_177 = arith.constant 1.000000e+00 : f32
        %add3A_178 = vector.broadcast %add3A_177 : f32 to vector<16xf32>
        %add3A_179 = arith.addf %add3A_178, %exp3A_176 : vector<16xf32>
        %div3A_180 = arith.constant 1.000000e+00 : f32
        %div3A_181 = vector.broadcast %div3A_180 : f32 to vector<16xf32>
        %div3A_182 = arith.divf %div3A_181, %add3A_179 : vector<16xf32>
        %swap3A_183 = arith.index_cast %add3A_154 : i32 to index
        %swap3A_184 = tpu.vector_load %arg19[%swap3A_183] {strides = array<i32>} : memref<4000xf32, #tpu.memory_space<vmem>>, vector<16xf32>,
        tpu.vector_store %arg19[%swap3A_183], %div3A_182 {strides = array<i32>} : memref<4000xf32, #tpu.memory_space<vmem>>, vector<16xf32>,
        %mul3A_185 = arith.constant 80 : i32
        %mul3A_186 = arith.muli %scan3A_121, %mul3A_185 : i32
        %add3A_187 = arith.constant 32 : i32
        %add3A_188 = arith.addi %mul3A_186, %add3A_187 : i32
        %get3A_189 = arith.index_cast %add3A_188 : i32 to index
        %get3A_190 = tpu.vector_load %arg16[%get3A_189] {strides = array<i32>} : memref<4000xi32, #tpu.memory_space<vmem>>, vector<16xi32>,
        %get3A_191 = arith.index_cast %add3A_188 : i32 to index
        %get3A_192 = tpu.vector_load %arg17[%get3A_191] {strides = array<i32>} : memref<4000xi32, #tpu.memory_space<vmem>>, vector<16xi32>,
        %get3A_193 = arith.index_cast %add3A_188 : i32 to index
        %get3A_194 = tpu.vector_load %arg18[%get3A_193] {strides = array<i32>} : memref<4000xf32, #tpu.memory_space<vmem>>, vector<16xf32>,
        %gather3A_195 = tpu.vector_load_idx %arg12[%get3A_190] : memref<10000xi32, #tpu.memory_space<vmem>>[vector<16xi32>], vector<16xi32>,
        %gather3A_196 = tpu.vector_load_idx %arg12[%get3A_192] : memref<10000xi32, #tpu.memory_space<vmem>>[vector<16xi32>], vector<16xi32>,
        %gather3A_197 = tpu.vector_load_idx %arg14[%gather3A_195] : memref<96xf32, #tpu.memory_space<vmem>>[vector<16xi32>], vector<16xf32>,
        %gather3A_198 = tpu.vector_load_idx %arg14[%gather3A_196] : memref<96xf32, #tpu.memory_space<vmem>>[vector<16xi32>], vector<16xf32>,
        %add3A_199 = arith.addf %gather3A_197, %gather3A_198 : vector<16xf32>
        %mul3A_200 = arith.constant 0.529177189 : f32
        %mul3A_201 = vector.broadcast %mul3A_200 : f32 to vector<16xf32>
        %mul3A_202 = arith.mulf %add3A_199, %mul3A_201 : vector<16xf32>
        %div3A_203 = arith.divf %mul3A_202, %get3A_194 : vector<16xf32>
        %sub3A_204 = arith.constant 1.000000e+00 : f32
        %sub3A_205 = vector.broadcast %sub3A_204 : f32 to vector<16xf32>
        %sub3A_206 = arith.subf %div3A_203, %sub3A_205 : vector<16xf32>
        %mul3A_207 = arith.constant -1.600000e+01 : f32
        %mul3A_208 = vector.broadcast %mul3A_207 : f32 to vector<16xf32>
        %mul3A_209 = arith.mulf %mul3A_208, %sub3A_206 : vector<16xf32>
        %exp3A_210 = math.exp %mul3A_209 : vector<16xf32>
        %add3A_211 = arith.constant 1.000000e+00 : f32
        %add3A_212 = vector.broadcast %add3A_211 : f32 to vector<16xf32>
        %add3A_213 = arith.addf %add3A_212, %exp3A_210 : vector<16xf32>
        %div3A_214 = arith.constant 1.000000e+00 : f32
        %div3A_215 = vector.broadcast %div3A_214 : f32 to vector<16xf32>
        %div3A_216 = arith.divf %div3A_215, %add3A_213 : vector<16xf32>
        %swap3A_217 = arith.index_cast %add3A_188 : i32 to index
        %swap3A_218 = tpu.vector_load %arg19[%swap3A_217] {strides = array<i32>} : memref<4000xf32, #tpu.memory_space<vmem>>, vector<16xf32>,
        tpu.vector_store %arg19[%swap3A_217], %div3A_216 {strides = array<i32>} : memref<4000xf32, #tpu.memory_space<vmem>>, vector<16xf32>,
        %mul3A_219 = arith.constant 80 : i32
        %mul3A_220 = arith.muli %scan3A_121, %mul3A_219 : i32
        %add3A_221 = arith.constant 48 : i32
        %add3A_222 = arith.addi %mul3A_220, %add3A_221 : i32
        %get3A_223 = arith.index_cast %add3A_222 : i32 to index
        %get3A_224 = tpu.vector_load %arg16[%get3A_223] {strides = array<i32>} : memref<4000xi32, #tpu.memory_space<vmem>>, vector<16xi32>,
        %get3A_225 = arith.index_cast %add3A_222 : i32 to index
        %get3A_226 = tpu.vector_load %arg17[%get3A_225] {strides = array<i32>} : memref<4000xi32, #tpu.memory_space<vmem>>, vector<16xi32>,
        %get3A_227 = arith.index_cast %add3A_222 : i32 to index
        %get3A_228 = tpu.vector_load %arg18[%get3A_227] {strides = array<i32>} : memref<4000xf32, #tpu.memory_space<vmem>>, vector<16xf32>,
        %gather3A_229 = tpu.vector_load_idx %arg12[%get3A_224] : memref<10000xi32, #tpu.memory_space<vmem>>[vector<16xi32>], vector<16xi32>,
        %gather3A_230 = tpu.vector_load_idx %arg12[%get3A_226] : memref<10000xi32, #tpu.memory_space<vmem>>[vector<16xi32>], vector<16xi32>,
        %gather3A_231 = tpu.vector_load_idx %arg14[%gather3A_229] : memref<96xf32, #tpu.memory_space<vmem>>[vector<16xi32>], vector<16xf32>,
        %gather3A_232 = tpu.vector_load_idx %arg14[%gather3A_230] : memref<96xf32, #tpu.memory_space<vmem>>[vector<16xi32>], vector<16xf32>,
        %add3A_233 = arith.addf %gather3A_231, %gather3A_232 : vector<16xf32>
        %mul3A_234 = arith.constant 0.529177189 : f32
        %mul3A_235 = vector.broadcast %mul3A_234 : f32 to vector<16xf32>
        %mul3A_236 = arith.mulf %add3A_233, %mul3A_235 : vector<16xf32>
        %div3A_237 = arith.divf %mul3A_236, %get3A_228 : vector<16xf32>
        %sub3A_238 = arith.constant 1.000000e+00 : f32
        %sub3A_239 = vector.broadcast %sub3A_238 : f32 to vector<16xf32>
        %sub3A_240 = arith.subf %div3A_237, %sub3A_239 : vector<16xf32>
        %mul3A_241 = arith.constant -1.600000e+01 : f32
        %mul3A_242 = vector.broadcast %mul3A_241 : f32 to vector<16xf32>
        %mul3A_243 = arith.mulf %mul3A_242, %sub3A_240 : vector<16xf32>
        %exp3A_244 = math.exp %mul3A_243 : vector<16xf32>
        %add3A_245 = arith.constant 1.000000e+00 : f32
        %add3A_246 = vector.broadcast %add3A_245 : f32 to vector<16xf32>
        %add3A_247 = arith.addf %add3A_246, %exp3A_244 : vector<16xf32>
        %div3A_248 = arith.constant 1.000000e+00 : f32
        %div3A_249 = vector.broadcast %div3A_248 : f32 to vector<16xf32>
        %div3A_250 = arith.divf %div3A_249, %add3A_247 : vector<16xf32>
        %swap3A_251 = arith.index_cast %add3A_222 : i32 to index
        %swap3A_252 = tpu.vector_load %arg19[%swap3A_251] {strides = array<i32>} : memref<4000xf32, #tpu.memory_space<vmem>>, vector<16xf32>,
        tpu.vector_store %arg19[%swap3A_251], %div3A_250 {strides = array<i32>} : memref<4000xf32, #tpu.memory_space<vmem>>, vector<16xf32>,
        %mul3A_253 = arith.constant 80 : i32
        %mul3A_254 = arith.muli %scan3A_121, %mul3A_253 : i32
        %add3A_255 = arith.constant 64 : i32
        %add3A_256 = arith.addi %mul3A_254, %add3A_255 : i32
        %get3A_257 = arith.index_cast %add3A_256 : i32 to index
        %get3A_258 = tpu.vector_load %arg16[%get3A_257] {strides = array<i32>} : memref<4000xi32, #tpu.memory_space<vmem>>, vector<16xi32>,
        %get3A_259 = arith.index_cast %add3A_256 : i32 to index
        %get3A_260 = tpu.vector_load %arg17[%get3A_259] {strides = array<i32>} : memref<4000xi32, #tpu.memory_space<vmem>>, vector<16xi32>,
        %get3A_261 = arith.index_cast %add3A_256 : i32 to index
        %get3A_262 = tpu.vector_load %arg18[%get3A_261] {strides = array<i32>} : memref<4000xf32, #tpu.memory_space<vmem>>, vector<16xf32>,
        %gather3A_263 = tpu.vector_load_idx %arg12[%get3A_258] : memref<10000xi32, #tpu.memory_space<vmem>>[vector<16xi32>], vector<16xi32>,
        %gather3A_264 = tpu.vector_load_idx %arg12[%get3A_260] : memref<10000xi32, #tpu.memory_space<vmem>>[vector<16xi32>], vector<16xi32>,
        %gather3A_265 = tpu.vector_load_idx %arg14[%gather3A_263] : memref<96xf32, #tpu.memory_space<vmem>>[vector<16xi32>], vector<16xf32>,
        %gather3A_266 = tpu.vector_load_idx %arg14[%gather3A_264] : memref<96xf32, #tpu.memory_space<vmem>>[vector<16xi32>], vector<16xf32>,
        %add3A_267 = arith.addf %gather3A_265, %gather3A_266 : vector<16xf32>
        %mul3A_268 = arith.constant 0.529177189 : f32
        %mul3A_269 = vector.broadcast %mul3A_268 : f32 to vector<16xf32>
        %mul3A_270 = arith.mulf %add3A_267, %mul3A_269 : vector<16xf32>
        %div3A_271 = arith.divf %mul3A_270, %get3A_262 : vector<16xf32>
        %sub3A_272 = arith.constant 1.000000e+00 : f32
        %sub3A_273 = vector.broadcast %sub3A_272 : f32 to vector<16xf32>
        %sub3A_274 = arith.subf %div3A_271, %sub3A_273 : vector<16xf32>
        %mul3A_275 = arith.constant -1.600000e+01 : f32
        %mul3A_276 = vector.broadcast %mul3A_275 : f32 to vector<16xf32>
        %mul3A_277 = arith.mulf %mul3A_276, %sub3A_274 : vector<16xf32>
        %exp3A_278 = math.exp %mul3A_277 : vector<16xf32>
        %add3A_279 = arith.constant 1.000000e+00 : f32
        %add3A_280 = vector.broadcast %add3A_279 : f32 to vector<16xf32>
        %add3A_281 = arith.addf %add3A_280, %exp3A_278 : vector<16xf32>
        %div3A_282 = arith.constant 1.000000e+00 : f32
        %div3A_283 = vector.broadcast %div3A_282 : f32 to vector<16xf32>
        %div3A_284 = arith.divf %div3A_283, %add3A_281 : vector<16xf32>
        %swap3A_285 = arith.index_cast %add3A_256 : i32 to index
        %swap3A_286 = tpu.vector_load %arg19[%swap3A_285] {strides = array<i32>} : memref<4000xf32, #tpu.memory_space<vmem>>, vector<16xf32>,
        tpu.vector_store %arg19[%swap3A_285], %div3A_284 {strides = array<i32>} : memref<4000xf32, #tpu.memory_space<vmem>>, vector<16xf32>,
        %scan3A_287 = arith.constant 0 : i32
        scf.yield %scan3A_287 : i32
      }
      %scan3A_119 = arith.constant 50 : i32
      "tpu.region"() ({
        %run_scoped3A = tpu.sem_alloc : memref<!tpu.dma_semaphore, #tpu.memory_space<semaphore_mem>>
        %dma_start3A_121 = arith.constant 0 : i32
        %dma_start3A_122 = tpu.memref_slice %arg10[%dma_start3A_121] : memref<10000xf32, #tpu.memory_space<vmem_shared>> -> memref<10000xf32, #tpu.memory_space<vmem_shared>>
        tpu.enqueue_indirect_dma source(%arg19 : memref<4000xf32, #tpu.memory_space<vmem>>) target(%dma_start3A_122 : memref<10000xf32, #tpu.memory_space<vmem_shared>>) offsets(%arg16 : memref<4000xi32, #tpu.memory_space<vmem>>) semaphore(%run_scoped3A : memref<!tpu.dma_semaphore, #tpu.memory_space<semaphore_mem>>) {add = true}
        %dma_wait3A_123 = arith.constant 0 : i32
        %dma_wait3A_124 = tpu.memref_slice %arg10[%dma_wait3A_123] : memref<10000xf32, #tpu.memory_space<vmem_shared>> -> memref<10000xf32, #tpu.memory_space<vmem_shared>>
        tpu.wait_indirect_dma semaphore(%run_scoped3A : memref<!tpu.dma_semaphore, #tpu.memory_space<semaphore_mem>>) src(%arg19 : memref<4000xf32, #tpu.memory_space<vmem>>) dst(%dma_wait3A_124 : memref<10000xf32, #tpu.memory_space<vmem_shared>>)
        tpu.yield
      }) : () -> ()
      %scan3A_120 = arith.constant 0 : i32
      scf.yield %scan3A_120 : i32
    }
    %scan3A_11 = arith.constant 10 : i32
    "tpu.trace_stop"() : () -> ()
    %barrier3A_12 = arith.constant 0 : index
    tpu.barrier barrier_id(%barrier3A_12)
    "tpu.region"() ({
      %run_scoped3A = tpu.sem_alloc : memref<!tpu.dma_semaphore, #tpu.memory_space<semaphore_mem>>
      tpu.enqueue_dma source(%arg10 : memref<10000xf32, #tpu.memory_space<vmem_shared>>) target(%arg13 : memref<10000xf32, #tpu.memory_space<vmem>>) target_semaphore(%run_scoped3A : memref<!tpu.dma_semaphore, #tpu.memory_space<semaphore_mem>>)
      tpu.wait_dma2 semaphore(%run_scoped3A : memref<!tpu.dma_semaphore, #tpu.memory_space<semaphore_mem>>) src(%arg10 : memref<10000xf32, #tpu.memory_space<vmem_shared>>) dst(%arg13 : memref<10000xf32, #tpu.memory_space<vmem>>)
      tpu.yield
    }) : () -> ()
    %mul3A_13 = arith.constant 20000 : i32
    %mul3A_14 = arith.muli %add3A, %mul3A_13 : i32
    %add3A_15 = arith.constant 0 : i32
    %add3A_16 = arith.addi %mul3A_14, %add3A_15 : i32
    %dma_start3A = arith.constant 0 : i32
    %dma_start3A_17 = tpu.memref_slice %arg21[%dma_start3A] : memref<800xi32, #tpu.memory_space<vmem>> -> memref<400xi32, #tpu.memory_space<vmem>>
    %dma_start3A_18 = tpu.memref_slice %arg4[%add3A_16] : memref<640000xi32, #tpu.memory_space<hbm>> -> memref<400xi32, #tpu.memory_space<hbm>>
    %dma_start3A_19 = arith.constant 0 : i32
    %dma_start3A_20 = tpu.memref_slice %arg21[%dma_start3A_19] : memref<800xi32, #tpu.memory_space<vmem>> -> memref<400xi32, #tpu.memory_space<vmem>>
    %dma_start3A_21 = tpu.memref_slice %arg4[%add3A_16] : memref<640000xi32, #tpu.memory_space<hbm>> -> memref<400xi32, #tpu.memory_space<hbm>>
    tpu.enqueue_dma source(%dma_start3A_21 : memref<400xi32, #tpu.memory_space<hbm>>) target(%dma_start3A_20 : memref<400xi32, #tpu.memory_space<vmem>>) target_semaphore(%arg24 : memref<!tpu.dma_semaphore, #tpu.memory_space<semaphore_mem>>)
    %dma_start3A_22 = arith.constant 0 : i32
    %dma_start3A_23 = tpu.memref_slice %arg22[%dma_start3A_22] : memref<800xi32, #tpu.memory_space<vmem>> -> memref<400xi32, #tpu.memory_space<vmem>>
    %dma_start3A_24 = tpu.memref_slice %arg5[%add3A_16] : memref<640000xi32, #tpu.memory_space<hbm>> -> memref<400xi32, #tpu.memory_space<hbm>>
    %dma_start3A_25 = arith.constant 0 : i32
    %dma_start3A_26 = tpu.memref_slice %arg22[%dma_start3A_25] : memref<800xi32, #tpu.memory_space<vmem>> -> memref<400xi32, #tpu.memory_space<vmem>>
    %dma_start3A_27 = tpu.memref_slice %arg5[%add3A_16] : memref<640000xi32, #tpu.memory_space<hbm>> -> memref<400xi32, #tpu.memory_space<hbm>>
    tpu.enqueue_dma source(%dma_start3A_27 : memref<400xi32, #tpu.memory_space<hbm>>) target(%dma_start3A_26 : memref<400xi32, #tpu.memory_space<vmem>>) target_semaphore(%arg24 : memref<!tpu.dma_semaphore, #tpu.memory_space<semaphore_mem>>)
    %dma_start3A_28 = arith.constant 0 : i32
    %dma_start3A_29 = tpu.memref_slice %arg23[%dma_start3A_28] : memref<800xf32, #tpu.memory_space<vmem>> -> memref<400xf32, #tpu.memory_space<vmem>>
    %dma_start3A_30 = tpu.memref_slice %arg3[%add3A_16] : memref<640000xf32, #tpu.memory_space<hbm>> -> memref<400xf32, #tpu.memory_space<hbm>>
    %dma_start3A_31 = arith.constant 0 : i32
    %dma_start3A_32 = tpu.memref_slice %arg23[%dma_start3A_31] : memref<800xf32, #tpu.memory_space<vmem>> -> memref<400xf32, #tpu.memory_space<vmem>>
    %dma_start3A_33 = tpu.memref_slice %arg3[%add3A_16] : memref<640000xf32, #tpu.memory_space<hbm>> -> memref<400xf32, #tpu.memory_space<hbm>>
    tpu.enqueue_dma source(%dma_start3A_33 : memref<400xf32, #tpu.memory_space<hbm>>) target(%dma_start3A_32 : memref<400xf32, #tpu.memory_space<vmem>>) target_semaphore(%arg24 : memref<!tpu.dma_semaphore, #tpu.memory_space<semaphore_mem>>)
    %add3A_34 = arith.constant 400 : i32
    %add3A_35 = arith.addi %mul3A_14, %add3A_34 : i32
    %dma_start3A_36 = arith.constant 400 : i32
    %dma_start3A_37 = tpu.memref_slice %arg21[%dma_start3A_36] : memref<800xi32, #tpu.memory_space<vmem>> -> memref<400xi32, #tpu.memory_space<vmem>>
    %dma_start3A_38 = tpu.memref_slice %arg4[%add3A_35] : memref<640000xi32, #tpu.memory_space<hbm>> -> memref<400xi32, #tpu.memory_space<hbm>>
    %dma_start3A_39 = arith.constant 400 : i32
    %dma_start3A_40 = tpu.memref_slice %arg21[%dma_start3A_39] : memref<800xi32, #tpu.memory_space<vmem>> -> memref<400xi32, #tpu.memory_space<vmem>>
    %dma_start3A_41 = tpu.memref_slice %arg4[%add3A_35] : memref<640000xi32, #tpu.memory_space<hbm>> -> memref<400xi32, #tpu.memory_space<hbm>>
    tpu.enqueue_dma source(%dma_start3A_41 : memref<400xi32, #tpu.memory_space<hbm>>) target(%dma_start3A_40 : memref<400xi32, #tpu.memory_space<vmem>>) target_semaphore(%arg25 : memref<!tpu.dma_semaphore, #tpu.memory_space<semaphore_mem>>)
    %dma_start3A_42 = arith.constant 400 : i32
    %dma_start3A_43 = tpu.memref_slice %arg22[%dma_start3A_42] : memref<800xi32, #tpu.memory_space<vmem>> -> memref<400xi32, #tpu.memory_space<vmem>>
    %dma_start3A_44 = tpu.memref_slice %arg5[%add3A_35] : memref<640000xi32, #tpu.memory_space<hbm>> -> memref<400xi32, #tpu.memory_space<hbm>>
    %dma_start3A_45 = arith.constant 400 : i32
    %dma_start3A_46 = tpu.memref_slice %arg22[%dma_start3A_45] : memref<800xi32, #tpu.memory_space<vmem>> -> memref<400xi32, #tpu.memory_space<vmem>>
    %dma_start3A_47 = tpu.memref_slice %arg5[%add3A_35] : memref<640000xi32, #tpu.memory_space<hbm>> -> memref<400xi32, #tpu.memory_space<hbm>>
    tpu.enqueue_dma source(%dma_start3A_47 : memref<400xi32, #tpu.memory_space<hbm>>) target(%dma_start3A_46 : memref<400xi32, #tpu.memory_space<vmem>>) target_semaphore(%arg25 : memref<!tpu.dma_semaphore, #tpu.memory_space<semaphore_mem>>)
    %dma_start3A_48 = arith.constant 400 : i32
    %dma_start3A_49 = tpu.memref_slice %arg23[%dma_start3A_48] : memref<800xf32, #tpu.memory_space<vmem>> -> memref<400xf32, #tpu.memory_space<vmem>>
    %dma_start3A_50 = tpu.memref_slice %arg3[%add3A_35] : memref<640000xf32, #tpu.memory_space<hbm>> -> memref<400xf32, #tpu.memory_space<hbm>>
    %dma_start3A_51 = arith.constant 400 : i32
    %dma_start3A_52 = tpu.memref_slice %arg23[%dma_start3A_51] : memref<800xf32, #tpu.memory_space<vmem>> -> memref<400xf32, #tpu.memory_space<vmem>>
    %dma_start3A_53 = tpu.memref_slice %arg3[%add3A_35] : memref<640000xf32, #tpu.memory_space<hbm>> -> memref<400xf32, #tpu.memory_space<hbm>>
    tpu.enqueue_dma source(%dma_start3A_53 : memref<400xf32, #tpu.memory_space<hbm>>) target(%dma_start3A_52 : memref<400xf32, #tpu.memory_space<vmem>>) target_semaphore(%arg25 : memref<!tpu.dma_semaphore, #tpu.memory_space<semaphore_mem>>)
    %add3A_54 = arith.constant 0 : i32
    %add3A_55 = arith.addi %mul3A_14, %add3A_54 : i32
    %dma_wait3A = arith.constant 0 : i32
    %dma_wait3A_56 = tpu.memref_slice %arg21[%dma_wait3A] : memref<800xi32, #tpu.memory_space<vmem>> -> memref<400xi32, #tpu.memory_space<vmem>>
    %dma_wait3A_57 = tpu.memref_slice %arg4[%add3A_55] : memref<640000xi32, #tpu.memory_space<hbm>> -> memref<400xi32, #tpu.memory_space<hbm>>
    %dma_wait3A_58 = arith.constant 0 : i32
    %dma_wait3A_59 = tpu.memref_slice %arg21[%dma_wait3A_58] : memref<800xi32, #tpu.memory_space<vmem>> -> memref<400xi32, #tpu.memory_space<vmem>>
    %dma_wait3A_60 = tpu.memref_slice %arg4[%add3A_55] : memref<640000xi32, #tpu.memory_space<hbm>> -> memref<400xi32, #tpu.memory_space<hbm>>
    tpu.wait_dma2 semaphore(%arg24 : memref<!tpu.dma_semaphore, #tpu.memory_space<semaphore_mem>>) src(%dma_wait3A_60 : memref<400xi32, #tpu.memory_space<hbm>>) dst(%dma_wait3A_59 : memref<400xi32, #tpu.memory_space<vmem>>)
    %dma_wait3A_61 = arith.constant 0 : i32
    %dma_wait3A_62 = tpu.memref_slice %arg22[%dma_wait3A_61] : memref<800xi32, #tpu.memory_space<vmem>> -> memref<400xi32, #tpu.memory_space<vmem>>
    %dma_wait3A_63 = tpu.memref_slice %arg5[%add3A_55] : memref<640000xi32, #tpu.memory_space<hbm>> -> memref<400xi32, #tpu.memory_space<hbm>>
    %dma_wait3A_64 = arith.constant 0 : i32
    %dma_wait3A_65 = tpu.memref_slice %arg22[%dma_wait3A_64] : memref<800xi32, #tpu.memory_space<vmem>> -> memref<400xi32, #tpu.memory_space<vmem>>
    %dma_wait3A_66 = tpu.memref_slice %arg5[%add3A_55] : memref<640000xi32, #tpu.memory_space<hbm>> -> memref<400xi32, #tpu.memory_space<hbm>>
    tpu.wait_dma2 semaphore(%arg24 : memref<!tpu.dma_semaphore, #tpu.memory_space<semaphore_mem>>) src(%dma_wait3A_66 : memref<400xi32, #tpu.memory_space<hbm>>) dst(%dma_wait3A_65 : memref<400xi32, #tpu.memory_space<vmem>>)
    %dma_wait3A_67 = arith.constant 0 : i32
    %dma_wait3A_68 = tpu.memref_slice %arg23[%dma_wait3A_67] : memref<800xf32, #tpu.memory_space<vmem>> -> memref<400xf32, #tpu.memory_space<vmem>>
    %dma_wait3A_69 = tpu.memref_slice %arg3[%add3A_55] : memref<640000xf32, #tpu.memory_space<hbm>> -> memref<400xf32, #tpu.memory_space<hbm>>
    %dma_wait3A_70 = arith.constant 0 : i32
    %dma_wait3A_71 = tpu.memref_slice %arg23[%dma_wait3A_70] : memref<800xf32, #tpu.memory_space<vmem>> -> memref<400xf32, #tpu.memory_space<vmem>>
    %dma_wait3A_72 = tpu.memref_slice %arg3[%add3A_55] : memref<640000xf32, #tpu.memory_space<hbm>> -> memref<400xf32, #tpu.memory_space<hbm>>
    tpu.wait_dma2 semaphore(%arg24 : memref<!tpu.dma_semaphore, #tpu.memory_space<semaphore_mem>>) src(%dma_wait3A_72 : memref<400xf32, #tpu.memory_space<hbm>>) dst(%dma_wait3A_71 : memref<400xf32, #tpu.memory_space<vmem>>)
    %scan3A_73 = arith.constant 0 : i32
    %scan3A_74 = arith.constant 0 : i32
    %scan3A_75 = arith.constant 25 : i32
    %scan3A_76 = arith.addi %scan3A_74, %scan3A_75 : i32
    %scan3A_77 = arith.constant 1 : i32
    %scan3A_78 = scf.for %scan3A_96 = %scan3A_74 to %scan3A_76 step %scan3A_77 iter_args(%scan3A_97 = %scan3A_73) -> (i32)  : i32 {
      %mul3A_98 = arith.constant 16 : i32
      %mul3A_99 = arith.muli %scan3A_96, %mul3A_98 : i32
      %add3A_100 = arith.constant 0 : i32
      %add3A_101 = arith.addi %add3A_100, %mul3A_99 : i32
      %get3A = arith.index_cast %add3A_101 : i32 to index
      %get3A_102 = tpu.vector_load %arg21[%get3A] {strides = array<i32>} : memref<800xi32, #tpu.memory_space<vmem>>, vector<16xi32>,
      %add3A_103 = arith.constant 0 : i32
      %add3A_104 = arith.addi %add3A_103, %mul3A_99 : i32
      %get3A_105 = arith.index_cast %add3A_104 : i32 to index
      %get3A_106 = tpu.vector_load %arg22[%get3A_105] {strides = array<i32>} : memref<800xi32, #tpu.memory_space<vmem>>, vector<16xi32>,
      %gather3A = tpu.vector_load_idx %arg12[%get3A_102] : memref<10000xi32, #tpu.memory_space<vmem>>[vector<16xi32>], vector<16xi32>,
      %gather3A_107 = tpu.vector_load_idx %arg12[%get3A_106] : memref<10000xi32, #tpu.memory_space<vmem>>[vector<16xi32>], vector<16xi32>,
      %mul3A_108 = arith.constant 95 : i32
      %mul3A_109 = vector.broadcast %mul3A_108 : i32 to vector<16xi32>
      %mul3A_110 = arith.muli %gather3A, %mul3A_109 : vector<16xi32>
      %add3A_111 = arith.addi %mul3A_110, %gather3A_107 : vector<16xi32>
      %swap3A = arith.index_cast %mul3A_99 : i32 to index
      %swap3A_112 = tpu.vector_load %arg26[%swap3A] {strides = array<i32>} : memref<400xi32, #tpu.memory_space<vmem>>, vector<16xi32>,
      tpu.vector_store %arg26[%swap3A], %add3A_111 {strides = array<i32>} : memref<400xi32, #tpu.memory_space<vmem>>, vector<16xi32>,
      %scan3A_113 = arith.constant 0 : i32
      scf.yield %scan3A_113 : i32
    }
    %scan3A_79 = arith.constant 25 : i32
    %dma_start3A_80 = arith.constant 0 : i32
    %dma_start3A_81 = arith.constant 0 : i32
    %dma_start3A_82 = tpu.memref_slice %arg6[%dma_start3A_80, %dma_start3A_81] : memref<9025x80xf32, #tpu.memory_space<hbm>> -> memref<9025x80xf32, #tpu.memory_space<hbm>>
    tpu.enqueue_indirect_dma source(%dma_start3A_82 : memref<9025x80xf32, #tpu.memory_space<hbm>>) target(%arg27 : memref<400x80xf32, #tpu.memory_space<vmem>>) offsets(%arg26 : memref<400xi32, #tpu.memory_space<vmem>>) semaphore(%arg28 : memref<!tpu.dma_semaphore, #tpu.memory_space<semaphore_mem>>)
    "tpu.trace_start"() <{level = 10 : i32, message = "phaseB"}> : () -> ()
    %scan3A_83 = arith.constant 0 : i32
    %scan3A_84 = arith.constant 0 : i32
    %scan3A_85 = arith.constant 25 : i32
    %scan3A_86 = arith.addi %scan3A_84, %scan3A_85 : i32
    %scan3A_87 = arith.constant 1 : i32
    %scan3A_88 = scf.for %scan3A_96 = %scan3A_84 to %scan3A_86 step %scan3A_87 iter_args(%scan3A_97 = %scan3A_83) -> (i32)  : i32 {
      %mul3A_98 = arith.constant 2 : i32
      %mul3A_99 = arith.muli %scan3A_96, %mul3A_98 : i32
      %add3A_100 = arith.constant 0 : i32
      %add3A_101 = arith.addi %mul3A_99, %add3A_100 : i32
      %add3A_102 = arith.constant 1 : i32
      %add3A_103 = arith.addi %add3A_101, %add3A_102 : i32
      %lt3A = arith.constant 50 : i32
      %lt3A_104 = arith.cmpi slt, %add3A_103, %lt3A : i32
      %convert_element_type3A_105 = arith.extui %lt3A_104 : i1 to i32
      %cond3A_106 = arith.constant 0 : i32
      %cond3A_107 = arith.cmpi ne, %convert_element_type3A_105, %cond3A_106 : i32
      scf.if %cond3A_107 {
        %add3A_154 = arith.constant 1 : i32
        %add3A_155 = arith.addi %add3A_101, %add3A_154 : i32
        %mul3A_156 = arith.constant 400 : i32
        %mul3A_157 = arith.muli %add3A_155, %mul3A_156 : i32
        %add3A_158 = arith.addi %mul3A_14, %mul3A_157 : i32
        %dma_wait3A_159 = arith.constant 400 : i32
        %dma_wait3A_160 = tpu.memref_slice %arg21[%dma_wait3A_159] : memref<800xi32, #tpu.memory_space<vmem>> -> memref<400xi32, #tpu.memory_space<vmem>>
        %dma_wait3A_161 = tpu.memref_slice %arg4[%add3A_158] : memref<640000xi32, #tpu.memory_space<hbm>> -> memref<400xi32, #tpu.memory_space<hbm>>
        %dma_wait3A_162 = arith.constant 400 : i32
        %dma_wait3A_163 = tpu.memref_slice %arg21[%dma_wait3A_162] : memref<800xi32, #tpu.memory_space<vmem>> -> memref<400xi32, #tpu.memory_space<vmem>>
        %dma_wait3A_164 = tpu.memref_slice %arg4[%add3A_158] : memref<640000xi32, #tpu.memory_space<hbm>> -> memref<400xi32, #tpu.memory_space<hbm>>
        tpu.wait_dma2 semaphore(%arg25 : memref<!tpu.dma_semaphore, #tpu.memory_space<semaphore_mem>>) src(%dma_wait3A_164 : memref<400xi32, #tpu.memory_space<hbm>>) dst(%dma_wait3A_163 : memref<400xi32, #tpu.memory_space<vmem>>)
        %dma_wait3A_165 = arith.constant 400 : i32
        %dma_wait3A_166 = tpu.memref_slice %arg22[%dma_wait3A_165] : memref<800xi32, #tpu.memory_space<vmem>> -> memref<400xi32, #tpu.memory_space<vmem>>
        %dma_wait3A_167 = tpu.memref_slice %arg5[%add3A_158] : memref<640000xi32, #tpu.memory_space<hbm>> -> memref<400xi32, #tpu.memory_space<hbm>>
        %dma_wait3A_168 = arith.constant 400 : i32
        %dma_wait3A_169 = tpu.memref_slice %arg22[%dma_wait3A_168] : memref<800xi32, #tpu.memory_space<vmem>> -> memref<400xi32, #tpu.memory_space<vmem>>
        %dma_wait3A_170 = tpu.memref_slice %arg5[%add3A_158] : memref<640000xi32, #tpu.memory_space<hbm>> -> memref<400xi32, #tpu.memory_space<hbm>>
        tpu.wait_dma2 semaphore(%arg25 : memref<!tpu.dma_semaphore, #tpu.memory_space<semaphore_mem>>) src(%dma_wait3A_170 : memref<400xi32, #tpu.memory_space<hbm>>) dst(%dma_wait3A_169 : memref<400xi32, #tpu.memory_space<vmem>>)
        %dma_wait3A_171 = arith.constant 400 : i32
        %dma_wait3A_172 = tpu.memref_slice %arg23[%dma_wait3A_171] : memref<800xf32, #tpu.memory_space<vmem>> -> memref<400xf32, #tpu.memory_space<vmem>>
        %dma_wait3A_173 = tpu.memref_slice %arg3[%add3A_158] : memref<640000xf32, #tpu.memory_space<hbm>> -> memref<400xf32, #tpu.memory_space<hbm>>
        %dma_wait3A_174 = arith.constant 400 : i32
        %dma_wait3A_175 = tpu.memref_slice %arg23[%dma_wait3A_174] : memref<800xf32, #tpu.memory_space<vmem>> -> memref<400xf32, #tpu.memory_space<vmem>>
        %dma_wait3A_176 = tpu.memref_slice %arg3[%add3A_158] : memref<640000xf32, #tpu.memory_space<hbm>> -> memref<400xf32, #tpu.memory_space<hbm>>
        tpu.wait_dma2 semaphore(%arg25 : memref<!tpu.dma_semaphore, #tpu.memory_space<semaphore_mem>>) src(%dma_wait3A_176 : memref<400xf32, #tpu.memory_space<hbm>>) dst(%dma_wait3A_175 : memref<400xf32, #tpu.memory_space<vmem>>)
        %scan3A_177 = arith.constant 0 : i32
        %scan3A_178 = arith.constant 0 : i32
        %scan3A_179 = arith.constant 25 : i32
        %scan3A_180 = arith.addi %scan3A_178, %scan3A_179 : i32
        %scan3A_181 = arith.constant 1 : i32
        %scan3A_182 = scf.for %scan3A_187 = %scan3A_178 to %scan3A_180 step %scan3A_181 iter_args(%scan3A_188 = %scan3A_177) -> (i32)  : i32 {
          %mul3A_189 = arith.constant 16 : i32
          %mul3A_190 = arith.muli %scan3A_187, %mul3A_189 : i32
          %add3A_191 = arith.constant 400 : i32
          %add3A_192 = arith.addi %add3A_191, %mul3A_190 : i32
          %get3A = arith.index_cast %add3A_192 : i32 to index
          %get3A_193 = tpu.vector_load %arg21[%get3A] {strides = array<i32>} : memref<800xi32, #tpu.memory_space<vmem>>, vector<16xi32>,
          %add3A_194 = arith.constant 400 : i32
          %add3A_195 = arith.addi %add3A_194, %mul3A_190 : i32
          %get3A_196 = arith.index_cast %add3A_195 : i32 to index
          %get3A_197 = tpu.vector_load %arg22[%get3A_196] {strides = array<i32>} : memref<800xi32, #tpu.memory_space<vmem>>, vector<16xi32>,
          %gather3A = tpu.vector_load_idx %arg12[%get3A_193] : memref<10000xi32, #tpu.memory_space<vmem>>[vector<16xi32>], vector<16xi32>,
          %gather3A_198 = tpu.vector_load_idx %arg12[%get3A_197] : memref<10000xi32, #tpu.memory_space<vmem>>[vector<16xi32>], vector<16xi32>,
          %mul3A_199 = arith.constant 95 : i32
          %mul3A_200 = vector.broadcast %mul3A_199 : i32 to vector<16xi32>
          %mul3A_201 = arith.muli %gather3A, %mul3A_200 : vector<16xi32>
          %add3A_202 = arith.addi %mul3A_201, %gather3A_198 : vector<16xi32>
          %swap3A = arith.index_cast %mul3A_190 : i32 to index
          %swap3A_203 = tpu.vector_load %arg29[%swap3A] {strides = array<i32>} : memref<400xi32, #tpu.memory_space<vmem>>, vector<16xi32>,
          tpu.vector_store %arg29[%swap3A], %add3A_202 {strides = array<i32>} : memref<400xi32, #tpu.memory_space<vmem>>, vector<16xi32>,
          %scan3A_204 = arith.constant 0 : i32
          scf.yield %scan3A_204 : i32
        }
        %scan3A_183 = arith.constant 25 : i32
        %dma_start3A_184 = arith.constant 0 : i32
        %dma_start3A_185 = arith.constant 0 : i32
        %dma_start3A_186 = tpu.memref_slice %arg6[%dma_start3A_184, %dma_start3A_185] : memref<9025x80xf32, #tpu.memory_space<hbm>> -> memref<9025x80xf32, #tpu.memory_space<hbm>>
        tpu.enqueue_indirect_dma source(%dma_start3A_186 : memref<9025x80xf32, #tpu.memory_space<hbm>>) target(%arg30 : memref<400x80xf32, #tpu.memory_space<vmem>>) offsets(%arg29 : memref<400xi32, #tpu.memory_space<vmem>>) semaphore(%arg31 : memref<!tpu.dma_semaphore, #tpu.memory_space<semaphore_mem>>)
      } else {
      }
      %dma_wait3A_108 = arith.constant 0 : i32
      %dma_wait3A_109 = arith.constant 0 : i32
      %dma_wait3A_110 = tpu.memref_slice %arg6[%dma_wait3A_108, %dma_wait3A_109] : memref<9025x80xf32, #tpu.memory_space<hbm>> -> memref<9025x80xf32, #tpu.memory_space<hbm>>
      tpu.wait_indirect_dma semaphore(%arg28 : memref<!tpu.dma_semaphore, #tpu.memory_space<semaphore_mem>>) src(%dma_wait3A_110 : memref<9025x80xf32, #tpu.memory_space<hbm>>) dst(%arg27 : memref<400x80xf32, #tpu.memory_space<vmem>>)
      %scan3A_111 = arith.constant 0 : i32
      %scan3A_112 = arith.constant 0 : i32
      %scan3A_113 = arith.constant 25 : i32
      %scan3A_114 = arith.addi %scan3A_112, %scan3A_113 : i32
      %scan3A_115 = arith.constant 1 : i32
      %scan3A_116 = scf.for %scan3A_154 = %scan3A_112 to %scan3A_114 step %scan3A_115 iter_args(%scan3A_155 = %scan3A_111) -> (i32)  : i32 {
        %mul3A_156 = arith.constant 16 : i32
        %mul3A_157 = arith.muli %scan3A_154, %mul3A_156 : i32
        %add3A_158 = arith.constant 0 : i32
        %add3A_159 = arith.addi %add3A_158, %mul3A_157 : i32
        %get3A = arith.index_cast %add3A_159 : i32 to index
        %get3A_160 = tpu.vector_load %arg21[%get3A] {strides = array<i32>} : memref<800xi32, #tpu.memory_space<vmem>>, vector<16xi32>,
        %add3A_161 = arith.constant 0 : i32
        %add3A_162 = arith.addi %add3A_161, %mul3A_157 : i32
        %get3A_163 = arith.index_cast %add3A_162 : i32 to index
        %get3A_164 = tpu.vector_load %arg22[%get3A_163] {strides = array<i32>} : memref<800xi32, #tpu.memory_space<vmem>>, vector<16xi32>,
        %add3A_165 = arith.constant 0 : i32
        %add3A_166 = arith.addi %add3A_165, %mul3A_157 : i32
        %get3A_167 = arith.index_cast %add3A_166 : i32 to index
        %get3A_168 = tpu.vector_load %arg23[%get3A_167] {strides = array<i32>} : memref<800xf32, #tpu.memory_space<vmem>>, vector<16xf32>,
        %gather3A = tpu.vector_load_idx %arg12[%get3A_160] : memref<10000xi32, #tpu.memory_space<vmem>>[vector<16xi32>], vector<16xi32>,
        %gather3A_169 = tpu.vector_load_idx %arg12[%get3A_164] : memref<10000xi32, #tpu.memory_space<vmem>>[vector<16xi32>], vector<16xi32>,
        %gather3A_170 = tpu.vector_load_idx %arg13[%get3A_160] : memref<10000xf32, #tpu.memory_space<vmem>>[vector<16xi32>], vector<16xf32>,
        %gather3A_171 = tpu.vector_load_idx %arg13[%get3A_164] : memref<10000xf32, #tpu.memory_space<vmem>>[vector<16xi32>], vector<16xf32>,
        %add3A_172 = vector.broadcast %mul3A_157 : i32 to vector<16xi32>
        %add3A_173 = arith.addi %iota3A, %add3A_172 : vector<16xi32>
        %broadcast_in_dim3A_174 = arith.constant 1.000000e+30 : f32
        %broadcast_in_dim3A_175 = vector.broadcast %broadcast_in_dim3A_174 : f32 to vector<16xf32>
        %add3A_176 = arith.constant 0 : i32
        %add3A_177 = vector.broadcast %add3A_176 : i32 to vector<16xi32>
        %add3A_178 = arith.addi %iota3A, %add3A_177 : vector<16xi32>
        %ge3A = arith.constant 25 : i32
        %ge3A_179 = vector.broadcast %ge3A : i32 to vector<16xi32>
        %ge3A_180 = arith.cmpi sge, %add3A_178, %ge3A_179 : vector<16xi32>
        %sub3A = arith.constant 25 : i32
        %sub3A_181 = vector.broadcast %sub3A : i32 to vector<16xi32>
        %sub3A_182 = arith.subi %add3A_178, %sub3A_181 : vector<16xi32>
        %select_n3A = arith.select %ge3A_180, %sub3A_182, %add3A_178 : vector<16xi1>, vector<16xi32>
        %mul3A_183 = arith.constant 3 : i32
        %mul3A_184 = vector.broadcast %mul3A_183 : i32 to vector<16xi32>
        %mul3A_185 = arith.muli %mul3A_184, %select_n3A : vector<16xi32>
        %mul3A_186 = arith.constant 16 : i32
        %mul3A_187 = vector.broadcast %mul3A_186 : i32 to vector<16xi32>
        %mul3A_188 = arith.muli %select_n3A, %mul3A_187 : vector<16xi32>
        %add3A_189 = arith.addi %mul3A_188, %iota3A : vector<16xi32>
        %gather3A_190 = tpu.vector_load_idx %arg27[%add3A_173, %mul3A_185] : memref<400x80xf32, #tpu.memory_space<vmem>>[vector<16xi32>, vector<16xi32>], vector<16xf32>,
        %add3A_191 = arith.constant 1 : i32
        %add3A_192 = vector.broadcast %add3A_191 : i32 to vector<16xi32>
        %add3A_193 = arith.addi %mul3A_185, %add3A_192 : vector<16xi32>
        %gather3A_194 = tpu.vector_load_idx %arg27[%add3A_173, %add3A_193] : memref<400x80xf32, #tpu.memory_space<vmem>>[vector<16xi32>, vector<16xi32>], vector<16xf32>,
        %add3A_195 = arith.constant 2 : i32
        %add3A_196 = vector.broadcast %add3A_195 : i32 to vector<16xi32>
        %add3A_197 = arith.addi %mul3A_185, %add3A_196 : vector<16xi32>
        %gather3A_198 = tpu.vector_load_idx %arg27[%add3A_173, %add3A_197] : memref<400x80xf32, #tpu.memory_space<vmem>>[vector<16xi32>, vector<16xi32>], vector<16xf32>,
        %sub3A_199 = arith.subf %gather3A_194, %gather3A_170 : vector<16xf32>
        %sub3A_200 = arith.subf %gather3A_198, %gather3A_171 : vector<16xf32>
        %mul3A_201 = arith.mulf %sub3A_199, %sub3A_199 : vector<16xf32>
        %mul3A_202 = arith.mulf %sub3A_200, %sub3A_200 : vector<16xf32>
        %add3A_203 = arith.addf %mul3A_201, %mul3A_202 : vector<16xf32>
        tpu.vector_store_idx %arg34[%add3A_189], %add3A_203 : memref<400xf32, #tpu.memory_space<vmem>>[vector<16xi32>], vector<16xf32>,
        tpu.vector_store_idx %arg35[%add3A_189], %gather3A_190 : memref<400xf32, #tpu.memory_space<vmem>>[vector<16xi32>], vector<16xf32>,
        %min3A = arith.minimumf %broadcast_in_dim3A_175, %add3A_203 : vector<16xf32>
        %add3A_204 = arith.constant 1 : i32
        %add3A_205 = vector.broadcast %add3A_204 : i32 to vector<16xi32>
        %add3A_206 = arith.addi %iota3A, %add3A_205 : vector<16xi32>
        %ge3A_207 = arith.constant 25 : i32
        %ge3A_208 = vector.broadcast %ge3A_207 : i32 to vector<16xi32>
        %ge3A_209 = arith.cmpi sge, %add3A_206, %ge3A_208 : vector<16xi32>
        %sub3A_210 = arith.constant 25 : i32
        %sub3A_211 = vector.broadcast %sub3A_210 : i32 to vector<16xi32>
        %sub3A_212 = arith.subi %add3A_206, %sub3A_211 : vector<16xi32>
        %select_n3A_213 = arith.select %ge3A_209, %sub3A_212, %add3A_206 : vector<16xi1>, vector<16xi32>
        %mul3A_214 = arith.constant 3 : i32
        %mul3A_215 = vector.broadcast %mul3A_214 : i32 to vector<16xi32>
        %mul3A_216 = arith.muli %mul3A_215, %select_n3A_213 : vector<16xi32>
        %mul3A_217 = arith.constant 16 : i32
        %mul3A_218 = vector.broadcast %mul3A_217 : i32 to vector<16xi32>
        %mul3A_219 = arith.muli %select_n3A_213, %mul3A_218 : vector<16xi32>
        %add3A_220 = arith.addi %mul3A_219, %iota3A : vector<16xi32>
        %gather3A_221 = tpu.vector_load_idx %arg27[%add3A_173, %mul3A_216] : memref<400x80xf32, #tpu.memory_space<vmem>>[vector<16xi32>, vector<16xi32>], vector<16xf32>,
        %add3A_222 = arith.constant 1 : i32
        %add3A_223 = vector.broadcast %add3A_222 : i32 to vector<16xi32>
        %add3A_224 = arith.addi %mul3A_216, %add3A_223 : vector<16xi32>
        %gather3A_225 = tpu.vector_load_idx %arg27[%add3A_173, %add3A_224] : memref<400x80xf32, #tpu.memory_space<vmem>>[vector<16xi32>, vector<16xi32>], vector<16xf32>,
        %add3A_226 = arith.constant 2 : i32
        %add3A_227 = vector.broadcast %add3A_226 : i32 to vector<16xi32>
        %add3A_228 = arith.addi %mul3A_216, %add3A_227 : vector<16xi32>
        %gather3A_229 = tpu.vector_load_idx %arg27[%add3A_173, %add3A_228] : memref<400x80xf32, #tpu.memory_space<vmem>>[vector<16xi32>, vector<16xi32>], vector<16xf32>,
        %sub3A_230 = arith.subf %gather3A_225, %gather3A_170 : vector<16xf32>
        %sub3A_231 = arith.subf %gather3A_229, %gather3A_171 : vector<16xf32>
        %mul3A_232 = arith.mulf %sub3A_230, %sub3A_230 : vector<16xf32>
        %mul3A_233 = arith.mulf %sub3A_231, %sub3A_231 : vector<16xf32>
        %add3A_234 = arith.addf %mul3A_232, %mul3A_233 : vector<16xf32>
        tpu.vector_store_idx %arg34[%add3A_220], %add3A_234 : memref<400xf32, #tpu.memory_space<vmem>>[vector<16xi32>], vector<16xf32>,
        tpu.vector_store_idx %arg35[%add3A_220], %gather3A_221 : memref<400xf32, #tpu.memory_space<vmem>>[vector<16xi32>], vector<16xf32>,
        %min3A_235 = arith.minimumf %min3A, %add3A_234 : vector<16xf32>
        %add3A_236 = arith.constant 2 : i32
        %add3A_237 = vector.broadcast %add3A_236 : i32 to vector<16xi32>
        %add3A_238 = arith.addi %iota3A, %add3A_237 : vector<16xi32>
        %ge3A_239 = arith.constant 25 : i32
        %ge3A_240 = vector.broadcast %ge3A_239 : i32 to vector<16xi32>
        %ge3A_241 = arith.cmpi sge, %add3A_238, %ge3A_240 : vector<16xi32>
        %sub3A_242 = arith.constant 25 : i32
        %sub3A_243 = vector.broadcast %sub3A_242 : i32 to vector<16xi32>
        %sub3A_244 = arith.subi %add3A_238, %sub3A_243 : vector<16xi32>
        %select_n3A_245 = arith.select %ge3A_241, %sub3A_244, %add3A_238 : vector<16xi1>, vector<16xi32>
        %mul3A_246 = arith.constant 3 : i32
        %mul3A_247 = vector.broadcast %mul3A_246 : i32 to vector<16xi32>
        %mul3A_248 = arith.muli %mul3A_247, %select_n3A_245 : vector<16xi32>
        %mul3A_249 = arith.constant 16 : i32
        %mul3A_250 = vector.broadcast %mul3A_249 : i32 to vector<16xi32>
        %mul3A_251 = arith.muli %select_n3A_245, %mul3A_250 : vector<16xi32>
        %add3A_252 = arith.addi %mul3A_251, %iota3A : vector<16xi32>
        %gather3A_253 = tpu.vector_load_idx %arg27[%add3A_173, %mul3A_248] : memref<400x80xf32, #tpu.memory_space<vmem>>[vector<16xi32>, vector<16xi32>], vector<16xf32>,
        %add3A_254 = arith.constant 1 : i32
        %add3A_255 = vector.broadcast %add3A_254 : i32 to vector<16xi32>
        %add3A_256 = arith.addi %mul3A_248, %add3A_255 : vector<16xi32>
        %gather3A_257 = tpu.vector_load_idx %arg27[%add3A_173, %add3A_256] : memref<400x80xf32, #tpu.memory_space<vmem>>[vector<16xi32>, vector<16xi32>], vector<16xf32>,
        %add3A_258 = arith.constant 2 : i32
        %add3A_259 = vector.broadcast %add3A_258 : i32 to vector<16xi32>
        %add3A_260 = arith.addi %mul3A_248, %add3A_259 : vector<16xi32>
        %gather3A_261 = tpu.vector_load_idx %arg27[%add3A_173, %add3A_260] : memref<400x80xf32, #tpu.memory_space<vmem>>[vector<16xi32>, vector<16xi32>], vector<16xf32>,
        %sub3A_262 = arith.subf %gather3A_257, %gather3A_170 : vector<16xf32>
        %sub3A_263 = arith.subf %gather3A_261, %gather3A_171 : vector<16xf32>
        %mul3A_264 = arith.mulf %sub3A_262, %sub3A_262 : vector<16xf32>
        %mul3A_265 = arith.mulf %sub3A_263, %sub3A_263 : vector<16xf32>
        %add3A_266 = arith.addf %mul3A_264, %mul3A_265 : vector<16xf32>
        tpu.vector_store_idx %arg34[%add3A_252], %add3A_266 : memref<400xf32, #tpu.memory_space<vmem>>[vector<16xi32>], vector<16xf32>,
        tpu.vector_store_idx %arg35[%add3A_252], %gather3A_253 : memref<400xf32, #tpu.memory_space<vmem>>[vector<16xi32>], vector<16xf32>,
        %min3A_267 = arith.minimumf %min3A_235, %add3A_266 : vector<16xf32>
        %add3A_268 = arith.constant 3 : i32
        %add3A_269 = vector.broadcast %add3A_268 : i32 to vector<16xi32>
        %add3A_270 = arith.addi %iota3A, %add3A_269 : vector<16xi32>
        %ge3A_271 = arith.constant 25 : i32
        %ge3A_272 = vector.broadcast %ge3A_271 : i32 to vector<16xi32>
        %ge3A_273 = arith.cmpi sge, %add3A_270, %ge3A_272 : vector<16xi32>
        %sub3A_274 = arith.constant 25 : i32
        %sub3A_275 = vector.broadcast %sub3A_274 : i32 to vector<16xi32>
        %sub3A_276 = arith.subi %add3A_270, %sub3A_275 : vector<16xi32>
        %select_n3A_277 = arith.select %ge3A_273, %sub3A_276, %add3A_270 : vector<16xi1>, vector<16xi32>
        %mul3A_278 = arith.constant 3 : i32
        %mul3A_279 = vector.broadcast %mul3A_278 : i32 to vector<16xi32>
        %mul3A_280 = arith.muli %mul3A_279, %select_n3A_277 : vector<16xi32>
        %mul3A_281 = arith.constant 16 : i32
        %mul3A_282 = vector.broadcast %mul3A_281 : i32 to vector<16xi32>
        %mul3A_283 = arith.muli %select_n3A_277, %mul3A_282 : vector<16xi32>
        %add3A_284 = arith.addi %mul3A_283, %iota3A : vector<16xi32>
        %gather3A_285 = tpu.vector_load_idx %arg27[%add3A_173, %mul3A_280] : memref<400x80xf32, #tpu.memory_space<vmem>>[vector<16xi32>, vector<16xi32>], vector<16xf32>,
        %add3A_286 = arith.constant 1 : i32
        %add3A_287 = vector.broadcast %add3A_286 : i32 to vector<16xi32>
        %add3A_288 = arith.addi %mul3A_280, %add3A_287 : vector<16xi32>
        %gather3A_289 = tpu.vector_load_idx %arg27[%add3A_173, %add3A_288] : memref<400x80xf32, #tpu.memory_space<vmem>>[vector<16xi32>, vector<16xi32>], vector<16xf32>,
        %add3A_290 = arith.constant 2 : i32
        %add3A_291 = vector.broadcast %add3A_290 : i32 to vector<16xi32>
        %add3A_292 = arith.addi %mul3A_280, %add3A_291 : vector<16xi32>
        %gather3A_293 = tpu.vector_load_idx %arg27[%add3A_173, %add3A_292] : memref<400x80xf32, #tpu.memory_space<vmem>>[vector<16xi32>, vector<16xi32>], vector<16xf32>,
        %sub3A_294 = arith.subf %gather3A_289, %gather3A_170 : vector<16xf32>
        %sub3A_295 = arith.subf %gather3A_293, %gather3A_171 : vector<16xf32>
        %mul3A_296 = arith.mulf %sub3A_294, %sub3A_294 : vector<16xf32>
        %mul3A_297 = arith.mulf %sub3A_295, %sub3A_295 : vector<16xf32>
        %add3A_298 = arith.addf %mul3A_296, %mul3A_297 : vector<16xf32>
        tpu.vector_store_idx %arg34[%add3A_284], %add3A_298 : memref<400xf32, #tpu.memory_space<vmem>>[vector<16xi32>], vector<16xf32>,
        tpu.vector_store_idx %arg35[%add3A_284], %gather3A_285 : memref<400xf32, #tpu.memory_space<vmem>>[vector<16xi32>], vector<16xf32>,
        %min3A_299 = arith.minimumf %min3A_267, %add3A_298 : vector<16xf32>
        %add3A_300 = arith.constant 4 : i32
        %add3A_301 = vector.broadcast %add3A_300 : i32 to vector<16xi32>
        %add3A_302 = arith.addi %iota3A, %add3A_301 : vector<16xi32>
        %ge3A_303 = arith.constant 25 : i32
        %ge3A_304 = vector.broadcast %ge3A_303 : i32 to vector<16xi32>
        %ge3A_305 = arith.cmpi sge, %add3A_302, %ge3A_304 : vector<16xi32>
        %sub3A_306 = arith.constant 25 : i32
        %sub3A_307 = vector.broadcast %sub3A_306 : i32 to vector<16xi32>
        %sub3A_308 = arith.subi %add3A_302, %sub3A_307 : vector<16xi32>
        %select_n3A_309 = arith.select %ge3A_305, %sub3A_308, %add3A_302 : vector<16xi1>, vector<16xi32>
        %mul3A_310 = arith.constant 3 : i32
        %mul3A_311 = vector.broadcast %mul3A_310 : i32 to vector<16xi32>
        %mul3A_312 = arith.muli %mul3A_311, %select_n3A_309 : vector<16xi32>
        %mul3A_313 = arith.constant 16 : i32
        %mul3A_314 = vector.broadcast %mul3A_313 : i32 to vector<16xi32>
        %mul3A_315 = arith.muli %select_n3A_309, %mul3A_314 : vector<16xi32>
        %add3A_316 = arith.addi %mul3A_315, %iota3A : vector<16xi32>
        %gather3A_317 = tpu.vector_load_idx %arg27[%add3A_173, %mul3A_312] : memref<400x80xf32, #tpu.memory_space<vmem>>[vector<16xi32>, vector<16xi32>], vector<16xf32>,
        %add3A_318 = arith.constant 1 : i32
        %add3A_319 = vector.broadcast %add3A_318 : i32 to vector<16xi32>
        %add3A_320 = arith.addi %mul3A_312, %add3A_319 : vector<16xi32>
        %gather3A_321 = tpu.vector_load_idx %arg27[%add3A_173, %add3A_320] : memref<400x80xf32, #tpu.memory_space<vmem>>[vector<16xi32>, vector<16xi32>], vector<16xf32>,
        %add3A_322 = arith.constant 2 : i32
        %add3A_323 = vector.broadcast %add3A_322 : i32 to vector<16xi32>
        %add3A_324 = arith.addi %mul3A_312, %add3A_323 : vector<16xi32>
        %gather3A_325 = tpu.vector_load_idx %arg27[%add3A_173, %add3A_324] : memref<400x80xf32, #tpu.memory_space<vmem>>[vector<16xi32>, vector<16xi32>], vector<16xf32>,
        %sub3A_326 = arith.subf %gather3A_321, %gather3A_170 : vector<16xf32>
        %sub3A_327 = arith.subf %gather3A_325, %gather3A_171 : vector<16xf32>
        %mul3A_328 = arith.mulf %sub3A_326, %sub3A_326 : vector<16xf32>
        %mul3A_329 = arith.mulf %sub3A_327, %sub3A_327 : vector<16xf32>
        %add3A_330 = arith.addf %mul3A_328, %mul3A_329 : vector<16xf32>
        tpu.vector_store_idx %arg34[%add3A_316], %add3A_330 : memref<400xf32, #tpu.memory_space<vmem>>[vector<16xi32>], vector<16xf32>,
        tpu.vector_store_idx %arg35[%add3A_316], %gather3A_317 : memref<400xf32, #tpu.memory_space<vmem>>[vector<16xi32>], vector<16xf32>,
        %min3A_331 = arith.minimumf %min3A_299, %add3A_330 : vector<16xf32>
        %add3A_332 = arith.constant 5 : i32
        %add3A_333 = vector.broadcast %add3A_332 : i32 to vector<16xi32>
        %add3A_334 = arith.addi %iota3A, %add3A_333 : vector<16xi32>
        %ge3A_335 = arith.constant 25 : i32
        %ge3A_336 = vector.broadcast %ge3A_335 : i32 to vector<16xi32>
        %ge3A_337 = arith.cmpi sge, %add3A_334, %ge3A_336 : vector<16xi32>
        %sub3A_338 = arith.constant 25 : i32
        %sub3A_339 = vector.broadcast %sub3A_338 : i32 to vector<16xi32>
        %sub3A_340 = arith.subi %add3A_334, %sub3A_339 : vector<16xi32>
        %select_n3A_341 = arith.select %ge3A_337, %sub3A_340, %add3A_334 : vector<16xi1>, vector<16xi32>
        %mul3A_342 = arith.constant 3 : i32
        %mul3A_343 = vector.broadcast %mul3A_342 : i32 to vector<16xi32>
        %mul3A_344 = arith.muli %mul3A_343, %select_n3A_341 : vector<16xi32>
        %mul3A_345 = arith.constant 16 : i32
        %mul3A_346 = vector.broadcast %mul3A_345 : i32 to vector<16xi32>
        %mul3A_347 = arith.muli %select_n3A_341, %mul3A_346 : vector<16xi32>
        %add3A_348 = arith.addi %mul3A_347, %iota3A : vector<16xi32>
        %gather3A_349 = tpu.vector_load_idx %arg27[%add3A_173, %mul3A_344] : memref<400x80xf32, #tpu.memory_space<vmem>>[vector<16xi32>, vector<16xi32>], vector<16xf32>,
        %add3A_350 = arith.constant 1 : i32
        %add3A_351 = vector.broadcast %add3A_350 : i32 to vector<16xi32>
        %add3A_352 = arith.addi %mul3A_344, %add3A_351 : vector<16xi32>
        %gather3A_353 = tpu.vector_load_idx %arg27[%add3A_173, %add3A_352] : memref<400x80xf32, #tpu.memory_space<vmem>>[vector<16xi32>, vector<16xi32>], vector<16xf32>,
        %add3A_354 = arith.constant 2 : i32
        %add3A_355 = vector.broadcast %add3A_354 : i32 to vector<16xi32>
        %add3A_356 = arith.addi %mul3A_344, %add3A_355 : vector<16xi32>
        %gather3A_357 = tpu.vector_load_idx %arg27[%add3A_173, %add3A_356] : memref<400x80xf32, #tpu.memory_space<vmem>>[vector<16xi32>, vector<16xi32>], vector<16xf32>,
        %sub3A_358 = arith.subf %gather3A_353, %gather3A_170 : vector<16xf32>
        %sub3A_359 = arith.subf %gather3A_357, %gather3A_171 : vector<16xf32>
        %mul3A_360 = arith.mulf %sub3A_358, %sub3A_358 : vector<16xf32>
        %mul3A_361 = arith.mulf %sub3A_359, %sub3A_359 : vector<16xf32>
        %add3A_362 = arith.addf %mul3A_360, %mul3A_361 : vector<16xf32>
        tpu.vector_store_idx %arg34[%add3A_348], %add3A_362 : memref<400xf32, #tpu.memory_space<vmem>>[vector<16xi32>], vector<16xf32>,
        tpu.vector_store_idx %arg35[%add3A_348], %gather3A_349 : memref<400xf32, #tpu.memory_space<vmem>>[vector<16xi32>], vector<16xf32>,
        %min3A_363 = arith.minimumf %min3A_331, %add3A_362 : vector<16xf32>
        %add3A_364 = arith.constant 6 : i32
        %add3A_365 = vector.broadcast %add3A_364 : i32 to vector<16xi32>
        %add3A_366 = arith.addi %iota3A, %add3A_365 : vector<16xi32>
        %ge3A_367 = arith.constant 25 : i32
        %ge3A_368 = vector.broadcast %ge3A_367 : i32 to vector<16xi32>
        %ge3A_369 = arith.cmpi sge, %add3A_366, %ge3A_368 : vector<16xi32>
        %sub3A_370 = arith.constant 25 : i32
        %sub3A_371 = vector.broadcast %sub3A_370 : i32 to vector<16xi32>
        %sub3A_372 = arith.subi %add3A_366, %sub3A_371 : vector<16xi32>
        %select_n3A_373 = arith.select %ge3A_369, %sub3A_372, %add3A_366 : vector<16xi1>, vector<16xi32>
        %mul3A_374 = arith.constant 3 : i32
        %mul3A_375 = vector.broadcast %mul3A_374 : i32 to vector<16xi32>
        %mul3A_376 = arith.muli %mul3A_375, %select_n3A_373 : vector<16xi32>
        %mul3A_377 = arith.constant 16 : i32
        %mul3A_378 = vector.broadcast %mul3A_377 : i32 to vector<16xi32>
        %mul3A_379 = arith.muli %select_n3A_373, %mul3A_378 : vector<16xi32>
        %add3A_380 = arith.addi %mul3A_379, %iota3A : vector<16xi32>
        %gather3A_381 = tpu.vector_load_idx %arg27[%add3A_173, %mul3A_376] : memref<400x80xf32, #tpu.memory_space<vmem>>[vector<16xi32>, vector<16xi32>], vector<16xf32>,
        %add3A_382 = arith.constant 1 : i32
        %add3A_383 = vector.broadcast %add3A_382 : i32 to vector<16xi32>
        %add3A_384 = arith.addi %mul3A_376, %add3A_383 : vector<16xi32>
        %gather3A_385 = tpu.vector_load_idx %arg27[%add3A_173, %add3A_384] : memref<400x80xf32, #tpu.memory_space<vmem>>[vector<16xi32>, vector<16xi32>], vector<16xf32>,
        %add3A_386 = arith.constant 2 : i32
        %add3A_387 = vector.broadcast %add3A_386 : i32 to vector<16xi32>
        %add3A_388 = arith.addi %mul3A_376, %add3A_387 : vector<16xi32>
        %gather3A_389 = tpu.vector_load_idx %arg27[%add3A_173, %add3A_388] : memref<400x80xf32, #tpu.memory_space<vmem>>[vector<16xi32>, vector<16xi32>], vector<16xf32>,
        %sub3A_390 = arith.subf %gather3A_385, %gather3A_170 : vector<16xf32>
        %sub3A_391 = arith.subf %gather3A_389, %gather3A_171 : vector<16xf32>
        %mul3A_392 = arith.mulf %sub3A_390, %sub3A_390 : vector<16xf32>
        %mul3A_393 = arith.mulf %sub3A_391, %sub3A_391 : vector<16xf32>
        %add3A_394 = arith.addf %mul3A_392, %mul3A_393 : vector<16xf32>
        tpu.vector_store_idx %arg34[%add3A_380], %add3A_394 : memref<400xf32, #tpu.memory_space<vmem>>[vector<16xi32>], vector<16xf32>,
        tpu.vector_store_idx %arg35[%add3A_380], %gather3A_381 : memref<400xf32, #tpu.memory_space<vmem>>[vector<16xi32>], vector<16xf32>,
        %min3A_395 = arith.minimumf %min3A_363, %add3A_394 : vector<16xf32>
        %add3A_396 = arith.constant 7 : i32
        %add3A_397 = vector.broadcast %add3A_396 : i32 to vector<16xi32>
        %add3A_398 = arith.addi %iota3A, %add3A_397 : vector<16xi32>
        %ge3A_399 = arith.constant 25 : i32
        %ge3A_400 = vector.broadcast %ge3A_399 : i32 to vector<16xi32>
        %ge3A_401 = arith.cmpi sge, %add3A_398, %ge3A_400 : vector<16xi32>
        %sub3A_402 = arith.constant 25 : i32
        %sub3A_403 = vector.broadcast %sub3A_402 : i32 to vector<16xi32>
        %sub3A_404 = arith.subi %add3A_398, %sub3A_403 : vector<16xi32>
        %select_n3A_405 = arith.select %ge3A_401, %sub3A_404, %add3A_398 : vector<16xi1>, vector<16xi32>
        %mul3A_406 = arith.constant 3 : i32
        %mul3A_407 = vector.broadcast %mul3A_406 : i32 to vector<16xi32>
        %mul3A_408 = arith.muli %mul3A_407, %select_n3A_405 : vector<16xi32>
        %mul3A_409 = arith.constant 16 : i32
        %mul3A_410 = vector.broadcast %mul3A_409 : i32 to vector<16xi32>
        %mul3A_411 = arith.muli %select_n3A_405, %mul3A_410 : vector<16xi32>
        %add3A_412 = arith.addi %mul3A_411, %iota3A : vector<16xi32>
        %gather3A_413 = tpu.vector_load_idx %arg27[%add3A_173, %mul3A_408] : memref<400x80xf32, #tpu.memory_space<vmem>>[vector<16xi32>, vector<16xi32>], vector<16xf32>,
        %add3A_414 = arith.constant 1 : i32
        %add3A_415 = vector.broadcast %add3A_414 : i32 to vector<16xi32>
        %add3A_416 = arith.addi %mul3A_408, %add3A_415 : vector<16xi32>
        %gather3A_417 = tpu.vector_load_idx %arg27[%add3A_173, %add3A_416] : memref<400x80xf32, #tpu.memory_space<vmem>>[vector<16xi32>, vector<16xi32>], vector<16xf32>,
        %add3A_418 = arith.constant 2 : i32
        %add3A_419 = vector.broadcast %add3A_418 : i32 to vector<16xi32>
        %add3A_420 = arith.addi %mul3A_408, %add3A_419 : vector<16xi32>
        %gather3A_421 = tpu.vector_load_idx %arg27[%add3A_173, %add3A_420] : memref<400x80xf32, #tpu.memory_space<vmem>>[vector<16xi32>, vector<16xi32>], vector<16xf32>,
        %sub3A_422 = arith.subf %gather3A_417, %gather3A_170 : vector<16xf32>
        %sub3A_423 = arith.subf %gather3A_421, %gather3A_171 : vector<16xf32>
        %mul3A_424 = arith.mulf %sub3A_422, %sub3A_422 : vector<16xf32>
        %mul3A_425 = arith.mulf %sub3A_423, %sub3A_423 : vector<16xf32>
        %add3A_426 = arith.addf %mul3A_424, %mul3A_425 : vector<16xf32>
        tpu.vector_store_idx %arg34[%add3A_412], %add3A_426 : memref<400xf32, #tpu.memory_space<vmem>>[vector<16xi32>], vector<16xf32>,
        tpu.vector_store_idx %arg35[%add3A_412], %gather3A_413 : memref<400xf32, #tpu.memory_space<vmem>>[vector<16xi32>], vector<16xf32>,
        %min3A_427 = arith.minimumf %min3A_395, %add3A_426 : vector<16xf32>
        %add3A_428 = arith.constant 8 : i32
        %add3A_429 = vector.broadcast %add3A_428 : i32 to vector<16xi32>
        %add3A_430 = arith.addi %iota3A, %add3A_429 : vector<16xi32>
        %ge3A_431 = arith.constant 25 : i32
        %ge3A_432 = vector.broadcast %ge3A_431 : i32 to vector<16xi32>
        %ge3A_433 = arith.cmpi sge, %add3A_430, %ge3A_432 : vector<16xi32>
        %sub3A_434 = arith.constant 25 : i32
        %sub3A_435 = vector.broadcast %sub3A_434 : i32 to vector<16xi32>
        %sub3A_436 = arith.subi %add3A_430, %sub3A_435 : vector<16xi32>
        %select_n3A_437 = arith.select %ge3A_433, %sub3A_436, %add3A_430 : vector<16xi1>, vector<16xi32>
        %mul3A_438 = arith.constant 3 : i32
        %mul3A_439 = vector.broadcast %mul3A_438 : i32 to vector<16xi32>
        %mul3A_440 = arith.muli %mul3A_439, %select_n3A_437 : vector<16xi32>
        %mul3A_441 = arith.constant 16 : i32
        %mul3A_442 = vector.broadcast %mul3A_441 : i32 to vector<16xi32>
        %mul3A_443 = arith.muli %select_n3A_437, %mul3A_442 : vector<16xi32>
        %add3A_444 = arith.addi %mul3A_443, %iota3A : vector<16xi32>
        %gather3A_445 = tpu.vector_load_idx %arg27[%add3A_173, %mul3A_440] : memref<400x80xf32, #tpu.memory_space<vmem>>[vector<16xi32>, vector<16xi32>], vector<16xf32>,
        %add3A_446 = arith.constant 1 : i32
        %add3A_447 = vector.broadcast %add3A_446 : i32 to vector<16xi32>
        %add3A_448 = arith.addi %mul3A_440, %add3A_447 : vector<16xi32>
        %gather3A_449 = tpu.vector_load_idx %arg27[%add3A_173, %add3A_448] : memref<400x80xf32, #tpu.memory_space<vmem>>[vector<16xi32>, vector<16xi32>], vector<16xf32>,
        %add3A_450 = arith.constant 2 : i32
        %add3A_451 = vector.broadcast %add3A_450 : i32 to vector<16xi32>
        %add3A_452 = arith.addi %mul3A_440, %add3A_451 : vector<16xi32>
        %gather3A_453 = tpu.vector_load_idx %arg27[%add3A_173, %add3A_452] : memref<400x80xf32, #tpu.memory_space<vmem>>[vector<16xi32>, vector<16xi32>], vector<16xf32>,
        %sub3A_454 = arith.subf %gather3A_449, %gather3A_170 : vector<16xf32>
        %sub3A_455 = arith.subf %gather3A_453, %gather3A_171 : vector<16xf32>
        %mul3A_456 = arith.mulf %sub3A_454, %sub3A_454 : vector<16xf32>
        %mul3A_457 = arith.mulf %sub3A_455, %sub3A_455 : vector<16xf32>
        %add3A_458 = arith.addf %mul3A_456, %mul3A_457 : vector<16xf32>
        tpu.vector_store_idx %arg34[%add3A_444], %add3A_458 : memref<400xf32, #tpu.memory_space<vmem>>[vector<16xi32>], vector<16xf32>,
        tpu.vector_store_idx %arg35[%add3A_444], %gather3A_445 : memref<400xf32, #tpu.memory_space<vmem>>[vector<16xi32>], vector<16xf32>,
        %min3A_459 = arith.minimumf %min3A_427, %add3A_458 : vector<16xf32>
        %add3A_460 = arith.constant 9 : i32
        %add3A_461 = vector.broadcast %add3A_460 : i32 to vector<16xi32>
        %add3A_462 = arith.addi %iota3A, %add3A_461 : vector<16xi32>
        %ge3A_463 = arith.constant 25 : i32
        %ge3A_464 = vector.broadcast %ge3A_463 : i32 to vector<16xi32>
        %ge3A_465 = arith.cmpi sge, %add3A_462, %ge3A_464 : vector<16xi32>
        %sub3A_466 = arith.constant 25 : i32
        %sub3A_467 = vector.broadcast %sub3A_466 : i32 to vector<16xi32>
        %sub3A_468 = arith.subi %add3A_462, %sub3A_467 : vector<16xi32>
        %select_n3A_469 = arith.select %ge3A_465, %sub3A_468, %add3A_462 : vector<16xi1>, vector<16xi32>
        %mul3A_470 = arith.constant 3 : i32
        %mul3A_471 = vector.broadcast %mul3A_470 : i32 to vector<16xi32>
        %mul3A_472 = arith.muli %mul3A_471, %select_n3A_469 : vector<16xi32>
        %mul3A_473 = arith.constant 16 : i32
        %mul3A_474 = vector.broadcast %mul3A_473 : i32 to vector<16xi32>
        %mul3A_475 = arith.muli %select_n3A_469, %mul3A_474 : vector<16xi32>
        %add3A_476 = arith.addi %mul3A_475, %iota3A : vector<16xi32>
        %gather3A_477 = tpu.vector_load_idx %arg27[%add3A_173, %mul3A_472] : memref<400x80xf32, #tpu.memory_space<vmem>>[vector<16xi32>, vector<16xi32>], vector<16xf32>,
        %add3A_478 = arith.constant 1 : i32
        %add3A_479 = vector.broadcast %add3A_478 : i32 to vector<16xi32>
        %add3A_480 = arith.addi %mul3A_472, %add3A_479 : vector<16xi32>
        %gather3A_481 = tpu.vector_load_idx %arg27[%add3A_173, %add3A_480] : memref<400x80xf32, #tpu.memory_space<vmem>>[vector<16xi32>, vector<16xi32>], vector<16xf32>,
        %add3A_482 = arith.constant 2 : i32
        %add3A_483 = vector.broadcast %add3A_482 : i32 to vector<16xi32>
        %add3A_484 = arith.addi %mul3A_472, %add3A_483 : vector<16xi32>
        %gather3A_485 = tpu.vector_load_idx %arg27[%add3A_173, %add3A_484] : memref<400x80xf32, #tpu.memory_space<vmem>>[vector<16xi32>, vector<16xi32>], vector<16xf32>,
        %sub3A_486 = arith.subf %gather3A_481, %gather3A_170 : vector<16xf32>
        %sub3A_487 = arith.subf %gather3A_485, %gather3A_171 : vector<16xf32>
        %mul3A_488 = arith.mulf %sub3A_486, %sub3A_486 : vector<16xf32>
        %mul3A_489 = arith.mulf %sub3A_487, %sub3A_487 : vector<16xf32>
        %add3A_490 = arith.addf %mul3A_488, %mul3A_489 : vector<16xf32>
        tpu.vector_store_idx %arg34[%add3A_476], %add3A_490 : memref<400xf32, #tpu.memory_space<vmem>>[vector<16xi32>], vector<16xf32>,
        tpu.vector_store_idx %arg35[%add3A_476], %gather3A_477 : memref<400xf32, #tpu.memory_space<vmem>>[vector<16xi32>], vector<16xf32>,
        %min3A_491 = arith.minimumf %min3A_459, %add3A_490 : vector<16xf32>
        %add3A_492 = arith.constant 10 : i32
        %add3A_493 = vector.broadcast %add3A_492 : i32 to vector<16xi32>
        %add3A_494 = arith.addi %iota3A, %add3A_493 : vector<16xi32>
        %ge3A_495 = arith.constant 25 : i32
        %ge3A_496 = vector.broadcast %ge3A_495 : i32 to vector<16xi32>
        %ge3A_497 = arith.cmpi sge, %add3A_494, %ge3A_496 : vector<16xi32>
        %sub3A_498 = arith.constant 25 : i32
        %sub3A_499 = vector.broadcast %sub3A_498 : i32 to vector<16xi32>
        %sub3A_500 = arith.subi %add3A_494, %sub3A_499 : vector<16xi32>
        %select_n3A_501 = arith.select %ge3A_497, %sub3A_500, %add3A_494 : vector<16xi1>, vector<16xi32>
        %mul3A_502 = arith.constant 3 : i32
        %mul3A_503 = vector.broadcast %mul3A_502 : i32 to vector<16xi32>
        %mul3A_504 = arith.muli %mul3A_503, %select_n3A_501 : vector<16xi32>
        %mul3A_505 = arith.constant 16 : i32
        %mul3A_506 = vector.broadcast %mul3A_505 : i32 to vector<16xi32>
        %mul3A_507 = arith.muli %select_n3A_501, %mul3A_506 : vector<16xi32>
        %add3A_508 = arith.addi %mul3A_507, %iota3A : vector<16xi32>
        %gather3A_509 = tpu.vector_load_idx %arg27[%add3A_173, %mul3A_504] : memref<400x80xf32, #tpu.memory_space<vmem>>[vector<16xi32>, vector<16xi32>], vector<16xf32>,
        %add3A_510 = arith.constant 1 : i32
        %add3A_511 = vector.broadcast %add3A_510 : i32 to vector<16xi32>
        %add3A_512 = arith.addi %mul3A_504, %add3A_511 : vector<16xi32>
        %gather3A_513 = tpu.vector_load_idx %arg27[%add3A_173, %add3A_512] : memref<400x80xf32, #tpu.memory_space<vmem>>[vector<16xi32>, vector<16xi32>], vector<16xf32>,
        %add3A_514 = arith.constant 2 : i32
        %add3A_515 = vector.broadcast %add3A_514 : i32 to vector<16xi32>
        %add3A_516 = arith.addi %mul3A_504, %add3A_515 : vector<16xi32>
        %gather3A_517 = tpu.vector_load_idx %arg27[%add3A_173, %add3A_516] : memref<400x80xf32, #tpu.memory_space<vmem>>[vector<16xi32>, vector<16xi32>], vector<16xf32>,
        %sub3A_518 = arith.subf %gather3A_513, %gather3A_170 : vector<16xf32>
        %sub3A_519 = arith.subf %gather3A_517, %gather3A_171 : vector<16xf32>
        %mul3A_520 = arith.mulf %sub3A_518, %sub3A_518 : vector<16xf32>
        %mul3A_521 = arith.mulf %sub3A_519, %sub3A_519 : vector<16xf32>
        %add3A_522 = arith.addf %mul3A_520, %mul3A_521 : vector<16xf32>
        tpu.vector_store_idx %arg34[%add3A_508], %add3A_522 : memref<400xf32, #tpu.memory_space<vmem>>[vector<16xi32>], vector<16xf32>,
        tpu.vector_store_idx %arg35[%add3A_508], %gather3A_509 : memref<400xf32, #tpu.memory_space<vmem>>[vector<16xi32>], vector<16xf32>,
        %min3A_523 = arith.minimumf %min3A_491, %add3A_522 : vector<16xf32>
        %add3A_524 = arith.constant 11 : i32
        %add3A_525 = vector.broadcast %add3A_524 : i32 to vector<16xi32>
        %add3A_526 = arith.addi %iota3A, %add3A_525 : vector<16xi32>
        %ge3A_527 = arith.constant 25 : i32
        %ge3A_528 = vector.broadcast %ge3A_527 : i32 to vector<16xi32>
        %ge3A_529 = arith.cmpi sge, %add3A_526, %ge3A_528 : vector<16xi32>
        %sub3A_530 = arith.constant 25 : i32
        %sub3A_531 = vector.broadcast %sub3A_530 : i32 to vector<16xi32>
        %sub3A_532 = arith.subi %add3A_526, %sub3A_531 : vector<16xi32>
        %select_n3A_533 = arith.select %ge3A_529, %sub3A_532, %add3A_526 : vector<16xi1>, vector<16xi32>
        %mul3A_534 = arith.constant 3 : i32
        %mul3A_535 = vector.broadcast %mul3A_534 : i32 to vector<16xi32>
        %mul3A_536 = arith.muli %mul3A_535, %select_n3A_533 : vector<16xi32>
        %mul3A_537 = arith.constant 16 : i32
        %mul3A_538 = vector.broadcast %mul3A_537 : i32 to vector<16xi32>
        %mul3A_539 = arith.muli %select_n3A_533, %mul3A_538 : vector<16xi32>
        %add3A_540 = arith.addi %mul3A_539, %iota3A : vector<16xi32>
        %gather3A_541 = tpu.vector_load_idx %arg27[%add3A_173, %mul3A_536] : memref<400x80xf32, #tpu.memory_space<vmem>>[vector<16xi32>, vector<16xi32>], vector<16xf32>,
        %add3A_542 = arith.constant 1 : i32
        %add3A_543 = vector.broadcast %add3A_542 : i32 to vector<16xi32>
        %add3A_544 = arith.addi %mul3A_536, %add3A_543 : vector<16xi32>
        %gather3A_545 = tpu.vector_load_idx %arg27[%add3A_173, %add3A_544] : memref<400x80xf32, #tpu.memory_space<vmem>>[vector<16xi32>, vector<16xi32>], vector<16xf32>,
        %add3A_546 = arith.constant 2 : i32
        %add3A_547 = vector.broadcast %add3A_546 : i32 to vector<16xi32>
        %add3A_548 = arith.addi %mul3A_536, %add3A_547 : vector<16xi32>
        %gather3A_549 = tpu.vector_load_idx %arg27[%add3A_173, %add3A_548] : memref<400x80xf32, #tpu.memory_space<vmem>>[vector<16xi32>, vector<16xi32>], vector<16xf32>,
        %sub3A_550 = arith.subf %gather3A_545, %gather3A_170 : vector<16xf32>
        %sub3A_551 = arith.subf %gather3A_549, %gather3A_171 : vector<16xf32>
        %mul3A_552 = arith.mulf %sub3A_550, %sub3A_550 : vector<16xf32>
        %mul3A_553 = arith.mulf %sub3A_551, %sub3A_551 : vector<16xf32>
        %add3A_554 = arith.addf %mul3A_552, %mul3A_553 : vector<16xf32>
        tpu.vector_store_idx %arg34[%add3A_540], %add3A_554 : memref<400xf32, #tpu.memory_space<vmem>>[vector<16xi32>], vector<16xf32>,
        tpu.vector_store_idx %arg35[%add3A_540], %gather3A_541 : memref<400xf32, #tpu.memory_space<vmem>>[vector<16xi32>], vector<16xf32>,
        %min3A_555 = arith.minimumf %min3A_523, %add3A_554 : vector<16xf32>
        %add3A_556 = arith.constant 12 : i32
        %add3A_557 = vector.broadcast %add3A_556 : i32 to vector<16xi32>
        %add3A_558 = arith.addi %iota3A, %add3A_557 : vector<16xi32>
        %ge3A_559 = arith.constant 25 : i32
        %ge3A_560 = vector.broadcast %ge3A_559 : i32 to vector<16xi32>
        %ge3A_561 = arith.cmpi sge, %add3A_558, %ge3A_560 : vector<16xi32>
        %sub3A_562 = arith.constant 25 : i32
        %sub3A_563 = vector.broadcast %sub3A_562 : i32 to vector<16xi32>
        %sub3A_564 = arith.subi %add3A_558, %sub3A_563 : vector<16xi32>
        %select_n3A_565 = arith.select %ge3A_561, %sub3A_564, %add3A_558 : vector<16xi1>, vector<16xi32>
        %mul3A_566 = arith.constant 3 : i32
        %mul3A_567 = vector.broadcast %mul3A_566 : i32 to vector<16xi32>
        %mul3A_568 = arith.muli %mul3A_567, %select_n3A_565 : vector<16xi32>
        %mul3A_569 = arith.constant 16 : i32
        %mul3A_570 = vector.broadcast %mul3A_569 : i32 to vector<16xi32>
        %mul3A_571 = arith.muli %select_n3A_565, %mul3A_570 : vector<16xi32>
        %add3A_572 = arith.addi %mul3A_571, %iota3A : vector<16xi32>
        %gather3A_573 = tpu.vector_load_idx %arg27[%add3A_173, %mul3A_568] : memref<400x80xf32, #tpu.memory_space<vmem>>[vector<16xi32>, vector<16xi32>], vector<16xf32>,
        %add3A_574 = arith.constant 1 : i32
        %add3A_575 = vector.broadcast %add3A_574 : i32 to vector<16xi32>
        %add3A_576 = arith.addi %mul3A_568, %add3A_575 : vector<16xi32>
        %gather3A_577 = tpu.vector_load_idx %arg27[%add3A_173, %add3A_576] : memref<400x80xf32, #tpu.memory_space<vmem>>[vector<16xi32>, vector<16xi32>], vector<16xf32>,
        %add3A_578 = arith.constant 2 : i32
        %add3A_579 = vector.broadcast %add3A_578 : i32 to vector<16xi32>
        %add3A_580 = arith.addi %mul3A_568, %add3A_579 : vector<16xi32>
        %gather3A_581 = tpu.vector_load_idx %arg27[%add3A_173, %add3A_580] : memref<400x80xf32, #tpu.memory_space<vmem>>[vector<16xi32>, vector<16xi32>], vector<16xf32>,
        %sub3A_582 = arith.subf %gather3A_577, %gather3A_170 : vector<16xf32>
        %sub3A_583 = arith.subf %gather3A_581, %gather3A_171 : vector<16xf32>
        %mul3A_584 = arith.mulf %sub3A_582, %sub3A_582 : vector<16xf32>
        %mul3A_585 = arith.mulf %sub3A_583, %sub3A_583 : vector<16xf32>
        %add3A_586 = arith.addf %mul3A_584, %mul3A_585 : vector<16xf32>
        tpu.vector_store_idx %arg34[%add3A_572], %add3A_586 : memref<400xf32, #tpu.memory_space<vmem>>[vector<16xi32>], vector<16xf32>,
        tpu.vector_store_idx %arg35[%add3A_572], %gather3A_573 : memref<400xf32, #tpu.memory_space<vmem>>[vector<16xi32>], vector<16xf32>,
        %min3A_587 = arith.minimumf %min3A_555, %add3A_586 : vector<16xf32>
        %add3A_588 = arith.constant 13 : i32
        %add3A_589 = vector.broadcast %add3A_588 : i32 to vector<16xi32>
        %add3A_590 = arith.addi %iota3A, %add3A_589 : vector<16xi32>
        %ge3A_591 = arith.constant 25 : i32
        %ge3A_592 = vector.broadcast %ge3A_591 : i32 to vector<16xi32>
        %ge3A_593 = arith.cmpi sge, %add3A_590, %ge3A_592 : vector<16xi32>
        %sub3A_594 = arith.constant 25 : i32
        %sub3A_595 = vector.broadcast %sub3A_594 : i32 to vector<16xi32>
        %sub3A_596 = arith.subi %add3A_590, %sub3A_595 : vector<16xi32>
        %select_n3A_597 = arith.select %ge3A_593, %sub3A_596, %add3A_590 : vector<16xi1>, vector<16xi32>
        %mul3A_598 = arith.constant 3 : i32
        %mul3A_599 = vector.broadcast %mul3A_598 : i32 to vector<16xi32>
        %mul3A_600 = arith.muli %mul3A_599, %select_n3A_597 : vector<16xi32>
        %mul3A_601 = arith.constant 16 : i32
        %mul3A_602 = vector.broadcast %mul3A_601 : i32 to vector<16xi32>
        %mul3A_603 = arith.muli %select_n3A_597, %mul3A_602 : vector<16xi32>
        %add3A_604 = arith.addi %mul3A_603, %iota3A : vector<16xi32>
        %gather3A_605 = tpu.vector_load_idx %arg27[%add3A_173, %mul3A_600] : memref<400x80xf32, #tpu.memory_space<vmem>>[vector<16xi32>, vector<16xi32>], vector<16xf32>,
        %add3A_606 = arith.constant 1 : i32
        %add3A_607 = vector.broadcast %add3A_606 : i32 to vector<16xi32>
        %add3A_608 = arith.addi %mul3A_600, %add3A_607 : vector<16xi32>
        %gather3A_609 = tpu.vector_load_idx %arg27[%add3A_173, %add3A_608] : memref<400x80xf32, #tpu.memory_space<vmem>>[vector<16xi32>, vector<16xi32>], vector<16xf32>,
        %add3A_610 = arith.constant 2 : i32
        %add3A_611 = vector.broadcast %add3A_610 : i32 to vector<16xi32>
        %add3A_612 = arith.addi %mul3A_600, %add3A_611 : vector<16xi32>
        %gather3A_613 = tpu.vector_load_idx %arg27[%add3A_173, %add3A_612] : memref<400x80xf32, #tpu.memory_space<vmem>>[vector<16xi32>, vector<16xi32>], vector<16xf32>,
        %sub3A_614 = arith.subf %gather3A_609, %gather3A_170 : vector<16xf32>
        %sub3A_615 = arith.subf %gather3A_613, %gather3A_171 : vector<16xf32>
        %mul3A_616 = arith.mulf %sub3A_614, %sub3A_614 : vector<16xf32>
        %mul3A_617 = arith.mulf %sub3A_615, %sub3A_615 : vector<16xf32>
        %add3A_618 = arith.addf %mul3A_616, %mul3A_617 : vector<16xf32>
        tpu.vector_store_idx %arg34[%add3A_604], %add3A_618 : memref<400xf32, #tpu.memory_space<vmem>>[vector<16xi32>], vector<16xf32>,
        tpu.vector_store_idx %arg35[%add3A_604], %gather3A_605 : memref<400xf32, #tpu.memory_space<vmem>>[vector<16xi32>], vector<16xf32>,
        %min3A_619 = arith.minimumf %min3A_587, %add3A_618 : vector<16xf32>
        %add3A_620 = arith.constant 14 : i32
        %add3A_621 = vector.broadcast %add3A_620 : i32 to vector<16xi32>
        %add3A_622 = arith.addi %iota3A, %add3A_621 : vector<16xi32>
        %ge3A_623 = arith.constant 25 : i32
        %ge3A_624 = vector.broadcast %ge3A_623 : i32 to vector<16xi32>
        %ge3A_625 = arith.cmpi sge, %add3A_622, %ge3A_624 : vector<16xi32>
        %sub3A_626 = arith.constant 25 : i32
        %sub3A_627 = vector.broadcast %sub3A_626 : i32 to vector<16xi32>
        %sub3A_628 = arith.subi %add3A_622, %sub3A_627 : vector<16xi32>
        %select_n3A_629 = arith.select %ge3A_625, %sub3A_628, %add3A_622 : vector<16xi1>, vector<16xi32>
        %mul3A_630 = arith.constant 3 : i32
        %mul3A_631 = vector.broadcast %mul3A_630 : i32 to vector<16xi32>
        %mul3A_632 = arith.muli %mul3A_631, %select_n3A_629 : vector<16xi32>
        %mul3A_633 = arith.constant 16 : i32
        %mul3A_634 = vector.broadcast %mul3A_633 : i32 to vector<16xi32>
        %mul3A_635 = arith.muli %select_n3A_629, %mul3A_634 : vector<16xi32>
        %add3A_636 = arith.addi %mul3A_635, %iota3A : vector<16xi32>
        %gather3A_637 = tpu.vector_load_idx %arg27[%add3A_173, %mul3A_632] : memref<400x80xf32, #tpu.memory_space<vmem>>[vector<16xi32>, vector<16xi32>], vector<16xf32>,
        %add3A_638 = arith.constant 1 : i32
        %add3A_639 = vector.broadcast %add3A_638 : i32 to vector<16xi32>
        %add3A_640 = arith.addi %mul3A_632, %add3A_639 : vector<16xi32>
        %gather3A_641 = tpu.vector_load_idx %arg27[%add3A_173, %add3A_640] : memref<400x80xf32, #tpu.memory_space<vmem>>[vector<16xi32>, vector<16xi32>], vector<16xf32>,
        %add3A_642 = arith.constant 2 : i32
        %add3A_643 = vector.broadcast %add3A_642 : i32 to vector<16xi32>
        %add3A_644 = arith.addi %mul3A_632, %add3A_643 : vector<16xi32>
        %gather3A_645 = tpu.vector_load_idx %arg27[%add3A_173, %add3A_644] : memref<400x80xf32, #tpu.memory_space<vmem>>[vector<16xi32>, vector<16xi32>], vector<16xf32>,
        %sub3A_646 = arith.subf %gather3A_641, %gather3A_170 : vector<16xf32>
        %sub3A_647 = arith.subf %gather3A_645, %gather3A_171 : vector<16xf32>
        %mul3A_648 = arith.mulf %sub3A_646, %sub3A_646 : vector<16xf32>
        %mul3A_649 = arith.mulf %sub3A_647, %sub3A_647 : vector<16xf32>
        %add3A_650 = arith.addf %mul3A_648, %mul3A_649 : vector<16xf32>
        tpu.vector_store_idx %arg34[%add3A_636], %add3A_650 : memref<400xf32, #tpu.memory_space<vmem>>[vector<16xi32>], vector<16xf32>,
        tpu.vector_store_idx %arg35[%add3A_636], %gather3A_637 : memref<400xf32, #tpu.memory_space<vmem>>[vector<16xi32>], vector<16xf32>,
        %min3A_651 = arith.minimumf %min3A_619, %add3A_650 : vector<16xf32>
        %add3A_652 = arith.constant 15 : i32
        %add3A_653 = vector.broadcast %add3A_652 : i32 to vector<16xi32>
        %add3A_654 = arith.addi %iota3A, %add3A_653 : vector<16xi32>
        %ge3A_655 = arith.constant 25 : i32
        %ge3A_656 = vector.broadcast %ge3A_655 : i32 to vector<16xi32>
        %ge3A_657 = arith.cmpi sge, %add3A_654, %ge3A_656 : vector<16xi32>
        %sub3A_658 = arith.constant 25 : i32
        %sub3A_659 = vector.broadcast %sub3A_658 : i32 to vector<16xi32>
        %sub3A_660 = arith.subi %add3A_654, %sub3A_659 : vector<16xi32>
        %select_n3A_661 = arith.select %ge3A_657, %sub3A_660, %add3A_654 : vector<16xi1>, vector<16xi32>
        %mul3A_662 = arith.constant 3 : i32
        %mul3A_663 = vector.broadcast %mul3A_662 : i32 to vector<16xi32>
        %mul3A_664 = arith.muli %mul3A_663, %select_n3A_661 : vector<16xi32>
        %mul3A_665 = arith.constant 16 : i32
        %mul3A_666 = vector.broadcast %mul3A_665 : i32 to vector<16xi32>
        %mul3A_667 = arith.muli %select_n3A_661, %mul3A_666 : vector<16xi32>
        %add3A_668 = arith.addi %mul3A_667, %iota3A : vector<16xi32>
        %gather3A_669 = tpu.vector_load_idx %arg27[%add3A_173, %mul3A_664] : memref<400x80xf32, #tpu.memory_space<vmem>>[vector<16xi32>, vector<16xi32>], vector<16xf32>,
        %add3A_670 = arith.constant 1 : i32
        %add3A_671 = vector.broadcast %add3A_670 : i32 to vector<16xi32>
        %add3A_672 = arith.addi %mul3A_664, %add3A_671 : vector<16xi32>
        %gather3A_673 = tpu.vector_load_idx %arg27[%add3A_173, %add3A_672] : memref<400x80xf32, #tpu.memory_space<vmem>>[vector<16xi32>, vector<16xi32>], vector<16xf32>,
        %add3A_674 = arith.constant 2 : i32
        %add3A_675 = vector.broadcast %add3A_674 : i32 to vector<16xi32>
        %add3A_676 = arith.addi %mul3A_664, %add3A_675 : vector<16xi32>
        %gather3A_677 = tpu.vector_load_idx %arg27[%add3A_173, %add3A_676] : memref<400x80xf32, #tpu.memory_space<vmem>>[vector<16xi32>, vector<16xi32>], vector<16xf32>,
        %sub3A_678 = arith.subf %gather3A_673, %gather3A_170 : vector<16xf32>
        %sub3A_679 = arith.subf %gather3A_677, %gather3A_171 : vector<16xf32>
        %mul3A_680 = arith.mulf %sub3A_678, %sub3A_678 : vector<16xf32>
        %mul3A_681 = arith.mulf %sub3A_679, %sub3A_679 : vector<16xf32>
        %add3A_682 = arith.addf %mul3A_680, %mul3A_681 : vector<16xf32>
        tpu.vector_store_idx %arg34[%add3A_668], %add3A_682 : memref<400xf32, #tpu.memory_space<vmem>>[vector<16xi32>], vector<16xf32>,
        tpu.vector_store_idx %arg35[%add3A_668], %gather3A_669 : memref<400xf32, #tpu.memory_space<vmem>>[vector<16xi32>], vector<16xf32>,
        %min3A_683 = arith.minimumf %min3A_651, %add3A_682 : vector<16xf32>
        %add3A_684 = arith.constant 16 : i32
        %add3A_685 = vector.broadcast %add3A_684 : i32 to vector<16xi32>
        %add3A_686 = arith.addi %iota3A, %add3A_685 : vector<16xi32>
        %ge3A_687 = arith.constant 25 : i32
        %ge3A_688 = vector.broadcast %ge3A_687 : i32 to vector<16xi32>
        %ge3A_689 = arith.cmpi sge, %add3A_686, %ge3A_688 : vector<16xi32>
        %sub3A_690 = arith.constant 25 : i32
        %sub3A_691 = vector.broadcast %sub3A_690 : i32 to vector<16xi32>
        %sub3A_692 = arith.subi %add3A_686, %sub3A_691 : vector<16xi32>
        %select_n3A_693 = arith.select %ge3A_689, %sub3A_692, %add3A_686 : vector<16xi1>, vector<16xi32>
        %mul3A_694 = arith.constant 3 : i32
        %mul3A_695 = vector.broadcast %mul3A_694 : i32 to vector<16xi32>
        %mul3A_696 = arith.muli %mul3A_695, %select_n3A_693 : vector<16xi32>
        %mul3A_697 = arith.constant 16 : i32
        %mul3A_698 = vector.broadcast %mul3A_697 : i32 to vector<16xi32>
        %mul3A_699 = arith.muli %select_n3A_693, %mul3A_698 : vector<16xi32>
        %add3A_700 = arith.addi %mul3A_699, %iota3A : vector<16xi32>
        %gather3A_701 = tpu.vector_load_idx %arg27[%add3A_173, %mul3A_696] : memref<400x80xf32, #tpu.memory_space<vmem>>[vector<16xi32>, vector<16xi32>], vector<16xf32>,
        %add3A_702 = arith.constant 1 : i32
        %add3A_703 = vector.broadcast %add3A_702 : i32 to vector<16xi32>
        %add3A_704 = arith.addi %mul3A_696, %add3A_703 : vector<16xi32>
        %gather3A_705 = tpu.vector_load_idx %arg27[%add3A_173, %add3A_704] : memref<400x80xf32, #tpu.memory_space<vmem>>[vector<16xi32>, vector<16xi32>], vector<16xf32>,
        %add3A_706 = arith.constant 2 : i32
        %add3A_707 = vector.broadcast %add3A_706 : i32 to vector<16xi32>
        %add3A_708 = arith.addi %mul3A_696, %add3A_707 : vector<16xi32>
        %gather3A_709 = tpu.vector_load_idx %arg27[%add3A_173, %add3A_708] : memref<400x80xf32, #tpu.memory_space<vmem>>[vector<16xi32>, vector<16xi32>], vector<16xf32>,
        %sub3A_710 = arith.subf %gather3A_705, %gather3A_170 : vector<16xf32>
        %sub3A_711 = arith.subf %gather3A_709, %gather3A_171 : vector<16xf32>
        %mul3A_712 = arith.mulf %sub3A_710, %sub3A_710 : vector<16xf32>
        %mul3A_713 = arith.mulf %sub3A_711, %sub3A_711 : vector<16xf32>
        %add3A_714 = arith.addf %mul3A_712, %mul3A_713 : vector<16xf32>
        tpu.vector_store_idx %arg34[%add3A_700], %add3A_714 : memref<400xf32, #tpu.memory_space<vmem>>[vector<16xi32>], vector<16xf32>,
        tpu.vector_store_idx %arg35[%add3A_700], %gather3A_701 : memref<400xf32, #tpu.memory_space<vmem>>[vector<16xi32>], vector<16xf32>,
        %min3A_715 = arith.minimumf %min3A_683, %add3A_714 : vector<16xf32>
        %add3A_716 = arith.constant 17 : i32
        %add3A_717 = vector.broadcast %add3A_716 : i32 to vector<16xi32>
        %add3A_718 = arith.addi %iota3A, %add3A_717 : vector<16xi32>
        %ge3A_719 = arith.constant 25 : i32
        %ge3A_720 = vector.broadcast %ge3A_719 : i32 to vector<16xi32>
        %ge3A_721 = arith.cmpi sge, %add3A_718, %ge3A_720 : vector<16xi32>
        %sub3A_722 = arith.constant 25 : i32
        %sub3A_723 = vector.broadcast %sub3A_722 : i32 to vector<16xi32>
        %sub3A_724 = arith.subi %add3A_718, %sub3A_723 : vector<16xi32>
        %select_n3A_725 = arith.select %ge3A_721, %sub3A_724, %add3A_718 : vector<16xi1>, vector<16xi32>
        %mul3A_726 = arith.constant 3 : i32
        %mul3A_727 = vector.broadcast %mul3A_726 : i32 to vector<16xi32>
        %mul3A_728 = arith.muli %mul3A_727, %select_n3A_725 : vector<16xi32>
        %mul3A_729 = arith.constant 16 : i32
        %mul3A_730 = vector.broadcast %mul3A_729 : i32 to vector<16xi32>
        %mul3A_731 = arith.muli %select_n3A_725, %mul3A_730 : vector<16xi32>
        %add3A_732 = arith.addi %mul3A_731, %iota3A : vector<16xi32>
        %gather3A_733 = tpu.vector_load_idx %arg27[%add3A_173, %mul3A_728] : memref<400x80xf32, #tpu.memory_space<vmem>>[vector<16xi32>, vector<16xi32>], vector<16xf32>,
        %add3A_734 = arith.constant 1 : i32
        %add3A_735 = vector.broadcast %add3A_734 : i32 to vector<16xi32>
        %add3A_736 = arith.addi %mul3A_728, %add3A_735 : vector<16xi32>
        %gather3A_737 = tpu.vector_load_idx %arg27[%add3A_173, %add3A_736] : memref<400x80xf32, #tpu.memory_space<vmem>>[vector<16xi32>, vector<16xi32>], vector<16xf32>,
        %add3A_738 = arith.constant 2 : i32
        %add3A_739 = vector.broadcast %add3A_738 : i32 to vector<16xi32>
        %add3A_740 = arith.addi %mul3A_728, %add3A_739 : vector<16xi32>
        %gather3A_741 = tpu.vector_load_idx %arg27[%add3A_173, %add3A_740] : memref<400x80xf32, #tpu.memory_space<vmem>>[vector<16xi32>, vector<16xi32>], vector<16xf32>,
        %sub3A_742 = arith.subf %gather3A_737, %gather3A_170 : vector<16xf32>
        %sub3A_743 = arith.subf %gather3A_741, %gather3A_171 : vector<16xf32>
        %mul3A_744 = arith.mulf %sub3A_742, %sub3A_742 : vector<16xf32>
        %mul3A_745 = arith.mulf %sub3A_743, %sub3A_743 : vector<16xf32>
        %add3A_746 = arith.addf %mul3A_744, %mul3A_745 : vector<16xf32>
        tpu.vector_store_idx %arg34[%add3A_732], %add3A_746 : memref<400xf32, #tpu.memory_space<vmem>>[vector<16xi32>], vector<16xf32>,
        tpu.vector_store_idx %arg35[%add3A_732], %gather3A_733 : memref<400xf32, #tpu.memory_space<vmem>>[vector<16xi32>], vector<16xf32>,
        %min3A_747 = arith.minimumf %min3A_715, %add3A_746 : vector<16xf32>
        %add3A_748 = arith.constant 18 : i32
        %add3A_749 = vector.broadcast %add3A_748 : i32 to vector<16xi32>
        %add3A_750 = arith.addi %iota3A, %add3A_749 : vector<16xi32>
        %ge3A_751 = arith.constant 25 : i32
        %ge3A_752 = vector.broadcast %ge3A_751 : i32 to vector<16xi32>
        %ge3A_753 = arith.cmpi sge, %add3A_750, %ge3A_752 : vector<16xi32>
        %sub3A_754 = arith.constant 25 : i32
        %sub3A_755 = vector.broadcast %sub3A_754 : i32 to vector<16xi32>
        %sub3A_756 = arith.subi %add3A_750, %sub3A_755 : vector<16xi32>
        %select_n3A_757 = arith.select %ge3A_753, %sub3A_756, %add3A_750 : vector<16xi1>, vector<16xi32>
        %mul3A_758 = arith.constant 3 : i32
        %mul3A_759 = vector.broadcast %mul3A_758 : i32 to vector<16xi32>
        %mul3A_760 = arith.muli %mul3A_759, %select_n3A_757 : vector<16xi32>
        %mul3A_761 = arith.constant 16 : i32
        %mul3A_762 = vector.broadcast %mul3A_761 : i32 to vector<16xi32>
        %mul3A_763 = arith.muli %select_n3A_757, %mul3A_762 : vector<16xi32>
        %add3A_764 = arith.addi %mul3A_763, %iota3A : vector<16xi32>
        %gather3A_765 = tpu.vector_load_idx %arg27[%add3A_173, %mul3A_760] : memref<400x80xf32, #tpu.memory_space<vmem>>[vector<16xi32>, vector<16xi32>], vector<16xf32>,
        %add3A_766 = arith.constant 1 : i32
        %add3A_767 = vector.broadcast %add3A_766 : i32 to vector<16xi32>
        %add3A_768 = arith.addi %mul3A_760, %add3A_767 : vector<16xi32>
        %gather3A_769 = tpu.vector_load_idx %arg27[%add3A_173, %add3A_768] : memref<400x80xf32, #tpu.memory_space<vmem>>[vector<16xi32>, vector<16xi32>], vector<16xf32>,
        %add3A_770 = arith.constant 2 : i32
        %add3A_771 = vector.broadcast %add3A_770 : i32 to vector<16xi32>
        %add3A_772 = arith.addi %mul3A_760, %add3A_771 : vector<16xi32>
        %gather3A_773 = tpu.vector_load_idx %arg27[%add3A_173, %add3A_772] : memref<400x80xf32, #tpu.memory_space<vmem>>[vector<16xi32>, vector<16xi32>], vector<16xf32>,
        %sub3A_774 = arith.subf %gather3A_769, %gather3A_170 : vector<16xf32>
        %sub3A_775 = arith.subf %gather3A_773, %gather3A_171 : vector<16xf32>
        %mul3A_776 = arith.mulf %sub3A_774, %sub3A_774 : vector<16xf32>
        %mul3A_777 = arith.mulf %sub3A_775, %sub3A_775 : vector<16xf32>
        %add3A_778 = arith.addf %mul3A_776, %mul3A_777 : vector<16xf32>
        tpu.vector_store_idx %arg34[%add3A_764], %add3A_778 : memref<400xf32, #tpu.memory_space<vmem>>[vector<16xi32>], vector<16xf32>,
        tpu.vector_store_idx %arg35[%add3A_764], %gather3A_765 : memref<400xf32, #tpu.memory_space<vmem>>[vector<16xi32>], vector<16xf32>,
        %min3A_779 = arith.minimumf %min3A_747, %add3A_778 : vector<16xf32>
        %add3A_780 = arith.constant 19 : i32
        %add3A_781 = vector.broadcast %add3A_780 : i32 to vector<16xi32>
        %add3A_782 = arith.addi %iota3A, %add3A_781 : vector<16xi32>
        %ge3A_783 = arith.constant 25 : i32
        %ge3A_784 = vector.broadcast %ge3A_783 : i32 to vector<16xi32>
        %ge3A_785 = arith.cmpi sge, %add3A_782, %ge3A_784 : vector<16xi32>
        %sub3A_786 = arith.constant 25 : i32
        %sub3A_787 = vector.broadcast %sub3A_786 : i32 to vector<16xi32>
        %sub3A_788 = arith.subi %add3A_782, %sub3A_787 : vector<16xi32>
        %select_n3A_789 = arith.select %ge3A_785, %sub3A_788, %add3A_782 : vector<16xi1>, vector<16xi32>
        %mul3A_790 = arith.constant 3 : i32
        %mul3A_791 = vector.broadcast %mul3A_790 : i32 to vector<16xi32>
        %mul3A_792 = arith.muli %mul3A_791, %select_n3A_789 : vector<16xi32>
        %mul3A_793 = arith.constant 16 : i32
        %mul3A_794 = vector.broadcast %mul3A_793 : i32 to vector<16xi32>
        %mul3A_795 = arith.muli %select_n3A_789, %mul3A_794 : vector<16xi32>
        %add3A_796 = arith.addi %mul3A_795, %iota3A : vector<16xi32>
        %gather3A_797 = tpu.vector_load_idx %arg27[%add3A_173, %mul3A_792] : memref<400x80xf32, #tpu.memory_space<vmem>>[vector<16xi32>, vector<16xi32>], vector<16xf32>,
        %add3A_798 = arith.constant 1 : i32
        %add3A_799 = vector.broadcast %add3A_798 : i32 to vector<16xi32>
        %add3A_800 = arith.addi %mul3A_792, %add3A_799 : vector<16xi32>
        %gather3A_801 = tpu.vector_load_idx %arg27[%add3A_173, %add3A_800] : memref<400x80xf32, #tpu.memory_space<vmem>>[vector<16xi32>, vector<16xi32>], vector<16xf32>,
        %add3A_802 = arith.constant 2 : i32
        %add3A_803 = vector.broadcast %add3A_802 : i32 to vector<16xi32>
        %add3A_804 = arith.addi %mul3A_792, %add3A_803 : vector<16xi32>
        %gather3A_805 = tpu.vector_load_idx %arg27[%add3A_173, %add3A_804] : memref<400x80xf32, #tpu.memory_space<vmem>>[vector<16xi32>, vector<16xi32>], vector<16xf32>,
        %sub3A_806 = arith.subf %gather3A_801, %gather3A_170 : vector<16xf32>
        %sub3A_807 = arith.subf %gather3A_805, %gather3A_171 : vector<16xf32>
        %mul3A_808 = arith.mulf %sub3A_806, %sub3A_806 : vector<16xf32>
        %mul3A_809 = arith.mulf %sub3A_807, %sub3A_807 : vector<16xf32>
        %add3A_810 = arith.addf %mul3A_808, %mul3A_809 : vector<16xf32>
        tpu.vector_store_idx %arg34[%add3A_796], %add3A_810 : memref<400xf32, #tpu.memory_space<vmem>>[vector<16xi32>], vector<16xf32>,
        tpu.vector_store_idx %arg35[%add3A_796], %gather3A_797 : memref<400xf32, #tpu.memory_space<vmem>>[vector<16xi32>], vector<16xf32>,
        %min3A_811 = arith.minimumf %min3A_779, %add3A_810 : vector<16xf32>
        %add3A_812 = arith.constant 20 : i32
        %add3A_813 = vector.broadcast %add3A_812 : i32 to vector<16xi32>
        %add3A_814 = arith.addi %iota3A, %add3A_813 : vector<16xi32>
        %ge3A_815 = arith.constant 25 : i32
        %ge3A_816 = vector.broadcast %ge3A_815 : i32 to vector<16xi32>
        %ge3A_817 = arith.cmpi sge, %add3A_814, %ge3A_816 : vector<16xi32>
        %sub3A_818 = arith.constant 25 : i32
        %sub3A_819 = vector.broadcast %sub3A_818 : i32 to vector<16xi32>
        %sub3A_820 = arith.subi %add3A_814, %sub3A_819 : vector<16xi32>
        %select_n3A_821 = arith.select %ge3A_817, %sub3A_820, %add3A_814 : vector<16xi1>, vector<16xi32>
        %mul3A_822 = arith.constant 3 : i32
        %mul3A_823 = vector.broadcast %mul3A_822 : i32 to vector<16xi32>
        %mul3A_824 = arith.muli %mul3A_823, %select_n3A_821 : vector<16xi32>
        %mul3A_825 = arith.constant 16 : i32
        %mul3A_826 = vector.broadcast %mul3A_825 : i32 to vector<16xi32>
        %mul3A_827 = arith.muli %select_n3A_821, %mul3A_826 : vector<16xi32>
        %add3A_828 = arith.addi %mul3A_827, %iota3A : vector<16xi32>
        %gather3A_829 = tpu.vector_load_idx %arg27[%add3A_173, %mul3A_824] : memref<400x80xf32, #tpu.memory_space<vmem>>[vector<16xi32>, vector<16xi32>], vector<16xf32>,
        %add3A_830 = arith.constant 1 : i32
        %add3A_831 = vector.broadcast %add3A_830 : i32 to vector<16xi32>
        %add3A_832 = arith.addi %mul3A_824, %add3A_831 : vector<16xi32>
        %gather3A_833 = tpu.vector_load_idx %arg27[%add3A_173, %add3A_832] : memref<400x80xf32, #tpu.memory_space<vmem>>[vector<16xi32>, vector<16xi32>], vector<16xf32>,
        %add3A_834 = arith.constant 2 : i32
        %add3A_835 = vector.broadcast %add3A_834 : i32 to vector<16xi32>
        %add3A_836 = arith.addi %mul3A_824, %add3A_835 : vector<16xi32>
        %gather3A_837 = tpu.vector_load_idx %arg27[%add3A_173, %add3A_836] : memref<400x80xf32, #tpu.memory_space<vmem>>[vector<16xi32>, vector<16xi32>], vector<16xf32>,
        %sub3A_838 = arith.subf %gather3A_833, %gather3A_170 : vector<16xf32>
        %sub3A_839 = arith.subf %gather3A_837, %gather3A_171 : vector<16xf32>
        %mul3A_840 = arith.mulf %sub3A_838, %sub3A_838 : vector<16xf32>
        %mul3A_841 = arith.mulf %sub3A_839, %sub3A_839 : vector<16xf32>
        %add3A_842 = arith.addf %mul3A_840, %mul3A_841 : vector<16xf32>
        tpu.vector_store_idx %arg34[%add3A_828], %add3A_842 : memref<400xf32, #tpu.memory_space<vmem>>[vector<16xi32>], vector<16xf32>,
        tpu.vector_store_idx %arg35[%add3A_828], %gather3A_829 : memref<400xf32, #tpu.memory_space<vmem>>[vector<16xi32>], vector<16xf32>,
        %min3A_843 = arith.minimumf %min3A_811, %add3A_842 : vector<16xf32>
        %add3A_844 = arith.constant 21 : i32
        %add3A_845 = vector.broadcast %add3A_844 : i32 to vector<16xi32>
        %add3A_846 = arith.addi %iota3A, %add3A_845 : vector<16xi32>
        %ge3A_847 = arith.constant 25 : i32
        %ge3A_848 = vector.broadcast %ge3A_847 : i32 to vector<16xi32>
        %ge3A_849 = arith.cmpi sge, %add3A_846, %ge3A_848 : vector<16xi32>
        %sub3A_850 = arith.constant 25 : i32
        %sub3A_851 = vector.broadcast %sub3A_850 : i32 to vector<16xi32>
        %sub3A_852 = arith.subi %add3A_846, %sub3A_851 : vector<16xi32>
        %select_n3A_853 = arith.select %ge3A_849, %sub3A_852, %add3A_846 : vector<16xi1>, vector<16xi32>
        %mul3A_854 = arith.constant 3 : i32
        %mul3A_855 = vector.broadcast %mul3A_854 : i32 to vector<16xi32>
        %mul3A_856 = arith.muli %mul3A_855, %select_n3A_853 : vector<16xi32>
        %mul3A_857 = arith.constant 16 : i32
        %mul3A_858 = vector.broadcast %mul3A_857 : i32 to vector<16xi32>
        %mul3A_859 = arith.muli %select_n3A_853, %mul3A_858 : vector<16xi32>
        %add3A_860 = arith.addi %mul3A_859, %iota3A : vector<16xi32>
        %gather3A_861 = tpu.vector_load_idx %arg27[%add3A_173, %mul3A_856] : memref<400x80xf32, #tpu.memory_space<vmem>>[vector<16xi32>, vector<16xi32>], vector<16xf32>,
        %add3A_862 = arith.constant 1 : i32
        %add3A_863 = vector.broadcast %add3A_862 : i32 to vector<16xi32>
        %add3A_864 = arith.addi %mul3A_856, %add3A_863 : vector<16xi32>
        %gather3A_865 = tpu.vector_load_idx %arg27[%add3A_173, %add3A_864] : memref<400x80xf32, #tpu.memory_space<vmem>>[vector<16xi32>, vector<16xi32>], vector<16xf32>,
        %add3A_866 = arith.constant 2 : i32
        %add3A_867 = vector.broadcast %add3A_866 : i32 to vector<16xi32>
        %add3A_868 = arith.addi %mul3A_856, %add3A_867 : vector<16xi32>
        %gather3A_869 = tpu.vector_load_idx %arg27[%add3A_173, %add3A_868] : memref<400x80xf32, #tpu.memory_space<vmem>>[vector<16xi32>, vector<16xi32>], vector<16xf32>,
        %sub3A_870 = arith.subf %gather3A_865, %gather3A_170 : vector<16xf32>
        %sub3A_871 = arith.subf %gather3A_869, %gather3A_171 : vector<16xf32>
        %mul3A_872 = arith.mulf %sub3A_870, %sub3A_870 : vector<16xf32>
        %mul3A_873 = arith.mulf %sub3A_871, %sub3A_871 : vector<16xf32>
        %add3A_874 = arith.addf %mul3A_872, %mul3A_873 : vector<16xf32>
        tpu.vector_store_idx %arg34[%add3A_860], %add3A_874 : memref<400xf32, #tpu.memory_space<vmem>>[vector<16xi32>], vector<16xf32>,
        tpu.vector_store_idx %arg35[%add3A_860], %gather3A_861 : memref<400xf32, #tpu.memory_space<vmem>>[vector<16xi32>], vector<16xf32>,
        %min3A_875 = arith.minimumf %min3A_843, %add3A_874 : vector<16xf32>
        %add3A_876 = arith.constant 22 : i32
        %add3A_877 = vector.broadcast %add3A_876 : i32 to vector<16xi32>
        %add3A_878 = arith.addi %iota3A, %add3A_877 : vector<16xi32>
        %ge3A_879 = arith.constant 25 : i32
        %ge3A_880 = vector.broadcast %ge3A_879 : i32 to vector<16xi32>
        %ge3A_881 = arith.cmpi sge, %add3A_878, %ge3A_880 : vector<16xi32>
        %sub3A_882 = arith.constant 25 : i32
        %sub3A_883 = vector.broadcast %sub3A_882 : i32 to vector<16xi32>
        %sub3A_884 = arith.subi %add3A_878, %sub3A_883 : vector<16xi32>
        %select_n3A_885 = arith.select %ge3A_881, %sub3A_884, %add3A_878 : vector<16xi1>, vector<16xi32>
        %mul3A_886 = arith.constant 3 : i32
        %mul3A_887 = vector.broadcast %mul3A_886 : i32 to vector<16xi32>
        %mul3A_888 = arith.muli %mul3A_887, %select_n3A_885 : vector<16xi32>
        %mul3A_889 = arith.constant 16 : i32
        %mul3A_890 = vector.broadcast %mul3A_889 : i32 to vector<16xi32>
        %mul3A_891 = arith.muli %select_n3A_885, %mul3A_890 : vector<16xi32>
        %add3A_892 = arith.addi %mul3A_891, %iota3A : vector<16xi32>
        %gather3A_893 = tpu.vector_load_idx %arg27[%add3A_173, %mul3A_888] : memref<400x80xf32, #tpu.memory_space<vmem>>[vector<16xi32>, vector<16xi32>], vector<16xf32>,
        %add3A_894 = arith.constant 1 : i32
        %add3A_895 = vector.broadcast %add3A_894 : i32 to vector<16xi32>
        %add3A_896 = arith.addi %mul3A_888, %add3A_895 : vector<16xi32>
        %gather3A_897 = tpu.vector_load_idx %arg27[%add3A_173, %add3A_896] : memref<400x80xf32, #tpu.memory_space<vmem>>[vector<16xi32>, vector<16xi32>], vector<16xf32>,
        %add3A_898 = arith.constant 2 : i32
        %add3A_899 = vector.broadcast %add3A_898 : i32 to vector<16xi32>
        %add3A_900 = arith.addi %mul3A_888, %add3A_899 : vector<16xi32>
        %gather3A_901 = tpu.vector_load_idx %arg27[%add3A_173, %add3A_900] : memref<400x80xf32, #tpu.memory_space<vmem>>[vector<16xi32>, vector<16xi32>], vector<16xf32>,
        %sub3A_902 = arith.subf %gather3A_897, %gather3A_170 : vector<16xf32>
        %sub3A_903 = arith.subf %gather3A_901, %gather3A_171 : vector<16xf32>
        %mul3A_904 = arith.mulf %sub3A_902, %sub3A_902 : vector<16xf32>
        %mul3A_905 = arith.mulf %sub3A_903, %sub3A_903 : vector<16xf32>
        %add3A_906 = arith.addf %mul3A_904, %mul3A_905 : vector<16xf32>
        tpu.vector_store_idx %arg34[%add3A_892], %add3A_906 : memref<400xf32, #tpu.memory_space<vmem>>[vector<16xi32>], vector<16xf32>,
        tpu.vector_store_idx %arg35[%add3A_892], %gather3A_893 : memref<400xf32, #tpu.memory_space<vmem>>[vector<16xi32>], vector<16xf32>,
        %min3A_907 = arith.minimumf %min3A_875, %add3A_906 : vector<16xf32>
        %add3A_908 = arith.constant 23 : i32
        %add3A_909 = vector.broadcast %add3A_908 : i32 to vector<16xi32>
        %add3A_910 = arith.addi %iota3A, %add3A_909 : vector<16xi32>
        %ge3A_911 = arith.constant 25 : i32
        %ge3A_912 = vector.broadcast %ge3A_911 : i32 to vector<16xi32>
        %ge3A_913 = arith.cmpi sge, %add3A_910, %ge3A_912 : vector<16xi32>
        %sub3A_914 = arith.constant 25 : i32
        %sub3A_915 = vector.broadcast %sub3A_914 : i32 to vector<16xi32>
        %sub3A_916 = arith.subi %add3A_910, %sub3A_915 : vector<16xi32>
        %select_n3A_917 = arith.select %ge3A_913, %sub3A_916, %add3A_910 : vector<16xi1>, vector<16xi32>
        %mul3A_918 = arith.constant 3 : i32
        %mul3A_919 = vector.broadcast %mul3A_918 : i32 to vector<16xi32>
        %mul3A_920 = arith.muli %mul3A_919, %select_n3A_917 : vector<16xi32>
        %mul3A_921 = arith.constant 16 : i32
        %mul3A_922 = vector.broadcast %mul3A_921 : i32 to vector<16xi32>
        %mul3A_923 = arith.muli %select_n3A_917, %mul3A_922 : vector<16xi32>
        %add3A_924 = arith.addi %mul3A_923, %iota3A : vector<16xi32>
        %gather3A_925 = tpu.vector_load_idx %arg27[%add3A_173, %mul3A_920] : memref<400x80xf32, #tpu.memory_space<vmem>>[vector<16xi32>, vector<16xi32>], vector<16xf32>,
        %add3A_926 = arith.constant 1 : i32
        %add3A_927 = vector.broadcast %add3A_926 : i32 to vector<16xi32>
        %add3A_928 = arith.addi %mul3A_920, %add3A_927 : vector<16xi32>
        %gather3A_929 = tpu.vector_load_idx %arg27[%add3A_173, %add3A_928] : memref<400x80xf32, #tpu.memory_space<vmem>>[vector<16xi32>, vector<16xi32>], vector<16xf32>,
        %add3A_930 = arith.constant 2 : i32
        %add3A_931 = vector.broadcast %add3A_930 : i32 to vector<16xi32>
        %add3A_932 = arith.addi %mul3A_920, %add3A_931 : vector<16xi32>
        %gather3A_933 = tpu.vector_load_idx %arg27[%add3A_173, %add3A_932] : memref<400x80xf32, #tpu.memory_space<vmem>>[vector<16xi32>, vector<16xi32>], vector<16xf32>,
        %sub3A_934 = arith.subf %gather3A_929, %gather3A_170 : vector<16xf32>
        %sub3A_935 = arith.subf %gather3A_933, %gather3A_171 : vector<16xf32>
        %mul3A_936 = arith.mulf %sub3A_934, %sub3A_934 : vector<16xf32>
        %mul3A_937 = arith.mulf %sub3A_935, %sub3A_935 : vector<16xf32>
        %add3A_938 = arith.addf %mul3A_936, %mul3A_937 : vector<16xf32>
        tpu.vector_store_idx %arg34[%add3A_924], %add3A_938 : memref<400xf32, #tpu.memory_space<vmem>>[vector<16xi32>], vector<16xf32>,
        tpu.vector_store_idx %arg35[%add3A_924], %gather3A_925 : memref<400xf32, #tpu.memory_space<vmem>>[vector<16xi32>], vector<16xf32>,
        %min3A_939 = arith.minimumf %min3A_907, %add3A_938 : vector<16xf32>
        %add3A_940 = arith.constant 24 : i32
        %add3A_941 = vector.broadcast %add3A_940 : i32 to vector<16xi32>
        %add3A_942 = arith.addi %iota3A, %add3A_941 : vector<16xi32>
        %ge3A_943 = arith.constant 25 : i32
        %ge3A_944 = vector.broadcast %ge3A_943 : i32 to vector<16xi32>
        %ge3A_945 = arith.cmpi sge, %add3A_942, %ge3A_944 : vector<16xi32>
        %sub3A_946 = arith.constant 25 : i32
        %sub3A_947 = vector.broadcast %sub3A_946 : i32 to vector<16xi32>
        %sub3A_948 = arith.subi %add3A_942, %sub3A_947 : vector<16xi32>
        %select_n3A_949 = arith.select %ge3A_945, %sub3A_948, %add3A_942 : vector<16xi1>, vector<16xi32>
        %mul3A_950 = arith.constant 3 : i32
        %mul3A_951 = vector.broadcast %mul3A_950 : i32 to vector<16xi32>
        %mul3A_952 = arith.muli %mul3A_951, %select_n3A_949 : vector<16xi32>
        %mul3A_953 = arith.constant 16 : i32
        %mul3A_954 = vector.broadcast %mul3A_953 : i32 to vector<16xi32>
        %mul3A_955 = arith.muli %select_n3A_949, %mul3A_954 : vector<16xi32>
        %add3A_956 = arith.addi %mul3A_955, %iota3A : vector<16xi32>
        %gather3A_957 = tpu.vector_load_idx %arg27[%add3A_173, %mul3A_952] : memref<400x80xf32, #tpu.memory_space<vmem>>[vector<16xi32>, vector<16xi32>], vector<16xf32>,
        %add3A_958 = arith.constant 1 : i32
        %add3A_959 = vector.broadcast %add3A_958 : i32 to vector<16xi32>
        %add3A_960 = arith.addi %mul3A_952, %add3A_959 : vector<16xi32>
        %gather3A_961 = tpu.vector_load_idx %arg27[%add3A_173, %add3A_960] : memref<400x80xf32, #tpu.memory_space<vmem>>[vector<16xi32>, vector<16xi32>], vector<16xf32>,
        %add3A_962 = arith.constant 2 : i32
        %add3A_963 = vector.broadcast %add3A_962 : i32 to vector<16xi32>
        %add3A_964 = arith.addi %mul3A_952, %add3A_963 : vector<16xi32>
        %gather3A_965 = tpu.vector_load_idx %arg27[%add3A_173, %add3A_964] : memref<400x80xf32, #tpu.memory_space<vmem>>[vector<16xi32>, vector<16xi32>], vector<16xf32>,
        %sub3A_966 = arith.subf %gather3A_961, %gather3A_170 : vector<16xf32>
        %sub3A_967 = arith.subf %gather3A_965, %gather3A_171 : vector<16xf32>
        %mul3A_968 = arith.mulf %sub3A_966, %sub3A_966 : vector<16xf32>
        %mul3A_969 = arith.mulf %sub3A_967, %sub3A_967 : vector<16xf32>
        %add3A_970 = arith.addf %mul3A_968, %mul3A_969 : vector<16xf32>
        tpu.vector_store_idx %arg34[%add3A_956], %add3A_970 : memref<400xf32, #tpu.memory_space<vmem>>[vector<16xi32>], vector<16xf32>,
        tpu.vector_store_idx %arg35[%add3A_956], %gather3A_957 : memref<400xf32, #tpu.memory_space<vmem>>[vector<16xi32>], vector<16xf32>,
        %min3A_971 = arith.minimumf %min3A_939, %add3A_970 : vector<16xf32>
        %get3A_972 = arith.constant 0 : index
        %get3A_973 = tpu.vector_load %arg34[%get3A_972] {strides = array<i32>} : memref<400xf32, #tpu.memory_space<vmem>>, vector<16xf32>,
        %get3A_974 = arith.constant 0 : index
        %get3A_975 = tpu.vector_load %arg35[%get3A_974] {strides = array<i32>} : memref<400xf32, #tpu.memory_space<vmem>>, vector<16xf32>,
        %sub3A_976 = arith.subf %get3A_973, %min3A_971 : vector<16xf32>
        %mul3A_977 = arith.constant -4.000000e+00 : f32
        %mul3A_978 = vector.broadcast %mul3A_977 : f32 to vector<16xf32>
        %mul3A_979 = arith.mulf %mul3A_978, %sub3A_976 : vector<16xf32>
        %exp3A = math.exp %mul3A_979 : vector<16xf32>
        %add3A_980 = arith.addf %broadcast_in_dim3A_1, %exp3A : vector<16xf32>
        %mul3A_981 = arith.mulf %exp3A, %get3A_975 : vector<16xf32>
        %add3A_982 = arith.addf %broadcast_in_dim3A_1, %mul3A_981 : vector<16xf32>
        %get3A_983 = arith.constant 16 : index
        %get3A_984 = tpu.vector_load %arg34[%get3A_983] {strides = array<i32>} : memref<400xf32, #tpu.memory_space<vmem>>, vector<16xf32>,
        %get3A_985 = arith.constant 16 : index
        %get3A_986 = tpu.vector_load %arg35[%get3A_985] {strides = array<i32>} : memref<400xf32, #tpu.memory_space<vmem>>, vector<16xf32>,
        %sub3A_987 = arith.subf %get3A_984, %min3A_971 : vector<16xf32>
        %mul3A_988 = arith.constant -4.000000e+00 : f32
        %mul3A_989 = vector.broadcast %mul3A_988 : f32 to vector<16xf32>
        %mul3A_990 = arith.mulf %mul3A_989, %sub3A_987 : vector<16xf32>
        %exp3A_991 = math.exp %mul3A_990 : vector<16xf32>
        %add3A_992 = arith.addf %add3A_980, %exp3A_991 : vector<16xf32>
        %mul3A_993 = arith.mulf %exp3A_991, %get3A_986 : vector<16xf32>
        %add3A_994 = arith.addf %add3A_982, %mul3A_993 : vector<16xf32>
        %get3A_995 = arith.constant 32 : index
        %get3A_996 = tpu.vector_load %arg34[%get3A_995] {strides = array<i32>} : memref<400xf32, #tpu.memory_space<vmem>>, vector<16xf32>,
        %get3A_997 = arith.constant 32 : index
        %get3A_998 = tpu.vector_load %arg35[%get3A_997] {strides = array<i32>} : memref<400xf32, #tpu.memory_space<vmem>>, vector<16xf32>,
        %sub3A_999 = arith.subf %get3A_996, %min3A_971 : vector<16xf32>
        %mul3A_1000 = arith.constant -4.000000e+00 : f32
        %mul3A_1001 = vector.broadcast %mul3A_1000 : f32 to vector<16xf32>
        %mul3A_1002 = arith.mulf %mul3A_1001, %sub3A_999 : vector<16xf32>
        %exp3A_1003 = math.exp %mul3A_1002 : vector<16xf32>
        %add3A_1004 = arith.addf %add3A_992, %exp3A_1003 : vector<16xf32>
        %mul3A_1005 = arith.mulf %exp3A_1003, %get3A_998 : vector<16xf32>
        %add3A_1006 = arith.addf %add3A_994, %mul3A_1005 : vector<16xf32>
        %get3A_1007 = arith.constant 48 : index
        %get3A_1008 = tpu.vector_load %arg34[%get3A_1007] {strides = array<i32>} : memref<400xf32, #tpu.memory_space<vmem>>, vector<16xf32>,
        %get3A_1009 = arith.constant 48 : index
        %get3A_1010 = tpu.vector_load %arg35[%get3A_1009] {strides = array<i32>} : memref<400xf32, #tpu.memory_space<vmem>>, vector<16xf32>,
        %sub3A_1011 = arith.subf %get3A_1008, %min3A_971 : vector<16xf32>
        %mul3A_1012 = arith.constant -4.000000e+00 : f32
        %mul3A_1013 = vector.broadcast %mul3A_1012 : f32 to vector<16xf32>
        %mul3A_1014 = arith.mulf %mul3A_1013, %sub3A_1011 : vector<16xf32>
        %exp3A_1015 = math.exp %mul3A_1014 : vector<16xf32>
        %add3A_1016 = arith.addf %add3A_1004, %exp3A_1015 : vector<16xf32>
        %mul3A_1017 = arith.mulf %exp3A_1015, %get3A_1010 : vector<16xf32>
        %add3A_1018 = arith.addf %add3A_1006, %mul3A_1017 : vector<16xf32>
        %get3A_1019 = arith.constant 64 : index
        %get3A_1020 = tpu.vector_load %arg34[%get3A_1019] {strides = array<i32>} : memref<400xf32, #tpu.memory_space<vmem>>, vector<16xf32>,
        %get3A_1021 = arith.constant 64 : index
        %get3A_1022 = tpu.vector_load %arg35[%get3A_1021] {strides = array<i32>} : memref<400xf32, #tpu.memory_space<vmem>>, vector<16xf32>,
        %sub3A_1023 = arith.subf %get3A_1020, %min3A_971 : vector<16xf32>
        %mul3A_1024 = arith.constant -4.000000e+00 : f32
        %mul3A_1025 = vector.broadcast %mul3A_1024 : f32 to vector<16xf32>
        %mul3A_1026 = arith.mulf %mul3A_1025, %sub3A_1023 : vector<16xf32>
        %exp3A_1027 = math.exp %mul3A_1026 : vector<16xf32>
        %add3A_1028 = arith.addf %add3A_1016, %exp3A_1027 : vector<16xf32>
        %mul3A_1029 = arith.mulf %exp3A_1027, %get3A_1022 : vector<16xf32>
        %add3A_1030 = arith.addf %add3A_1018, %mul3A_1029 : vector<16xf32>
        %get3A_1031 = arith.constant 80 : index
        %get3A_1032 = tpu.vector_load %arg34[%get3A_1031] {strides = array<i32>} : memref<400xf32, #tpu.memory_space<vmem>>, vector<16xf32>,
        %get3A_1033 = arith.constant 80 : index
        %get3A_1034 = tpu.vector_load %arg35[%get3A_1033] {strides = array<i32>} : memref<400xf32, #tpu.memory_space<vmem>>, vector<16xf32>,
        %sub3A_1035 = arith.subf %get3A_1032, %min3A_971 : vector<16xf32>
        %mul3A_1036 = arith.constant -4.000000e+00 : f32
        %mul3A_1037 = vector.broadcast %mul3A_1036 : f32 to vector<16xf32>
        %mul3A_1038 = arith.mulf %mul3A_1037, %sub3A_1035 : vector<16xf32>
        %exp3A_1039 = math.exp %mul3A_1038 : vector<16xf32>
        %add3A_1040 = arith.addf %add3A_1028, %exp3A_1039 : vector<16xf32>
        %mul3A_1041 = arith.mulf %exp3A_1039, %get3A_1034 : vector<16xf32>
        %add3A_1042 = arith.addf %add3A_1030, %mul3A_1041 : vector<16xf32>
        %get3A_1043 = arith.constant 96 : index
        %get3A_1044 = tpu.vector_load %arg34[%get3A_1043] {strides = array<i32>} : memref<400xf32, #tpu.memory_space<vmem>>, vector<16xf32>,
        %get3A_1045 = arith.constant 96 : index
        %get3A_1046 = tpu.vector_load %arg35[%get3A_1045] {strides = array<i32>} : memref<400xf32, #tpu.memory_space<vmem>>, vector<16xf32>,
        %sub3A_1047 = arith.subf %get3A_1044, %min3A_971 : vector<16xf32>
        %mul3A_1048 = arith.constant -4.000000e+00 : f32
        %mul3A_1049 = vector.broadcast %mul3A_1048 : f32 to vector<16xf32>
        %mul3A_1050 = arith.mulf %mul3A_1049, %sub3A_1047 : vector<16xf32>
        %exp3A_1051 = math.exp %mul3A_1050 : vector<16xf32>
        %add3A_1052 = arith.addf %add3A_1040, %exp3A_1051 : vector<16xf32>
        %mul3A_1053 = arith.mulf %exp3A_1051, %get3A_1046 : vector<16xf32>
        %add3A_1054 = arith.addf %add3A_1042, %mul3A_1053 : vector<16xf32>
        %get3A_1055 = arith.constant 112 : index
        %get3A_1056 = tpu.vector_load %arg34[%get3A_1055] {strides = array<i32>} : memref<400xf32, #tpu.memory_space<vmem>>, vector<16xf32>,
        %get3A_1057 = arith.constant 112 : index
        %get3A_1058 = tpu.vector_load %arg35[%get3A_1057] {strides = array<i32>} : memref<400xf32, #tpu.memory_space<vmem>>, vector<16xf32>,
        %sub3A_1059 = arith.subf %get3A_1056, %min3A_971 : vector<16xf32>
        %mul3A_1060 = arith.constant -4.000000e+00 : f32
        %mul3A_1061 = vector.broadcast %mul3A_1060 : f32 to vector<16xf32>
        %mul3A_1062 = arith.mulf %mul3A_1061, %sub3A_1059 : vector<16xf32>
        %exp3A_1063 = math.exp %mul3A_1062 : vector<16xf32>
        %add3A_1064 = arith.addf %add3A_1052, %exp3A_1063 : vector<16xf32>
        %mul3A_1065 = arith.mulf %exp3A_1063, %get3A_1058 : vector<16xf32>
        %add3A_1066 = arith.addf %add3A_1054, %mul3A_1065 : vector<16xf32>
        %get3A_1067 = arith.constant 128 : index
        %get3A_1068 = tpu.vector_load %arg34[%get3A_1067] {strides = array<i32>} : memref<400xf32, #tpu.memory_space<vmem>>, vector<16xf32>,
        %get3A_1069 = arith.constant 128 : index
        %get3A_1070 = tpu.vector_load %arg35[%get3A_1069] {strides = array<i32>} : memref<400xf32, #tpu.memory_space<vmem>>, vector<16xf32>,
        %sub3A_1071 = arith.subf %get3A_1068, %min3A_971 : vector<16xf32>
        %mul3A_1072 = arith.constant -4.000000e+00 : f32
        %mul3A_1073 = vector.broadcast %mul3A_1072 : f32 to vector<16xf32>
        %mul3A_1074 = arith.mulf %mul3A_1073, %sub3A_1071 : vector<16xf32>
        %exp3A_1075 = math.exp %mul3A_1074 : vector<16xf32>
        %add3A_1076 = arith.addf %add3A_1064, %exp3A_1075 : vector<16xf32>
        %mul3A_1077 = arith.mulf %exp3A_1075, %get3A_1070 : vector<16xf32>
        %add3A_1078 = arith.addf %add3A_1066, %mul3A_1077 : vector<16xf32>
        %get3A_1079 = arith.constant 144 : index
        %get3A_1080 = tpu.vector_load %arg34[%get3A_1079] {strides = array<i32>} : memref<400xf32, #tpu.memory_space<vmem>>, vector<16xf32>,
        %get3A_1081 = arith.constant 144 : index
        %get3A_1082 = tpu.vector_load %arg35[%get3A_1081] {strides = array<i32>} : memref<400xf32, #tpu.memory_space<vmem>>, vector<16xf32>,
        %sub3A_1083 = arith.subf %get3A_1080, %min3A_971 : vector<16xf32>
        %mul3A_1084 = arith.constant -4.000000e+00 : f32
        %mul3A_1085 = vector.broadcast %mul3A_1084 : f32 to vector<16xf32>
        %mul3A_1086 = arith.mulf %mul3A_1085, %sub3A_1083 : vector<16xf32>
        %exp3A_1087 = math.exp %mul3A_1086 : vector<16xf32>
        %add3A_1088 = arith.addf %add3A_1076, %exp3A_1087 : vector<16xf32>
        %mul3A_1089 = arith.mulf %exp3A_1087, %get3A_1082 : vector<16xf32>
        %add3A_1090 = arith.addf %add3A_1078, %mul3A_1089 : vector<16xf32>
        %get3A_1091 = arith.constant 160 : index
        %get3A_1092 = tpu.vector_load %arg34[%get3A_1091] {strides = array<i32>} : memref<400xf32, #tpu.memory_space<vmem>>, vector<16xf32>,
        %get3A_1093 = arith.constant 160 : index
        %get3A_1094 = tpu.vector_load %arg35[%get3A_1093] {strides = array<i32>} : memref<400xf32, #tpu.memory_space<vmem>>, vector<16xf32>,
        %sub3A_1095 = arith.subf %get3A_1092, %min3A_971 : vector<16xf32>
        %mul3A_1096 = arith.constant -4.000000e+00 : f32
        %mul3A_1097 = vector.broadcast %mul3A_1096 : f32 to vector<16xf32>
        %mul3A_1098 = arith.mulf %mul3A_1097, %sub3A_1095 : vector<16xf32>
        %exp3A_1099 = math.exp %mul3A_1098 : vector<16xf32>
        %add3A_1100 = arith.addf %add3A_1088, %exp3A_1099 : vector<16xf32>
        %mul3A_1101 = arith.mulf %exp3A_1099, %get3A_1094 : vector<16xf32>
        %add3A_1102 = arith.addf %add3A_1090, %mul3A_1101 : vector<16xf32>
        %get3A_1103 = arith.constant 176 : index
        %get3A_1104 = tpu.vector_load %arg34[%get3A_1103] {strides = array<i32>} : memref<400xf32, #tpu.memory_space<vmem>>, vector<16xf32>,
        %get3A_1105 = arith.constant 176 : index
        %get3A_1106 = tpu.vector_load %arg35[%get3A_1105] {strides = array<i32>} : memref<400xf32, #tpu.memory_space<vmem>>, vector<16xf32>,
        %sub3A_1107 = arith.subf %get3A_1104, %min3A_971 : vector<16xf32>
        %mul3A_1108 = arith.constant -4.000000e+00 : f32
        %mul3A_1109 = vector.broadcast %mul3A_1108 : f32 to vector<16xf32>
        %mul3A_1110 = arith.mulf %mul3A_1109, %sub3A_1107 : vector<16xf32>
        %exp3A_1111 = math.exp %mul3A_1110 : vector<16xf32>
        %add3A_1112 = arith.addf %add3A_1100, %exp3A_1111 : vector<16xf32>
        %mul3A_1113 = arith.mulf %exp3A_1111, %get3A_1106 : vector<16xf32>
        %add3A_1114 = arith.addf %add3A_1102, %mul3A_1113 : vector<16xf32>
        %get3A_1115 = arith.constant 192 : index
        %get3A_1116 = tpu.vector_load %arg34[%get3A_1115] {strides = array<i32>} : memref<400xf32, #tpu.memory_space<vmem>>, vector<16xf32>,
        %get3A_1117 = arith.constant 192 : index
        %get3A_1118 = tpu.vector_load %arg35[%get3A_1117] {strides = array<i32>} : memref<400xf32, #tpu.memory_space<vmem>>, vector<16xf32>,
        %sub3A_1119 = arith.subf %get3A_1116, %min3A_971 : vector<16xf32>
        %mul3A_1120 = arith.constant -4.000000e+00 : f32
        %mul3A_1121 = vector.broadcast %mul3A_1120 : f32 to vector<16xf32>
        %mul3A_1122 = arith.mulf %mul3A_1121, %sub3A_1119 : vector<16xf32>
        %exp3A_1123 = math.exp %mul3A_1122 : vector<16xf32>
        %add3A_1124 = arith.addf %add3A_1112, %exp3A_1123 : vector<16xf32>
        %mul3A_1125 = arith.mulf %exp3A_1123, %get3A_1118 : vector<16xf32>
        %add3A_1126 = arith.addf %add3A_1114, %mul3A_1125 : vector<16xf32>
        %get3A_1127 = arith.constant 208 : index
        %get3A_1128 = tpu.vector_load %arg34[%get3A_1127] {strides = array<i32>} : memref<400xf32, #tpu.memory_space<vmem>>, vector<16xf32>,
        %get3A_1129 = arith.constant 208 : index
        %get3A_1130 = tpu.vector_load %arg35[%get3A_1129] {strides = array<i32>} : memref<400xf32, #tpu.memory_space<vmem>>, vector<16xf32>,
        %sub3A_1131 = arith.subf %get3A_1128, %min3A_971 : vector<16xf32>
        %mul3A_1132 = arith.constant -4.000000e+00 : f32
        %mul3A_1133 = vector.broadcast %mul3A_1132 : f32 to vector<16xf32>
        %mul3A_1134 = arith.mulf %mul3A_1133, %sub3A_1131 : vector<16xf32>
        %exp3A_1135 = math.exp %mul3A_1134 : vector<16xf32>
        %add3A_1136 = arith.addf %add3A_1124, %exp3A_1135 : vector<16xf32>
        %mul3A_1137 = arith.mulf %exp3A_1135, %get3A_1130 : vector<16xf32>
        %add3A_1138 = arith.addf %add3A_1126, %mul3A_1137 : vector<16xf32>
        %get3A_1139 = arith.constant 224 : index
        %get3A_1140 = tpu.vector_load %arg34[%get3A_1139] {strides = array<i32>} : memref<400xf32, #tpu.memory_space<vmem>>, vector<16xf32>,
        %get3A_1141 = arith.constant 224 : index
        %get3A_1142 = tpu.vector_load %arg35[%get3A_1141] {strides = array<i32>} : memref<400xf32, #tpu.memory_space<vmem>>, vector<16xf32>,
        %sub3A_1143 = arith.subf %get3A_1140, %min3A_971 : vector<16xf32>
        %mul3A_1144 = arith.constant -4.000000e+00 : f32
        %mul3A_1145 = vector.broadcast %mul3A_1144 : f32 to vector<16xf32>
        %mul3A_1146 = arith.mulf %mul3A_1145, %sub3A_1143 : vector<16xf32>
        %exp3A_1147 = math.exp %mul3A_1146 : vector<16xf32>
        %add3A_1148 = arith.addf %add3A_1136, %exp3A_1147 : vector<16xf32>
        %mul3A_1149 = arith.mulf %exp3A_1147, %get3A_1142 : vector<16xf32>
        %add3A_1150 = arith.addf %add3A_1138, %mul3A_1149 : vector<16xf32>
        %get3A_1151 = arith.constant 240 : index
        %get3A_1152 = tpu.vector_load %arg34[%get3A_1151] {strides = array<i32>} : memref<400xf32, #tpu.memory_space<vmem>>, vector<16xf32>,
        %get3A_1153 = arith.constant 240 : index
        %get3A_1154 = tpu.vector_load %arg35[%get3A_1153] {strides = array<i32>} : memref<400xf32, #tpu.memory_space<vmem>>, vector<16xf32>,
        %sub3A_1155 = arith.subf %get3A_1152, %min3A_971 : vector<16xf32>
        %mul3A_1156 = arith.constant -4.000000e+00 : f32
        %mul3A_1157 = vector.broadcast %mul3A_1156 : f32 to vector<16xf32>
        %mul3A_1158 = arith.mulf %mul3A_1157, %sub3A_1155 : vector<16xf32>
        %exp3A_1159 = math.exp %mul3A_1158 : vector<16xf32>
        %add3A_1160 = arith.addf %add3A_1148, %exp3A_1159 : vector<16xf32>
        %mul3A_1161 = arith.mulf %exp3A_1159, %get3A_1154 : vector<16xf32>
        %add3A_1162 = arith.addf %add3A_1150, %mul3A_1161 : vector<16xf32>
        %get3A_1163 = arith.constant 256 : index
        %get3A_1164 = tpu.vector_load %arg34[%get3A_1163] {strides = array<i32>} : memref<400xf32, #tpu.memory_space<vmem>>, vector<16xf32>,
        %get3A_1165 = arith.constant 256 : index
        %get3A_1166 = tpu.vector_load %arg35[%get3A_1165] {strides = array<i32>} : memref<400xf32, #tpu.memory_space<vmem>>, vector<16xf32>,
        %sub3A_1167 = arith.subf %get3A_1164, %min3A_971 : vector<16xf32>
        %mul3A_1168 = arith.constant -4.000000e+00 : f32
        %mul3A_1169 = vector.broadcast %mul3A_1168 : f32 to vector<16xf32>
        %mul3A_1170 = arith.mulf %mul3A_1169, %sub3A_1167 : vector<16xf32>
        %exp3A_1171 = math.exp %mul3A_1170 : vector<16xf32>
        %add3A_1172 = arith.addf %add3A_1160, %exp3A_1171 : vector<16xf32>
        %mul3A_1173 = arith.mulf %exp3A_1171, %get3A_1166 : vector<16xf32>
        %add3A_1174 = arith.addf %add3A_1162, %mul3A_1173 : vector<16xf32>
        %get3A_1175 = arith.constant 272 : index
        %get3A_1176 = tpu.vector_load %arg34[%get3A_1175] {strides = array<i32>} : memref<400xf32, #tpu.memory_space<vmem>>, vector<16xf32>,
        %get3A_1177 = arith.constant 272 : index
        %get3A_1178 = tpu.vector_load %arg35[%get3A_1177] {strides = array<i32>} : memref<400xf32, #tpu.memory_space<vmem>>, vector<16xf32>,
        %sub3A_1179 = arith.subf %get3A_1176, %min3A_971 : vector<16xf32>
        %mul3A_1180 = arith.constant -4.000000e+00 : f32
        %mul3A_1181 = vector.broadcast %mul3A_1180 : f32 to vector<16xf32>
        %mul3A_1182 = arith.mulf %mul3A_1181, %sub3A_1179 : vector<16xf32>
        %exp3A_1183 = math.exp %mul3A_1182 : vector<16xf32>
        %add3A_1184 = arith.addf %add3A_1172, %exp3A_1183 : vector<16xf32>
        %mul3A_1185 = arith.mulf %exp3A_1183, %get3A_1178 : vector<16xf32>
        %add3A_1186 = arith.addf %add3A_1174, %mul3A_1185 : vector<16xf32>
        %get3A_1187 = arith.constant 288 : index
        %get3A_1188 = tpu.vector_load %arg34[%get3A_1187] {strides = array<i32>} : memref<400xf32, #tpu.memory_space<vmem>>, vector<16xf32>,
        %get3A_1189 = arith.constant 288 : index
        %get3A_1190 = tpu.vector_load %arg35[%get3A_1189] {strides = array<i32>} : memref<400xf32, #tpu.memory_space<vmem>>, vector<16xf32>,
        %sub3A_1191 = arith.subf %get3A_1188, %min3A_971 : vector<16xf32>
        %mul3A_1192 = arith.constant -4.000000e+00 : f32
        %mul3A_1193 = vector.broadcast %mul3A_1192 : f32 to vector<16xf32>
        %mul3A_1194 = arith.mulf %mul3A_1193, %sub3A_1191 : vector<16xf32>
        %exp3A_1195 = math.exp %mul3A_1194 : vector<16xf32>
        %add3A_1196 = arith.addf %add3A_1184, %exp3A_1195 : vector<16xf32>
        %mul3A_1197 = arith.mulf %exp3A_1195, %get3A_1190 : vector<16xf32>
        %add3A_1198 = arith.addf %add3A_1186, %mul3A_1197 : vector<16xf32>
        %get3A_1199 = arith.constant 304 : index
        %get3A_1200 = tpu.vector_load %arg34[%get3A_1199] {strides = array<i32>} : memref<400xf32, #tpu.memory_space<vmem>>, vector<16xf32>,
        %get3A_1201 = arith.constant 304 : index
        %get3A_1202 = tpu.vector_load %arg35[%get3A_1201] {strides = array<i32>} : memref<400xf32, #tpu.memory_space<vmem>>, vector<16xf32>,
        %sub3A_1203 = arith.subf %get3A_1200, %min3A_971 : vector<16xf32>
        %mul3A_1204 = arith.constant -4.000000e+00 : f32
        %mul3A_1205 = vector.broadcast %mul3A_1204 : f32 to vector<16xf32>
        %mul3A_1206 = arith.mulf %mul3A_1205, %sub3A_1203 : vector<16xf32>
        %exp3A_1207 = math.exp %mul3A_1206 : vector<16xf32>
        %add3A_1208 = arith.addf %add3A_1196, %exp3A_1207 : vector<16xf32>
        %mul3A_1209 = arith.mulf %exp3A_1207, %get3A_1202 : vector<16xf32>
        %add3A_1210 = arith.addf %add3A_1198, %mul3A_1209 : vector<16xf32>
        %get3A_1211 = arith.constant 320 : index
        %get3A_1212 = tpu.vector_load %arg34[%get3A_1211] {strides = array<i32>} : memref<400xf32, #tpu.memory_space<vmem>>, vector<16xf32>,
        %get3A_1213 = arith.constant 320 : index
        %get3A_1214 = tpu.vector_load %arg35[%get3A_1213] {strides = array<i32>} : memref<400xf32, #tpu.memory_space<vmem>>, vector<16xf32>,
        %sub3A_1215 = arith.subf %get3A_1212, %min3A_971 : vector<16xf32>
        %mul3A_1216 = arith.constant -4.000000e+00 : f32
        %mul3A_1217 = vector.broadcast %mul3A_1216 : f32 to vector<16xf32>
        %mul3A_1218 = arith.mulf %mul3A_1217, %sub3A_1215 : vector<16xf32>
        %exp3A_1219 = math.exp %mul3A_1218 : vector<16xf32>
        %add3A_1220 = arith.addf %add3A_1208, %exp3A_1219 : vector<16xf32>
        %mul3A_1221 = arith.mulf %exp3A_1219, %get3A_1214 : vector<16xf32>
        %add3A_1222 = arith.addf %add3A_1210, %mul3A_1221 : vector<16xf32>
        %get3A_1223 = arith.constant 336 : index
        %get3A_1224 = tpu.vector_load %arg34[%get3A_1223] {strides = array<i32>} : memref<400xf32, #tpu.memory_space<vmem>>, vector<16xf32>,
        %get3A_1225 = arith.constant 336 : index
        %get3A_1226 = tpu.vector_load %arg35[%get3A_1225] {strides = array<i32>} : memref<400xf32, #tpu.memory_space<vmem>>, vector<16xf32>,
        %sub3A_1227 = arith.subf %get3A_1224, %min3A_971 : vector<16xf32>
        %mul3A_1228 = arith.constant -4.000000e+00 : f32
        %mul3A_1229 = vector.broadcast %mul3A_1228 : f32 to vector<16xf32>
        %mul3A_1230 = arith.mulf %mul3A_1229, %sub3A_1227 : vector<16xf32>
        %exp3A_1231 = math.exp %mul3A_1230 : vector<16xf32>
        %add3A_1232 = arith.addf %add3A_1220, %exp3A_1231 : vector<16xf32>
        %mul3A_1233 = arith.mulf %exp3A_1231, %get3A_1226 : vector<16xf32>
        %add3A_1234 = arith.addf %add3A_1222, %mul3A_1233 : vector<16xf32>
        %get3A_1235 = arith.constant 352 : index
        %get3A_1236 = tpu.vector_load %arg34[%get3A_1235] {strides = array<i32>} : memref<400xf32, #tpu.memory_space<vmem>>, vector<16xf32>,
        %get3A_1237 = arith.constant 352 : index
        %get3A_1238 = tpu.vector_load %arg35[%get3A_1237] {strides = array<i32>} : memref<400xf32, #tpu.memory_space<vmem>>, vector<16xf32>,
        %sub3A_1239 = arith.subf %get3A_1236, %min3A_971 : vector<16xf32>
        %mul3A_1240 = arith.constant -4.000000e+00 : f32
        %mul3A_1241 = vector.broadcast %mul3A_1240 : f32 to vector<16xf32>
        %mul3A_1242 = arith.mulf %mul3A_1241, %sub3A_1239 : vector<16xf32>
        %exp3A_1243 = math.exp %mul3A_1242 : vector<16xf32>
        %add3A_1244 = arith.addf %add3A_1232, %exp3A_1243 : vector<16xf32>
        %mul3A_1245 = arith.mulf %exp3A_1243, %get3A_1238 : vector<16xf32>
        %add3A_1246 = arith.addf %add3A_1234, %mul3A_1245 : vector<16xf32>
        %get3A_1247 = arith.constant 368 : index
        %get3A_1248 = tpu.vector_load %arg34[%get3A_1247] {strides = array<i32>} : memref<400xf32, #tpu.memory_space<vmem>>, vector<16xf32>,
        %get3A_1249 = arith.constant 368 : index
        %get3A_1250 = tpu.vector_load %arg35[%get3A_1249] {strides = array<i32>} : memref<400xf32, #tpu.memory_space<vmem>>, vector<16xf32>,
        %sub3A_1251 = arith.subf %get3A_1248, %min3A_971 : vector<16xf32>
        %mul3A_1252 = arith.constant -4.000000e+00 : f32
        %mul3A_1253 = vector.broadcast %mul3A_1252 : f32 to vector<16xf32>
        %mul3A_1254 = arith.mulf %mul3A_1253, %sub3A_1251 : vector<16xf32>
        %exp3A_1255 = math.exp %mul3A_1254 : vector<16xf32>
        %add3A_1256 = arith.addf %add3A_1244, %exp3A_1255 : vector<16xf32>
        %mul3A_1257 = arith.mulf %exp3A_1255, %get3A_1250 : vector<16xf32>
        %add3A_1258 = arith.addf %add3A_1246, %mul3A_1257 : vector<16xf32>
        %get3A_1259 = arith.constant 384 : index
        %get3A_1260 = tpu.vector_load %arg34[%get3A_1259] {strides = array<i32>} : memref<400xf32, #tpu.memory_space<vmem>>, vector<16xf32>,
        %get3A_1261 = arith.constant 384 : index
        %get3A_1262 = tpu.vector_load %arg35[%get3A_1261] {strides = array<i32>} : memref<400xf32, #tpu.memory_space<vmem>>, vector<16xf32>,
        %sub3A_1263 = arith.subf %get3A_1260, %min3A_971 : vector<16xf32>
        %mul3A_1264 = arith.constant -4.000000e+00 : f32
        %mul3A_1265 = vector.broadcast %mul3A_1264 : f32 to vector<16xf32>
        %mul3A_1266 = arith.mulf %mul3A_1265, %sub3A_1263 : vector<16xf32>
        %exp3A_1267 = math.exp %mul3A_1266 : vector<16xf32>
        %add3A_1268 = arith.addf %add3A_1256, %exp3A_1267 : vector<16xf32>
        %mul3A_1269 = arith.mulf %exp3A_1267, %get3A_1262 : vector<16xf32>
        %add3A_1270 = arith.addf %add3A_1258, %mul3A_1269 : vector<16xf32>
        %div3A = arith.divf %add3A_1270, %add3A_1268 : vector<16xf32>
        %gather3A_1271 = tpu.vector_load_idx %arg15[%gather3A] : memref<96xf32, #tpu.memory_space<vmem>>[vector<16xi32>], vector<16xf32>,
        %gather3A_1272 = tpu.vector_load_idx %arg15[%gather3A_169] : memref<96xf32, #tpu.memory_space<vmem>>[vector<16xi32>], vector<16xf32>,
        %mul3A_1273 = arith.mulf %gather3A_1271, %gather3A_1272 : vector<16xf32>
        %mul3A_1274 = arith.constant 3.000000e+00 : f32
        %mul3A_1275 = vector.broadcast %mul3A_1274 : f32 to vector<16xf32>
        %mul3A_1276 = arith.mulf %mul3A_1275, %div3A : vector<16xf32>
        %mul3A_1277 = arith.mulf %mul3A_1273, %mul3A_1273 : vector<16xf32>
        %mul3A_1278 = arith.mulf %mul3A_1276, %mul3A_1277 : vector<16xf32>
        %mul3A_1279 = arith.constant 0.586299181 : f32
        %mul3A_1280 = vector.broadcast %mul3A_1279 : f32 to vector<16xf32>
        %mul3A_1281 = arith.mulf %mul3A_1280, %mul3A_1273 : vector<16xf32>
        %add3A_1282 = arith.constant 2.883000e+00 : f32
        %add3A_1283 = vector.broadcast %add3A_1282 : f32 to vector<16xf32>
        %add3A_1284 = arith.addf %mul3A_1281, %add3A_1283 : vector<16xf32>
        %mul3A_1285 = arith.constant 1.88972616 : f32
        %mul3A_1286 = vector.broadcast %mul3A_1285 : f32 to vector<16xf32>
        %mul3A_1287 = arith.mulf %get3A_168, %mul3A_1286 : vector<16xf32>
        %mul3A_1288 = arith.mulf %mul3A_1287, %mul3A_1287 : vector<16xf32>
        %mul3A_1289 = arith.mulf %mul3A_1288, %mul3A_1288 : vector<16xf32>
        %mul3A_1290 = arith.mulf %mul3A_1289, %mul3A_1288 : vector<16xf32>
        %mul3A_1291 = arith.mulf %mul3A_1290, %mul3A_1288 : vector<16xf32>
        %mul3A_1292 = arith.mulf %add3A_1284, %add3A_1284 : vector<16xf32>
        %mul3A_1293 = arith.mulf %mul3A_1292, %mul3A_1292 : vector<16xf32>
        %mul3A_1294 = arith.mulf %mul3A_1293, %mul3A_1292 : vector<16xf32>
        %mul3A_1295 = arith.mulf %mul3A_1294, %mul3A_1292 : vector<16xf32>
        %mul3A_1296 = arith.constant -5.000000e-01 : f32
        %mul3A_1297 = vector.broadcast %mul3A_1296 : f32 to vector<16xf32>
        %mul3A_1298 = arith.mulf %mul3A_1297, %div3A : vector<16xf32>
        %add3A_1299 = arith.addf %mul3A_1290, %mul3A_1294 : vector<16xf32>
        %div3A_1300 = arith.divf %mul3A_1298, %add3A_1299 : vector<16xf32>
        %mul3A_1301 = arith.constant -4.585500e-01 : f32
        %mul3A_1302 = vector.broadcast %mul3A_1301 : f32 to vector<16xf32>
        %mul3A_1303 = arith.mulf %mul3A_1302, %mul3A_1278 : vector<16xf32>
        %add3A_1304 = arith.addf %mul3A_1291, %mul3A_1295 : vector<16xf32>
        %div3A_1305 = arith.divf %mul3A_1303, %add3A_1304 : vector<16xf32>
        %add3A_1306 = arith.addf %div3A_1300, %div3A_1305 : vector<16xf32>
        %swap3A = arith.index_cast %mul3A_157 : i32 to index
        %swap3A_1307 = tpu.vector_load %arg32[%swap3A] {strides = array<i32>} : memref<400xf32, #tpu.memory_space<vmem>>, vector<16xf32>,
        tpu.vector_store %arg32[%swap3A], %add3A_1306 {strides = array<i32>} : memref<400xf32, #tpu.memory_space<vmem>>, vector<16xf32>,
        %swap3A_1308 = arith.index_cast %mul3A_157 : i32 to index
        %swap3A_1309 = tpu.vector_load %arg33[%swap3A_1308] {strides = array<i32>} : memref<400xi32, #tpu.memory_space<vmem>>, vector<16xi32>,
        tpu.vector_store %arg33[%swap3A_1308], %get3A_160 {strides = array<i32>} : memref<400xi32, #tpu.memory_space<vmem>>, vector<16xi32>,
        %scan3A_1310 = arith.constant 0 : i32
        scf.yield %scan3A_1310 : i32
      }
      %scan3A_117 = arith.constant 25 : i32
      "tpu.region"() ({
        %run_scoped3A = tpu.sem_alloc : memref<!tpu.dma_semaphore, #tpu.memory_space<semaphore_mem>>
        %dma_start3A_154 = arith.constant 0 : i32
        %dma_start3A_155 = tpu.memref_slice %arg11[%dma_start3A_154] : memref<10000xf32, #tpu.memory_space<vmem_shared>> -> memref<10000xf32, #tpu.memory_space<vmem_shared>>
        tpu.enqueue_indirect_dma source(%arg32 : memref<400xf32, #tpu.memory_space<vmem>>) target(%dma_start3A_155 : memref<10000xf32, #tpu.memory_space<vmem_shared>>) offsets(%arg33 : memref<400xi32, #tpu.memory_space<vmem>>) semaphore(%run_scoped3A : memref<!tpu.dma_semaphore, #tpu.memory_space<semaphore_mem>>) {add = true}
        %dma_wait3A_156 = arith.constant 0 : i32
        %dma_wait3A_157 = tpu.memref_slice %arg11[%dma_wait3A_156] : memref<10000xf32, #tpu.memory_space<vmem_shared>> -> memref<10000xf32, #tpu.memory_space<vmem_shared>>
        tpu.wait_indirect_dma semaphore(%run_scoped3A : memref<!tpu.dma_semaphore, #tpu.memory_space<semaphore_mem>>) src(%arg32 : memref<400xf32, #tpu.memory_space<vmem>>) dst(%dma_wait3A_157 : memref<10000xf32, #tpu.memory_space<vmem_shared>>)
        tpu.yield
      }) : () -> ()
      %add3A_118 = arith.constant 2 : i32
      %add3A_119 = arith.addi %add3A_101, %add3A_118 : i32
      %lt3A_120 = arith.constant 50 : i32
      %lt3A_121 = arith.cmpi slt, %add3A_119, %lt3A_120 : i32
      %convert_element_type3A_122 = arith.extui %lt3A_121 : i1 to i32
      %cond3A_123 = arith.constant 0 : i32
      %cond3A_124 = arith.cmpi ne, %convert_element_type3A_122, %cond3A_123 : i32
      scf.if %cond3A_124 {
        %add3A_154 = arith.constant 2 : i32
        %add3A_155 = arith.addi %add3A_101, %add3A_154 : i32
        %mul3A_156 = arith.constant 400 : i32
        %mul3A_157 = arith.muli %add3A_155, %mul3A_156 : i32
        %add3A_158 = arith.addi %mul3A_14, %mul3A_157 : i32
        %dma_start3A_159 = arith.constant 0 : i32
        %dma_start3A_160 = tpu.memref_slice %arg21[%dma_start3A_159] : memref<800xi32, #tpu.memory_space<vmem>> -> memref<400xi32, #tpu.memory_space<vmem>>
        %dma_start3A_161 = tpu.memref_slice %arg4[%add3A_158] : memref<640000xi32, #tpu.memory_space<hbm>> -> memref<400xi32, #tpu.memory_space<hbm>>
        %dma_start3A_162 = arith.constant 0 : i32
        %dma_start3A_163 = tpu.memref_slice %arg21[%dma_start3A_162] : memref<800xi32, #tpu.memory_space<vmem>> -> memref<400xi32, #tpu.memory_space<vmem>>
        %dma_start3A_164 = tpu.memref_slice %arg4[%add3A_158] : memref<640000xi32, #tpu.memory_space<hbm>> -> memref<400xi32, #tpu.memory_space<hbm>>
        tpu.enqueue_dma source(%dma_start3A_164 : memref<400xi32, #tpu.memory_space<hbm>>) target(%dma_start3A_163 : memref<400xi32, #tpu.memory_space<vmem>>) target_semaphore(%arg24 : memref<!tpu.dma_semaphore, #tpu.memory_space<semaphore_mem>>)
        %dma_start3A_165 = arith.constant 0 : i32
        %dma_start3A_166 = tpu.memref_slice %arg22[%dma_start3A_165] : memref<800xi32, #tpu.memory_space<vmem>> -> memref<400xi32, #tpu.memory_space<vmem>>
        %dma_start3A_167 = tpu.memref_slice %arg5[%add3A_158] : memref<640000xi32, #tpu.memory_space<hbm>> -> memref<400xi32, #tpu.memory_space<hbm>>
        %dma_start3A_168 = arith.constant 0 : i32
        %dma_start3A_169 = tpu.memref_slice %arg22[%dma_start3A_168] : memref<800xi32, #tpu.memory_space<vmem>> -> memref<400xi32, #tpu.memory_space<vmem>>
        %dma_start3A_170 = tpu.memref_slice %arg5[%add3A_158] : memref<640000xi32, #tpu.memory_space<hbm>> -> memref<400xi32, #tpu.memory_space<hbm>>
        tpu.enqueue_dma source(%dma_start3A_170 : memref<400xi32, #tpu.memory_space<hbm>>) target(%dma_start3A_169 : memref<400xi32, #tpu.memory_space<vmem>>) target_semaphore(%arg24 : memref<!tpu.dma_semaphore, #tpu.memory_space<semaphore_mem>>)
        %dma_start3A_171 = arith.constant 0 : i32
        %dma_start3A_172 = tpu.memref_slice %arg23[%dma_start3A_171] : memref<800xf32, #tpu.memory_space<vmem>> -> memref<400xf32, #tpu.memory_space<vmem>>
        %dma_start3A_173 = tpu.memref_slice %arg3[%add3A_158] : memref<640000xf32, #tpu.memory_space<hbm>> -> memref<400xf32, #tpu.memory_space<hbm>>
        %dma_start3A_174 = arith.constant 0 : i32
        %dma_start3A_175 = tpu.memref_slice %arg23[%dma_start3A_174] : memref<800xf32, #tpu.memory_space<vmem>> -> memref<400xf32, #tpu.memory_space<vmem>>
        %dma_start3A_176 = tpu.memref_slice %arg3[%add3A_158] : memref<640000xf32, #tpu.memory_space<hbm>> -> memref<400xf32, #tpu.memory_space<hbm>>
        tpu.enqueue_dma source(%dma_start3A_176 : memref<400xf32, #tpu.memory_space<hbm>>) target(%dma_start3A_175 : memref<400xf32, #tpu.memory_space<vmem>>) target_semaphore(%arg24 : memref<!tpu.dma_semaphore, #tpu.memory_space<semaphore_mem>>)
      } else {
      }
      %mul3A_125 = arith.constant 2 : i32
      %mul3A_126 = arith.muli %scan3A_96, %mul3A_125 : i32
      %add3A_127 = arith.constant 1 : i32
      %add3A_128 = arith.addi %mul3A_126, %add3A_127 : i32
      %add3A_129 = arith.constant 1 : i32
      %add3A_130 = arith.addi %add3A_128, %add3A_129 : i32
      %lt3A_131 = arith.constant 50 : i32
      %lt3A_132 = arith.cmpi slt, %add3A_130, %lt3A_131 : i32
      %convert_element_type3A_133 = arith.extui %lt3A_132 : i1 to i32
      %cond3A_134 = arith.constant 0 : i32
      %cond3A_135 = arith.cmpi ne, %convert_element_type3A_133, %cond3A_134 : i32
      scf.if %cond3A_135 {
        %add3A_154 = arith.constant 1 : i32
        %add3A_155 = arith.addi %add3A_128, %add3A_154 : i32
        %mul3A_156 = arith.constant 400 : i32
        %mul3A_157 = arith.muli %add3A_155, %mul3A_156 : i32
        %add3A_158 = arith.addi %mul3A_14, %mul3A_157 : i32
        %dma_wait3A_159 = arith.constant 0 : i32
        %dma_wait3A_160 = tpu.memref_slice %arg21[%dma_wait3A_159] : memref<800xi32, #tpu.memory_space<vmem>> -> memref<400xi32, #tpu.memory_space<vmem>>
        %dma_wait3A_161 = tpu.memref_slice %arg4[%add3A_158] : memref<640000xi32, #tpu.memory_space<hbm>> -> memref<400xi32, #tpu.memory_space<hbm>>
        %dma_wait3A_162 = arith.constant 0 : i32
        %dma_wait3A_163 = tpu.memref_slice %arg21[%dma_wait3A_162] : memref<800xi32, #tpu.memory_space<vmem>> -> memref<400xi32, #tpu.memory_space<vmem>>
        %dma_wait3A_164 = tpu.memref_slice %arg4[%add3A_158] : memref<640000xi32, #tpu.memory_space<hbm>> -> memref<400xi32, #tpu.memory_space<hbm>>
        tpu.wait_dma2 semaphore(%arg24 : memref<!tpu.dma_semaphore, #tpu.memory_space<semaphore_mem>>) src(%dma_wait3A_164 : memref<400xi32, #tpu.memory_space<hbm>>) dst(%dma_wait3A_163 : memref<400xi32, #tpu.memory_space<vmem>>)
        %dma_wait3A_165 = arith.constant 0 : i32
        %dma_wait3A_166 = tpu.memref_slice %arg22[%dma_wait3A_165] : memref<800xi32, #tpu.memory_space<vmem>> -> memref<400xi32, #tpu.memory_space<vmem>>
        %dma_wait3A_167 = tpu.memref_slice %arg5[%add3A_158] : memref<640000xi32, #tpu.memory_space<hbm>> -> memref<400xi32, #tpu.memory_space<hbm>>
        %dma_wait3A_168 = arith.constant 0 : i32
        %dma_wait3A_169 = tpu.memref_slice %arg22[%dma_wait3A_168] : memref<800xi32, #tpu.memory_space<vmem>> -> memref<400xi32, #tpu.memory_space<vmem>>
        %dma_wait3A_170 = tpu.memref_slice %arg5[%add3A_158] : memref<640000xi32, #tpu.memory_space<hbm>> -> memref<400xi32, #tpu.memory_space<hbm>>
        tpu.wait_dma2 semaphore(%arg24 : memref<!tpu.dma_semaphore, #tpu.memory_space<semaphore_mem>>) src(%dma_wait3A_170 : memref<400xi32, #tpu.memory_space<hbm>>) dst(%dma_wait3A_169 : memref<400xi32, #tpu.memory_space<vmem>>)
        %dma_wait3A_171 = arith.constant 0 : i32
        %dma_wait3A_172 = tpu.memref_slice %arg23[%dma_wait3A_171] : memref<800xf32, #tpu.memory_space<vmem>> -> memref<400xf32, #tpu.memory_space<vmem>>
        %dma_wait3A_173 = tpu.memref_slice %arg3[%add3A_158] : memref<640000xf32, #tpu.memory_space<hbm>> -> memref<400xf32, #tpu.memory_space<hbm>>
        %dma_wait3A_174 = arith.constant 0 : i32
        %dma_wait3A_175 = tpu.memref_slice %arg23[%dma_wait3A_174] : memref<800xf32, #tpu.memory_space<vmem>> -> memref<400xf32, #tpu.memory_space<vmem>>
        %dma_wait3A_176 = tpu.memref_slice %arg3[%add3A_158] : memref<640000xf32, #tpu.memory_space<hbm>> -> memref<400xf32, #tpu.memory_space<hbm>>
        tpu.wait_dma2 semaphore(%arg24 : memref<!tpu.dma_semaphore, #tpu.memory_space<semaphore_mem>>) src(%dma_wait3A_176 : memref<400xf32, #tpu.memory_space<hbm>>) dst(%dma_wait3A_175 : memref<400xf32, #tpu.memory_space<vmem>>)
        %scan3A_177 = arith.constant 0 : i32
        %scan3A_178 = arith.constant 0 : i32
        %scan3A_179 = arith.constant 25 : i32
        %scan3A_180 = arith.addi %scan3A_178, %scan3A_179 : i32
        %scan3A_181 = arith.constant 1 : i32
        %scan3A_182 = scf.for %scan3A_187 = %scan3A_178 to %scan3A_180 step %scan3A_181 iter_args(%scan3A_188 = %scan3A_177) -> (i32)  : i32 {
          %mul3A_189 = arith.constant 16 : i32
          %mul3A_190 = arith.muli %scan3A_187, %mul3A_189 : i32
          %add3A_191 = arith.constant 0 : i32
          %add3A_192 = arith.addi %add3A_191, %mul3A_190 : i32
          %get3A = arith.index_cast %add3A_192 : i32 to index
          %get3A_193 = tpu.vector_load %arg21[%get3A] {strides = array<i32>} : memref<800xi32, #tpu.memory_space<vmem>>, vector<16xi32>,
          %add3A_194 = arith.constant 0 : i32
          %add3A_195 = arith.addi %add3A_194, %mul3A_190 : i32
          %get3A_196 = arith.index_cast %add3A_195 : i32 to index
          %get3A_197 = tpu.vector_load %arg22[%get3A_196] {strides = array<i32>} : memref<800xi32, #tpu.memory_space<vmem>>, vector<16xi32>,
          %gather3A = tpu.vector_load_idx %arg12[%get3A_193] : memref<10000xi32, #tpu.memory_space<vmem>>[vector<16xi32>], vector<16xi32>,
          %gather3A_198 = tpu.vector_load_idx %arg12[%get3A_197] : memref<10000xi32, #tpu.memory_space<vmem>>[vector<16xi32>], vector<16xi32>,
          %mul3A_199 = arith.constant 95 : i32
          %mul3A_200 = vector.broadcast %mul3A_199 : i32 to vector<16xi32>
          %mul3A_201 = arith.muli %gather3A, %mul3A_200 : vector<16xi32>
          %add3A_202 = arith.addi %mul3A_201, %gather3A_198 : vector<16xi32>
          %swap3A = arith.index_cast %mul3A_190 : i32 to index
          %swap3A_203 = tpu.vector_load %arg26[%swap3A] {strides = array<i32>} : memref<400xi32, #tpu.memory_space<vmem>>, vector<16xi32>,
          tpu.vector_store %arg26[%swap3A], %add3A_202 {strides = array<i32>} : memref<400xi32, #tpu.memory_space<vmem>>, vector<16xi32>,
          %scan3A_204 = arith.constant 0 : i32
          scf.yield %scan3A_204 : i32
        }
        %scan3A_183 = arith.constant 25 : i32
        %dma_start3A_184 = arith.constant 0 : i32
        %dma_start3A_185 = arith.constant 0 : i32
        %dma_start3A_186 = tpu.memref_slice %arg6[%dma_start3A_184, %dma_start3A_185] : memref<9025x80xf32, #tpu.memory_space<hbm>> -> memref<9025x80xf32, #tpu.memory_space<hbm>>
        tpu.enqueue_indirect_dma source(%dma_start3A_186 : memref<9025x80xf32, #tpu.memory_space<hbm>>) target(%arg27 : memref<400x80xf32, #tpu.memory_space<vmem>>) offsets(%arg26 : memref<400xi32, #tpu.memory_space<vmem>>) semaphore(%arg28 : memref<!tpu.dma_semaphore, #tpu.memory_space<semaphore_mem>>)
      } else {
      }
      %dma_wait3A_136 = arith.constant 0 : i32
      %dma_wait3A_137 = arith.constant 0 : i32
      %dma_wait3A_138 = tpu.memref_slice %arg6[%dma_wait3A_136, %dma_wait3A_137] : memref<9025x80xf32, #tpu.memory_space<hbm>> -> memref<9025x80xf32, #tpu.memory_space<hbm>>
      tpu.wait_indirect_dma semaphore(%arg31 : memref<!tpu.dma_semaphore, #tpu.memory_space<semaphore_mem>>) src(%dma_wait3A_138 : memref<9025x80xf32, #tpu.memory_space<hbm>>) dst(%arg30 : memref<400x80xf32, #tpu.memory_space<vmem>>)
      %scan3A_139 = arith.constant 0 : i32
      %scan3A_140 = arith.constant 0 : i32
      %scan3A_141 = arith.constant 25 : i32
      %scan3A_142 = arith.addi %scan3A_140, %scan3A_141 : i32
      %scan3A_143 = arith.constant 1 : i32
      %scan3A_144 = scf.for %scan3A_154 = %scan3A_140 to %scan3A_142 step %scan3A_143 iter_args(%scan3A_155 = %scan3A_139) -> (i32)  : i32 {
        %mul3A_156 = arith.constant 16 : i32
        %mul3A_157 = arith.muli %scan3A_154, %mul3A_156 : i32
        %add3A_158 = arith.constant 400 : i32
        %add3A_159 = arith.addi %add3A_158, %mul3A_157 : i32
        %get3A = arith.index_cast %add3A_159 : i32 to index
        %get3A_160 = tpu.vector_load %arg21[%get3A] {strides = array<i32>} : memref<800xi32, #tpu.memory_space<vmem>>, vector<16xi32>,
        %add3A_161 = arith.constant 400 : i32
        %add3A_162 = arith.addi %add3A_161, %mul3A_157 : i32
        %get3A_163 = arith.index_cast %add3A_162 : i32 to index
        %get3A_164 = tpu.vector_load %arg22[%get3A_163] {strides = array<i32>} : memref<800xi32, #tpu.memory_space<vmem>>, vector<16xi32>,
        %add3A_165 = arith.constant 400 : i32
        %add3A_166 = arith.addi %add3A_165, %mul3A_157 : i32
        %get3A_167 = arith.index_cast %add3A_166 : i32 to index
        %get3A_168 = tpu.vector_load %arg23[%get3A_167] {strides = array<i32>} : memref<800xf32, #tpu.memory_space<vmem>>, vector<16xf32>,
        %gather3A = tpu.vector_load_idx %arg12[%get3A_160] : memref<10000xi32, #tpu.memory_space<vmem>>[vector<16xi32>], vector<16xi32>,
        %gather3A_169 = tpu.vector_load_idx %arg12[%get3A_164] : memref<10000xi32, #tpu.memory_space<vmem>>[vector<16xi32>], vector<16xi32>,
        %gather3A_170 = tpu.vector_load_idx %arg13[%get3A_160] : memref<10000xf32, #tpu.memory_space<vmem>>[vector<16xi32>], vector<16xf32>,
        %gather3A_171 = tpu.vector_load_idx %arg13[%get3A_164] : memref<10000xf32, #tpu.memory_space<vmem>>[vector<16xi32>], vector<16xf32>,
        %add3A_172 = vector.broadcast %mul3A_157 : i32 to vector<16xi32>
        %add3A_173 = arith.addi %iota3A, %add3A_172 : vector<16xi32>
        %broadcast_in_dim3A_174 = arith.constant 1.000000e+30 : f32
        %broadcast_in_dim3A_175 = vector.broadcast %broadcast_in_dim3A_174 : f32 to vector<16xf32>
        %add3A_176 = arith.constant 0 : i32
        %add3A_177 = vector.broadcast %add3A_176 : i32 to vector<16xi32>
        %add3A_178 = arith.addi %iota3A, %add3A_177 : vector<16xi32>
        %ge3A = arith.constant 25 : i32
        %ge3A_179 = vector.broadcast %ge3A : i32 to vector<16xi32>
        %ge3A_180 = arith.cmpi sge, %add3A_178, %ge3A_179 : vector<16xi32>
        %sub3A = arith.constant 25 : i32
        %sub3A_181 = vector.broadcast %sub3A : i32 to vector<16xi32>
        %sub3A_182 = arith.subi %add3A_178, %sub3A_181 : vector<16xi32>
        %select_n3A = arith.select %ge3A_180, %sub3A_182, %add3A_178 : vector<16xi1>, vector<16xi32>
        %mul3A_183 = arith.constant 3 : i32
        %mul3A_184 = vector.broadcast %mul3A_183 : i32 to vector<16xi32>
        %mul3A_185 = arith.muli %mul3A_184, %select_n3A : vector<16xi32>
        %mul3A_186 = arith.constant 16 : i32
        %mul3A_187 = vector.broadcast %mul3A_186 : i32 to vector<16xi32>
        %mul3A_188 = arith.muli %select_n3A, %mul3A_187 : vector<16xi32>
        %add3A_189 = arith.addi %mul3A_188, %iota3A : vector<16xi32>
        %gather3A_190 = tpu.vector_load_idx %arg30[%add3A_173, %mul3A_185] : memref<400x80xf32, #tpu.memory_space<vmem>>[vector<16xi32>, vector<16xi32>], vector<16xf32>,
        %add3A_191 = arith.constant 1 : i32
        %add3A_192 = vector.broadcast %add3A_191 : i32 to vector<16xi32>
        %add3A_193 = arith.addi %mul3A_185, %add3A_192 : vector<16xi32>
        %gather3A_194 = tpu.vector_load_idx %arg30[%add3A_173, %add3A_193] : memref<400x80xf32, #tpu.memory_space<vmem>>[vector<16xi32>, vector<16xi32>], vector<16xf32>,
        %add3A_195 = arith.constant 2 : i32
        %add3A_196 = vector.broadcast %add3A_195 : i32 to vector<16xi32>
        %add3A_197 = arith.addi %mul3A_185, %add3A_196 : vector<16xi32>
        %gather3A_198 = tpu.vector_load_idx %arg30[%add3A_173, %add3A_197] : memref<400x80xf32, #tpu.memory_space<vmem>>[vector<16xi32>, vector<16xi32>], vector<16xf32>,
        %sub3A_199 = arith.subf %gather3A_194, %gather3A_170 : vector<16xf32>
        %sub3A_200 = arith.subf %gather3A_198, %gather3A_171 : vector<16xf32>
        %mul3A_201 = arith.mulf %sub3A_199, %sub3A_199 : vector<16xf32>
        %mul3A_202 = arith.mulf %sub3A_200, %sub3A_200 : vector<16xf32>
        %add3A_203 = arith.addf %mul3A_201, %mul3A_202 : vector<16xf32>
        tpu.vector_store_idx %arg34[%add3A_189], %add3A_203 : memref<400xf32, #tpu.memory_space<vmem>>[vector<16xi32>], vector<16xf32>,
        tpu.vector_store_idx %arg35[%add3A_189], %gather3A_190 : memref<400xf32, #tpu.memory_space<vmem>>[vector<16xi32>], vector<16xf32>,
        %min3A = arith.minimumf %broadcast_in_dim3A_175, %add3A_203 : vector<16xf32>
        %add3A_204 = arith.constant 1 : i32
        %add3A_205 = vector.broadcast %add3A_204 : i32 to vector<16xi32>
        %add3A_206 = arith.addi %iota3A, %add3A_205 : vector<16xi32>
        %ge3A_207 = arith.constant 25 : i32
        %ge3A_208 = vector.broadcast %ge3A_207 : i32 to vector<16xi32>
        %ge3A_209 = arith.cmpi sge, %add3A_206, %ge3A_208 : vector<16xi32>
        %sub3A_210 = arith.constant 25 : i32
        %sub3A_211 = vector.broadcast %sub3A_210 : i32 to vector<16xi32>
        %sub3A_212 = arith.subi %add3A_206, %sub3A_211 : vector<16xi32>
        %select_n3A_213 = arith.select %ge3A_209, %sub3A_212, %add3A_206 : vector<16xi1>, vector<16xi32>
        %mul3A_214 = arith.constant 3 : i32
        %mul3A_215 = vector.broadcast %mul3A_214 : i32 to vector<16xi32>
        %mul3A_216 = arith.muli %mul3A_215, %select_n3A_213 : vector<16xi32>
        %mul3A_217 = arith.constant 16 : i32
        %mul3A_218 = vector.broadcast %mul3A_217 : i32 to vector<16xi32>
        %mul3A_219 = arith.muli %select_n3A_213, %mul3A_218 : vector<16xi32>
        %add3A_220 = arith.addi %mul3A_219, %iota3A : vector<16xi32>
        %gather3A_221 = tpu.vector_load_idx %arg30[%add3A_173, %mul3A_216] : memref<400x80xf32, #tpu.memory_space<vmem>>[vector<16xi32>, vector<16xi32>], vector<16xf32>,
        %add3A_222 = arith.constant 1 : i32
        %add3A_223 = vector.broadcast %add3A_222 : i32 to vector<16xi32>
        %add3A_224 = arith.addi %mul3A_216, %add3A_223 : vector<16xi32>
        %gather3A_225 = tpu.vector_load_idx %arg30[%add3A_173, %add3A_224] : memref<400x80xf32, #tpu.memory_space<vmem>>[vector<16xi32>, vector<16xi32>], vector<16xf32>,
        %add3A_226 = arith.constant 2 : i32
        %add3A_227 = vector.broadcast %add3A_226 : i32 to vector<16xi32>
        %add3A_228 = arith.addi %mul3A_216, %add3A_227 : vector<16xi32>
        %gather3A_229 = tpu.vector_load_idx %arg30[%add3A_173, %add3A_228] : memref<400x80xf32, #tpu.memory_space<vmem>>[vector<16xi32>, vector<16xi32>], vector<16xf32>,
        %sub3A_230 = arith.subf %gather3A_225, %gather3A_170 : vector<16xf32>
        %sub3A_231 = arith.subf %gather3A_229, %gather3A_171 : vector<16xf32>
        %mul3A_232 = arith.mulf %sub3A_230, %sub3A_230 : vector<16xf32>
        %mul3A_233 = arith.mulf %sub3A_231, %sub3A_231 : vector<16xf32>
        %add3A_234 = arith.addf %mul3A_232, %mul3A_233 : vector<16xf32>
        tpu.vector_store_idx %arg34[%add3A_220], %add3A_234 : memref<400xf32, #tpu.memory_space<vmem>>[vector<16xi32>], vector<16xf32>,
        tpu.vector_store_idx %arg35[%add3A_220], %gather3A_221 : memref<400xf32, #tpu.memory_space<vmem>>[vector<16xi32>], vector<16xf32>,
        %min3A_235 = arith.minimumf %min3A, %add3A_234 : vector<16xf32>
        %add3A_236 = arith.constant 2 : i32
        %add3A_237 = vector.broadcast %add3A_236 : i32 to vector<16xi32>
        %add3A_238 = arith.addi %iota3A, %add3A_237 : vector<16xi32>
        %ge3A_239 = arith.constant 25 : i32
        %ge3A_240 = vector.broadcast %ge3A_239 : i32 to vector<16xi32>
        %ge3A_241 = arith.cmpi sge, %add3A_238, %ge3A_240 : vector<16xi32>
        %sub3A_242 = arith.constant 25 : i32
        %sub3A_243 = vector.broadcast %sub3A_242 : i32 to vector<16xi32>
        %sub3A_244 = arith.subi %add3A_238, %sub3A_243 : vector<16xi32>
        %select_n3A_245 = arith.select %ge3A_241, %sub3A_244, %add3A_238 : vector<16xi1>, vector<16xi32>
        %mul3A_246 = arith.constant 3 : i32
        %mul3A_247 = vector.broadcast %mul3A_246 : i32 to vector<16xi32>
        %mul3A_248 = arith.muli %mul3A_247, %select_n3A_245 : vector<16xi32>
        %mul3A_249 = arith.constant 16 : i32
        %mul3A_250 = vector.broadcast %mul3A_249 : i32 to vector<16xi32>
        %mul3A_251 = arith.muli %select_n3A_245, %mul3A_250 : vector<16xi32>
        %add3A_252 = arith.addi %mul3A_251, %iota3A : vector<16xi32>
        %gather3A_253 = tpu.vector_load_idx %arg30[%add3A_173, %mul3A_248] : memref<400x80xf32, #tpu.memory_space<vmem>>[vector<16xi32>, vector<16xi32>], vector<16xf32>,
        %add3A_254 = arith.constant 1 : i32
        %add3A_255 = vector.broadcast %add3A_254 : i32 to vector<16xi32>
        %add3A_256 = arith.addi %mul3A_248, %add3A_255 : vector<16xi32>
        %gather3A_257 = tpu.vector_load_idx %arg30[%add3A_173, %add3A_256] : memref<400x80xf32, #tpu.memory_space<vmem>>[vector<16xi32>, vector<16xi32>], vector<16xf32>,
        %add3A_258 = arith.constant 2 : i32
        %add3A_259 = vector.broadcast %add3A_258 : i32 to vector<16xi32>
        %add3A_260 = arith.addi %mul3A_248, %add3A_259 : vector<16xi32>
        %gather3A_261 = tpu.vector_load_idx %arg30[%add3A_173, %add3A_260] : memref<400x80xf32, #tpu.memory_space<vmem>>[vector<16xi32>, vector<16xi32>], vector<16xf32>,
        %sub3A_262 = arith.subf %gather3A_257, %gather3A_170 : vector<16xf32>
        %sub3A_263 = arith.subf %gather3A_261, %gather3A_171 : vector<16xf32>
        %mul3A_264 = arith.mulf %sub3A_262, %sub3A_262 : vector<16xf32>
        %mul3A_265 = arith.mulf %sub3A_263, %sub3A_263 : vector<16xf32>
        %add3A_266 = arith.addf %mul3A_264, %mul3A_265 : vector<16xf32>
        tpu.vector_store_idx %arg34[%add3A_252], %add3A_266 : memref<400xf32, #tpu.memory_space<vmem>>[vector<16xi32>], vector<16xf32>,
        tpu.vector_store_idx %arg35[%add3A_252], %gather3A_253 : memref<400xf32, #tpu.memory_space<vmem>>[vector<16xi32>], vector<16xf32>,
        %min3A_267 = arith.minimumf %min3A_235, %add3A_266 : vector<16xf32>
        %add3A_268 = arith.constant 3 : i32
        %add3A_269 = vector.broadcast %add3A_268 : i32 to vector<16xi32>
        %add3A_270 = arith.addi %iota3A, %add3A_269 : vector<16xi32>
        %ge3A_271 = arith.constant 25 : i32
        %ge3A_272 = vector.broadcast %ge3A_271 : i32 to vector<16xi32>
        %ge3A_273 = arith.cmpi sge, %add3A_270, %ge3A_272 : vector<16xi32>
        %sub3A_274 = arith.constant 25 : i32
        %sub3A_275 = vector.broadcast %sub3A_274 : i32 to vector<16xi32>
        %sub3A_276 = arith.subi %add3A_270, %sub3A_275 : vector<16xi32>
        %select_n3A_277 = arith.select %ge3A_273, %sub3A_276, %add3A_270 : vector<16xi1>, vector<16xi32>
        %mul3A_278 = arith.constant 3 : i32
        %mul3A_279 = vector.broadcast %mul3A_278 : i32 to vector<16xi32>
        %mul3A_280 = arith.muli %mul3A_279, %select_n3A_277 : vector<16xi32>
        %mul3A_281 = arith.constant 16 : i32
        %mul3A_282 = vector.broadcast %mul3A_281 : i32 to vector<16xi32>
        %mul3A_283 = arith.muli %select_n3A_277, %mul3A_282 : vector<16xi32>
        %add3A_284 = arith.addi %mul3A_283, %iota3A : vector<16xi32>
        %gather3A_285 = tpu.vector_load_idx %arg30[%add3A_173, %mul3A_280] : memref<400x80xf32, #tpu.memory_space<vmem>>[vector<16xi32>, vector<16xi32>], vector<16xf32>,
        %add3A_286 = arith.constant 1 : i32
        %add3A_287 = vector.broadcast %add3A_286 : i32 to vector<16xi32>
        %add3A_288 = arith.addi %mul3A_280, %add3A_287 : vector<16xi32>
        %gather3A_289 = tpu.vector_load_idx %arg30[%add3A_173, %add3A_288] : memref<400x80xf32, #tpu.memory_space<vmem>>[vector<16xi32>, vector<16xi32>], vector<16xf32>,
        %add3A_290 = arith.constant 2 : i32
        %add3A_291 = vector.broadcast %add3A_290 : i32 to vector<16xi32>
        %add3A_292 = arith.addi %mul3A_280, %add3A_291 : vector<16xi32>
        %gather3A_293 = tpu.vector_load_idx %arg30[%add3A_173, %add3A_292] : memref<400x80xf32, #tpu.memory_space<vmem>>[vector<16xi32>, vector<16xi32>], vector<16xf32>,
        %sub3A_294 = arith.subf %gather3A_289, %gather3A_170 : vector<16xf32>
        %sub3A_295 = arith.subf %gather3A_293, %gather3A_171 : vector<16xf32>
        %mul3A_296 = arith.mulf %sub3A_294, %sub3A_294 : vector<16xf32>
        %mul3A_297 = arith.mulf %sub3A_295, %sub3A_295 : vector<16xf32>
        %add3A_298 = arith.addf %mul3A_296, %mul3A_297 : vector<16xf32>
        tpu.vector_store_idx %arg34[%add3A_284], %add3A_298 : memref<400xf32, #tpu.memory_space<vmem>>[vector<16xi32>], vector<16xf32>,
        tpu.vector_store_idx %arg35[%add3A_284], %gather3A_285 : memref<400xf32, #tpu.memory_space<vmem>>[vector<16xi32>], vector<16xf32>,
        %min3A_299 = arith.minimumf %min3A_267, %add3A_298 : vector<16xf32>
        %add3A_300 = arith.constant 4 : i32
        %add3A_301 = vector.broadcast %add3A_300 : i32 to vector<16xi32>
        %add3A_302 = arith.addi %iota3A, %add3A_301 : vector<16xi32>
        %ge3A_303 = arith.constant 25 : i32
        %ge3A_304 = vector.broadcast %ge3A_303 : i32 to vector<16xi32>
        %ge3A_305 = arith.cmpi sge, %add3A_302, %ge3A_304 : vector<16xi32>
        %sub3A_306 = arith.constant 25 : i32
        %sub3A_307 = vector.broadcast %sub3A_306 : i32 to vector<16xi32>
        %sub3A_308 = arith.subi %add3A_302, %sub3A_307 : vector<16xi32>
        %select_n3A_309 = arith.select %ge3A_305, %sub3A_308, %add3A_302 : vector<16xi1>, vector<16xi32>
        %mul3A_310 = arith.constant 3 : i32
        %mul3A_311 = vector.broadcast %mul3A_310 : i32 to vector<16xi32>
        %mul3A_312 = arith.muli %mul3A_311, %select_n3A_309 : vector<16xi32>
        %mul3A_313 = arith.constant 16 : i32
        %mul3A_314 = vector.broadcast %mul3A_313 : i32 to vector<16xi32>
        %mul3A_315 = arith.muli %select_n3A_309, %mul3A_314 : vector<16xi32>
        %add3A_316 = arith.addi %mul3A_315, %iota3A : vector<16xi32>
        %gather3A_317 = tpu.vector_load_idx %arg30[%add3A_173, %mul3A_312] : memref<400x80xf32, #tpu.memory_space<vmem>>[vector<16xi32>, vector<16xi32>], vector<16xf32>,
        %add3A_318 = arith.constant 1 : i32
        %add3A_319 = vector.broadcast %add3A_318 : i32 to vector<16xi32>
        %add3A_320 = arith.addi %mul3A_312, %add3A_319 : vector<16xi32>
        %gather3A_321 = tpu.vector_load_idx %arg30[%add3A_173, %add3A_320] : memref<400x80xf32, #tpu.memory_space<vmem>>[vector<16xi32>, vector<16xi32>], vector<16xf32>,
        %add3A_322 = arith.constant 2 : i32
        %add3A_323 = vector.broadcast %add3A_322 : i32 to vector<16xi32>
        %add3A_324 = arith.addi %mul3A_312, %add3A_323 : vector<16xi32>
        %gather3A_325 = tpu.vector_load_idx %arg30[%add3A_173, %add3A_324] : memref<400x80xf32, #tpu.memory_space<vmem>>[vector<16xi32>, vector<16xi32>], vector<16xf32>,
        %sub3A_326 = arith.subf %gather3A_321, %gather3A_170 : vector<16xf32>
        %sub3A_327 = arith.subf %gather3A_325, %gather3A_171 : vector<16xf32>
        %mul3A_328 = arith.mulf %sub3A_326, %sub3A_326 : vector<16xf32>
        %mul3A_329 = arith.mulf %sub3A_327, %sub3A_327 : vector<16xf32>
        %add3A_330 = arith.addf %mul3A_328, %mul3A_329 : vector<16xf32>
        tpu.vector_store_idx %arg34[%add3A_316], %add3A_330 : memref<400xf32, #tpu.memory_space<vmem>>[vector<16xi32>], vector<16xf32>,
        tpu.vector_store_idx %arg35[%add3A_316], %gather3A_317 : memref<400xf32, #tpu.memory_space<vmem>>[vector<16xi32>], vector<16xf32>,
        %min3A_331 = arith.minimumf %min3A_299, %add3A_330 : vector<16xf32>
        %add3A_332 = arith.constant 5 : i32
        %add3A_333 = vector.broadcast %add3A_332 : i32 to vector<16xi32>
        %add3A_334 = arith.addi %iota3A, %add3A_333 : vector<16xi32>
        %ge3A_335 = arith.constant 25 : i32
        %ge3A_336 = vector.broadcast %ge3A_335 : i32 to vector<16xi32>
        %ge3A_337 = arith.cmpi sge, %add3A_334, %ge3A_336 : vector<16xi32>
        %sub3A_338 = arith.constant 25 : i32
        %sub3A_339 = vector.broadcast %sub3A_338 : i32 to vector<16xi32>
        %sub3A_340 = arith.subi %add3A_334, %sub3A_339 : vector<16xi32>
        %select_n3A_341 = arith.select %ge3A_337, %sub3A_340, %add3A_334 : vector<16xi1>, vector<16xi32>
        %mul3A_342 = arith.constant 3 : i32
        %mul3A_343 = vector.broadcast %mul3A_342 : i32 to vector<16xi32>
        %mul3A_344 = arith.muli %mul3A_343, %select_n3A_341 : vector<16xi32>
        %mul3A_345 = arith.constant 16 : i32
        %mul3A_346 = vector.broadcast %mul3A_345 : i32 to vector<16xi32>
        %mul3A_347 = arith.muli %select_n3A_341, %mul3A_346 : vector<16xi32>
        %add3A_348 = arith.addi %mul3A_347, %iota3A : vector<16xi32>
        %gather3A_349 = tpu.vector_load_idx %arg30[%add3A_173, %mul3A_344] : memref<400x80xf32, #tpu.memory_space<vmem>>[vector<16xi32>, vector<16xi32>], vector<16xf32>,
        %add3A_350 = arith.constant 1 : i32
        %add3A_351 = vector.broadcast %add3A_350 : i32 to vector<16xi32>
        %add3A_352 = arith.addi %mul3A_344, %add3A_351 : vector<16xi32>
        %gather3A_353 = tpu.vector_load_idx %arg30[%add3A_173, %add3A_352] : memref<400x80xf32, #tpu.memory_space<vmem>>[vector<16xi32>, vector<16xi32>], vector<16xf32>,
        %add3A_354 = arith.constant 2 : i32
        %add3A_355 = vector.broadcast %add3A_354 : i32 to vector<16xi32>
        %add3A_356 = arith.addi %mul3A_344, %add3A_355 : vector<16xi32>
        %gather3A_357 = tpu.vector_load_idx %arg30[%add3A_173, %add3A_356] : memref<400x80xf32, #tpu.memory_space<vmem>>[vector<16xi32>, vector<16xi32>], vector<16xf32>,
        %sub3A_358 = arith.subf %gather3A_353, %gather3A_170 : vector<16xf32>
        %sub3A_359 = arith.subf %gather3A_357, %gather3A_171 : vector<16xf32>
        %mul3A_360 = arith.mulf %sub3A_358, %sub3A_358 : vector<16xf32>
        %mul3A_361 = arith.mulf %sub3A_359, %sub3A_359 : vector<16xf32>
        %add3A_362 = arith.addf %mul3A_360, %mul3A_361 : vector<16xf32>
        tpu.vector_store_idx %arg34[%add3A_348], %add3A_362 : memref<400xf32, #tpu.memory_space<vmem>>[vector<16xi32>], vector<16xf32>,
        tpu.vector_store_idx %arg35[%add3A_348], %gather3A_349 : memref<400xf32, #tpu.memory_space<vmem>>[vector<16xi32>], vector<16xf32>,
        %min3A_363 = arith.minimumf %min3A_331, %add3A_362 : vector<16xf32>
        %add3A_364 = arith.constant 6 : i32
        %add3A_365 = vector.broadcast %add3A_364 : i32 to vector<16xi32>
        %add3A_366 = arith.addi %iota3A, %add3A_365 : vector<16xi32>
        %ge3A_367 = arith.constant 25 : i32
        %ge3A_368 = vector.broadcast %ge3A_367 : i32 to vector<16xi32>
        %ge3A_369 = arith.cmpi sge, %add3A_366, %ge3A_368 : vector<16xi32>
        %sub3A_370 = arith.constant 25 : i32
        %sub3A_371 = vector.broadcast %sub3A_370 : i32 to vector<16xi32>
        %sub3A_372 = arith.subi %add3A_366, %sub3A_371 : vector<16xi32>
        %select_n3A_373 = arith.select %ge3A_369, %sub3A_372, %add3A_366 : vector<16xi1>, vector<16xi32>
        %mul3A_374 = arith.constant 3 : i32
        %mul3A_375 = vector.broadcast %mul3A_374 : i32 to vector<16xi32>
        %mul3A_376 = arith.muli %mul3A_375, %select_n3A_373 : vector<16xi32>
        %mul3A_377 = arith.constant 16 : i32
        %mul3A_378 = vector.broadcast %mul3A_377 : i32 to vector<16xi32>
        %mul3A_379 = arith.muli %select_n3A_373, %mul3A_378 : vector<16xi32>
        %add3A_380 = arith.addi %mul3A_379, %iota3A : vector<16xi32>
        %gather3A_381 = tpu.vector_load_idx %arg30[%add3A_173, %mul3A_376] : memref<400x80xf32, #tpu.memory_space<vmem>>[vector<16xi32>, vector<16xi32>], vector<16xf32>,
        %add3A_382 = arith.constant 1 : i32
        %add3A_383 = vector.broadcast %add3A_382 : i32 to vector<16xi32>
        %add3A_384 = arith.addi %mul3A_376, %add3A_383 : vector<16xi32>
        %gather3A_385 = tpu.vector_load_idx %arg30[%add3A_173, %add3A_384] : memref<400x80xf32, #tpu.memory_space<vmem>>[vector<16xi32>, vector<16xi32>], vector<16xf32>,
        %add3A_386 = arith.constant 2 : i32
        %add3A_387 = vector.broadcast %add3A_386 : i32 to vector<16xi32>
        %add3A_388 = arith.addi %mul3A_376, %add3A_387 : vector<16xi32>
        %gather3A_389 = tpu.vector_load_idx %arg30[%add3A_173, %add3A_388] : memref<400x80xf32, #tpu.memory_space<vmem>>[vector<16xi32>, vector<16xi32>], vector<16xf32>,
        %sub3A_390 = arith.subf %gather3A_385, %gather3A_170 : vector<16xf32>
        %sub3A_391 = arith.subf %gather3A_389, %gather3A_171 : vector<16xf32>
        %mul3A_392 = arith.mulf %sub3A_390, %sub3A_390 : vector<16xf32>
        %mul3A_393 = arith.mulf %sub3A_391, %sub3A_391 : vector<16xf32>
        %add3A_394 = arith.addf %mul3A_392, %mul3A_393 : vector<16xf32>
        tpu.vector_store_idx %arg34[%add3A_380], %add3A_394 : memref<400xf32, #tpu.memory_space<vmem>>[vector<16xi32>], vector<16xf32>,
        tpu.vector_store_idx %arg35[%add3A_380], %gather3A_381 : memref<400xf32, #tpu.memory_space<vmem>>[vector<16xi32>], vector<16xf32>,
        %min3A_395 = arith.minimumf %min3A_363, %add3A_394 : vector<16xf32>
        %add3A_396 = arith.constant 7 : i32
        %add3A_397 = vector.broadcast %add3A_396 : i32 to vector<16xi32>
        %add3A_398 = arith.addi %iota3A, %add3A_397 : vector<16xi32>
        %ge3A_399 = arith.constant 25 : i32
        %ge3A_400 = vector.broadcast %ge3A_399 : i32 to vector<16xi32>
        %ge3A_401 = arith.cmpi sge, %add3A_398, %ge3A_400 : vector<16xi32>
        %sub3A_402 = arith.constant 25 : i32
        %sub3A_403 = vector.broadcast %sub3A_402 : i32 to vector<16xi32>
        %sub3A_404 = arith.subi %add3A_398, %sub3A_403 : vector<16xi32>
        %select_n3A_405 = arith.select %ge3A_401, %sub3A_404, %add3A_398 : vector<16xi1>, vector<16xi32>
        %mul3A_406 = arith.constant 3 : i32
        %mul3A_407 = vector.broadcast %mul3A_406 : i32 to vector<16xi32>
        %mul3A_408 = arith.muli %mul3A_407, %select_n3A_405 : vector<16xi32>
        %mul3A_409 = arith.constant 16 : i32
        %mul3A_410 = vector.broadcast %mul3A_409 : i32 to vector<16xi32>
        %mul3A_411 = arith.muli %select_n3A_405, %mul3A_410 : vector<16xi32>
        %add3A_412 = arith.addi %mul3A_411, %iota3A : vector<16xi32>
        %gather3A_413 = tpu.vector_load_idx %arg30[%add3A_173, %mul3A_408] : memref<400x80xf32, #tpu.memory_space<vmem>>[vector<16xi32>, vector<16xi32>], vector<16xf32>,
        %add3A_414 = arith.constant 1 : i32
        %add3A_415 = vector.broadcast %add3A_414 : i32 to vector<16xi32>
        %add3A_416 = arith.addi %mul3A_408, %add3A_415 : vector<16xi32>
        %gather3A_417 = tpu.vector_load_idx %arg30[%add3A_173, %add3A_416] : memref<400x80xf32, #tpu.memory_space<vmem>>[vector<16xi32>, vector<16xi32>], vector<16xf32>,
        %add3A_418 = arith.constant 2 : i32
        %add3A_419 = vector.broadcast %add3A_418 : i32 to vector<16xi32>
        %add3A_420 = arith.addi %mul3A_408, %add3A_419 : vector<16xi32>
        %gather3A_421 = tpu.vector_load_idx %arg30[%add3A_173, %add3A_420] : memref<400x80xf32, #tpu.memory_space<vmem>>[vector<16xi32>, vector<16xi32>], vector<16xf32>,
        %sub3A_422 = arith.subf %gather3A_417, %gather3A_170 : vector<16xf32>
        %sub3A_423 = arith.subf %gather3A_421, %gather3A_171 : vector<16xf32>
        %mul3A_424 = arith.mulf %sub3A_422, %sub3A_422 : vector<16xf32>
        %mul3A_425 = arith.mulf %sub3A_423, %sub3A_423 : vector<16xf32>
        %add3A_426 = arith.addf %mul3A_424, %mul3A_425 : vector<16xf32>
        tpu.vector_store_idx %arg34[%add3A_412], %add3A_426 : memref<400xf32, #tpu.memory_space<vmem>>[vector<16xi32>], vector<16xf32>,
        tpu.vector_store_idx %arg35[%add3A_412], %gather3A_413 : memref<400xf32, #tpu.memory_space<vmem>>[vector<16xi32>], vector<16xf32>,
        %min3A_427 = arith.minimumf %min3A_395, %add3A_426 : vector<16xf32>
        %add3A_428 = arith.constant 8 : i32
        %add3A_429 = vector.broadcast %add3A_428 : i32 to vector<16xi32>
        %add3A_430 = arith.addi %iota3A, %add3A_429 : vector<16xi32>
        %ge3A_431 = arith.constant 25 : i32
        %ge3A_432 = vector.broadcast %ge3A_431 : i32 to vector<16xi32>
        %ge3A_433 = arith.cmpi sge, %add3A_430, %ge3A_432 : vector<16xi32>
        %sub3A_434 = arith.constant 25 : i32
        %sub3A_435 = vector.broadcast %sub3A_434 : i32 to vector<16xi32>
        %sub3A_436 = arith.subi %add3A_430, %sub3A_435 : vector<16xi32>
        %select_n3A_437 = arith.select %ge3A_433, %sub3A_436, %add3A_430 : vector<16xi1>, vector<16xi32>
        %mul3A_438 = arith.constant 3 : i32
        %mul3A_439 = vector.broadcast %mul3A_438 : i32 to vector<16xi32>
        %mul3A_440 = arith.muli %mul3A_439, %select_n3A_437 : vector<16xi32>
        %mul3A_441 = arith.constant 16 : i32
        %mul3A_442 = vector.broadcast %mul3A_441 : i32 to vector<16xi32>
        %mul3A_443 = arith.muli %select_n3A_437, %mul3A_442 : vector<16xi32>
        %add3A_444 = arith.addi %mul3A_443, %iota3A : vector<16xi32>
        %gather3A_445 = tpu.vector_load_idx %arg30[%add3A_173, %mul3A_440] : memref<400x80xf32, #tpu.memory_space<vmem>>[vector<16xi32>, vector<16xi32>], vector<16xf32>,
        %add3A_446 = arith.constant 1 : i32
        %add3A_447 = vector.broadcast %add3A_446 : i32 to vector<16xi32>
        %add3A_448 = arith.addi %mul3A_440, %add3A_447 : vector<16xi32>
        %gather3A_449 = tpu.vector_load_idx %arg30[%add3A_173, %add3A_448] : memref<400x80xf32, #tpu.memory_space<vmem>>[vector<16xi32>, vector<16xi32>], vector<16xf32>,
        %add3A_450 = arith.constant 2 : i32
        %add3A_451 = vector.broadcast %add3A_450 : i32 to vector<16xi32>
        %add3A_452 = arith.addi %mul3A_440, %add3A_451 : vector<16xi32>
        %gather3A_453 = tpu.vector_load_idx %arg30[%add3A_173, %add3A_452] : memref<400x80xf32, #tpu.memory_space<vmem>>[vector<16xi32>, vector<16xi32>], vector<16xf32>,
        %sub3A_454 = arith.subf %gather3A_449, %gather3A_170 : vector<16xf32>
        %sub3A_455 = arith.subf %gather3A_453, %gather3A_171 : vector<16xf32>
        %mul3A_456 = arith.mulf %sub3A_454, %sub3A_454 : vector<16xf32>
        %mul3A_457 = arith.mulf %sub3A_455, %sub3A_455 : vector<16xf32>
        %add3A_458 = arith.addf %mul3A_456, %mul3A_457 : vector<16xf32>
        tpu.vector_store_idx %arg34[%add3A_444], %add3A_458 : memref<400xf32, #tpu.memory_space<vmem>>[vector<16xi32>], vector<16xf32>,
        tpu.vector_store_idx %arg35[%add3A_444], %gather3A_445 : memref<400xf32, #tpu.memory_space<vmem>>[vector<16xi32>], vector<16xf32>,
        %min3A_459 = arith.minimumf %min3A_427, %add3A_458 : vector<16xf32>
        %add3A_460 = arith.constant 9 : i32
        %add3A_461 = vector.broadcast %add3A_460 : i32 to vector<16xi32>
        %add3A_462 = arith.addi %iota3A, %add3A_461 : vector<16xi32>
        %ge3A_463 = arith.constant 25 : i32
        %ge3A_464 = vector.broadcast %ge3A_463 : i32 to vector<16xi32>
        %ge3A_465 = arith.cmpi sge, %add3A_462, %ge3A_464 : vector<16xi32>
        %sub3A_466 = arith.constant 25 : i32
        %sub3A_467 = vector.broadcast %sub3A_466 : i32 to vector<16xi32>
        %sub3A_468 = arith.subi %add3A_462, %sub3A_467 : vector<16xi32>
        %select_n3A_469 = arith.select %ge3A_465, %sub3A_468, %add3A_462 : vector<16xi1>, vector<16xi32>
        %mul3A_470 = arith.constant 3 : i32
        %mul3A_471 = vector.broadcast %mul3A_470 : i32 to vector<16xi32>
        %mul3A_472 = arith.muli %mul3A_471, %select_n3A_469 : vector<16xi32>
        %mul3A_473 = arith.constant 16 : i32
        %mul3A_474 = vector.broadcast %mul3A_473 : i32 to vector<16xi32>
        %mul3A_475 = arith.muli %select_n3A_469, %mul3A_474 : vector<16xi32>
        %add3A_476 = arith.addi %mul3A_475, %iota3A : vector<16xi32>
        %gather3A_477 = tpu.vector_load_idx %arg30[%add3A_173, %mul3A_472] : memref<400x80xf32, #tpu.memory_space<vmem>>[vector<16xi32>, vector<16xi32>], vector<16xf32>,
        %add3A_478 = arith.constant 1 : i32
        %add3A_479 = vector.broadcast %add3A_478 : i32 to vector<16xi32>
        %add3A_480 = arith.addi %mul3A_472, %add3A_479 : vector<16xi32>
        %gather3A_481 = tpu.vector_load_idx %arg30[%add3A_173, %add3A_480] : memref<400x80xf32, #tpu.memory_space<vmem>>[vector<16xi32>, vector<16xi32>], vector<16xf32>,
        %add3A_482 = arith.constant 2 : i32
        %add3A_483 = vector.broadcast %add3A_482 : i32 to vector<16xi32>
        %add3A_484 = arith.addi %mul3A_472, %add3A_483 : vector<16xi32>
        %gather3A_485 = tpu.vector_load_idx %arg30[%add3A_173, %add3A_484] : memref<400x80xf32, #tpu.memory_space<vmem>>[vector<16xi32>, vector<16xi32>], vector<16xf32>,
        %sub3A_486 = arith.subf %gather3A_481, %gather3A_170 : vector<16xf32>
        %sub3A_487 = arith.subf %gather3A_485, %gather3A_171 : vector<16xf32>
        %mul3A_488 = arith.mulf %sub3A_486, %sub3A_486 : vector<16xf32>
        %mul3A_489 = arith.mulf %sub3A_487, %sub3A_487 : vector<16xf32>
        %add3A_490 = arith.addf %mul3A_488, %mul3A_489 : vector<16xf32>
        tpu.vector_store_idx %arg34[%add3A_476], %add3A_490 : memref<400xf32, #tpu.memory_space<vmem>>[vector<16xi32>], vector<16xf32>,
        tpu.vector_store_idx %arg35[%add3A_476], %gather3A_477 : memref<400xf32, #tpu.memory_space<vmem>>[vector<16xi32>], vector<16xf32>,
        %min3A_491 = arith.minimumf %min3A_459, %add3A_490 : vector<16xf32>
        %add3A_492 = arith.constant 10 : i32
        %add3A_493 = vector.broadcast %add3A_492 : i32 to vector<16xi32>
        %add3A_494 = arith.addi %iota3A, %add3A_493 : vector<16xi32>
        %ge3A_495 = arith.constant 25 : i32
        %ge3A_496 = vector.broadcast %ge3A_495 : i32 to vector<16xi32>
        %ge3A_497 = arith.cmpi sge, %add3A_494, %ge3A_496 : vector<16xi32>
        %sub3A_498 = arith.constant 25 : i32
        %sub3A_499 = vector.broadcast %sub3A_498 : i32 to vector<16xi32>
        %sub3A_500 = arith.subi %add3A_494, %sub3A_499 : vector<16xi32>
        %select_n3A_501 = arith.select %ge3A_497, %sub3A_500, %add3A_494 : vector<16xi1>, vector<16xi32>
        %mul3A_502 = arith.constant 3 : i32
        %mul3A_503 = vector.broadcast %mul3A_502 : i32 to vector<16xi32>
        %mul3A_504 = arith.muli %mul3A_503, %select_n3A_501 : vector<16xi32>
        %mul3A_505 = arith.constant 16 : i32
        %mul3A_506 = vector.broadcast %mul3A_505 : i32 to vector<16xi32>
        %mul3A_507 = arith.muli %select_n3A_501, %mul3A_506 : vector<16xi32>
        %add3A_508 = arith.addi %mul3A_507, %iota3A : vector<16xi32>
        %gather3A_509 = tpu.vector_load_idx %arg30[%add3A_173, %mul3A_504] : memref<400x80xf32, #tpu.memory_space<vmem>>[vector<16xi32>, vector<16xi32>], vector<16xf32>,
        %add3A_510 = arith.constant 1 : i32
        %add3A_511 = vector.broadcast %add3A_510 : i32 to vector<16xi32>
        %add3A_512 = arith.addi %mul3A_504, %add3A_511 : vector<16xi32>
        %gather3A_513 = tpu.vector_load_idx %arg30[%add3A_173, %add3A_512] : memref<400x80xf32, #tpu.memory_space<vmem>>[vector<16xi32>, vector<16xi32>], vector<16xf32>,
        %add3A_514 = arith.constant 2 : i32
        %add3A_515 = vector.broadcast %add3A_514 : i32 to vector<16xi32>
        %add3A_516 = arith.addi %mul3A_504, %add3A_515 : vector<16xi32>
        %gather3A_517 = tpu.vector_load_idx %arg30[%add3A_173, %add3A_516] : memref<400x80xf32, #tpu.memory_space<vmem>>[vector<16xi32>, vector<16xi32>], vector<16xf32>,
        %sub3A_518 = arith.subf %gather3A_513, %gather3A_170 : vector<16xf32>
        %sub3A_519 = arith.subf %gather3A_517, %gather3A_171 : vector<16xf32>
        %mul3A_520 = arith.mulf %sub3A_518, %sub3A_518 : vector<16xf32>
        %mul3A_521 = arith.mulf %sub3A_519, %sub3A_519 : vector<16xf32>
        %add3A_522 = arith.addf %mul3A_520, %mul3A_521 : vector<16xf32>
        tpu.vector_store_idx %arg34[%add3A_508], %add3A_522 : memref<400xf32, #tpu.memory_space<vmem>>[vector<16xi32>], vector<16xf32>,
        tpu.vector_store_idx %arg35[%add3A_508], %gather3A_509 : memref<400xf32, #tpu.memory_space<vmem>>[vector<16xi32>], vector<16xf32>,
        %min3A_523 = arith.minimumf %min3A_491, %add3A_522 : vector<16xf32>
        %add3A_524 = arith.constant 11 : i32
        %add3A_525 = vector.broadcast %add3A_524 : i32 to vector<16xi32>
        %add3A_526 = arith.addi %iota3A, %add3A_525 : vector<16xi32>
        %ge3A_527 = arith.constant 25 : i32
        %ge3A_528 = vector.broadcast %ge3A_527 : i32 to vector<16xi32>
        %ge3A_529 = arith.cmpi sge, %add3A_526, %ge3A_528 : vector<16xi32>
        %sub3A_530 = arith.constant 25 : i32
        %sub3A_531 = vector.broadcast %sub3A_530 : i32 to vector<16xi32>
        %sub3A_532 = arith.subi %add3A_526, %sub3A_531 : vector<16xi32>
        %select_n3A_533 = arith.select %ge3A_529, %sub3A_532, %add3A_526 : vector<16xi1>, vector<16xi32>
        %mul3A_534 = arith.constant 3 : i32
        %mul3A_535 = vector.broadcast %mul3A_534 : i32 to vector<16xi32>
        %mul3A_536 = arith.muli %mul3A_535, %select_n3A_533 : vector<16xi32>
        %mul3A_537 = arith.constant 16 : i32
        %mul3A_538 = vector.broadcast %mul3A_537 : i32 to vector<16xi32>
        %mul3A_539 = arith.muli %select_n3A_533, %mul3A_538 : vector<16xi32>
        %add3A_540 = arith.addi %mul3A_539, %iota3A : vector<16xi32>
        %gather3A_541 = tpu.vector_load_idx %arg30[%add3A_173, %mul3A_536] : memref<400x80xf32, #tpu.memory_space<vmem>>[vector<16xi32>, vector<16xi32>], vector<16xf32>,
        %add3A_542 = arith.constant 1 : i32
        %add3A_543 = vector.broadcast %add3A_542 : i32 to vector<16xi32>
        %add3A_544 = arith.addi %mul3A_536, %add3A_543 : vector<16xi32>
        %gather3A_545 = tpu.vector_load_idx %arg30[%add3A_173, %add3A_544] : memref<400x80xf32, #tpu.memory_space<vmem>>[vector<16xi32>, vector<16xi32>], vector<16xf32>,
        %add3A_546 = arith.constant 2 : i32
        %add3A_547 = vector.broadcast %add3A_546 : i32 to vector<16xi32>
        %add3A_548 = arith.addi %mul3A_536, %add3A_547 : vector<16xi32>
        %gather3A_549 = tpu.vector_load_idx %arg30[%add3A_173, %add3A_548] : memref<400x80xf32, #tpu.memory_space<vmem>>[vector<16xi32>, vector<16xi32>], vector<16xf32>,
        %sub3A_550 = arith.subf %gather3A_545, %gather3A_170 : vector<16xf32>
        %sub3A_551 = arith.subf %gather3A_549, %gather3A_171 : vector<16xf32>
        %mul3A_552 = arith.mulf %sub3A_550, %sub3A_550 : vector<16xf32>
        %mul3A_553 = arith.mulf %sub3A_551, %sub3A_551 : vector<16xf32>
        %add3A_554 = arith.addf %mul3A_552, %mul3A_553 : vector<16xf32>
        tpu.vector_store_idx %arg34[%add3A_540], %add3A_554 : memref<400xf32, #tpu.memory_space<vmem>>[vector<16xi32>], vector<16xf32>,
        tpu.vector_store_idx %arg35[%add3A_540], %gather3A_541 : memref<400xf32, #tpu.memory_space<vmem>>[vector<16xi32>], vector<16xf32>,
        %min3A_555 = arith.minimumf %min3A_523, %add3A_554 : vector<16xf32>
        %add3A_556 = arith.constant 12 : i32
        %add3A_557 = vector.broadcast %add3A_556 : i32 to vector<16xi32>
        %add3A_558 = arith.addi %iota3A, %add3A_557 : vector<16xi32>
        %ge3A_559 = arith.constant 25 : i32
        %ge3A_560 = vector.broadcast %ge3A_559 : i32 to vector<16xi32>
        %ge3A_561 = arith.cmpi sge, %add3A_558, %ge3A_560 : vector<16xi32>
        %sub3A_562 = arith.constant 25 : i32
        %sub3A_563 = vector.broadcast %sub3A_562 : i32 to vector<16xi32>
        %sub3A_564 = arith.subi %add3A_558, %sub3A_563 : vector<16xi32>
        %select_n3A_565 = arith.select %ge3A_561, %sub3A_564, %add3A_558 : vector<16xi1>, vector<16xi32>
        %mul3A_566 = arith.constant 3 : i32
        %mul3A_567 = vector.broadcast %mul3A_566 : i32 to vector<16xi32>
        %mul3A_568 = arith.muli %mul3A_567, %select_n3A_565 : vector<16xi32>
        %mul3A_569 = arith.constant 16 : i32
        %mul3A_570 = vector.broadcast %mul3A_569 : i32 to vector<16xi32>
        %mul3A_571 = arith.muli %select_n3A_565, %mul3A_570 : vector<16xi32>
        %add3A_572 = arith.addi %mul3A_571, %iota3A : vector<16xi32>
        %gather3A_573 = tpu.vector_load_idx %arg30[%add3A_173, %mul3A_568] : memref<400x80xf32, #tpu.memory_space<vmem>>[vector<16xi32>, vector<16xi32>], vector<16xf32>,
        %add3A_574 = arith.constant 1 : i32
        %add3A_575 = vector.broadcast %add3A_574 : i32 to vector<16xi32>
        %add3A_576 = arith.addi %mul3A_568, %add3A_575 : vector<16xi32>
        %gather3A_577 = tpu.vector_load_idx %arg30[%add3A_173, %add3A_576] : memref<400x80xf32, #tpu.memory_space<vmem>>[vector<16xi32>, vector<16xi32>], vector<16xf32>,
        %add3A_578 = arith.constant 2 : i32
        %add3A_579 = vector.broadcast %add3A_578 : i32 to vector<16xi32>
        %add3A_580 = arith.addi %mul3A_568, %add3A_579 : vector<16xi32>
        %gather3A_581 = tpu.vector_load_idx %arg30[%add3A_173, %add3A_580] : memref<400x80xf32, #tpu.memory_space<vmem>>[vector<16xi32>, vector<16xi32>], vector<16xf32>,
        %sub3A_582 = arith.subf %gather3A_577, %gather3A_170 : vector<16xf32>
        %sub3A_583 = arith.subf %gather3A_581, %gather3A_171 : vector<16xf32>
        %mul3A_584 = arith.mulf %sub3A_582, %sub3A_582 : vector<16xf32>
        %mul3A_585 = arith.mulf %sub3A_583, %sub3A_583 : vector<16xf32>
        %add3A_586 = arith.addf %mul3A_584, %mul3A_585 : vector<16xf32>
        tpu.vector_store_idx %arg34[%add3A_572], %add3A_586 : memref<400xf32, #tpu.memory_space<vmem>>[vector<16xi32>], vector<16xf32>,
        tpu.vector_store_idx %arg35[%add3A_572], %gather3A_573 : memref<400xf32, #tpu.memory_space<vmem>>[vector<16xi32>], vector<16xf32>,
        %min3A_587 = arith.minimumf %min3A_555, %add3A_586 : vector<16xf32>
        %add3A_588 = arith.constant 13 : i32
        %add3A_589 = vector.broadcast %add3A_588 : i32 to vector<16xi32>
        %add3A_590 = arith.addi %iota3A, %add3A_589 : vector<16xi32>
        %ge3A_591 = arith.constant 25 : i32
        %ge3A_592 = vector.broadcast %ge3A_591 : i32 to vector<16xi32>
        %ge3A_593 = arith.cmpi sge, %add3A_590, %ge3A_592 : vector<16xi32>
        %sub3A_594 = arith.constant 25 : i32
        %sub3A_595 = vector.broadcast %sub3A_594 : i32 to vector<16xi32>
        %sub3A_596 = arith.subi %add3A_590, %sub3A_595 : vector<16xi32>
        %select_n3A_597 = arith.select %ge3A_593, %sub3A_596, %add3A_590 : vector<16xi1>, vector<16xi32>
        %mul3A_598 = arith.constant 3 : i32
        %mul3A_599 = vector.broadcast %mul3A_598 : i32 to vector<16xi32>
        %mul3A_600 = arith.muli %mul3A_599, %select_n3A_597 : vector<16xi32>
        %mul3A_601 = arith.constant 16 : i32
        %mul3A_602 = vector.broadcast %mul3A_601 : i32 to vector<16xi32>
        %mul3A_603 = arith.muli %select_n3A_597, %mul3A_602 : vector<16xi32>
        %add3A_604 = arith.addi %mul3A_603, %iota3A : vector<16xi32>
        %gather3A_605 = tpu.vector_load_idx %arg30[%add3A_173, %mul3A_600] : memref<400x80xf32, #tpu.memory_space<vmem>>[vector<16xi32>, vector<16xi32>], vector<16xf32>,
        %add3A_606 = arith.constant 1 : i32
        %add3A_607 = vector.broadcast %add3A_606 : i32 to vector<16xi32>
        %add3A_608 = arith.addi %mul3A_600, %add3A_607 : vector<16xi32>
        %gather3A_609 = tpu.vector_load_idx %arg30[%add3A_173, %add3A_608] : memref<400x80xf32, #tpu.memory_space<vmem>>[vector<16xi32>, vector<16xi32>], vector<16xf32>,
        %add3A_610 = arith.constant 2 : i32
        %add3A_611 = vector.broadcast %add3A_610 : i32 to vector<16xi32>
        %add3A_612 = arith.addi %mul3A_600, %add3A_611 : vector<16xi32>
        %gather3A_613 = tpu.vector_load_idx %arg30[%add3A_173, %add3A_612] : memref<400x80xf32, #tpu.memory_space<vmem>>[vector<16xi32>, vector<16xi32>], vector<16xf32>,
        %sub3A_614 = arith.subf %gather3A_609, %gather3A_170 : vector<16xf32>
        %sub3A_615 = arith.subf %gather3A_613, %gather3A_171 : vector<16xf32>
        %mul3A_616 = arith.mulf %sub3A_614, %sub3A_614 : vector<16xf32>
        %mul3A_617 = arith.mulf %sub3A_615, %sub3A_615 : vector<16xf32>
        %add3A_618 = arith.addf %mul3A_616, %mul3A_617 : vector<16xf32>
        tpu.vector_store_idx %arg34[%add3A_604], %add3A_618 : memref<400xf32, #tpu.memory_space<vmem>>[vector<16xi32>], vector<16xf32>,
        tpu.vector_store_idx %arg35[%add3A_604], %gather3A_605 : memref<400xf32, #tpu.memory_space<vmem>>[vector<16xi32>], vector<16xf32>,
        %min3A_619 = arith.minimumf %min3A_587, %add3A_618 : vector<16xf32>
        %add3A_620 = arith.constant 14 : i32
        %add3A_621 = vector.broadcast %add3A_620 : i32 to vector<16xi32>
        %add3A_622 = arith.addi %iota3A, %add3A_621 : vector<16xi32>
        %ge3A_623 = arith.constant 25 : i32
        %ge3A_624 = vector.broadcast %ge3A_623 : i32 to vector<16xi32>
        %ge3A_625 = arith.cmpi sge, %add3A_622, %ge3A_624 : vector<16xi32>
        %sub3A_626 = arith.constant 25 : i32
        %sub3A_627 = vector.broadcast %sub3A_626 : i32 to vector<16xi32>
        %sub3A_628 = arith.subi %add3A_622, %sub3A_627 : vector<16xi32>
        %select_n3A_629 = arith.select %ge3A_625, %sub3A_628, %add3A_622 : vector<16xi1>, vector<16xi32>
        %mul3A_630 = arith.constant 3 : i32
        %mul3A_631 = vector.broadcast %mul3A_630 : i32 to vector<16xi32>
        %mul3A_632 = arith.muli %mul3A_631, %select_n3A_629 : vector<16xi32>
        %mul3A_633 = arith.constant 16 : i32
        %mul3A_634 = vector.broadcast %mul3A_633 : i32 to vector<16xi32>
        %mul3A_635 = arith.muli %select_n3A_629, %mul3A_634 : vector<16xi32>
        %add3A_636 = arith.addi %mul3A_635, %iota3A : vector<16xi32>
        %gather3A_637 = tpu.vector_load_idx %arg30[%add3A_173, %mul3A_632] : memref<400x80xf32, #tpu.memory_space<vmem>>[vector<16xi32>, vector<16xi32>], vector<16xf32>,
        %add3A_638 = arith.constant 1 : i32
        %add3A_639 = vector.broadcast %add3A_638 : i32 to vector<16xi32>
        %add3A_640 = arith.addi %mul3A_632, %add3A_639 : vector<16xi32>
        %gather3A_641 = tpu.vector_load_idx %arg30[%add3A_173, %add3A_640] : memref<400x80xf32, #tpu.memory_space<vmem>>[vector<16xi32>, vector<16xi32>], vector<16xf32>,
        %add3A_642 = arith.constant 2 : i32
        %add3A_643 = vector.broadcast %add3A_642 : i32 to vector<16xi32>
        %add3A_644 = arith.addi %mul3A_632, %add3A_643 : vector<16xi32>
        %gather3A_645 = tpu.vector_load_idx %arg30[%add3A_173, %add3A_644] : memref<400x80xf32, #tpu.memory_space<vmem>>[vector<16xi32>, vector<16xi32>], vector<16xf32>,
        %sub3A_646 = arith.subf %gather3A_641, %gather3A_170 : vector<16xf32>
        %sub3A_647 = arith.subf %gather3A_645, %gather3A_171 : vector<16xf32>
        %mul3A_648 = arith.mulf %sub3A_646, %sub3A_646 : vector<16xf32>
        %mul3A_649 = arith.mulf %sub3A_647, %sub3A_647 : vector<16xf32>
        %add3A_650 = arith.addf %mul3A_648, %mul3A_649 : vector<16xf32>
        tpu.vector_store_idx %arg34[%add3A_636], %add3A_650 : memref<400xf32, #tpu.memory_space<vmem>>[vector<16xi32>], vector<16xf32>,
        tpu.vector_store_idx %arg35[%add3A_636], %gather3A_637 : memref<400xf32, #tpu.memory_space<vmem>>[vector<16xi32>], vector<16xf32>,
        %min3A_651 = arith.minimumf %min3A_619, %add3A_650 : vector<16xf32>
        %add3A_652 = arith.constant 15 : i32
        %add3A_653 = vector.broadcast %add3A_652 : i32 to vector<16xi32>
        %add3A_654 = arith.addi %iota3A, %add3A_653 : vector<16xi32>
        %ge3A_655 = arith.constant 25 : i32
        %ge3A_656 = vector.broadcast %ge3A_655 : i32 to vector<16xi32>
        %ge3A_657 = arith.cmpi sge, %add3A_654, %ge3A_656 : vector<16xi32>
        %sub3A_658 = arith.constant 25 : i32
        %sub3A_659 = vector.broadcast %sub3A_658 : i32 to vector<16xi32>
        %sub3A_660 = arith.subi %add3A_654, %sub3A_659 : vector<16xi32>
        %select_n3A_661 = arith.select %ge3A_657, %sub3A_660, %add3A_654 : vector<16xi1>, vector<16xi32>
        %mul3A_662 = arith.constant 3 : i32
        %mul3A_663 = vector.broadcast %mul3A_662 : i32 to vector<16xi32>
        %mul3A_664 = arith.muli %mul3A_663, %select_n3A_661 : vector<16xi32>
        %mul3A_665 = arith.constant 16 : i32
        %mul3A_666 = vector.broadcast %mul3A_665 : i32 to vector<16xi32>
        %mul3A_667 = arith.muli %select_n3A_661, %mul3A_666 : vector<16xi32>
        %add3A_668 = arith.addi %mul3A_667, %iota3A : vector<16xi32>
        %gather3A_669 = tpu.vector_load_idx %arg30[%add3A_173, %mul3A_664] : memref<400x80xf32, #tpu.memory_space<vmem>>[vector<16xi32>, vector<16xi32>], vector<16xf32>,
        %add3A_670 = arith.constant 1 : i32
        %add3A_671 = vector.broadcast %add3A_670 : i32 to vector<16xi32>
        %add3A_672 = arith.addi %mul3A_664, %add3A_671 : vector<16xi32>
        %gather3A_673 = tpu.vector_load_idx %arg30[%add3A_173, %add3A_672] : memref<400x80xf32, #tpu.memory_space<vmem>>[vector<16xi32>, vector<16xi32>], vector<16xf32>,
        %add3A_674 = arith.constant 2 : i32
        %add3A_675 = vector.broadcast %add3A_674 : i32 to vector<16xi32>
        %add3A_676 = arith.addi %mul3A_664, %add3A_675 : vector<16xi32>
        %gather3A_677 = tpu.vector_load_idx %arg30[%add3A_173, %add3A_676] : memref<400x80xf32, #tpu.memory_space<vmem>>[vector<16xi32>, vector<16xi32>], vector<16xf32>,
        %sub3A_678 = arith.subf %gather3A_673, %gather3A_170 : vector<16xf32>
        %sub3A_679 = arith.subf %gather3A_677, %gather3A_171 : vector<16xf32>
        %mul3A_680 = arith.mulf %sub3A_678, %sub3A_678 : vector<16xf32>
        %mul3A_681 = arith.mulf %sub3A_679, %sub3A_679 : vector<16xf32>
        %add3A_682 = arith.addf %mul3A_680, %mul3A_681 : vector<16xf32>
        tpu.vector_store_idx %arg34[%add3A_668], %add3A_682 : memref<400xf32, #tpu.memory_space<vmem>>[vector<16xi32>], vector<16xf32>,
        tpu.vector_store_idx %arg35[%add3A_668], %gather3A_669 : memref<400xf32, #tpu.memory_space<vmem>>[vector<16xi32>], vector<16xf32>,
        %min3A_683 = arith.minimumf %min3A_651, %add3A_682 : vector<16xf32>
        %add3A_684 = arith.constant 16 : i32
        %add3A_685 = vector.broadcast %add3A_684 : i32 to vector<16xi32>
        %add3A_686 = arith.addi %iota3A, %add3A_685 : vector<16xi32>
        %ge3A_687 = arith.constant 25 : i32
        %ge3A_688 = vector.broadcast %ge3A_687 : i32 to vector<16xi32>
        %ge3A_689 = arith.cmpi sge, %add3A_686, %ge3A_688 : vector<16xi32>
        %sub3A_690 = arith.constant 25 : i32
        %sub3A_691 = vector.broadcast %sub3A_690 : i32 to vector<16xi32>
        %sub3A_692 = arith.subi %add3A_686, %sub3A_691 : vector<16xi32>
        %select_n3A_693 = arith.select %ge3A_689, %sub3A_692, %add3A_686 : vector<16xi1>, vector<16xi32>
        %mul3A_694 = arith.constant 3 : i32
        %mul3A_695 = vector.broadcast %mul3A_694 : i32 to vector<16xi32>
        %mul3A_696 = arith.muli %mul3A_695, %select_n3A_693 : vector<16xi32>
        %mul3A_697 = arith.constant 16 : i32
        %mul3A_698 = vector.broadcast %mul3A_697 : i32 to vector<16xi32>
        %mul3A_699 = arith.muli %select_n3A_693, %mul3A_698 : vector<16xi32>
        %add3A_700 = arith.addi %mul3A_699, %iota3A : vector<16xi32>
        %gather3A_701 = tpu.vector_load_idx %arg30[%add3A_173, %mul3A_696] : memref<400x80xf32, #tpu.memory_space<vmem>>[vector<16xi32>, vector<16xi32>], vector<16xf32>,
        %add3A_702 = arith.constant 1 : i32
        %add3A_703 = vector.broadcast %add3A_702 : i32 to vector<16xi32>
        %add3A_704 = arith.addi %mul3A_696, %add3A_703 : vector<16xi32>
        %gather3A_705 = tpu.vector_load_idx %arg30[%add3A_173, %add3A_704] : memref<400x80xf32, #tpu.memory_space<vmem>>[vector<16xi32>, vector<16xi32>], vector<16xf32>,
        %add3A_706 = arith.constant 2 : i32
        %add3A_707 = vector.broadcast %add3A_706 : i32 to vector<16xi32>
        %add3A_708 = arith.addi %mul3A_696, %add3A_707 : vector<16xi32>
        %gather3A_709 = tpu.vector_load_idx %arg30[%add3A_173, %add3A_708] : memref<400x80xf32, #tpu.memory_space<vmem>>[vector<16xi32>, vector<16xi32>], vector<16xf32>,
        %sub3A_710 = arith.subf %gather3A_705, %gather3A_170 : vector<16xf32>
        %sub3A_711 = arith.subf %gather3A_709, %gather3A_171 : vector<16xf32>
        %mul3A_712 = arith.mulf %sub3A_710, %sub3A_710 : vector<16xf32>
        %mul3A_713 = arith.mulf %sub3A_711, %sub3A_711 : vector<16xf32>
        %add3A_714 = arith.addf %mul3A_712, %mul3A_713 : vector<16xf32>
        tpu.vector_store_idx %arg34[%add3A_700], %add3A_714 : memref<400xf32, #tpu.memory_space<vmem>>[vector<16xi32>], vector<16xf32>,
        tpu.vector_store_idx %arg35[%add3A_700], %gather3A_701 : memref<400xf32, #tpu.memory_space<vmem>>[vector<16xi32>], vector<16xf32>,
        %min3A_715 = arith.minimumf %min3A_683, %add3A_714 : vector<16xf32>
        %add3A_716 = arith.constant 17 : i32
        %add3A_717 = vector.broadcast %add3A_716 : i32 to vector<16xi32>
        %add3A_718 = arith.addi %iota3A, %add3A_717 : vector<16xi32>
        %ge3A_719 = arith.constant 25 : i32
        %ge3A_720 = vector.broadcast %ge3A_719 : i32 to vector<16xi32>
        %ge3A_721 = arith.cmpi sge, %add3A_718, %ge3A_720 : vector<16xi32>
        %sub3A_722 = arith.constant 25 : i32
        %sub3A_723 = vector.broadcast %sub3A_722 : i32 to vector<16xi32>
        %sub3A_724 = arith.subi %add3A_718, %sub3A_723 : vector<16xi32>
        %select_n3A_725 = arith.select %ge3A_721, %sub3A_724, %add3A_718 : vector<16xi1>, vector<16xi32>
        %mul3A_726 = arith.constant 3 : i32
        %mul3A_727 = vector.broadcast %mul3A_726 : i32 to vector<16xi32>
        %mul3A_728 = arith.muli %mul3A_727, %select_n3A_725 : vector<16xi32>
        %mul3A_729 = arith.constant 16 : i32
        %mul3A_730 = vector.broadcast %mul3A_729 : i32 to vector<16xi32>
        %mul3A_731 = arith.muli %select_n3A_725, %mul3A_730 : vector<16xi32>
        %add3A_732 = arith.addi %mul3A_731, %iota3A : vector<16xi32>
        %gather3A_733 = tpu.vector_load_idx %arg30[%add3A_173, %mul3A_728] : memref<400x80xf32, #tpu.memory_space<vmem>>[vector<16xi32>, vector<16xi32>], vector<16xf32>,
        %add3A_734 = arith.constant 1 : i32
        %add3A_735 = vector.broadcast %add3A_734 : i32 to vector<16xi32>
        %add3A_736 = arith.addi %mul3A_728, %add3A_735 : vector<16xi32>
        %gather3A_737 = tpu.vector_load_idx %arg30[%add3A_173, %add3A_736] : memref<400x80xf32, #tpu.memory_space<vmem>>[vector<16xi32>, vector<16xi32>], vector<16xf32>,
        %add3A_738 = arith.constant 2 : i32
        %add3A_739 = vector.broadcast %add3A_738 : i32 to vector<16xi32>
        %add3A_740 = arith.addi %mul3A_728, %add3A_739 : vector<16xi32>
        %gather3A_741 = tpu.vector_load_idx %arg30[%add3A_173, %add3A_740] : memref<400x80xf32, #tpu.memory_space<vmem>>[vector<16xi32>, vector<16xi32>], vector<16xf32>,
        %sub3A_742 = arith.subf %gather3A_737, %gather3A_170 : vector<16xf32>
        %sub3A_743 = arith.subf %gather3A_741, %gather3A_171 : vector<16xf32>
        %mul3A_744 = arith.mulf %sub3A_742, %sub3A_742 : vector<16xf32>
        %mul3A_745 = arith.mulf %sub3A_743, %sub3A_743 : vector<16xf32>
        %add3A_746 = arith.addf %mul3A_744, %mul3A_745 : vector<16xf32>
        tpu.vector_store_idx %arg34[%add3A_732], %add3A_746 : memref<400xf32, #tpu.memory_space<vmem>>[vector<16xi32>], vector<16xf32>,
        tpu.vector_store_idx %arg35[%add3A_732], %gather3A_733 : memref<400xf32, #tpu.memory_space<vmem>>[vector<16xi32>], vector<16xf32>,
        %min3A_747 = arith.minimumf %min3A_715, %add3A_746 : vector<16xf32>
        %add3A_748 = arith.constant 18 : i32
        %add3A_749 = vector.broadcast %add3A_748 : i32 to vector<16xi32>
        %add3A_750 = arith.addi %iota3A, %add3A_749 : vector<16xi32>
        %ge3A_751 = arith.constant 25 : i32
        %ge3A_752 = vector.broadcast %ge3A_751 : i32 to vector<16xi32>
        %ge3A_753 = arith.cmpi sge, %add3A_750, %ge3A_752 : vector<16xi32>
        %sub3A_754 = arith.constant 25 : i32
        %sub3A_755 = vector.broadcast %sub3A_754 : i32 to vector<16xi32>
        %sub3A_756 = arith.subi %add3A_750, %sub3A_755 : vector<16xi32>
        %select_n3A_757 = arith.select %ge3A_753, %sub3A_756, %add3A_750 : vector<16xi1>, vector<16xi32>
        %mul3A_758 = arith.constant 3 : i32
        %mul3A_759 = vector.broadcast %mul3A_758 : i32 to vector<16xi32>
        %mul3A_760 = arith.muli %mul3A_759, %select_n3A_757 : vector<16xi32>
        %mul3A_761 = arith.constant 16 : i32
        %mul3A_762 = vector.broadcast %mul3A_761 : i32 to vector<16xi32>
        %mul3A_763 = arith.muli %select_n3A_757, %mul3A_762 : vector<16xi32>
        %add3A_764 = arith.addi %mul3A_763, %iota3A : vector<16xi32>
        %gather3A_765 = tpu.vector_load_idx %arg30[%add3A_173, %mul3A_760] : memref<400x80xf32, #tpu.memory_space<vmem>>[vector<16xi32>, vector<16xi32>], vector<16xf32>,
        %add3A_766 = arith.constant 1 : i32
        %add3A_767 = vector.broadcast %add3A_766 : i32 to vector<16xi32>
        %add3A_768 = arith.addi %mul3A_760, %add3A_767 : vector<16xi32>
        %gather3A_769 = tpu.vector_load_idx %arg30[%add3A_173, %add3A_768] : memref<400x80xf32, #tpu.memory_space<vmem>>[vector<16xi32>, vector<16xi32>], vector<16xf32>,
        %add3A_770 = arith.constant 2 : i32
        %add3A_771 = vector.broadcast %add3A_770 : i32 to vector<16xi32>
        %add3A_772 = arith.addi %mul3A_760, %add3A_771 : vector<16xi32>
        %gather3A_773 = tpu.vector_load_idx %arg30[%add3A_173, %add3A_772] : memref<400x80xf32, #tpu.memory_space<vmem>>[vector<16xi32>, vector<16xi32>], vector<16xf32>,
        %sub3A_774 = arith.subf %gather3A_769, %gather3A_170 : vector<16xf32>
        %sub3A_775 = arith.subf %gather3A_773, %gather3A_171 : vector<16xf32>
        %mul3A_776 = arith.mulf %sub3A_774, %sub3A_774 : vector<16xf32>
        %mul3A_777 = arith.mulf %sub3A_775, %sub3A_775 : vector<16xf32>
        %add3A_778 = arith.addf %mul3A_776, %mul3A_777 : vector<16xf32>
        tpu.vector_store_idx %arg34[%add3A_764], %add3A_778 : memref<400xf32, #tpu.memory_space<vmem>>[vector<16xi32>], vector<16xf32>,
        tpu.vector_store_idx %arg35[%add3A_764], %gather3A_765 : memref<400xf32, #tpu.memory_space<vmem>>[vector<16xi32>], vector<16xf32>,
        %min3A_779 = arith.minimumf %min3A_747, %add3A_778 : vector<16xf32>
        %add3A_780 = arith.constant 19 : i32
        %add3A_781 = vector.broadcast %add3A_780 : i32 to vector<16xi32>
        %add3A_782 = arith.addi %iota3A, %add3A_781 : vector<16xi32>
        %ge3A_783 = arith.constant 25 : i32
        %ge3A_784 = vector.broadcast %ge3A_783 : i32 to vector<16xi32>
        %ge3A_785 = arith.cmpi sge, %add3A_782, %ge3A_784 : vector<16xi32>
        %sub3A_786 = arith.constant 25 : i32
        %sub3A_787 = vector.broadcast %sub3A_786 : i32 to vector<16xi32>
        %sub3A_788 = arith.subi %add3A_782, %sub3A_787 : vector<16xi32>
        %select_n3A_789 = arith.select %ge3A_785, %sub3A_788, %add3A_782 : vector<16xi1>, vector<16xi32>
        %mul3A_790 = arith.constant 3 : i32
        %mul3A_791 = vector.broadcast %mul3A_790 : i32 to vector<16xi32>
        %mul3A_792 = arith.muli %mul3A_791, %select_n3A_789 : vector<16xi32>
        %mul3A_793 = arith.constant 16 : i32
        %mul3A_794 = vector.broadcast %mul3A_793 : i32 to vector<16xi32>
        %mul3A_795 = arith.muli %select_n3A_789, %mul3A_794 : vector<16xi32>
        %add3A_796 = arith.addi %mul3A_795, %iota3A : vector<16xi32>
        %gather3A_797 = tpu.vector_load_idx %arg30[%add3A_173, %mul3A_792] : memref<400x80xf32, #tpu.memory_space<vmem>>[vector<16xi32>, vector<16xi32>], vector<16xf32>,
        %add3A_798 = arith.constant 1 : i32
        %add3A_799 = vector.broadcast %add3A_798 : i32 to vector<16xi32>
        %add3A_800 = arith.addi %mul3A_792, %add3A_799 : vector<16xi32>
        %gather3A_801 = tpu.vector_load_idx %arg30[%add3A_173, %add3A_800] : memref<400x80xf32, #tpu.memory_space<vmem>>[vector<16xi32>, vector<16xi32>], vector<16xf32>,
        %add3A_802 = arith.constant 2 : i32
        %add3A_803 = vector.broadcast %add3A_802 : i32 to vector<16xi32>
        %add3A_804 = arith.addi %mul3A_792, %add3A_803 : vector<16xi32>
        %gather3A_805 = tpu.vector_load_idx %arg30[%add3A_173, %add3A_804] : memref<400x80xf32, #tpu.memory_space<vmem>>[vector<16xi32>, vector<16xi32>], vector<16xf32>,
        %sub3A_806 = arith.subf %gather3A_801, %gather3A_170 : vector<16xf32>
        %sub3A_807 = arith.subf %gather3A_805, %gather3A_171 : vector<16xf32>
        %mul3A_808 = arith.mulf %sub3A_806, %sub3A_806 : vector<16xf32>
        %mul3A_809 = arith.mulf %sub3A_807, %sub3A_807 : vector<16xf32>
        %add3A_810 = arith.addf %mul3A_808, %mul3A_809 : vector<16xf32>
        tpu.vector_store_idx %arg34[%add3A_796], %add3A_810 : memref<400xf32, #tpu.memory_space<vmem>>[vector<16xi32>], vector<16xf32>,
        tpu.vector_store_idx %arg35[%add3A_796], %gather3A_797 : memref<400xf32, #tpu.memory_space<vmem>>[vector<16xi32>], vector<16xf32>,
        %min3A_811 = arith.minimumf %min3A_779, %add3A_810 : vector<16xf32>
        %add3A_812 = arith.constant 20 : i32
        %add3A_813 = vector.broadcast %add3A_812 : i32 to vector<16xi32>
        %add3A_814 = arith.addi %iota3A, %add3A_813 : vector<16xi32>
        %ge3A_815 = arith.constant 25 : i32
        %ge3A_816 = vector.broadcast %ge3A_815 : i32 to vector<16xi32>
        %ge3A_817 = arith.cmpi sge, %add3A_814, %ge3A_816 : vector<16xi32>
        %sub3A_818 = arith.constant 25 : i32
        %sub3A_819 = vector.broadcast %sub3A_818 : i32 to vector<16xi32>
        %sub3A_820 = arith.subi %add3A_814, %sub3A_819 : vector<16xi32>
        %select_n3A_821 = arith.select %ge3A_817, %sub3A_820, %add3A_814 : vector<16xi1>, vector<16xi32>
        %mul3A_822 = arith.constant 3 : i32
        %mul3A_823 = vector.broadcast %mul3A_822 : i32 to vector<16xi32>
        %mul3A_824 = arith.muli %mul3A_823, %select_n3A_821 : vector<16xi32>
        %mul3A_825 = arith.constant 16 : i32
        %mul3A_826 = vector.broadcast %mul3A_825 : i32 to vector<16xi32>
        %mul3A_827 = arith.muli %select_n3A_821, %mul3A_826 : vector<16xi32>
        %add3A_828 = arith.addi %mul3A_827, %iota3A : vector<16xi32>
        %gather3A_829 = tpu.vector_load_idx %arg30[%add3A_173, %mul3A_824] : memref<400x80xf32, #tpu.memory_space<vmem>>[vector<16xi32>, vector<16xi32>], vector<16xf32>,
        %add3A_830 = arith.constant 1 : i32
        %add3A_831 = vector.broadcast %add3A_830 : i32 to vector<16xi32>
        %add3A_832 = arith.addi %mul3A_824, %add3A_831 : vector<16xi32>
        %gather3A_833 = tpu.vector_load_idx %arg30[%add3A_173, %add3A_832] : memref<400x80xf32, #tpu.memory_space<vmem>>[vector<16xi32>, vector<16xi32>], vector<16xf32>,
        %add3A_834 = arith.constant 2 : i32
        %add3A_835 = vector.broadcast %add3A_834 : i32 to vector<16xi32>
        %add3A_836 = arith.addi %mul3A_824, %add3A_835 : vector<16xi32>
        %gather3A_837 = tpu.vector_load_idx %arg30[%add3A_173, %add3A_836] : memref<400x80xf32, #tpu.memory_space<vmem>>[vector<16xi32>, vector<16xi32>], vector<16xf32>,
        %sub3A_838 = arith.subf %gather3A_833, %gather3A_170 : vector<16xf32>
        %sub3A_839 = arith.subf %gather3A_837, %gather3A_171 : vector<16xf32>
        %mul3A_840 = arith.mulf %sub3A_838, %sub3A_838 : vector<16xf32>
        %mul3A_841 = arith.mulf %sub3A_839, %sub3A_839 : vector<16xf32>
        %add3A_842 = arith.addf %mul3A_840, %mul3A_841 : vector<16xf32>
        tpu.vector_store_idx %arg34[%add3A_828], %add3A_842 : memref<400xf32, #tpu.memory_space<vmem>>[vector<16xi32>], vector<16xf32>,
        tpu.vector_store_idx %arg35[%add3A_828], %gather3A_829 : memref<400xf32, #tpu.memory_space<vmem>>[vector<16xi32>], vector<16xf32>,
        %min3A_843 = arith.minimumf %min3A_811, %add3A_842 : vector<16xf32>
        %add3A_844 = arith.constant 21 : i32
        %add3A_845 = vector.broadcast %add3A_844 : i32 to vector<16xi32>
        %add3A_846 = arith.addi %iota3A, %add3A_845 : vector<16xi32>
        %ge3A_847 = arith.constant 25 : i32
        %ge3A_848 = vector.broadcast %ge3A_847 : i32 to vector<16xi32>
        %ge3A_849 = arith.cmpi sge, %add3A_846, %ge3A_848 : vector<16xi32>
        %sub3A_850 = arith.constant 25 : i32
        %sub3A_851 = vector.broadcast %sub3A_850 : i32 to vector<16xi32>
        %sub3A_852 = arith.subi %add3A_846, %sub3A_851 : vector<16xi32>
        %select_n3A_853 = arith.select %ge3A_849, %sub3A_852, %add3A_846 : vector<16xi1>, vector<16xi32>
        %mul3A_854 = arith.constant 3 : i32
        %mul3A_855 = vector.broadcast %mul3A_854 : i32 to vector<16xi32>
        %mul3A_856 = arith.muli %mul3A_855, %select_n3A_853 : vector<16xi32>
        %mul3A_857 = arith.constant 16 : i32
        %mul3A_858 = vector.broadcast %mul3A_857 : i32 to vector<16xi32>
        %mul3A_859 = arith.muli %select_n3A_853, %mul3A_858 : vector<16xi32>
        %add3A_860 = arith.addi %mul3A_859, %iota3A : vector<16xi32>
        %gather3A_861 = tpu.vector_load_idx %arg30[%add3A_173, %mul3A_856] : memref<400x80xf32, #tpu.memory_space<vmem>>[vector<16xi32>, vector<16xi32>], vector<16xf32>,
        %add3A_862 = arith.constant 1 : i32
        %add3A_863 = vector.broadcast %add3A_862 : i32 to vector<16xi32>
        %add3A_864 = arith.addi %mul3A_856, %add3A_863 : vector<16xi32>
        %gather3A_865 = tpu.vector_load_idx %arg30[%add3A_173, %add3A_864] : memref<400x80xf32, #tpu.memory_space<vmem>>[vector<16xi32>, vector<16xi32>], vector<16xf32>,
        %add3A_866 = arith.constant 2 : i32
        %add3A_867 = vector.broadcast %add3A_866 : i32 to vector<16xi32>
        %add3A_868 = arith.addi %mul3A_856, %add3A_867 : vector<16xi32>
        %gather3A_869 = tpu.vector_load_idx %arg30[%add3A_173, %add3A_868] : memref<400x80xf32, #tpu.memory_space<vmem>>[vector<16xi32>, vector<16xi32>], vector<16xf32>,
        %sub3A_870 = arith.subf %gather3A_865, %gather3A_170 : vector<16xf32>
        %sub3A_871 = arith.subf %gather3A_869, %gather3A_171 : vector<16xf32>
        %mul3A_872 = arith.mulf %sub3A_870, %sub3A_870 : vector<16xf32>
        %mul3A_873 = arith.mulf %sub3A_871, %sub3A_871 : vector<16xf32>
        %add3A_874 = arith.addf %mul3A_872, %mul3A_873 : vector<16xf32>
        tpu.vector_store_idx %arg34[%add3A_860], %add3A_874 : memref<400xf32, #tpu.memory_space<vmem>>[vector<16xi32>], vector<16xf32>,
        tpu.vector_store_idx %arg35[%add3A_860], %gather3A_861 : memref<400xf32, #tpu.memory_space<vmem>>[vector<16xi32>], vector<16xf32>,
        %min3A_875 = arith.minimumf %min3A_843, %add3A_874 : vector<16xf32>
        %add3A_876 = arith.constant 22 : i32
        %add3A_877 = vector.broadcast %add3A_876 : i32 to vector<16xi32>
        %add3A_878 = arith.addi %iota3A, %add3A_877 : vector<16xi32>
        %ge3A_879 = arith.constant 25 : i32
        %ge3A_880 = vector.broadcast %ge3A_879 : i32 to vector<16xi32>
        %ge3A_881 = arith.cmpi sge, %add3A_878, %ge3A_880 : vector<16xi32>
        %sub3A_882 = arith.constant 25 : i32
        %sub3A_883 = vector.broadcast %sub3A_882 : i32 to vector<16xi32>
        %sub3A_884 = arith.subi %add3A_878, %sub3A_883 : vector<16xi32>
        %select_n3A_885 = arith.select %ge3A_881, %sub3A_884, %add3A_878 : vector<16xi1>, vector<16xi32>
        %mul3A_886 = arith.constant 3 : i32
        %mul3A_887 = vector.broadcast %mul3A_886 : i32 to vector<16xi32>
        %mul3A_888 = arith.muli %mul3A_887, %select_n3A_885 : vector<16xi32>
        %mul3A_889 = arith.constant 16 : i32
        %mul3A_890 = vector.broadcast %mul3A_889 : i32 to vector<16xi32>
        %mul3A_891 = arith.muli %select_n3A_885, %mul3A_890 : vector<16xi32>
        %add3A_892 = arith.addi %mul3A_891, %iota3A : vector<16xi32>
        %gather3A_893 = tpu.vector_load_idx %arg30[%add3A_173, %mul3A_888] : memref<400x80xf32, #tpu.memory_space<vmem>>[vector<16xi32>, vector<16xi32>], vector<16xf32>,
        %add3A_894 = arith.constant 1 : i32
        %add3A_895 = vector.broadcast %add3A_894 : i32 to vector<16xi32>
        %add3A_896 = arith.addi %mul3A_888, %add3A_895 : vector<16xi32>
        %gather3A_897 = tpu.vector_load_idx %arg30[%add3A_173, %add3A_896] : memref<400x80xf32, #tpu.memory_space<vmem>>[vector<16xi32>, vector<16xi32>], vector<16xf32>,
        %add3A_898 = arith.constant 2 : i32
        %add3A_899 = vector.broadcast %add3A_898 : i32 to vector<16xi32>
        %add3A_900 = arith.addi %mul3A_888, %add3A_899 : vector<16xi32>
        %gather3A_901 = tpu.vector_load_idx %arg30[%add3A_173, %add3A_900] : memref<400x80xf32, #tpu.memory_space<vmem>>[vector<16xi32>, vector<16xi32>], vector<16xf32>,
        %sub3A_902 = arith.subf %gather3A_897, %gather3A_170 : vector<16xf32>
        %sub3A_903 = arith.subf %gather3A_901, %gather3A_171 : vector<16xf32>
        %mul3A_904 = arith.mulf %sub3A_902, %sub3A_902 : vector<16xf32>
        %mul3A_905 = arith.mulf %sub3A_903, %sub3A_903 : vector<16xf32>
        %add3A_906 = arith.addf %mul3A_904, %mul3A_905 : vector<16xf32>
        tpu.vector_store_idx %arg34[%add3A_892], %add3A_906 : memref<400xf32, #tpu.memory_space<vmem>>[vector<16xi32>], vector<16xf32>,
        tpu.vector_store_idx %arg35[%add3A_892], %gather3A_893 : memref<400xf32, #tpu.memory_space<vmem>>[vector<16xi32>], vector<16xf32>,
        %min3A_907 = arith.minimumf %min3A_875, %add3A_906 : vector<16xf32>
        %add3A_908 = arith.constant 23 : i32
        %add3A_909 = vector.broadcast %add3A_908 : i32 to vector<16xi32>
        %add3A_910 = arith.addi %iota3A, %add3A_909 : vector<16xi32>
        %ge3A_911 = arith.constant 25 : i32
        %ge3A_912 = vector.broadcast %ge3A_911 : i32 to vector<16xi32>
        %ge3A_913 = arith.cmpi sge, %add3A_910, %ge3A_912 : vector<16xi32>
        %sub3A_914 = arith.constant 25 : i32
        %sub3A_915 = vector.broadcast %sub3A_914 : i32 to vector<16xi32>
        %sub3A_916 = arith.subi %add3A_910, %sub3A_915 : vector<16xi32>
        %select_n3A_917 = arith.select %ge3A_913, %sub3A_916, %add3A_910 : vector<16xi1>, vector<16xi32>
        %mul3A_918 = arith.constant 3 : i32
        %mul3A_919 = vector.broadcast %mul3A_918 : i32 to vector<16xi32>
        %mul3A_920 = arith.muli %mul3A_919, %select_n3A_917 : vector<16xi32>
        %mul3A_921 = arith.constant 16 : i32
        %mul3A_922 = vector.broadcast %mul3A_921 : i32 to vector<16xi32>
        %mul3A_923 = arith.muli %select_n3A_917, %mul3A_922 : vector<16xi32>
        %add3A_924 = arith.addi %mul3A_923, %iota3A : vector<16xi32>
        %gather3A_925 = tpu.vector_load_idx %arg30[%add3A_173, %mul3A_920] : memref<400x80xf32, #tpu.memory_space<vmem>>[vector<16xi32>, vector<16xi32>], vector<16xf32>,
        %add3A_926 = arith.constant 1 : i32
        %add3A_927 = vector.broadcast %add3A_926 : i32 to vector<16xi32>
        %add3A_928 = arith.addi %mul3A_920, %add3A_927 : vector<16xi32>
        %gather3A_929 = tpu.vector_load_idx %arg30[%add3A_173, %add3A_928] : memref<400x80xf32, #tpu.memory_space<vmem>>[vector<16xi32>, vector<16xi32>], vector<16xf32>,
        %add3A_930 = arith.constant 2 : i32
        %add3A_931 = vector.broadcast %add3A_930 : i32 to vector<16xi32>
        %add3A_932 = arith.addi %mul3A_920, %add3A_931 : vector<16xi32>
        %gather3A_933 = tpu.vector_load_idx %arg30[%add3A_173, %add3A_932] : memref<400x80xf32, #tpu.memory_space<vmem>>[vector<16xi32>, vector<16xi32>], vector<16xf32>,
        %sub3A_934 = arith.subf %gather3A_929, %gather3A_170 : vector<16xf32>
        %sub3A_935 = arith.subf %gather3A_933, %gather3A_171 : vector<16xf32>
        %mul3A_936 = arith.mulf %sub3A_934, %sub3A_934 : vector<16xf32>
        %mul3A_937 = arith.mulf %sub3A_935, %sub3A_935 : vector<16xf32>
        %add3A_938 = arith.addf %mul3A_936, %mul3A_937 : vector<16xf32>
        tpu.vector_store_idx %arg34[%add3A_924], %add3A_938 : memref<400xf32, #tpu.memory_space<vmem>>[vector<16xi32>], vector<16xf32>,
        tpu.vector_store_idx %arg35[%add3A_924], %gather3A_925 : memref<400xf32, #tpu.memory_space<vmem>>[vector<16xi32>], vector<16xf32>,
        %min3A_939 = arith.minimumf %min3A_907, %add3A_938 : vector<16xf32>
        %add3A_940 = arith.constant 24 : i32
        %add3A_941 = vector.broadcast %add3A_940 : i32 to vector<16xi32>
        %add3A_942 = arith.addi %iota3A, %add3A_941 : vector<16xi32>
        %ge3A_943 = arith.constant 25 : i32
        %ge3A_944 = vector.broadcast %ge3A_943 : i32 to vector<16xi32>
        %ge3A_945 = arith.cmpi sge, %add3A_942, %ge3A_944 : vector<16xi32>
        %sub3A_946 = arith.constant 25 : i32
        %sub3A_947 = vector.broadcast %sub3A_946 : i32 to vector<16xi32>
        %sub3A_948 = arith.subi %add3A_942, %sub3A_947 : vector<16xi32>
        %select_n3A_949 = arith.select %ge3A_945, %sub3A_948, %add3A_942 : vector<16xi1>, vector<16xi32>
        %mul3A_950 = arith.constant 3 : i32
        %mul3A_951 = vector.broadcast %mul3A_950 : i32 to vector<16xi32>
        %mul3A_952 = arith.muli %mul3A_951, %select_n3A_949 : vector<16xi32>
        %mul3A_953 = arith.constant 16 : i32
        %mul3A_954 = vector.broadcast %mul3A_953 : i32 to vector<16xi32>
        %mul3A_955 = arith.muli %select_n3A_949, %mul3A_954 : vector<16xi32>
        %add3A_956 = arith.addi %mul3A_955, %iota3A : vector<16xi32>
        %gather3A_957 = tpu.vector_load_idx %arg30[%add3A_173, %mul3A_952] : memref<400x80xf32, #tpu.memory_space<vmem>>[vector<16xi32>, vector<16xi32>], vector<16xf32>,
        %add3A_958 = arith.constant 1 : i32
        %add3A_959 = vector.broadcast %add3A_958 : i32 to vector<16xi32>
        %add3A_960 = arith.addi %mul3A_952, %add3A_959 : vector<16xi32>
        %gather3A_961 = tpu.vector_load_idx %arg30[%add3A_173, %add3A_960] : memref<400x80xf32, #tpu.memory_space<vmem>>[vector<16xi32>, vector<16xi32>], vector<16xf32>,
        %add3A_962 = arith.constant 2 : i32
        %add3A_963 = vector.broadcast %add3A_962 : i32 to vector<16xi32>
        %add3A_964 = arith.addi %mul3A_952, %add3A_963 : vector<16xi32>
        %gather3A_965 = tpu.vector_load_idx %arg30[%add3A_173, %add3A_964] : memref<400x80xf32, #tpu.memory_space<vmem>>[vector<16xi32>, vector<16xi32>], vector<16xf32>,
        %sub3A_966 = arith.subf %gather3A_961, %gather3A_170 : vector<16xf32>
        %sub3A_967 = arith.subf %gather3A_965, %gather3A_171 : vector<16xf32>
        %mul3A_968 = arith.mulf %sub3A_966, %sub3A_966 : vector<16xf32>
        %mul3A_969 = arith.mulf %sub3A_967, %sub3A_967 : vector<16xf32>
        %add3A_970 = arith.addf %mul3A_968, %mul3A_969 : vector<16xf32>
        tpu.vector_store_idx %arg34[%add3A_956], %add3A_970 : memref<400xf32, #tpu.memory_space<vmem>>[vector<16xi32>], vector<16xf32>,
        tpu.vector_store_idx %arg35[%add3A_956], %gather3A_957 : memref<400xf32, #tpu.memory_space<vmem>>[vector<16xi32>], vector<16xf32>,
        %min3A_971 = arith.minimumf %min3A_939, %add3A_970 : vector<16xf32>
        %get3A_972 = arith.constant 0 : index
        %get3A_973 = tpu.vector_load %arg34[%get3A_972] {strides = array<i32>} : memref<400xf32, #tpu.memory_space<vmem>>, vector<16xf32>,
        %get3A_974 = arith.constant 0 : index
        %get3A_975 = tpu.vector_load %arg35[%get3A_974] {strides = array<i32>} : memref<400xf32, #tpu.memory_space<vmem>>, vector<16xf32>,
        %sub3A_976 = arith.subf %get3A_973, %min3A_971 : vector<16xf32>
        %mul3A_977 = arith.constant -4.000000e+00 : f32
        %mul3A_978 = vector.broadcast %mul3A_977 : f32 to vector<16xf32>
        %mul3A_979 = arith.mulf %mul3A_978, %sub3A_976 : vector<16xf32>
        %exp3A = math.exp %mul3A_979 : vector<16xf32>
        %add3A_980 = arith.addf %broadcast_in_dim3A_1, %exp3A : vector<16xf32>
        %mul3A_981 = arith.mulf %exp3A, %get3A_975 : vector<16xf32>
        %add3A_982 = arith.addf %broadcast_in_dim3A_1, %mul3A_981 : vector<16xf32>
        %get3A_983 = arith.constant 16 : index
        %get3A_984 = tpu.vector_load %arg34[%get3A_983] {strides = array<i32>} : memref<400xf32, #tpu.memory_space<vmem>>, vector<16xf32>,
        %get3A_985 = arith.constant 16 : index
        %get3A_986 = tpu.vector_load %arg35[%get3A_985] {strides = array<i32>} : memref<400xf32, #tpu.memory_space<vmem>>, vector<16xf32>,
        %sub3A_987 = arith.subf %get3A_984, %min3A_971 : vector<16xf32>
        %mul3A_988 = arith.constant -4.000000e+00 : f32
        %mul3A_989 = vector.broadcast %mul3A_988 : f32 to vector<16xf32>
        %mul3A_990 = arith.mulf %mul3A_989, %sub3A_987 : vector<16xf32>
        %exp3A_991 = math.exp %mul3A_990 : vector<16xf32>
        %add3A_992 = arith.addf %add3A_980, %exp3A_991 : vector<16xf32>
        %mul3A_993 = arith.mulf %exp3A_991, %get3A_986 : vector<16xf32>
        %add3A_994 = arith.addf %add3A_982, %mul3A_993 : vector<16xf32>
        %get3A_995 = arith.constant 32 : index
        %get3A_996 = tpu.vector_load %arg34[%get3A_995] {strides = array<i32>} : memref<400xf32, #tpu.memory_space<vmem>>, vector<16xf32>,
        %get3A_997 = arith.constant 32 : index
        %get3A_998 = tpu.vector_load %arg35[%get3A_997] {strides = array<i32>} : memref<400xf32, #tpu.memory_space<vmem>>, vector<16xf32>,
        %sub3A_999 = arith.subf %get3A_996, %min3A_971 : vector<16xf32>
        %mul3A_1000 = arith.constant -4.000000e+00 : f32
        %mul3A_1001 = vector.broadcast %mul3A_1000 : f32 to vector<16xf32>
        %mul3A_1002 = arith.mulf %mul3A_1001, %sub3A_999 : vector<16xf32>
        %exp3A_1003 = math.exp %mul3A_1002 : vector<16xf32>
        %add3A_1004 = arith.addf %add3A_992, %exp3A_1003 : vector<16xf32>
        %mul3A_1005 = arith.mulf %exp3A_1003, %get3A_998 : vector<16xf32>
        %add3A_1006 = arith.addf %add3A_994, %mul3A_1005 : vector<16xf32>
        %get3A_1007 = arith.constant 48 : index
        %get3A_1008 = tpu.vector_load %arg34[%get3A_1007] {strides = array<i32>} : memref<400xf32, #tpu.memory_space<vmem>>, vector<16xf32>,
        %get3A_1009 = arith.constant 48 : index
        %get3A_1010 = tpu.vector_load %arg35[%get3A_1009] {strides = array<i32>} : memref<400xf32, #tpu.memory_space<vmem>>, vector<16xf32>,
        %sub3A_1011 = arith.subf %get3A_1008, %min3A_971 : vector<16xf32>
        %mul3A_1012 = arith.constant -4.000000e+00 : f32
        %mul3A_1013 = vector.broadcast %mul3A_1012 : f32 to vector<16xf32>
        %mul3A_1014 = arith.mulf %mul3A_1013, %sub3A_1011 : vector<16xf32>
        %exp3A_1015 = math.exp %mul3A_1014 : vector<16xf32>
        %add3A_1016 = arith.addf %add3A_1004, %exp3A_1015 : vector<16xf32>
        %mul3A_1017 = arith.mulf %exp3A_1015, %get3A_1010 : vector<16xf32>
        %add3A_1018 = arith.addf %add3A_1006, %mul3A_1017 : vector<16xf32>
        %get3A_1019 = arith.constant 64 : index
        %get3A_1020 = tpu.vector_load %arg34[%get3A_1019] {strides = array<i32>} : memref<400xf32, #tpu.memory_space<vmem>>, vector<16xf32>,
        %get3A_1021 = arith.constant 64 : index
        %get3A_1022 = tpu.vector_load %arg35[%get3A_1021] {strides = array<i32>} : memref<400xf32, #tpu.memory_space<vmem>>, vector<16xf32>,
        %sub3A_1023 = arith.subf %get3A_1020, %min3A_971 : vector<16xf32>
        %mul3A_1024 = arith.constant -4.000000e+00 : f32
        %mul3A_1025 = vector.broadcast %mul3A_1024 : f32 to vector<16xf32>
        %mul3A_1026 = arith.mulf %mul3A_1025, %sub3A_1023 : vector<16xf32>
        %exp3A_1027 = math.exp %mul3A_1026 : vector<16xf32>
        %add3A_1028 = arith.addf %add3A_1016, %exp3A_1027 : vector<16xf32>
        %mul3A_1029 = arith.mulf %exp3A_1027, %get3A_1022 : vector<16xf32>
        %add3A_1030 = arith.addf %add3A_1018, %mul3A_1029 : vector<16xf32>
        %get3A_1031 = arith.constant 80 : index
        %get3A_1032 = tpu.vector_load %arg34[%get3A_1031] {strides = array<i32>} : memref<400xf32, #tpu.memory_space<vmem>>, vector<16xf32>,
        %get3A_1033 = arith.constant 80 : index
        %get3A_1034 = tpu.vector_load %arg35[%get3A_1033] {strides = array<i32>} : memref<400xf32, #tpu.memory_space<vmem>>, vector<16xf32>,
        %sub3A_1035 = arith.subf %get3A_1032, %min3A_971 : vector<16xf32>
        %mul3A_1036 = arith.constant -4.000000e+00 : f32
        %mul3A_1037 = vector.broadcast %mul3A_1036 : f32 to vector<16xf32>
        %mul3A_1038 = arith.mulf %mul3A_1037, %sub3A_1035 : vector<16xf32>
        %exp3A_1039 = math.exp %mul3A_1038 : vector<16xf32>
        %add3A_1040 = arith.addf %add3A_1028, %exp3A_1039 : vector<16xf32>
        %mul3A_1041 = arith.mulf %exp3A_1039, %get3A_1034 : vector<16xf32>
        %add3A_1042 = arith.addf %add3A_1030, %mul3A_1041 : vector<16xf32>
        %get3A_1043 = arith.constant 96 : index
        %get3A_1044 = tpu.vector_load %arg34[%get3A_1043] {strides = array<i32>} : memref<400xf32, #tpu.memory_space<vmem>>, vector<16xf32>,
        %get3A_1045 = arith.constant 96 : index
        %get3A_1046 = tpu.vector_load %arg35[%get3A_1045] {strides = array<i32>} : memref<400xf32, #tpu.memory_space<vmem>>, vector<16xf32>,
        %sub3A_1047 = arith.subf %get3A_1044, %min3A_971 : vector<16xf32>
        %mul3A_1048 = arith.constant -4.000000e+00 : f32
        %mul3A_1049 = vector.broadcast %mul3A_1048 : f32 to vector<16xf32>
        %mul3A_1050 = arith.mulf %mul3A_1049, %sub3A_1047 : vector<16xf32>
        %exp3A_1051 = math.exp %mul3A_1050 : vector<16xf32>
        %add3A_1052 = arith.addf %add3A_1040, %exp3A_1051 : vector<16xf32>
        %mul3A_1053 = arith.mulf %exp3A_1051, %get3A_1046 : vector<16xf32>
        %add3A_1054 = arith.addf %add3A_1042, %mul3A_1053 : vector<16xf32>
        %get3A_1055 = arith.constant 112 : index
        %get3A_1056 = tpu.vector_load %arg34[%get3A_1055] {strides = array<i32>} : memref<400xf32, #tpu.memory_space<vmem>>, vector<16xf32>,
        %get3A_1057 = arith.constant 112 : index
        %get3A_1058 = tpu.vector_load %arg35[%get3A_1057] {strides = array<i32>} : memref<400xf32, #tpu.memory_space<vmem>>, vector<16xf32>,
        %sub3A_1059 = arith.subf %get3A_1056, %min3A_971 : vector<16xf32>
        %mul3A_1060 = arith.constant -4.000000e+00 : f32
        %mul3A_1061 = vector.broadcast %mul3A_1060 : f32 to vector<16xf32>
        %mul3A_1062 = arith.mulf %mul3A_1061, %sub3A_1059 : vector<16xf32>
        %exp3A_1063 = math.exp %mul3A_1062 : vector<16xf32>
        %add3A_1064 = arith.addf %add3A_1052, %exp3A_1063 : vector<16xf32>
        %mul3A_1065 = arith.mulf %exp3A_1063, %get3A_1058 : vector<16xf32>
        %add3A_1066 = arith.addf %add3A_1054, %mul3A_1065 : vector<16xf32>
        %get3A_1067 = arith.constant 128 : index
        %get3A_1068 = tpu.vector_load %arg34[%get3A_1067] {strides = array<i32>} : memref<400xf32, #tpu.memory_space<vmem>>, vector<16xf32>,
        %get3A_1069 = arith.constant 128 : index
        %get3A_1070 = tpu.vector_load %arg35[%get3A_1069] {strides = array<i32>} : memref<400xf32, #tpu.memory_space<vmem>>, vector<16xf32>,
        %sub3A_1071 = arith.subf %get3A_1068, %min3A_971 : vector<16xf32>
        %mul3A_1072 = arith.constant -4.000000e+00 : f32
        %mul3A_1073 = vector.broadcast %mul3A_1072 : f32 to vector<16xf32>
        %mul3A_1074 = arith.mulf %mul3A_1073, %sub3A_1071 : vector<16xf32>
        %exp3A_1075 = math.exp %mul3A_1074 : vector<16xf32>
        %add3A_1076 = arith.addf %add3A_1064, %exp3A_1075 : vector<16xf32>
        %mul3A_1077 = arith.mulf %exp3A_1075, %get3A_1070 : vector<16xf32>
        %add3A_1078 = arith.addf %add3A_1066, %mul3A_1077 : vector<16xf32>
        %get3A_1079 = arith.constant 144 : index
        %get3A_1080 = tpu.vector_load %arg34[%get3A_1079] {strides = array<i32>} : memref<400xf32, #tpu.memory_space<vmem>>, vector<16xf32>,
        %get3A_1081 = arith.constant 144 : index
        %get3A_1082 = tpu.vector_load %arg35[%get3A_1081] {strides = array<i32>} : memref<400xf32, #tpu.memory_space<vmem>>, vector<16xf32>,
        %sub3A_1083 = arith.subf %get3A_1080, %min3A_971 : vector<16xf32>
        %mul3A_1084 = arith.constant -4.000000e+00 : f32
        %mul3A_1085 = vector.broadcast %mul3A_1084 : f32 to vector<16xf32>
        %mul3A_1086 = arith.mulf %mul3A_1085, %sub3A_1083 : vector<16xf32>
        %exp3A_1087 = math.exp %mul3A_1086 : vector<16xf32>
        %add3A_1088 = arith.addf %add3A_1076, %exp3A_1087 : vector<16xf32>
        %mul3A_1089 = arith.mulf %exp3A_1087, %get3A_1082 : vector<16xf32>
        %add3A_1090 = arith.addf %add3A_1078, %mul3A_1089 : vector<16xf32>
        %get3A_1091 = arith.constant 160 : index
        %get3A_1092 = tpu.vector_load %arg34[%get3A_1091] {strides = array<i32>} : memref<400xf32, #tpu.memory_space<vmem>>, vector<16xf32>,
        %get3A_1093 = arith.constant 160 : index
        %get3A_1094 = tpu.vector_load %arg35[%get3A_1093] {strides = array<i32>} : memref<400xf32, #tpu.memory_space<vmem>>, vector<16xf32>,
        %sub3A_1095 = arith.subf %get3A_1092, %min3A_971 : vector<16xf32>
        %mul3A_1096 = arith.constant -4.000000e+00 : f32
        %mul3A_1097 = vector.broadcast %mul3A_1096 : f32 to vector<16xf32>
        %mul3A_1098 = arith.mulf %mul3A_1097, %sub3A_1095 : vector<16xf32>
        %exp3A_1099 = math.exp %mul3A_1098 : vector<16xf32>
        %add3A_1100 = arith.addf %add3A_1088, %exp3A_1099 : vector<16xf32>
        %mul3A_1101 = arith.mulf %exp3A_1099, %get3A_1094 : vector<16xf32>
        %add3A_1102 = arith.addf %add3A_1090, %mul3A_1101 : vector<16xf32>
        %get3A_1103 = arith.constant 176 : index
        %get3A_1104 = tpu.vector_load %arg34[%get3A_1103] {strides = array<i32>} : memref<400xf32, #tpu.memory_space<vmem>>, vector<16xf32>,
        %get3A_1105 = arith.constant 176 : index
        %get3A_1106 = tpu.vector_load %arg35[%get3A_1105] {strides = array<i32>} : memref<400xf32, #tpu.memory_space<vmem>>, vector<16xf32>,
        %sub3A_1107 = arith.subf %get3A_1104, %min3A_971 : vector<16xf32>
        %mul3A_1108 = arith.constant -4.000000e+00 : f32
        %mul3A_1109 = vector.broadcast %mul3A_1108 : f32 to vector<16xf32>
        %mul3A_1110 = arith.mulf %mul3A_1109, %sub3A_1107 : vector<16xf32>
        %exp3A_1111 = math.exp %mul3A_1110 : vector<16xf32>
        %add3A_1112 = arith.addf %add3A_1100, %exp3A_1111 : vector<16xf32>
        %mul3A_1113 = arith.mulf %exp3A_1111, %get3A_1106 : vector<16xf32>
        %add3A_1114 = arith.addf %add3A_1102, %mul3A_1113 : vector<16xf32>
        %get3A_1115 = arith.constant 192 : index
        %get3A_1116 = tpu.vector_load %arg34[%get3A_1115] {strides = array<i32>} : memref<400xf32, #tpu.memory_space<vmem>>, vector<16xf32>,
        %get3A_1117 = arith.constant 192 : index
        %get3A_1118 = tpu.vector_load %arg35[%get3A_1117] {strides = array<i32>} : memref<400xf32, #tpu.memory_space<vmem>>, vector<16xf32>,
        %sub3A_1119 = arith.subf %get3A_1116, %min3A_971 : vector<16xf32>
        %mul3A_1120 = arith.constant -4.000000e+00 : f32
        %mul3A_1121 = vector.broadcast %mul3A_1120 : f32 to vector<16xf32>
        %mul3A_1122 = arith.mulf %mul3A_1121, %sub3A_1119 : vector<16xf32>
        %exp3A_1123 = math.exp %mul3A_1122 : vector<16xf32>
        %add3A_1124 = arith.addf %add3A_1112, %exp3A_1123 : vector<16xf32>
        %mul3A_1125 = arith.mulf %exp3A_1123, %get3A_1118 : vector<16xf32>
        %add3A_1126 = arith.addf %add3A_1114, %mul3A_1125 : vector<16xf32>
        %get3A_1127 = arith.constant 208 : index
        %get3A_1128 = tpu.vector_load %arg34[%get3A_1127] {strides = array<i32>} : memref<400xf32, #tpu.memory_space<vmem>>, vector<16xf32>,
        %get3A_1129 = arith.constant 208 : index
        %get3A_1130 = tpu.vector_load %arg35[%get3A_1129] {strides = array<i32>} : memref<400xf32, #tpu.memory_space<vmem>>, vector<16xf32>,
        %sub3A_1131 = arith.subf %get3A_1128, %min3A_971 : vector<16xf32>
        %mul3A_1132 = arith.constant -4.000000e+00 : f32
        %mul3A_1133 = vector.broadcast %mul3A_1132 : f32 to vector<16xf32>
        %mul3A_1134 = arith.mulf %mul3A_1133, %sub3A_1131 : vector<16xf32>
        %exp3A_1135 = math.exp %mul3A_1134 : vector<16xf32>
        %add3A_1136 = arith.addf %add3A_1124, %exp3A_1135 : vector<16xf32>
        %mul3A_1137 = arith.mulf %exp3A_1135, %get3A_1130 : vector<16xf32>
        %add3A_1138 = arith.addf %add3A_1126, %mul3A_1137 : vector<16xf32>
        %get3A_1139 = arith.constant 224 : index
        %get3A_1140 = tpu.vector_load %arg34[%get3A_1139] {strides = array<i32>} : memref<400xf32, #tpu.memory_space<vmem>>, vector<16xf32>,
        %get3A_1141 = arith.constant 224 : index
        %get3A_1142 = tpu.vector_load %arg35[%get3A_1141] {strides = array<i32>} : memref<400xf32, #tpu.memory_space<vmem>>, vector<16xf32>,
        %sub3A_1143 = arith.subf %get3A_1140, %min3A_971 : vector<16xf32>
        %mul3A_1144 = arith.constant -4.000000e+00 : f32
        %mul3A_1145 = vector.broadcast %mul3A_1144 : f32 to vector<16xf32>
        %mul3A_1146 = arith.mulf %mul3A_1145, %sub3A_1143 : vector<16xf32>
        %exp3A_1147 = math.exp %mul3A_1146 : vector<16xf32>
        %add3A_1148 = arith.addf %add3A_1136, %exp3A_1147 : vector<16xf32>
        %mul3A_1149 = arith.mulf %exp3A_1147, %get3A_1142 : vector<16xf32>
        %add3A_1150 = arith.addf %add3A_1138, %mul3A_1149 : vector<16xf32>
        %get3A_1151 = arith.constant 240 : index
        %get3A_1152 = tpu.vector_load %arg34[%get3A_1151] {strides = array<i32>} : memref<400xf32, #tpu.memory_space<vmem>>, vector<16xf32>,
        %get3A_1153 = arith.constant 240 : index
        %get3A_1154 = tpu.vector_load %arg35[%get3A_1153] {strides = array<i32>} : memref<400xf32, #tpu.memory_space<vmem>>, vector<16xf32>,
        %sub3A_1155 = arith.subf %get3A_1152, %min3A_971 : vector<16xf32>
        %mul3A_1156 = arith.constant -4.000000e+00 : f32
        %mul3A_1157 = vector.broadcast %mul3A_1156 : f32 to vector<16xf32>
        %mul3A_1158 = arith.mulf %mul3A_1157, %sub3A_1155 : vector<16xf32>
        %exp3A_1159 = math.exp %mul3A_1158 : vector<16xf32>
        %add3A_1160 = arith.addf %add3A_1148, %exp3A_1159 : vector<16xf32>
        %mul3A_1161 = arith.mulf %exp3A_1159, %get3A_1154 : vector<16xf32>
        %add3A_1162 = arith.addf %add3A_1150, %mul3A_1161 : vector<16xf32>
        %get3A_1163 = arith.constant 256 : index
        %get3A_1164 = tpu.vector_load %arg34[%get3A_1163] {strides = array<i32>} : memref<400xf32, #tpu.memory_space<vmem>>, vector<16xf32>,
        %get3A_1165 = arith.constant 256 : index
        %get3A_1166 = tpu.vector_load %arg35[%get3A_1165] {strides = array<i32>} : memref<400xf32, #tpu.memory_space<vmem>>, vector<16xf32>,
        %sub3A_1167 = arith.subf %get3A_1164, %min3A_971 : vector<16xf32>
        %mul3A_1168 = arith.constant -4.000000e+00 : f32
        %mul3A_1169 = vector.broadcast %mul3A_1168 : f32 to vector<16xf32>
        %mul3A_1170 = arith.mulf %mul3A_1169, %sub3A_1167 : vector<16xf32>
        %exp3A_1171 = math.exp %mul3A_1170 : vector<16xf32>
        %add3A_1172 = arith.addf %add3A_1160, %exp3A_1171 : vector<16xf32>
        %mul3A_1173 = arith.mulf %exp3A_1171, %get3A_1166 : vector<16xf32>
        %add3A_1174 = arith.addf %add3A_1162, %mul3A_1173 : vector<16xf32>
        %get3A_1175 = arith.constant 272 : index
        %get3A_1176 = tpu.vector_load %arg34[%get3A_1175] {strides = array<i32>} : memref<400xf32, #tpu.memory_space<vmem>>, vector<16xf32>,
        %get3A_1177 = arith.constant 272 : index
        %get3A_1178 = tpu.vector_load %arg35[%get3A_1177] {strides = array<i32>} : memref<400xf32, #tpu.memory_space<vmem>>, vector<16xf32>,
        %sub3A_1179 = arith.subf %get3A_1176, %min3A_971 : vector<16xf32>
        %mul3A_1180 = arith.constant -4.000000e+00 : f32
        %mul3A_1181 = vector.broadcast %mul3A_1180 : f32 to vector<16xf32>
        %mul3A_1182 = arith.mulf %mul3A_1181, %sub3A_1179 : vector<16xf32>
        %exp3A_1183 = math.exp %mul3A_1182 : vector<16xf32>
        %add3A_1184 = arith.addf %add3A_1172, %exp3A_1183 : vector<16xf32>
        %mul3A_1185 = arith.mulf %exp3A_1183, %get3A_1178 : vector<16xf32>
        %add3A_1186 = arith.addf %add3A_1174, %mul3A_1185 : vector<16xf32>
        %get3A_1187 = arith.constant 288 : index
        %get3A_1188 = tpu.vector_load %arg34[%get3A_1187] {strides = array<i32>} : memref<400xf32, #tpu.memory_space<vmem>>, vector<16xf32>,
        %get3A_1189 = arith.constant 288 : index
        %get3A_1190 = tpu.vector_load %arg35[%get3A_1189] {strides = array<i32>} : memref<400xf32, #tpu.memory_space<vmem>>, vector<16xf32>,
        %sub3A_1191 = arith.subf %get3A_1188, %min3A_971 : vector<16xf32>
        %mul3A_1192 = arith.constant -4.000000e+00 : f32
        %mul3A_1193 = vector.broadcast %mul3A_1192 : f32 to vector<16xf32>
        %mul3A_1194 = arith.mulf %mul3A_1193, %sub3A_1191 : vector<16xf32>
        %exp3A_1195 = math.exp %mul3A_1194 : vector<16xf32>
        %add3A_1196 = arith.addf %add3A_1184, %exp3A_1195 : vector<16xf32>
        %mul3A_1197 = arith.mulf %exp3A_1195, %get3A_1190 : vector<16xf32>
        %add3A_1198 = arith.addf %add3A_1186, %mul3A_1197 : vector<16xf32>
        %get3A_1199 = arith.constant 304 : index
        %get3A_1200 = tpu.vector_load %arg34[%get3A_1199] {strides = array<i32>} : memref<400xf32, #tpu.memory_space<vmem>>, vector<16xf32>,
        %get3A_1201 = arith.constant 304 : index
        %get3A_1202 = tpu.vector_load %arg35[%get3A_1201] {strides = array<i32>} : memref<400xf32, #tpu.memory_space<vmem>>, vector<16xf32>,
        %sub3A_1203 = arith.subf %get3A_1200, %min3A_971 : vector<16xf32>
        %mul3A_1204 = arith.constant -4.000000e+00 : f32
        %mul3A_1205 = vector.broadcast %mul3A_1204 : f32 to vector<16xf32>
        %mul3A_1206 = arith.mulf %mul3A_1205, %sub3A_1203 : vector<16xf32>
        %exp3A_1207 = math.exp %mul3A_1206 : vector<16xf32>
        %add3A_1208 = arith.addf %add3A_1196, %exp3A_1207 : vector<16xf32>
        %mul3A_1209 = arith.mulf %exp3A_1207, %get3A_1202 : vector<16xf32>
        %add3A_1210 = arith.addf %add3A_1198, %mul3A_1209 : vector<16xf32>
        %get3A_1211 = arith.constant 320 : index
        %get3A_1212 = tpu.vector_load %arg34[%get3A_1211] {strides = array<i32>} : memref<400xf32, #tpu.memory_space<vmem>>, vector<16xf32>,
        %get3A_1213 = arith.constant 320 : index
        %get3A_1214 = tpu.vector_load %arg35[%get3A_1213] {strides = array<i32>} : memref<400xf32, #tpu.memory_space<vmem>>, vector<16xf32>,
        %sub3A_1215 = arith.subf %get3A_1212, %min3A_971 : vector<16xf32>
        %mul3A_1216 = arith.constant -4.000000e+00 : f32
        %mul3A_1217 = vector.broadcast %mul3A_1216 : f32 to vector<16xf32>
        %mul3A_1218 = arith.mulf %mul3A_1217, %sub3A_1215 : vector<16xf32>
        %exp3A_1219 = math.exp %mul3A_1218 : vector<16xf32>
        %add3A_1220 = arith.addf %add3A_1208, %exp3A_1219 : vector<16xf32>
        %mul3A_1221 = arith.mulf %exp3A_1219, %get3A_1214 : vector<16xf32>
        %add3A_1222 = arith.addf %add3A_1210, %mul3A_1221 : vector<16xf32>
        %get3A_1223 = arith.constant 336 : index
        %get3A_1224 = tpu.vector_load %arg34[%get3A_1223] {strides = array<i32>} : memref<400xf32, #tpu.memory_space<vmem>>, vector<16xf32>,
        %get3A_1225 = arith.constant 336 : index
        %get3A_1226 = tpu.vector_load %arg35[%get3A_1225] {strides = array<i32>} : memref<400xf32, #tpu.memory_space<vmem>>, vector<16xf32>,
        %sub3A_1227 = arith.subf %get3A_1224, %min3A_971 : vector<16xf32>
        %mul3A_1228 = arith.constant -4.000000e+00 : f32
        %mul3A_1229 = vector.broadcast %mul3A_1228 : f32 to vector<16xf32>
        %mul3A_1230 = arith.mulf %mul3A_1229, %sub3A_1227 : vector<16xf32>
        %exp3A_1231 = math.exp %mul3A_1230 : vector<16xf32>
        %add3A_1232 = arith.addf %add3A_1220, %exp3A_1231 : vector<16xf32>
        %mul3A_1233 = arith.mulf %exp3A_1231, %get3A_1226 : vector<16xf32>
        %add3A_1234 = arith.addf %add3A_1222, %mul3A_1233 : vector<16xf32>
        %get3A_1235 = arith.constant 352 : index
        %get3A_1236 = tpu.vector_load %arg34[%get3A_1235] {strides = array<i32>} : memref<400xf32, #tpu.memory_space<vmem>>, vector<16xf32>,
        %get3A_1237 = arith.constant 352 : index
        %get3A_1238 = tpu.vector_load %arg35[%get3A_1237] {strides = array<i32>} : memref<400xf32, #tpu.memory_space<vmem>>, vector<16xf32>,
        %sub3A_1239 = arith.subf %get3A_1236, %min3A_971 : vector<16xf32>
        %mul3A_1240 = arith.constant -4.000000e+00 : f32
        %mul3A_1241 = vector.broadcast %mul3A_1240 : f32 to vector<16xf32>
        %mul3A_1242 = arith.mulf %mul3A_1241, %sub3A_1239 : vector<16xf32>
        %exp3A_1243 = math.exp %mul3A_1242 : vector<16xf32>
        %add3A_1244 = arith.addf %add3A_1232, %exp3A_1243 : vector<16xf32>
        %mul3A_1245 = arith.mulf %exp3A_1243, %get3A_1238 : vector<16xf32>
        %add3A_1246 = arith.addf %add3A_1234, %mul3A_1245 : vector<16xf32>
        %get3A_1247 = arith.constant 368 : index
        %get3A_1248 = tpu.vector_load %arg34[%get3A_1247] {strides = array<i32>} : memref<400xf32, #tpu.memory_space<vmem>>, vector<16xf32>,
        %get3A_1249 = arith.constant 368 : index
        %get3A_1250 = tpu.vector_load %arg35[%get3A_1249] {strides = array<i32>} : memref<400xf32, #tpu.memory_space<vmem>>, vector<16xf32>,
        %sub3A_1251 = arith.subf %get3A_1248, %min3A_971 : vector<16xf32>
        %mul3A_1252 = arith.constant -4.000000e+00 : f32
        %mul3A_1253 = vector.broadcast %mul3A_1252 : f32 to vector<16xf32>
        %mul3A_1254 = arith.mulf %mul3A_1253, %sub3A_1251 : vector<16xf32>
        %exp3A_1255 = math.exp %mul3A_1254 : vector<16xf32>
        %add3A_1256 = arith.addf %add3A_1244, %exp3A_1255 : vector<16xf32>
        %mul3A_1257 = arith.mulf %exp3A_1255, %get3A_1250 : vector<16xf32>
        %add3A_1258 = arith.addf %add3A_1246, %mul3A_1257 : vector<16xf32>
        %get3A_1259 = arith.constant 384 : index
        %get3A_1260 = tpu.vector_load %arg34[%get3A_1259] {strides = array<i32>} : memref<400xf32, #tpu.memory_space<vmem>>, vector<16xf32>,
        %get3A_1261 = arith.constant 384 : index
        %get3A_1262 = tpu.vector_load %arg35[%get3A_1261] {strides = array<i32>} : memref<400xf32, #tpu.memory_space<vmem>>, vector<16xf32>,
        %sub3A_1263 = arith.subf %get3A_1260, %min3A_971 : vector<16xf32>
        %mul3A_1264 = arith.constant -4.000000e+00 : f32
        %mul3A_1265 = vector.broadcast %mul3A_1264 : f32 to vector<16xf32>
        %mul3A_1266 = arith.mulf %mul3A_1265, %sub3A_1263 : vector<16xf32>
        %exp3A_1267 = math.exp %mul3A_1266 : vector<16xf32>
        %add3A_1268 = arith.addf %add3A_1256, %exp3A_1267 : vector<16xf32>
        %mul3A_1269 = arith.mulf %exp3A_1267, %get3A_1262 : vector<16xf32>
        %add3A_1270 = arith.addf %add3A_1258, %mul3A_1269 : vector<16xf32>
        %div3A = arith.divf %add3A_1270, %add3A_1268 : vector<16xf32>
        %gather3A_1271 = tpu.vector_load_idx %arg15[%gather3A] : memref<96xf32, #tpu.memory_space<vmem>>[vector<16xi32>], vector<16xf32>,
        %gather3A_1272 = tpu.vector_load_idx %arg15[%gather3A_169] : memref<96xf32, #tpu.memory_space<vmem>>[vector<16xi32>], vector<16xf32>,
        %mul3A_1273 = arith.mulf %gather3A_1271, %gather3A_1272 : vector<16xf32>
        %mul3A_1274 = arith.constant 3.000000e+00 : f32
        %mul3A_1275 = vector.broadcast %mul3A_1274 : f32 to vector<16xf32>
        %mul3A_1276 = arith.mulf %mul3A_1275, %div3A : vector<16xf32>
        %mul3A_1277 = arith.mulf %mul3A_1273, %mul3A_1273 : vector<16xf32>
        %mul3A_1278 = arith.mulf %mul3A_1276, %mul3A_1277 : vector<16xf32>
        %mul3A_1279 = arith.constant 0.586299181 : f32
        %mul3A_1280 = vector.broadcast %mul3A_1279 : f32 to vector<16xf32>
        %mul3A_1281 = arith.mulf %mul3A_1280, %mul3A_1273 : vector<16xf32>
        %add3A_1282 = arith.constant 2.883000e+00 : f32
        %add3A_1283 = vector.broadcast %add3A_1282 : f32 to vector<16xf32>
        %add3A_1284 = arith.addf %mul3A_1281, %add3A_1283 : vector<16xf32>
        %mul3A_1285 = arith.constant 1.88972616 : f32
        %mul3A_1286 = vector.broadcast %mul3A_1285 : f32 to vector<16xf32>
        %mul3A_1287 = arith.mulf %get3A_168, %mul3A_1286 : vector<16xf32>
        %mul3A_1288 = arith.mulf %mul3A_1287, %mul3A_1287 : vector<16xf32>
        %mul3A_1289 = arith.mulf %mul3A_1288, %mul3A_1288 : vector<16xf32>
        %mul3A_1290 = arith.mulf %mul3A_1289, %mul3A_1288 : vector<16xf32>
        %mul3A_1291 = arith.mulf %mul3A_1290, %mul3A_1288 : vector<16xf32>
        %mul3A_1292 = arith.mulf %add3A_1284, %add3A_1284 : vector<16xf32>
        %mul3A_1293 = arith.mulf %mul3A_1292, %mul3A_1292 : vector<16xf32>
        %mul3A_1294 = arith.mulf %mul3A_1293, %mul3A_1292 : vector<16xf32>
        %mul3A_1295 = arith.mulf %mul3A_1294, %mul3A_1292 : vector<16xf32>
        %mul3A_1296 = arith.constant -5.000000e-01 : f32
        %mul3A_1297 = vector.broadcast %mul3A_1296 : f32 to vector<16xf32>
        %mul3A_1298 = arith.mulf %mul3A_1297, %div3A : vector<16xf32>
        %add3A_1299 = arith.addf %mul3A_1290, %mul3A_1294 : vector<16xf32>
        %div3A_1300 = arith.divf %mul3A_1298, %add3A_1299 : vector<16xf32>
        %mul3A_1301 = arith.constant -4.585500e-01 : f32
        %mul3A_1302 = vector.broadcast %mul3A_1301 : f32 to vector<16xf32>
        %mul3A_1303 = arith.mulf %mul3A_1302, %mul3A_1278 : vector<16xf32>
        %add3A_1304 = arith.addf %mul3A_1291, %mul3A_1295 : vector<16xf32>
        %div3A_1305 = arith.divf %mul3A_1303, %add3A_1304 : vector<16xf32>
        %add3A_1306 = arith.addf %div3A_1300, %div3A_1305 : vector<16xf32>
        %swap3A = arith.index_cast %mul3A_157 : i32 to index
        %swap3A_1307 = tpu.vector_load %arg32[%swap3A] {strides = array<i32>} : memref<400xf32, #tpu.memory_space<vmem>>, vector<16xf32>,
        tpu.vector_store %arg32[%swap3A], %add3A_1306 {strides = array<i32>} : memref<400xf32, #tpu.memory_space<vmem>>, vector<16xf32>,
        %swap3A_1308 = arith.index_cast %mul3A_157 : i32 to index
        %swap3A_1309 = tpu.vector_load %arg33[%swap3A_1308] {strides = array<i32>} : memref<400xi32, #tpu.memory_space<vmem>>, vector<16xi32>,
        tpu.vector_store %arg33[%swap3A_1308], %get3A_160 {strides = array<i32>} : memref<400xi32, #tpu.memory_space<vmem>>, vector<16xi32>,
        %scan3A_1310 = arith.constant 0 : i32
        scf.yield %scan3A_1310 : i32
      }
      %scan3A_145 = arith.constant 25 : i32
      "tpu.region"() ({
        %run_scoped3A = tpu.sem_alloc : memref<!tpu.dma_semaphore, #tpu.memory_space<semaphore_mem>>
        %dma_start3A_154 = arith.constant 0 : i32
        %dma_start3A_155 = tpu.memref_slice %arg11[%dma_start3A_154] : memref<10000xf32, #tpu.memory_space<vmem_shared>> -> memref<10000xf32, #tpu.memory_space<vmem_shared>>
        tpu.enqueue_indirect_dma source(%arg32 : memref<400xf32, #tpu.memory_space<vmem>>) target(%dma_start3A_155 : memref<10000xf32, #tpu.memory_space<vmem_shared>>) offsets(%arg33 : memref<400xi32, #tpu.memory_space<vmem>>) semaphore(%run_scoped3A : memref<!tpu.dma_semaphore, #tpu.memory_space<semaphore_mem>>) {add = true}
        %dma_wait3A_156 = arith.constant 0 : i32
        %dma_wait3A_157 = tpu.memref_slice %arg11[%dma_wait3A_156] : memref<10000xf32, #tpu.memory_space<vmem_shared>> -> memref<10000xf32, #tpu.memory_space<vmem_shared>>
        tpu.wait_indirect_dma semaphore(%run_scoped3A : memref<!tpu.dma_semaphore, #tpu.memory_space<semaphore_mem>>) src(%arg32 : memref<400xf32, #tpu.memory_space<vmem>>) dst(%dma_wait3A_157 : memref<10000xf32, #tpu.memory_space<vmem_shared>>)
        tpu.yield
      }) : () -> ()
      %add3A_146 = arith.constant 2 : i32
      %add3A_147 = arith.addi %add3A_128, %add3A_146 : i32
      %lt3A_148 = arith.constant 50 : i32
      %lt3A_149 = arith.cmpi slt, %add3A_147, %lt3A_148 : i32
      %convert_element_type3A_150 = arith.extui %lt3A_149 : i1 to i32
      %cond3A_151 = arith.constant 0 : i32
      %cond3A_152 = arith.cmpi ne, %convert_element_type3A_150, %cond3A_151 : i32
      scf.if %cond3A_152 {
        %add3A_154 = arith.constant 2 : i32
        %add3A_155 = arith.addi %add3A_128, %add3A_154 : i32
        %mul3A_156 = arith.constant 400 : i32
        %mul3A_157 = arith.muli %add3A_155, %mul3A_156 : i32
        %add3A_158 = arith.addi %mul3A_14, %mul3A_157 : i32
        %dma_start3A_159 = arith.constant 400 : i32
        %dma_start3A_160 = tpu.memref_slice %arg21[%dma_start3A_159] : memref<800xi32, #tpu.memory_space<vmem>> -> memref<400xi32, #tpu.memory_space<vmem>>
        %dma_start3A_161 = tpu.memref_slice %arg4[%add3A_158] : memref<640000xi32, #tpu.memory_space<hbm>> -> memref<400xi32, #tpu.memory_space<hbm>>
        %dma_start3A_162 = arith.constant 400 : i32
        %dma_start3A_163 = tpu.memref_slice %arg21[%dma_start3A_162] : memref<800xi32, #tpu.memory_space<vmem>> -> memref<400xi32, #tpu.memory_space<vmem>>
        %dma_start3A_164 = tpu.memref_slice %arg4[%add3A_158] : memref<640000xi32, #tpu.memory_space<hbm>> -> memref<400xi32, #tpu.memory_space<hbm>>
        tpu.enqueue_dma source(%dma_start3A_164 : memref<400xi32, #tpu.memory_space<hbm>>) target(%dma_start3A_163 : memref<400xi32, #tpu.memory_space<vmem>>) target_semaphore(%arg25 : memref<!tpu.dma_semaphore, #tpu.memory_space<semaphore_mem>>)
        %dma_start3A_165 = arith.constant 400 : i32
        %dma_start3A_166 = tpu.memref_slice %arg22[%dma_start3A_165] : memref<800xi32, #tpu.memory_space<vmem>> -> memref<400xi32, #tpu.memory_space<vmem>>
        %dma_start3A_167 = tpu.memref_slice %arg5[%add3A_158] : memref<640000xi32, #tpu.memory_space<hbm>> -> memref<400xi32, #tpu.memory_space<hbm>>
        %dma_start3A_168 = arith.constant 400 : i32
        %dma_start3A_169 = tpu.memref_slice %arg22[%dma_start3A_168] : memref<800xi32, #tpu.memory_space<vmem>> -> memref<400xi32, #tpu.memory_space<vmem>>
        %dma_start3A_170 = tpu.memref_slice %arg5[%add3A_158] : memref<640000xi32, #tpu.memory_space<hbm>> -> memref<400xi32, #tpu.memory_space<hbm>>
        tpu.enqueue_dma source(%dma_start3A_170 : memref<400xi32, #tpu.memory_space<hbm>>) target(%dma_start3A_169 : memref<400xi32, #tpu.memory_space<vmem>>) target_semaphore(%arg25 : memref<!tpu.dma_semaphore, #tpu.memory_space<semaphore_mem>>)
        %dma_start3A_171 = arith.constant 400 : i32
        %dma_start3A_172 = tpu.memref_slice %arg23[%dma_start3A_171] : memref<800xf32, #tpu.memory_space<vmem>> -> memref<400xf32, #tpu.memory_space<vmem>>
        %dma_start3A_173 = tpu.memref_slice %arg3[%add3A_158] : memref<640000xf32, #tpu.memory_space<hbm>> -> memref<400xf32, #tpu.memory_space<hbm>>
        %dma_start3A_174 = arith.constant 400 : i32
        %dma_start3A_175 = tpu.memref_slice %arg23[%dma_start3A_174] : memref<800xf32, #tpu.memory_space<vmem>> -> memref<400xf32, #tpu.memory_space<vmem>>
        %dma_start3A_176 = tpu.memref_slice %arg3[%add3A_158] : memref<640000xf32, #tpu.memory_space<hbm>> -> memref<400xf32, #tpu.memory_space<hbm>>
        tpu.enqueue_dma source(%dma_start3A_176 : memref<400xf32, #tpu.memory_space<hbm>>) target(%dma_start3A_175 : memref<400xf32, #tpu.memory_space<vmem>>) target_semaphore(%arg25 : memref<!tpu.dma_semaphore, #tpu.memory_space<semaphore_mem>>)
      } else {
      }
      %scan3A_153 = arith.constant 0 : i32
      scf.yield %scan3A_153 : i32
    }
    %scan3A_89 = arith.constant 25 : i32
    "tpu.trace_stop"() : () -> ()
    %barrier3A_90 = arith.constant 0 : index
    tpu.barrier barrier_id(%barrier3A_90)
    %eq3A_91 = arith.constant 0 : i32
    %eq3A_92 = arith.cmpi eq, %arg1, %eq3A_91 : i32
    %convert_element_type3A_93 = arith.extui %eq3A_92 : i1 to i32
    %cond3A_94 = arith.constant 0 : i32
    %cond3A_95 = arith.cmpi ne, %convert_element_type3A_93, %cond3A_94 : i32
    scf.if %cond3A_95 {
      "tpu.region"() ({
        %run_scoped3A = tpu.sem_alloc : memref<!tpu.dma_semaphore, #tpu.memory_space<semaphore_mem>>
        %dma_start3A_96 = arith.constant 0 : i32
        %dma_start3A_97 = tpu.memref_slice %arg9[%arg0, %dma_start3A_96] : memref<2x10000xf32, #tpu.memory_space<hbm>> -> memref<1x10000xf32, #tpu.memory_space<hbm>>
        %dma_start3A_98 = tpu.memref_squeeze %dma_start3A_97 : memref<1x10000xf32, #tpu.memory_space<hbm>> -> memref<10000xf32, #tpu.memory_space<hbm>>
        tpu.enqueue_dma source(%arg11 : memref<10000xf32, #tpu.memory_space<vmem_shared>>) target(%dma_start3A_98 : memref<10000xf32, #tpu.memory_space<hbm>>) target_semaphore(%run_scoped3A : memref<!tpu.dma_semaphore, #tpu.memory_space<semaphore_mem>>)
        %dma_wait3A_99 = arith.constant 0 : i32
        %dma_wait3A_100 = tpu.memref_slice %arg9[%arg0, %dma_wait3A_99] : memref<2x10000xf32, #tpu.memory_space<hbm>> -> memref<1x10000xf32, #tpu.memory_space<hbm>>
        %dma_wait3A_101 = tpu.memref_squeeze %dma_wait3A_100 : memref<1x10000xf32, #tpu.memory_space<hbm>> -> memref<10000xf32, #tpu.memory_space<hbm>>
        tpu.wait_dma2 semaphore(%run_scoped3A : memref<!tpu.dma_semaphore, #tpu.memory_space<semaphore_mem>>) src(%arg11 : memref<10000xf32, #tpu.memory_space<vmem_shared>>) dst(%dma_wait3A_101 : memref<10000xf32, #tpu.memory_space<hbm>>)
        tpu.yield
      }) : () -> ()
    } else {
    }
    return
  }
}

module attributes {stable_mosaic.version = 14 : i64} {
  func.func @_combine_body(%arg0: memref<2x10000xf32, #tpu.memory_space<vmem>>, %arg1: memref<10000xf32, #tpu.memory_space<vmem>>) attributes {dimension_semantics = [], scalar_prefetch = 0 : i64, scratch_operands = 0 : i64, tpu.core_type = #tpu.core_type<tc>} {
    %get3A = arith.constant 0 : index
    %get3A_0 = arith.constant 0 : index
    %get3A_1 = vector.load %arg0[%get3A, %get3A_0] : memref<2x10000xf32, #tpu.memory_space<vmem>>, vector<1x10000xf32>
    %get3A_2 = vector.shape_cast %get3A_1 : vector<1x10000xf32> to vector<10000xf32>
    %get3A_3 = arith.constant 1 : index
    %get3A_4 = arith.constant 0 : index
    %get3A_5 = vector.load %arg0[%get3A_3, %get3A_4] : memref<2x10000xf32, #tpu.memory_space<vmem>>, vector<1x10000xf32>
    %get3A_6 = vector.shape_cast %get3A_5 : vector<1x10000xf32> to vector<10000xf32>
    %add3A = arith.addf %get3A_2, %get3A_6 : vector<10000xf32>
    %swap3A = arith.constant 0 : index
    %swap3A_7 = vector.load %arg1[%swap3A] : memref<10000xf32, #tpu.memory_space<vmem>>, vector<10000xf32>
    tpu.vector_store %arg1[%swap3A], %add3A {strides = array<i32>} : memref<10000xf32, #tpu.memory_space<vmem>>, vector<10000xf32>,
    return
  }
}

</mosaic_0001>

<sc_bundles>
// kernel: kernel.4.cloned.1.call-start
scs
__scs_entry_jumppad:
0x0: {  	(pc) =	sbr.rel $0x88, $3  }
0x1: {  	(tag) =	ssettag $0x0;
	lr =	simm.s32 $0x1  }
0x2: {  	[smem:$0x3F9A] =	sst lr;
	_ =	strace $0xD0000000  }
0x3: {  	_ = 	snop  }
0x4: {  	_ = 	snop  }
0x5: {  	_ = 	snop  }
0x6: {  	_ = 	snop  }
0x7: {  	_ = 	snop  }
__scs_overlays_trampoline_lowered:
0x8: {  	[smem:$0x3FA9] =	sst s0  }
0x9: {  	[smem:$0x3FAA] =	sst s1  }
0xa: {  	[smem:$0x3FAB] =	sst s2  }
0xb: {  	[smem:$0x3FAC] =	sst s3  }
0xc: {  	[smem:$0x3FAD] =	sst s4  }
0xd: {  	[smem:$0x3FAE] =	sst s5  }
0xe: {  	[smem:$0x3FAF] =	sst s6  }
0xf: {  	[smem:$0x3FB0] =	sst s7  }
0x10: {  	[smem:$0x3FB1] =	sst s8  }
0x11: {  	[smem:$0x3FB2] =	sst s9;
	s0 =	simm.s32 @!p0 $0x0  }
0x12: {  	s1 =	sld [smem:$0x3F98];
	s0 =	simm.s32 @p0 $0x1  }
0x13: {  	[smem:$0x3FB3] =	sst s0;
	s0 =	simm.s32 @!p1 $0x0  }
0x14: {  	s2 =	sld [smem:$0x3F97];
	s0 =	simm.s32 @p1 $0x1  }
0x15: {  	[smem:$0x3FB4] =	sst s0;
	s0 =	simm.s32 @!p2 $0x0  }
0x16: {  	s3 =	sld [smem:$0x3FDB];
	s0 =	simm.s32 @p2 $0x1  }
0x17: {  	s4 =	simm.s32 $0x1BF5;
	[smem:$0x3FB6] =	sst s0  }
0x18: {  	s0 =	sld [smem:$0x3F99];
	_ =	swait.ge [sflag:s4], $0x0  }
0x19: {  	s7 =	sld [smem:$0x3F9A]  }
0x1a: {  	s8 =	sadd.s32 $0xFFFFE003, lr  }
0x1b: {  	s9 =	sadd.s32 $0xFFFFFEF7, lr;
	s5 =	simm.s32 $0xFFFFFFFF;
	p2 =	slt.u32 s8, $0xFFFFF086  }
0x1c: {  	p1 =	slt.u32 s9, $0xF7A;
	s5 =	simm.s32 @!p2 $0x0  }
0x1d: {  	s5 =	simm.s32 @p1 $0x1;
	p0 =	seq.s32 s7, s2  }
0x1e: {  	s7 =	smul.u32 @!p0 $0xF7A, s2;
	p2 =	seq.s32 @!p0 s5, $0x0  }
0x1f: {  	s9 =	smul.u32 $0xF7A, s1;
	s8 =	simm.s32 @!p0 $0x1BF5;
	p2 =	por !p2, p0  }
0x20: {  	[sflag:s8] =	ssyncset.s32 @!p0 $0xFFFFF086;
	s6 =	sadd.s32 @!p0 s3, s7;
	s7 =	simm.s32 @!p0 $0x108  }
0x21: {  	s3 =	sadd.s32 s3, s9;
	s6 =	sadd.s32 @!p0 $0x88, s6;
	s7 =	simm.s32 @p2 $0x1082  }
0x22: {  	[simem:s7], [sflag:s8] =	dma.local @!p0 [hbm:s6], $0xF7A  }
0x23: {  	s9 =	sor.u32 $0xD0000000, s2;
	s6 =	simm.s32 $0x108;
	_ =	swait.ge @!p0 [sflag:s8], $0x0  }
0x24: {  	s3 =	sadd.s32 $0x88, s3;
	s6 =	simm.s32 @!p1 $0x1082;
	[sflag:s4] =	ssyncset.s32 $0xFFFFF086  }
0x25: {  	[simem:s6], [sflag:s4] =	dma.local [hbm:s3], $0xF7A  }
0x26: {  	[smem:$0x3F9A] =	sst s1;
	(tag) =	ssettag s2;
	_ =	strace s9  }
0x27: {  	s1 =	sld [smem:$0x3FAA]  }
0x28: {  	s2 =	sld [smem:$0x3FAB]  }
0x29: {  	s4 =	sld [smem:$0x3FAD]  }
0x2a: {  	p0 =	seq.s32 s5, $0x0;
	s5 =	sld [smem:$0x3FAE]  }
0x2b: {  	s6 =	sld [smem:$0x3FAF]  }
0x2c: {  	s7 =	sld [smem:$0x3FB0]  }
0x2d: {  	s3 =	simm.s32 $0x108;
	s8 =	sld [smem:$0x3FB1]  }
0x2e: {  	s3 =	simm.s32 @!p0 $0x1082;
	s9 =	sld [smem:$0x3FB2]  }
0x2f: {  	lr =	sadd.s32 s0, s3;
	s0 =	sld [smem:$0x3FA9]  }
0x30: {  	s3 =	sld [smem:$0x3FAC]  }
0x31: {  	[smem:$0x3FB5] =	sst s10  }
0x32: {  	s10 =	sld [smem:$0x3FB3];
	_ =	sdelay $0x3  }
0x33: {  	p0 =	seq.s32 s10, $0x1;
	s10 =	sld [smem:$0x3FB5];
	_ =	sdelay $0x3  }
0x34: {  	[smem:$0x3FB5] =	sst s10  }
0x35: {  	s10 =	sld [smem:$0x3FB4];
	_ =	sdelay $0x3  }
0x36: {  	p1 =	seq.s32 s10, $0x1;
	s10 =	sld [smem:$0x3FB5];
	_ =	sdelay $0x3  }
0x37: {  	[smem:$0x3FB5] =	sst s10  }
0x38: {  	s10 =	sld [smem:$0x3FB6]  }
0x39: {  	_ = 	snop;
	(pc) =	sbr.ind lr, $3  }
0x3a: {  	_ = 	snop  }
0x3b: {  	_ = 	snop  }
0x3c: {  	p2 =	seq.s32 s10, $0x1;
	s10 =	sld [smem:$0x3FB5]  }
0x3d: {  	_ =	shalt  }
0x3e: {  	_ =	shalt  }
0x3f: {  	_ =	shalt  }
0x40: {  	_ =	shalt  }
0x41: {  	_ =	shalt  }
0x42: {  	_ =	shalt  }
0x43: {  	_ =	shalt  }
0x44: {  	_ =	shalt  }
0x45: {  	_ =	shalt  }
0x46: {  	_ =	shalt  }
0x47: {  	_ =	shalt  }
0x48: {  	_ =	shalt  }
0x49: {  	_ =	shalt  }
0x4a: {  	_ =	shalt  }
0x4b: {  	_ =	shalt  }
0x4c: {  	_ =	shalt  }
0x4d: {  	_ =	shalt  }
0x4e: {  	_ =	shalt  }
0x4f: {  	_ =	shalt  }
0x50: {  	_ =	shalt  }
0x51: {  	_ =	shalt  }
0x52: {  	_ =	shalt  }
0x53: {  	_ =	shalt  }
0x54: {  	_ =	shalt  }
0x55: {  	_ =	shalt  }
0x56: {  	_ =	shalt  }
0x57: {  	_ =	shalt  }
0x58: {  	_ =	shalt  }
0x59: {  	_ =	shalt  }
0x5a: {  	_ =	shalt  }
0x5b: {  	_ =	shalt  }
0x5c: {  	_ =	shalt  }
0x5d: {  	_ =	shalt  }
0x5e: {  	_ =	shalt  }
0x5f: {  	_ =	shalt  }
0x60: {  	_ =	shalt  }
0x61: {  	_ =	shalt  }
0x62: {  	_ =	shalt  }
0x63: {  	_ =	shalt  }
0x64: {  	_ =	shalt  }
0x65: {  	_ =	shalt  }
0x66: {  	_ =	shalt  }
0x67: {  	_ =	shalt  }
0x68: {  	_ =	shalt  }
0x69: {  	_ =	shalt  }
0x6a: {  	_ =	shalt  }
0x6b: {  	_ =	shalt  }
0x6c: {  	_ =	shalt  }
0x6d: {  	_ =	shalt  }
0x6e: {  	_ =	shalt  }
0x6f: {  	_ =	shalt  }
0x70: {  	_ =	shalt  }
0x71: {  	_ =	shalt  }
0x72: {  	_ =	shalt  }
0x73: {  	_ =	shalt  }
0x74: {  	_ =	shalt  }
0x75: {  	_ =	shalt  }
0x76: {  	_ =	shalt  }
0x77: {  	_ =	shalt  }
0x78: {  	_ =	shalt  }
0x79: {  	_ =	shalt  }
0x7a: {  	_ =	shalt  }
0x7b: {  	_ =	shalt  }
0x7c: {  	_ =	shalt  }
0x7d: {  	_ =	shalt  }
0x7e: {  	_ =	shalt  }
0x7f: {  	_ =	shalt  }
0x80: {  	_ =	shalt  }
0x81: {  	_ =	shalt  }
0x82: {  	_ =	shalt  }
0x83: {  	_ =	shalt  }
0x84: {  	_ =	shalt  }
0x85: {  	_ =	shalt  }
0x86: {  	_ =	shalt  }
0x87: {  	_ =	shalt  }
.Lfunc_end0:
.L_simem_size_0:
called_computation_lowered:
.L_overlay_start_0:
0x88: {  	s2 =	sld [smem:$0x3FD9]  }
0x89: {  	s3 =	sld [smem:$0x3FFE];
	_ =	sdelay $0x1  }
0x8a: {  	s1 =	srdreg.scid  }
0x8b: {  	s0 =	sand.u32 $0x1, s1  }
0x8c: {  	s17 =	sshll.u32 s0, $0xA;
	s2 =	sadd.s32 s3, s2  }
0x8d: {  	s2 =	sadd.s32 s2, s17  }
0x8e: {  	[smem:$0x3FC1] =	sst s2  }
0x8f: {  	_ = 	snop  }
0x90: {  	s2 =	sld [smem:$0x3FC9]  }
0x91: {  	s18 =	sld [smem:$0x3FC8]  }
0x92: {  	s4 =	sld [smem:$0x3FC7]  }
0x93: {  	s5 =	sld [smem:$0x3FC6]  }
0x94: {  	s6 =	sld [smem:$0x3FD0];
	(tm) =	ssettm $0x1  }
0x95: {  	s7 =	sld [smem:$0x3FFB];
	_ =	sdelay $0x3  }
0x96: {  	_ =	strace s7  }
0x97: {  	s7 =	sld [smem:$0x3FFC];
	_ =	sdelay $0x3  }
0x98: {  	_ =	strace s7  }
0x99: {  	s7 =	sld [smem:$0x3FFD];
	_ =	sdelay $0x3  }
0x9a: {  	_ =	strace s7  }
0x9b: {  	_ =	strace $0x8FFFFFFF  }
0x9c: {  	s19 =	sld [smem:$0x3FDB];
	_ =	sdelay $0x1  }
0x9d: {  	s8 =	simm.s32 $_scs_section_size  }
0x9e: {  	s9 =	simm.s32 $_size__tile_overlayer_lowered;
	s10 =	simm.s32 $_tile_overlayer_lowered  }
0x9f: {  	s22 =	simm.s32 $0x1BFF;
	s21 =	sshll.u32 s10, $0x1;
	s7 =	sadd.s32 s8, s19  }
0xa0: {  	s11 =	simm.s32 $0x0;
	s20 =	sshll.u32 s9, $0x1;
	s9 =	sadd.s32 s21, s7  }
0xa1: {  	[timem:s11], [sflag:s22] =	dma.local [hbm:s9], s20  }
0xa2: {  	_ =	swait.ge [sflag:s22], s20  }
0xa3: {  	s8 =	ssub.s32 $0x0, s20;
	[sflag:s22] =	ssyncset.done $0x0  }
0xa4: {  	[sflag:s22] =	ssyncadd.s32 s8;
	_ =	sdelay $0x1  }
0xa5: {  	s23 =	simm.s32 $0x1B8B  }
0xa6: {  	_ =	swait.ge [sflag:s23], $0x1  }
0xa7: {  	[sflag:s23] =	ssyncset.done $0x0  }
0xa8: {  	s25 =	simm.s32 $0x1B8E;
	s24 =	sld [smem:$0x3FFE];
	[sflag:s23] =	ssyncadd.s32 $0xFFFFFFFF  }
0xa9: {  	s26 =	simm.s32 $execute0_lowered;
	[smem:$0x3FD2] =	sst s25  }
0xaa: {  	s9 =	sshll.u32 s26, $0x1;
	_ =	strace $0x80000046;
	[dreg:$0x1] =	wrdreg $0xFFFFFFFF  }
0xab: {  	s28 =	simm.s32 $_size_execute0_lowered;
	s7 =	sadd.s32 s7, s9;
	[dreg:$0x0] =	wrdreg $0x0  }
0xac: {  	s9 =	sshll.u32 s28, $0x1;
	[dreg:$0x2] =	wrdreg s7  }
0xad: {  	[dreg:$0x3] =	wrdreg s9  }
0xae: {  	[dreg:$0x4] =	wrdreg $0xC0  }
0xaf: {  	_ =	task [dreg:s11], $0x5FFFF  }
0xb0: {  	[dreg:$0x1] =	wrdreg $0xFFFFFFFF  }
0xb1: {  	[dreg:$0x0] =	wrdreg $0x60  }
0xb2: {  	[dreg:$0x2] =	wrdreg s2  }
0xb3: {  	[dreg:$0x3] =	wrdreg s18  }
0xb4: {  	[dreg:$0x4] =	wrdreg s4  }
0xb5: {  	[dreg:$0x5] =	wrdreg s5  }
0xb6: {  	[dreg:$0x6] =	wrdreg s24  }
0xb7: {  	[dreg:$0x7] =	wrdreg s6  }
0xb8: {  	[dreg:$0x8] =	wrdreg $0x0  }
0xb9: {  	[dreg:$0x9] =	wrdreg $0x2780  }
0xba: {  	[dreg:$0xa] =	wrdreg $0x9  }
0xbb: {  	_ =	task.clear_ibuf [dreg:s11], $0xBFFFF;
	_ =	strace $0x90000046  }
0xbc: {  	s29 =	simm.s32 $0x9;
	_ =	strace $0x8000004A  }
0xbd: {  	_ =	swait.ge [sflag:s29], $0x1  }
0xbe: {  	[sflag:s29] =	ssyncadd.s32 $0xFFFFFFFF  }
0xbf: {  	_ =	strace $0x9000004A  }
0xc0: {  	_ =	sfence  }
0xc1: {  	s30 =	sld [smem:$0x0];
	_ =	sdelay $0x2  }
0xc2: {  	s31 =	sshll.u32 s1, $0xD;
	s1 =	sshrl.u32 s1, $0x2  }
0xc3: {  	s3 =	sand.u32 $0x4000, s31;
	s1 =	sadd.s32 s1, s30  }
0xc4: {  	s0 =	sor.u32 s3, s0;
	s1 =	sshll.u32 s1, $0x11  }
0xc5: {  	s0 =	sor.u32 s1, s0  }
0xc6: {  	s0 =	sadd.s32 $0x8F2B, s0  }
0xc7: {  	[sflag:s0] =	ssyncadd.remote.s32 $0x1  }
0xc8: {  	_ =	sfence.sel $0xFFFF  }
0xc9: {  	[dreg:$0x0] =	wrdreg $0xFFFFFFFF;
	(pc) =	sbr.abs _section_cstart, $3  }
0xca: {  	[dreg:$0x1] =	wrdreg $0xFFFFFFFF  }
0xcb: {  	_ =	task.clear_ibuf [dreg:s11], $0x2FFFF;
	_ =	strace $0x9FFFFFFF  }
0xcc: {  	(tm) =	ssettm $0x7FFFFFFF  }
0xcd: {  	_ =	shalt  }
tec
execute0_lowered:
.L_overlay_start_1:
0x0: {  	(tag) =	ssettag $0x1  }
0x1: {  	v0 =	vimm.s32 $0xC4711E;
	vm6 =	vcmask $0xB00  }
0x2: {  	vm4 =	vcmask $0xF0C;
	v52 =	vimm.s32 $0xC5721F;
	vm5 =	vcmask $0x1310  }
0x3: {  	vm3 =	vcmask $0x1714;
	vm2 =	vcmask $0x1B18;
	vm1 =	vcmask $0x1F1C  }
0x4: {  	v1 =	vimm.s32 $0xC67320;
	v2 =	vimm.s32 $0xC77421;
	vm0 =	vcmask $0x2320  }
0x5: {  	v54 =	vimm.s32 $0xC87522;
	v56 =	vimm.s32 $0xC97623;
	v3 =	vimm.s32 $0xCA7724  }
0x6: {  	v60 =	vimm.s32 $0xCB7825;
	v62 =	vimm.s32 $0xCC7926;
	vm7 =	vcmask $0x704  }
0x7: {  	v4 =	vimm.s32 $0x148;
	vm10 =	vcmask $0xB08;
	v8 =	vimm.s32 $0xCD7A27  }
0x8: {  	v9 =	vimm.s32 $0x2F1E0D00;
	v10 =	vimm.s32 $0xCE7B28;
	vm9 =	vcmask $0x1F14  }
0x9: {  	v33 =	vimm.s32 $0x158;
	v34 =	vimm.s32 $0xD07D2A;
	v35 =	vimm.s32 $0x3F2E1D0C  }
0xa: {  	v36 =	vimm.s32 $0xF2E1D0;
	v37 =	vimm.s32 $0x2B1A093C;
	vm8 =	vcmask $0x1304  }
0xb: {  	v39 =	vimm.s32 $0xD3802D;
	v12 =	vimm.s32 $0xD68330;
	v13 =	vimm.s32 $0xD78431  }
0xc: {  	v26 =	vimm.s32 $0xD88532;
	v27 =	vimm.s32 $0xD98633;
	v28 =	vimm.s32 $0xDA8734  }
0xd: {  	v29 =	vimm.s32 $0xDB8835;
	v30 =	vimm.s32 $0xDD8A37;
	v31 =	vimm.s32 $0xDE8B38  }
0xe: {  	vm11 =	vcmask $0x1F10;
	vm13 =	vcmask $0x1B0C;
	vm14 =	vcmask $0x2B1C  }
0xf: {  	vm15 =	vcmask $0x3B2C;
	vm12 =	vcmask $0x3728;
	v0 =	vunpack.c.0.s8.s32 v0  }
0x10: {  	v1 =	vunpack.c.0.s8.s32 v1;
	v2 =	vunpack.c.0.s8.s32 v2;
	v58 =	vunpack.c.0.s8.s32 v3  }
0x11: {  	v3 =	vunpack.c.0.s8.s32 v10;
	v10 =	vimm.s32 $0xD4812E;
	v12 =	vunpack.c.0.s8.s32 v12  }
0x12: {  	v13 =	vunpack.c.0.s8.s32 v13;
	v26 =	vunpack.c.0.s8.s32 v26;
	v27 =	vunpack.c.0.s8.s32 v27  }
0x13: {  	v28 =	vunpack.c.0.s8.s32 v28;
	v29 =	vunpack.c.0.s8.s32 v29;
	v30 =	vunpack.c.0.s8.s32 v30  }
0x14: {  	v31 =	vunpack.c.0.s8.s32 v31;
	v10 =	vunpack.c.0.s8.s32 v10;
	v0 =	vand.u32 $0xFF, v0  }
0x15: {  	v53 =	vand.u32 $0xFF, v1;
	v2 =	vand.u32 $0xFF, v2;
	v1 =	vunpack.c.0.s8.s32 v54  }
0x16: {  	v12 =	vand.u32 $0xFF, v12;
	v13 =	vand.u32 $0xFF, v13;
	v26 =	vand.u32 $0xFF, v26  }
0x17: {  	v54 =	vimm.s32 $0x100;
	v0 =	vnsel vm6, $0x4B0, v0;
	v55 =	vnsel vm6, $0x4B3, v2  }
0x18: {  	v2 =	vunpack.c.0.s8.s32 v56;
	v10 =	vand.u32 $0xFF, v10;
	v12 =	vnsel vm6, $0x4C2, v12  }
0x19: {  	v13 =	vnsel vm6, $0x4C3, v13;
	v56 =	vimm.s32 $0x110;
	v14 =	vsel vm4, $0x117, v0  }
0x1a: {  	v0 =	vunpack.c.0.s8.s32 v52;
	v1 =	vand.u32 $0xFF, v1;
	v17 =	vsel vm4, $0x11A, v55  }
0x1b: {  	v10 =	vnsel vm6, $0x4C0, v10;
	v55 =	vsel vm7, $0x111, v54;
	v57 =	vnsel vm6, $0x4B4, v1  }
0x1c: {  	v59 =	vand.u32 $0xFF, v2;
	v1 =	vand.u32 $0xFF, v58;
	v2 =	vunpack.c.0.s8.s32 v60  }
0x1d: {  	v14 =	vsel vm5, $0x16A, v14;
	v17 =	vsel vm5, $0x16D, v17;
	v0 =	vand.u32 $0xFF, v0  }
0x1e: {  	v18 =	vsel vm4, $0x11B, v57;
	v61 =	vnsel vm6, $0x4B6, v1;
	v1 =	vunpack.c.0.s8.s32 v62  }
0x1f: {  	v57 =	vimm.s32 $0x8F;
	v14 =	vsel vm3, $0x1BD, v14;
	v17 =	vsel vm3, $0x1C0, v17  }
0x20: {  	v0 =	vnsel vm6, $0x4B1, v0;
	v20 =	vsel vm4, $0x11D, v61;
	v63 =	vand.u32 $0xFF, v2  }
0x21: {  	v2 =	vsel vm7, $0x159, v4;
	v4 =	vimm.s32 $0xCF7C29;
	v61 =	vimm.s32 $0xAF  }
0x22: {  	v18 =	vsel vm5, $0x16E, v18;
	v14 =	vsel vm2, $0x210, v14;
	v17 =	vsel vm2, $0x213, v17  }
0x23: {  	v15 =	vsel vm4, $0x118, v0;
	v0 =	vnsel vm6, $0x4B2, v53;
	v1 =	vand.u32 $0xFF, v1  }
0x24: {  	v6 =	vsel vm10, $0x16A, v2;
	v2 =	vunpack.c.0.s8.s32 v9;
	v4 =	vunpack.c.0.s8.s32 v4  }
0x25: {  	v9 =	vimm.s32 $0x4F;
	v53 =	vimm.s32 $0x5F;
	v20 =	vsel vm5, $0x170, v20  }
0x26: {  	v18 =	vsel vm3, $0x1C1, v18;
	v14 =	vsel vm1, $0x263, v14;
	v17 =	vsel vm1, $0x266, v17  }
0x27: {  	v16 =	vsel vm4, $0x119, v0;
	v0 =	vnsel vm6, $0x4B5, v59;
	v5 =	vnsel vm6, $0x4B8, v1  }
0x28: {  	v7 =	vsel vm4, $0x17B, v6;
	v1 =	vunpack.c.0.s8.s32 v8;
	v6 =	vimm.s32 $0xD17E2B  }
0x29: {  	v8 =	vimm.s32 $0xD27F2C;
	v59 =	vimm.s32 $0x9F;
	v15 =	vsel vm5, $0x16B, v15  }
0x2a: {  	v20 =	vsel vm3, $0x1C3, v20;
	v18 =	vsel vm2, $0x214, v18;
	v17 =	vsel vm0, $0x2B9, v17  }
0x2b: {  	v19 =	vsel vm4, $0x11C, v0;
	v0 =	vnsel vm6, $0x4B7, v63;
	v22 =	vsel vm4, $0x11F, v5  }
0x2c: {  	v5 =	vand.u32 $0xFF, v3;
	v32 =	vand.u32 $0xFF, v4;
	v6 =	vunpack.c.0.s8.s32 v6  }
0x2d: {  	v8 =	vunpack.c.0.s8.s32 v8;
	v4 =	vunpack.c.0.s8.s32 v36;
	v63 =	vimm.s32 $0x150  }
0x2e: {  	v16 =	vsel vm5, $0x16C, v16;
	v15 =	vsel vm3, $0x1BE, v15;
	v20 =	vsel vm2, $0x216, v20  }
0x2f: {  	v18 =	vsel vm1, $0x267, v18;
	v21 =	vsel vm4, $0x11E, v0;
	v0 =	vsel vm5, $0x18C, v7  }
0x30: {  	v1 =	vand.u32 $0xFF, v1;
	v11 =	vnsel vm6, $0x4BA, v5;
	v5 =	vunpack.c.0.s8.s32 v37  }
0x31: {  	v7 =	vimm.s32 $0x6F5E4D00;
	v19 =	vsel vm5, $0x16F, v19;
	v22 =	vsel vm5, $0x172, v22  }
0x32: {  	v16 =	vsel vm3, $0x1BF, v16;
	v15 =	vsel vm2, $0x211, v15;
	v20 =	vsel vm1, $0x269, v20  }
0x33: {  	v18 =	vsel vm0, $0x2BA, v18;
	v1 =	vnsel vm6, $0x4B9, v1;
	v3 =	vsel vm9, v2, v0  }
0x34: {  	v24 =	vsel vm4, $0x121, v11;
	v0 =	vnsel vm6, $0x4BB, v32;
	v2 =	vunpack.c.0.s8.s32 v34  }
0x35: {  	v7 =	vunpack.c.0.s8.s32 v7;
	v6 =	vand.u32 $0xFF, v6;
	v8 =	vand.u32 $0xFF, v8  }
0x36: {  	v11 =	vimm.s32 $0xD5822F;
	v4 =	vand.u32 $0xFF, v4;
	v34 =	vsel vm4, $0x12A, v13  }
0x37: {  	v13 =	vimm.s32 $0x37261504;
	v21 =	vsel vm5, $0x171, v21;
	v19 =	vsel vm3, $0x1C2, v19  }
0x38: {  	v22 =	vsel vm3, $0x1C5, v22;
	v16 =	vsel vm2, $0x212, v16;
	v20 =	vsel vm0, $0x2BC, v20  }
0x39: {  	v23 =	vsel vm4, $0x120, v1;
	v1 =	vsel vm7, $0x169, v33;
	v25 =	vsel vm4, $0x122, v0  }
0x3a: {  	v5 =	vnsel vm8, $0x188, v5;
	v11 =	vunpack.c.0.s8.s32 v11;
	v6 =	vnsel vm6, $0x4BD, v6  }
0x3b: {  	v8 =	vnsel vm6, $0x4BE, v8;
	v33 =	vsel vm4, $0x129, v12;
	v13 =	vunpack.c.0.s8.s32 v13  }
0x3c: {  	v24 =	vsel vm5, $0x174, v24;
	v34 =	vsel vm5, $0x17D, v34;
	v21 =	vsel vm3, $0x1C4, v21  }
0x3d: {  	v19 =	vsel vm2, $0x215, v19;
	v22 =	vsel vm2, $0x218, v22;
	v1 =	vsel vm10, $0x17A, v1  }
0x3e: {  	v2 =	vand.u32 $0xFF, v2;
	v5 =	vsel vm9, v7, v5;
	vm9 =	vcmask $0x300  }
0x3f: {  	v23 =	vsel vm5, $0x173, v23;
	v25 =	vsel vm5, $0x175, v25;
	v33 =	vsel vm5, $0x17C, v33  }
0x40: {  	v24 =	vsel vm3, $0x1C7, v24;
	v34 =	vsel vm3, $0x1D0, v34;
	v21 =	vsel vm2, $0x217, v21  }
0x41: {  	v19 =	vsel vm1, $0x268, v19;
	v22 =	vsel vm1, $0x26B, v22;
	v0 =	vsel vm4, $0x18B, v1  }
0x42: {  	v1 =	vunpack.c.0.s8.s32 v35;
	v2 =	vnsel vm6, $0x4BC, v2;
	v38 =	vsel vm9, $0xE0, v9  }
0x43: {  	v9 =	vunpack.c.0.s8.s32 v39;
	v11 =	vand.u32 $0xFF, v11;
	v35 =	vnsel vm6, $0x4C4, v26  }
0x44: {  	v26 =	vand.u32 $0xFF, v27;
	v27 =	vand.u32 $0xFF, v28;
	v28 =	vand.u32 $0xFF, v29  }
0x45: {  	[tilespmem:$0x1FB10] =	vst v5;
	v29 =	vimm.s32 $0xDC8936;
	v60 =	vsel vm9, $0x130, v59;
	v62 =	vsel vm9, $0x140, v61  }
0x46: {  	v59 =	vimm.s32 $0x7F6E5D4C;
	v61 =	vimm.s32 $0xB3E2D1C;
	v5 =	vimm.s32 $0x4B7E6D5C  }
0x47: {  	v23 =	vsel vm3, $0x1C6, v23;
	v25 =	vsel vm3, $0x1C8, v25;
	v33 =	vsel vm3, $0x1CF, v33  }
0x48: {  	v24 =	vsel vm2, $0x21A, v24;
	v34 =	vsel vm2, $0x223, v34;
	v21 =	vsel vm1, $0x26A, v21  }
0x49: {  	v19 =	vsel vm0, $0x2BB, v19;
	v22 =	vsel vm0, $0x2BE, v22;
	v7 =	vsel vm7, $0xF1, v38  }
0x4a: {  	v11 =	vnsel vm6, $0x4C1, v11;
	v29 =	vunpack.c.0.s8.s32 v29;
	v37 =	vnsel vm6, $0x4C5, v26  }
0x4b: {  	v38 =	vnsel vm6, $0x4C6, v27;
	v39 =	vnsel vm6, $0x4C7, v28;
	v27 =	vand.u32 $0xFF, v30  }
0x4c: {  	v28 =	vand.u32 $0xFF, v31;
	v30 =	vimm.s32 $0xE08D3A;
	v31 =	vimm.s32 $0xE18E3B  }
0x4d: {  	v35 =	vsel vm4, $0x12B, v35;
	v23 =	vsel vm2, $0x219, v23;
	v25 =	vsel vm2, $0x21B, v25  }
0x4e: {  	v33 =	vsel vm2, $0x222, v33;
	v24 =	vsel vm1, $0x26D, v24;
	v21 =	vsel vm0, $0x2BD, v21  }
0x4f: {  	v7 =	vsel vm10, $0x102, v7;
	v9 =	vand.u32 $0xFF, v9;
	v30 =	vunpack.c.0.s8.s32 v30  }
0x50: {  	v31 =	vunpack.c.0.s8.s32 v31;
	v42 =	vnsel vm6, $0x4C9, v27;
	v43 =	vnsel vm6, $0x4CA, v28  }
0x51: {  	v32 =	vsel vm4, $0x128, v11;
	v37 =	vsel vm4, $0x12C, v37;
	v38 =	vsel vm4, $0x12D, v38  }
0x52: {  	v39 =	vsel vm4, $0x12E, v39;
	v0 =	vsel vm11, v1, v0;
	v35 =	vsel vm5, $0x17E, v35  }
0x53: {  	v23 =	vsel vm1, $0x26C, v23;
	v25 =	vsel vm1, $0x26E, v25;
	v9 =	vnsel vm6, $0x4BF, v9  }
0x54: {  	v26 =	vand.u32 $0xFF, v29;
	v29 =	vimm.s32 $0xDF8C39;
	v7 =	vsel vm4, $0x113, v7  }
0x55: {  	v42 =	vsel vm4, $0x130, v42;
	v43 =	vsel vm4, $0x131, v43;
	v32 =	vsel vm5, $0x17B, v32  }
0x56: {  	v37 =	vsel vm5, $0x17F, v37;
	v38 =	vsel vm5, $0x180, v38;
	v39 =	vsel vm5, $0x181, v39  }
0x57: {  	v35 =	vsel vm3, $0x1D1, v35;
	v25 =	vsel vm0, $0x2C1, v25;
	v29 =	vunpack.c.0.s8.s32 v29  }
0x58: {  	v41 =	vnsel vm6, $0x4C8, v26;
	v27 =	vand.u32 $0xFF, v30;
	v28 =	vand.u32 $0xFF, v31  }
0x59: {  	v30 =	vimm.s32 $0xE3903D;
	v31 =	vimm.s32 $0xE4913E;
	v40 =	vsel vm5, $0x124, v7  }
0x5a: {  	v7 =	vunpack.c.0.s8.s32 v59;
	v42 =	vsel vm5, $0x183, v42;
	v43 =	vsel vm5, $0x184, v43  }
0x5b: {  	v32 =	vsel vm3, $0x1CE, v32;
	v37 =	vsel vm3, $0x1D2, v37;
	v38 =	vsel vm3, $0x1D3, v38  }
0x5c: {  	v39 =	vsel vm3, $0x1D4, v39;
	v35 =	vsel vm2, $0x224, v35;
	v30 =	vunpack.c.0.s8.s32 v30  }
0x5d: {  	v31 =	vunpack.c.0.s8.s32 v31;
	v45 =	vnsel vm6, $0x4CC, v27;
	v46 =	vnsel vm6, $0x4CD, v28  }
0x5e: {  	v41 =	vsel vm4, $0x12F, v41;
	v42 =	vsel vm3, $0x1D6, v42;
	v43 =	vsel vm3, $0x1D7, v43  }
0x5f: {  	v32 =	vsel vm2, $0x221, v32;
	v37 =	vsel vm2, $0x225, v37;
	v38 =	vsel vm2, $0x226, v38  }
0x60: {  	v39 =	vsel vm2, $0x227, v39;
	v26 =	vand.u32 $0xFF, v29;
	v29 =	vimm.s32 $0xE28F3C  }
0x61: {  	v45 =	vsel vm4, $0x133, v45;
	v46 =	vsel vm4, $0x134, v46;
	v41 =	vsel vm5, $0x182, v41  }
0x62: {  	v42 =	vsel vm2, $0x229, v42;
	v43 =	vsel vm2, $0x22A, v43;
	v29 =	vunpack.c.0.s8.s32 v29  }
0x63: {  	v44 =	vnsel vm6, $0x4CB, v26;
	v27 =	vand.u32 $0xFF, v30;
	v28 =	vand.u32 $0xFF, v31  }
0x64: {  	v30 =	vimm.s32 $0xE69340;
	v31 =	vimm.s32 $0xE79441;
	v45 =	vsel vm5, $0x186, v45  }
0x65: {  	v46 =	vsel vm5, $0x187, v46;
	v41 =	vsel vm3, $0x1D5, v41;
	v30 =	vunpack.c.0.s8.s32 v30  }
0x66: {  	v31 =	vunpack.c.0.s8.s32 v31;
	v48 =	vnsel vm6, $0x4CF, v27;
	v49 =	vnsel vm6, $0x4D0, v28  }
0x67: {  	v44 =	vsel vm4, $0x132, v44;
	v45 =	vsel vm3, $0x1D9, v45;
	v46 =	vsel vm3, $0x1DA, v46  }
0x68: {  	v41 =	vsel vm2, $0x228, v41;
	v26 =	vand.u32 $0xFF, v29;
	v29 =	vimm.s32 $0xE5923F  }
0x69: {  	v48 =	vsel vm4, $0x136, v48;
	v49 =	vsel vm4, $0x137, v49;
	v44 =	vsel vm5, $0x185, v44  }
0x6a: {  	v45 =	vsel vm2, $0x1E1, v45;
	v46 =	vsel vm2, $0x1E2, v46;
	v29 =	vunpack.c.0.s8.s32 v29  }
0x6b: {  	v47 =	vnsel vm6, $0x4CE, v26;
	v27 =	vand.u32 $0xFF, v30;
	v28 =	vand.u32 $0xFF, v31  }
0x6c: {  	v30 =	vsel vm4, $0x126, v9;
	v31 =	vsel vm4, $0x127, v10;
	v48 =	vsel vm5, $0x189, v48  }
0x6d: {  	v49 =	vsel vm5, $0x18A, v49;
	v44 =	vsel vm3, $0x1D8, v44;
	v51 =	vnsel vm6, $0x4D2, v27  }
0x6e: {  	v52 =	vnsel vm6, $0x4D3, v28;
	v27 =	vsel vm4, $0x123, v2;
	v28 =	vsel vm4, $0x124, v6  }
0x6f: {  	v2 =	vsel vm3, $0x135, v40;
	v6 =	vsel vm9, $0x120, v57;
	v47 =	vsel vm4, $0x135, v47  }
0x70: {  	v57 =	vimm.s32 $0x7B6A5948;
	v30 =	vsel vm5, $0x179, v30;
	v31 =	vsel vm5, $0x17A, v31  }
0x71: {  	v48 =	vsel vm3, $0x191, v48;
	v49 =	vsel vm3, $0x192, v49;
	v44 =	vsel vm2, $0x1E0, v44  }
0x72: {  	v26 =	vand.u32 $0xFF, v29;
	v29 =	vsel vm4, $0x125, v8;
	v2 =	vsel vm2, $0x146, v2  }
0x73: {  	v58 =	vsel vm7, $0x131, v6;
	v6 =	vsel vm7, $0x161, v63;
	v51 =	vsel vm4, $0x139, v51  }
0x74: {  	v52 =	vsel vm4, $0x13A, v52;
	v27 =	vsel vm5, $0x176, v27;
	v28 =	vsel vm5, $0x177, v28  }
0x75: {  	v47 =	vsel vm5, $0x188, v47;
	v30 =	vsel vm3, $0x1CC, v30;
	v31 =	vsel vm3, $0x1CD, v31  }
0x76: {  	v48 =	vsel vm2, $0x1E4, v48;
	v49 =	vsel vm2, $0x1E5, v49;
	v50 =	vnsel vm6, $0x4D1, v26  }
0x77: {  	v26 =	vsel vm4, $0x103, v4;
	v4 =	vsel vm9, $0xF0, v53;
	v9 =	vsel vm10, $0x172, v6  }
0x78: {  	vm6 =	vcmask $0x2724;
	v53 =	vimm.s32 $0xCF;
	v29 =	vsel vm5, $0x178, v29  }
0x79: {  	v51 =	vsel vm5, $0x141, v51;
	v52 =	vsel vm5, $0x142, v52;
	v27 =	vsel vm3, $0x1C9, v27  }
0x7a: {  	v28 =	vsel vm3, $0x1CA, v28;
	v47 =	vsel vm3, $0x190, v47;
	v30 =	vsel vm2, $0x21F, v30  }
0x7b: {  	v31 =	vsel vm2, $0x220, v31;
	v4 =	vsel vm7, $0x101, v4;
	v50 =	vsel vm4, $0x138, v50  }
0x7c: {  	v54 =	vsel vm4, $0x183, v9;
	v53 =	vsel vm9, $0x160, v53;
	v26 =	vsel vm5, $0x114, v26  }
0x7d: {  	v29 =	vsel vm3, $0x1CB, v29;
	v51 =	vsel vm3, $0x194, v51;
	v52 =	vsel vm3, $0x195, v52  }
0x7e: {  	v27 =	vsel vm2, $0x21C, v27;
	v28 =	vsel vm2, $0x21D, v28;
	v47 =	vsel vm2, $0x1E3, v47  }
0x7f: {  	v17 =	vsel vm6, $0x30C, v17;
	v18 =	vsel vm6, $0x30D, v18;
	v22 =	vsel vm6, $0x311, v22  }
0x80: {  	v25 =	vsel vm6, $0x314, v25;
	v4 =	vsel vm10, $0x112, v4;
	v9 =	vsel vm11, v13, v54  }
0x81: {  	v13 =	vimm.s32 $0xD3C2B1A0;
	v54 =	vimm.s32 $0x3362514;
	v53 =	vsel vm7, $0x171, v53  }
0x82: {  	v50 =	vsel vm5, $0x140, v50;
	v26 =	vsel vm3, $0x125, v26;
	v29 =	vsel vm2, $0x21E, v29  }
0x83: {  	v51 =	vsel vm2, $0x1E7, v51;
	v52 =	vsel vm2, $0x1E8, v52;
	v8 =	vsel vm4, $0x123, v4  }
0x84: {  	v4 =	vsel vm10, $0x122, v55;
	v55 =	vsel vm1, $0x157, v2;
	v2 =	vunpack.c.0.s8.s32 v57  }
0x85: {  	v54 =	vunpack.c.0.s8.s32 v54;
	v53 =	vsel vm10, $0x182, v53;
	v57 =	vimm.s32 $0x8BBEAD9C  }
0x86: {  	v50 =	vsel vm3, $0x193, v50;
	v26 =	vsel vm2, $0x136, v26;
	v36 =	vsel vm4, $0x133, v4  }
0x87: {  	[tilespmem:$0x1FA80] =	vst v0;
	v4 =	vsel vm7, $0x121, v56;
	v56 =	vimm.s32 $0x3B2A1908;
	v0 =	vsel vm0, $0x168, v55  }
0x88: {  	v55 =	vimm.s32 $0x477A6958;
	v50 =	vsel vm2, $0x1E6, v50;
	v4 =	vsel vm10, $0x132, v4  }
0x89: {  	v1 =	vunpack.c.0.s8.s32 v56;
	v2 =	vand.u32 $0xFF, v2;
	v0 =	vsel vm6, $0x179, v0  }
0x8a: {  	v55 =	vunpack.c.0.s8.s32 v55;
	v53 =	vsel vm13, v54, v53;
	v54 =	vunpack.c.0.s8.s32 v57  }
0x8b: {  	v56 =	vimm.s32 $0x57467968;
	v57 =	vimm.s32 $0x9B8ABDAC;
	vm13 =	vcmask $0xF00  }
0x8c: {  	v36 =	vsel vm5, $0x144, v36;
	v40 =	vsel vm4, $0x143, v4;
	v4 =	vsel vm10, $0x142, v58  }
0x8d: {  	v58 =	vimm.s32 $0xBFAE9D8C;
	v57 =	vunpack.c.0.s8.s32 v57;
	v36 =	vsel vm3, $0x155, v36  }
0x8e: {  	v10 =	vsel vm4, $0x153, v4;
	v4 =	vsel vm7, $0x141, v60;
	v6 =	vunpack.c.0.s8.s32 v58  }
0x8f: {  	v7 =	vsel vm11, v7, v1;
	v1 =	vunpack.c.0.s8.s32 v61;
	v61 =	vand.u32 $0xFF, v54  }
0x90: {  	v40 =	vsel vm5, $0x154, v40;
	v36 =	vsel vm2, $0x166, v36;
	v4 =	vsel vm10, $0x152, v4  }
0x91: {  	v63 =	vsel vm5, $0x164, v10;
	v40 =	vsel vm3, $0x165, v40;
	v11 =	vsel vm4, $0x163, v4  }
0x92: {  	v4 =	vsel vm7, $0x151, v62;
	v6 =	vand.u32 $0xFF, v6;
	v62 =	vsel vm5, $0x134, v8  }
0x93: {  	v8 =	vsel vm3, $0x175, v63;
	v63 =	vimm.s32 $0x13023524;
	v40 =	vsel vm2, $0x176, v40  }
0x94: {  	v4 =	vsel vm10, $0x162, v4;
	v60 =	vsel vm11, v6, v2;
	v8 =	vsel vm2, $0x186, v8  }
0x95: {  	v6 =	vand.u32 $0xFF, v55;
	v2 =	vsel vm3, $0x145, v62;
	v11 =	vsel vm5, $0x174, v11  }
0x96: {  	v62 =	vimm.s32 $0xDF;
	v54 =	vunpack.c.0.s8.s32 v63;
	vm10 =	vcmask $0x1708  }
0x97: {  	vm11 =	vcmask $0x2718;
	v63 =	vimm.s32 $0xEF;
	v12 =	vsel vm4, $0x173, v4  }
0x98: {  	vm4 =	vcmask $0x2B28;
	v4 =	vimm.s32 $0x73A2918;
	v53 =	vsel vm14, v6, v53  }
0x99: {  	v58 =	vsel vm2, $0x156, v2;
	v11 =	vsel vm3, $0x185, v11;
	v6 =	vimm.s32 $0x5B4A7D6C  }
0x9a: {  	[tilespmem:$0x1FB20] =	vst v60;
	v0 =	vsel vm4, $0x18A, v0;
	v10 =	vunpack.c.0.s8.s32 v4;
	v60 =	vsel vm1, $0x167, v58  }
0x9b: {  	v2 =	vsel vm15, v61, v53;
	v4 =	vimm.s32 $0x17063928;
	v53 =	vsel vm9, $0x170, v62  }
0x9c: {  	v61 =	vand.u32 $0xFF, v57;
	v62 =	vimm.s32 $0xF3E2D1C0;
	v12 =	vsel vm5, $0x184, v12  }
0x9d: {  	v58 =	vimm.s32 $0x67564578;
	v17 =	vsel vm4, $0x35F, v17;
	v18 =	vsel vm4, $0x360, v18  }
0x9e: {  	v22 =	vsel vm4, $0x364, v22;
	v25 =	vsel vm4, $0x367, v25;
	v0 =	vsel vm15, v1, v0  }
0x9f: {  	v53 =	vsel vm7, $0x181, v53;
	v55 =	vunpack.c.0.s8.s32 v4;
	v4 =	vimm.s32 $0xE3D2C1B0  }
0xa0: {  	v8 =	vsel vm14, v10, v8;
	v10 =	vunpack.c.0.s8.s32 v5;
	v53 =	vsel vm10, v54, v53  }
0xa1: {  	v5 =	vunpack.c.0.s8.s32 v56;
	v56 =	vunpack.c.0.s8.s32 v6;
	vm14 =	vcmask $0x2314  }
0xa2: {  	v11 =	vsel vm11, v55, v11;
	v55 =	vunpack.c.0.s8.s32 v4;
	v59 =	vand.u32 $0xFF, v10  }
0xa3: {  	v10 =	vsel vm0, $0x178, v60;
	v54 =	vand.u32 $0xFF, v5;
	v60 =	vand.u32 $0xFF, v56  }
0xa4: {  	v5 =	vimm.s32 $0x23120134;
	v1 =	vsel vm15, v59, v8;
	v8 =	vunpack.c.0.s8.s32 v13  }
0xa5: {  	v10 =	vsel vm6, $0x189, v10;
	v13 =	vimm.s32 $0x1B0A3D2C;
	v53 =	vsel vm11, v54, v53  }
0xa6: {  	v11 =	vsel vm12, v60, v11;
	v54 =	vsel vm9, $0x180, v63;
	v60 =	vimm.s32 $0x27160538  }
0xa7: {  	v56 =	vunpack.c.0.s8.s32 v5;
	v59 =	vimm.s32 $0x6B5A497C;
	v63 =	vimm.s32 $0xAB9A89BC  }
0xa8: {  	vm15 =	vcmask $0x3324;
	v55 =	vand.u32 $0xFF, v55;
	v13 =	vunpack.c.0.s8.s32 v13  }
0xa9: {  	v57 =	vunpack.c.0.s8.s32 v60;
	v4 =	vunpack.c.0.s8.s32 v63;
	v63 =	vimm.s32 $0xF1E99643  }
0xaa: {  	v55 =	vnsel vm13, $0x1F, v55;
	v54 =	vsel vm8, v56, v54;
	v6 =	vunpack.c.0.s8.s32 v63  }
0xab: {  	v63 =	vimm.s32 $0xF8A5524A;
	v55 =	vsel vm5, $0xF4, v55;
	v13 =	vsel vm12, v13, v10  }
0xac: {  	v10 =	vsel vm12, v61, v53;
	v53 =	vand.u32 $0xFF, v8;
	v8 =	vunpack.c.0.s8.s32 v62  }
0xad: {  	v61 =	vunpack.c.0.s8.s32 v58;
	v62 =	vunpack.c.0.s8.s32 v59;
	v12 =	vsel vm14, v57, v12  }
0xae: {  	v60 =	vand.u32 $0xFF, v4;
	v63 =	vunpack.c.0.s8.s32 v63;
	v55 =	vsel vm3, $0x105, v55  }
0xaf: {  	v4 =	vsel vm0, $0x2B6, v14;
	v14 =	vsel vm1, $0x187, v40;
	v40 =	vsel vm1, $0x232, v43  }
0xb0: {  	v43 =	vsel vm1, $0x235, v46;
	v46 =	vsel vm1, $0x238, v49;
	v49 =	vsel vm1, $0x23B, v52  }
0xb1: {  	vm12 =	vcmask $0x2F2C;
	v53 =	vnsel vm13, $0xF, v53;
	v55 =	vsel vm2, $0x116, v55  }
0xb2: {  	v4 =	vsel vm6, $0x309, v4;
	v40 =	vsel vm0, $0x285, v40;
	v43 =	vsel vm0, $0x288, v43  }
0xb3: {  	v46 =	vsel vm0, $0x28B, v46;
	v49 =	vsel vm0, $0x28E, v49;
	v17 =	vsel vm12, $0x3B2, v17  }
0xb4: {  	v18 =	vsel vm12, $0x3B3, v18;
	v22 =	vsel vm12, $0x3B7, v22;
	v25 =	vsel vm12, $0x3BA, v25  }
0xb5: {  	v8 =	vand.u32 $0xFF, v8;
	v56 =	vand.u32 $0xFF, v61;
	v58 =	vand.u32 $0xFF, v62  }
0xb6: {  	v62 =	vimm.s32 $0xF0E89542;
	v63 =	vand.u32 $0xFF, v63;
	v53 =	vsel vm5, $0xE4, v53  }
0xb7: {  	v55 =	vsel vm1, $0x127, v55;
	v4 =	vsel vm4, $0x35C, v4;
	v40 =	vsel vm6, $0x2D8, v40  }
0xb8: {  	v43 =	vsel vm6, $0x2DB, v43;
	v46 =	vsel vm6, $0x2DE, v46;
	v49 =	vsel vm6, $0x2E1, v49  }
0xb9: {  	v54 =	vsel vm14, v56, v54;
	v5 =	vsel vm5, $0x104, v8;
	v12 =	vsel vm15, v58, v12  }
0xba: {  	v56 =	vunpack.c.0.s8.s32 v62;
	v62 =	vimm.s32 $0xF4A19946;
	v63 =	vnsel vm13, $0x4DC, v63  }
0xbb: {  	v53 =	vsel vm3, $0xF5, v53;
	v55 =	vsel vm0, $0x138, v55;
	v4 =	vsel vm12, $0x3AF, v4  }
0xbc: {  	v40 =	vsel vm4, $0x32B, v40;
	v43 =	vsel vm4, $0x32E, v43;
	v46 =	vsel vm4, $0x331, v46  }
0xbd: {  	v49 =	vsel vm4, $0x334, v49;
	vm14 =	vcmask $0x3734;
	v8 =	vsel vm15, v60, v54  }
0xbe: {  	v61 =	vsel vm3, $0x115, v5;
	v60 =	vimm.s32 $0xF2EA9744;
	v59 =	vunpack.c.0.s8.s32 v62  }
0xbf: {  	v62 =	vimm.s32 $0xF7A45149;
	v63 =	vsel vm5, $0x14B, v63;
	v53 =	vsel vm2, $0x106, v53  }
0xc0: {  	v5 =	vsel vm1, $0x264, v15;
	v15 =	vsel vm1, $0x177, v36;
	v36 =	vsel vm1, $0x279, v38  }
0xc1: {  	v38 =	vsel vm1, $0x230, v41;
	v41 =	vsel vm1, $0x233, v44;
	v44 =	vsel vm1, $0x236, v47  }
0xc2: {  	v47 =	vsel vm1, $0x239, v50;
	v55 =	vsel vm6, $0x149, v55;
	v40 =	vsel vm12, $0x37E, v40  }
0xc3: {  	v43 =	vsel vm12, $0x381, v43;
	v46 =	vsel vm12, $0x384, v46;
	v49 =	vsel vm12, $0x387, v49  }
0xc4: {  	vm15 =	vcmask $0x3B38;
	v54 =	vsel vm2, $0x126, v61;
	v56 =	vand.u32 $0xFF, v56  }
0xc5: {  	v61 =	vimm.s32 $0xF3A09845;
	v57 =	vunpack.c.0.s8.s32 v60;
	v60 =	vimm.s32 $0xF5A29A47  }
0xc6: {  	v62 =	vunpack.c.0.s8.s32 v62;
	v63 =	vsel vm3, $0x19E, v63;
	v53 =	vsel vm1, $0x117, v53  }
0xc7: {  	v5 =	vsel vm0, $0x2B7, v5;
	v36 =	vsel vm0, $0x281, v36;
	v38 =	vsel vm0, $0x283, v38  }
0xc8: {  	v41 =	vsel vm0, $0x286, v41;
	v44 =	vsel vm0, $0x289, v44;
	v47 =	vsel vm0, $0x28C, v47  }
0xc9: {  	v55 =	vsel vm4, $0x15A, v55;
	v11 =	vsel vm15, $0x8E, v11;
	v54 =	vsel vm1, $0x137, v54  }
0xca: {  	v58 =	vunpack.c.0.s8.s32 v61;
	v56 =	vnsel vm13, $0x4D4, v56;
	v59 =	vand.u32 $0xFF, v59  }
0xcb: {  	v60 =	vunpack.c.0.s8.s32 v60;
	v61 =	vimm.s32 $0xF6A35048;
	v63 =	vsel vm2, $0x1F1, v63  }
0xcc: {  	v53 =	vsel vm0, $0x128, v53;
	v5 =	vsel vm6, $0x30A, v5;
	v36 =	vsel vm6, $0x2D4, v36  }
0xcd: {  	v38 =	vsel vm6, $0x2D6, v38;
	v41 =	vsel vm6, $0x2D9, v41;
	v44 =	vsel vm6, $0x2DC, v44  }
0xce: {  	v47 =	vsel vm6, $0x2DF, v47;
	v55 =	vsel vm12, $0x16B, v55;
	v3 =	vcombine.low v54, v3  }
0xcf: {  	v54 =	vand.u32 $0xFF, v6;
	v57 =	vand.u32 $0xFF, v57;
	v61 =	vunpack.c.0.s8.s32 v61  }
0xd0: {  	v59 =	vnsel vm13, $0x4D8, v59;
	v62 =	vand.u32 $0xFF, v62;
	v56 =	vsel vm5, $0x143, v56  }
0xd1: {  	v6 =	vsel vm1, $0x265, v16;
	v16 =	vsel vm1, $0x147, v26;
	v26 =	vsel vm1, $0x26F, v27  }
0xd2: {  	v27 =	vsel vm1, $0x270, v28;
	v28 =	vsel vm1, $0x271, v29;
	v29 =	vsel vm1, $0x272, v30  }
0xd3: {  	v30 =	vsel vm1, $0x273, v31;
	v31 =	vsel vm1, $0x274, v32;
	v32 =	vsel vm1, $0x275, v33  }
0xd4: {  	v33 =	vsel vm1, $0x276, v34;
	v34 =	vsel vm1, $0x277, v35;
	v35 =	vsel vm1, $0x278, v37  }
0xd5: {  	v37 =	vsel vm1, $0x27A, v39;
	v39 =	vsel vm1, $0x231, v42;
	v42 =	vsel vm1, $0x234, v45  }
0xd6: {  	v45 =	vsel vm1, $0x237, v48;
	v48 =	vsel vm1, $0x23A, v51;
	v53 =	vsel vm6, $0x139, v53  }
0xd7: {  	v5 =	vsel vm4, $0x35D, v5;
	v36 =	vsel vm4, $0x327, v36;
	v38 =	vsel vm4, $0x329, v38  }
0xd8: {  	v41 =	vsel vm4, $0x32C, v41;
	v44 =	vsel vm4, $0x32F, v44;
	v47 =	vsel vm4, $0x332, v47  }
0xd9: {  	v54 =	vnsel vm13, $0x4D5, v54;
	v58 =	vand.u32 $0xFF, v58;
	v57 =	vnsel vm13, $0x4D6, v57  }
0xda: {  	v60 =	vand.u32 $0xFF, v60;
	v62 =	vnsel vm13, $0x4DB, v62;
	v59 =	vsel vm5, $0x147, v59  }
0xdb: {  	v56 =	vsel vm3, $0x196, v56;
	v6 =	vsel vm0, $0x2B8, v6;
	v27 =	vsel vm0, $0x2C3, v27  }
0xdc: {  	v30 =	vsel vm0, $0x2C6, v30;
	v31 =	vsel vm0, $0x2C7, v31;
	v35 =	vsel vm0, $0x280, v35  }
0xdd: {  	v37 =	vsel vm0, $0x282, v37;
	v39 =	vsel vm0, $0x284, v39;
	v42 =	vsel vm0, $0x287, v42  }
0xde: {  	v45 =	vsel vm0, $0x28A, v45;
	v48 =	vsel vm0, $0x28D, v48;
	v53 =	vsel vm4, $0x14A, v53  }
0xdf: {  	v5 =	vsel vm12, $0x3B0, v5;
	v36 =	vsel vm12, $0x37A, v36;
	v38 =	vsel vm12, $0x37C, v38  }
0xe0: {  	v41 =	vsel vm12, $0x37F, v41;
	v44 =	vsel vm12, $0x382, v44;
	v47 =	vsel vm12, $0x385, v47  }
0xe1: {  	v58 =	vnsel vm13, $0x4D7, v58;
	v60 =	vnsel vm13, $0x4D9, v60;
	v61 =	vand.u32 $0xFF, v61  }
0xe2: {  	v54 =	vsel vm5, $0x144, v54;
	v57 =	vsel vm5, $0x145, v57;
	v62 =	vsel vm5, $0x14A, v62  }
0xe3: {  	v59 =	vsel vm3, $0x19A, v59;
	v56 =	vsel vm2, $0x1E9, v56;
	v6 =	vsel vm6, $0x30B, v6  }
0xe4: {  	v27 =	vsel vm6, $0x316, v27;
	v30 =	vsel vm6, $0x319, v30;
	v31 =	vsel vm6, $0x31A, v31  }
0xe5: {  	v45 =	vsel vm6, $0x2DD, v45;
	v53 =	vsel vm12, $0x15B, v53;
	v61 =	vnsel vm13, $0x4DA, v61  }
0xe6: {  	v58 =	vsel vm5, $0x146, v58;
	v60 =	vsel vm5, $0x148, v60;
	v54 =	vsel vm3, $0x197, v54  }
0xe7: {  	v57 =	vsel vm3, $0x198, v57;
	v62 =	vsel vm3, $0x19D, v62;
	v59 =	vsel vm2, $0x1ED, v59  }
0xe8: {  	v50 =	vsel vm1, $0x23C, v56;
	v6 =	vsel vm4, $0x35E, v6;
	v27 =	vsel vm4, $0x369, v27  }
0xe9: {  	v31 =	vsel vm4, $0x322, v31;
	v45 =	vsel vm4, $0x330, v45;
	vm13 =	vcmask $0x3330  }
0xea: {  	v61 =	vsel vm5, $0x149, v61;
	v58 =	vsel vm3, $0x199, v58;
	v60 =	vsel vm3, $0x19B, v60  }
0xeb: {  	v54 =	vsel vm2, $0x1EA, v54;
	v57 =	vsel vm2, $0x1EB, v57;
	v62 =	vsel vm2, $0x1F0, v62  }
0xec: {  	v56 =	vsel vm1, $0x240, v59;
	v6 =	vsel vm12, $0x3B1, v6;
	v27 =	vsel vm12, $0x371, v27  }
0xed: {  	v31 =	vsel vm12, $0x375, v31;
	v45 =	vsel vm12, $0x383, v45;
	v5 =	vsel vm13, $0x403, v5  }
0xee: {  	v53 =	vsel vm13, $0x16C, v53;
	v18 =	vsel vm13, $0x406, v18;
	v55 =	vsel vm13, $0x17C, v55  }
0xef: {  	v22 =	vsel vm13, $0x40A, v22;
	v25 =	vsel vm13, $0x3C2, v25;
	v40 =	vsel vm13, $0x3D1, v40  }
0xf0: {  	v46 =	vsel vm13, $0x3D7, v46;
	v61 =	vsel vm3, $0x19C, v61;
	v58 =	vsel vm2, $0x1EC, v58  }
0xf1: {  	v60 =	vsel vm2, $0x1EE, v60;
	v51 =	vsel vm1, $0x23D, v54;
	v52 =	vsel vm1, $0x23E, v57  }
0xf2: {  	v59 =	vsel vm1, $0x243, v62;
	v6 =	vsel vm13, $0x404, v6;
	v27 =	vsel vm13, $0x3C4, v27  }
0xf3: {  	v31 =	vsel vm13, $0x3C8, v31;
	v45 =	vsel vm13, $0x3D6, v45;
	v5 =	vsel vm14, $0x456, v5  }
0xf4: {  	v53 =	vsel vm14, $0x17D, v53;
	v18 =	vsel vm14, $0x459, v18;
	v55 =	vsel vm14, $0x18D, v55  }
0xf5: {  	v22 =	vsel vm14, $0x412, v22;
	v25 =	vsel vm14, $0x415, v25;
	v40 =	vsel vm14, $0x424, v40  }
0xf6: {  	v46 =	vsel vm14, $0x42A, v46;
	v62 =	vsel vm14, $0x8D, v12;
	v61 =	vsel vm2, $0x1EF, v61  }
0xf7: {  	v54 =	vsel vm1, $0x23F, v58;
	v57 =	vsel vm1, $0x241, v60;
	v60 =	vsel vm1, $0x244, v63  }
0xf8: {  	v63 =	vld [tilespmem:$0x1FA80];
	v6 =	vsel vm14, $0x457, v6;
	v27 =	vsel vm14, $0x417, v27;
	v31 =	vsel vm14, $0x41B, v31  }
0xf9: {  	v45 =	vsel vm14, $0x429, v45;
	v58 =	vsel vm1, $0x242, v61;
	v61 =	vsel vm13, $0x402, v4  }
0xfa: {  	v5 =	vsel vm15, $0x4A9, v5;
	v58 =	vsel vm0, $0x295, v58;
	v61 =	vsel vm14, $0x455, v61  }
0xfb: {  	v12 =	vsel vm15, $0xE, v55;
	v58 =	vsel vm6, $0x2E8, v58;
	v61 =	vsel vm15, $0x4A8, v61  }
0xfc: {  	v55 =	vsel vm15, $0x465, v22;
	v58 =	vsel vm4, $0x33B, v58;
	[tilespmem:$0x1FA90] =	vst v61;
	v61 =	vsel vm15, $0x47D, v46  }
0xfd: {  	s1 =	rddreg [dreg:$0x1];
	[tilespmem:$0x1FAA0] =	vst v5;
	v4 =	vcombine.low v16, v63;
	v63 =	vsel vm14, $0xCD, v8;
	v8 =	vsel vm15, $0x4AA, v6  }
0xfe: {  	s2 =	rddreg [dreg:$0x2];
	[tilespmem:$0x1FAB0] =	vst v8;
	v8 =	vsel vm15, $0x18E, v53;
	v53 =	vsel vm15, $0x461, v18;
	v18 =	vsel vm15, $0x468, v25  }
0xff: {  	s3 =	rddreg [dreg:$0x3];
	v46 =	vsel vm15, $0x9E, v62;
	v62 =	vsel vm15, $0xCE, v10;
	[tilespmem:$0x1FAC0] =	vst v18;
	v18 =	vsel vm15, $0x46A, v27  }
0x100: {  	s0 =	rddreg [dreg:$0x4];
	v58 =	vsel vm12, $0x38E, v58;
	v16 =	vlaneseq.u32;
	[tilespmem:$0x1FAD0] =	vst v18;
	v18 =	vsel vm15, $0x46E, v31  }
0x101: {  	s12 =	rddreg [dreg:$0x6];
	s8 =	simm.s32 $0x0;
	v58 =	vsel vm13, $0x3E1, v58;
	v31 =	vmul.u32 $0x53, v16;
	[tilespmem:$0x1FAE0] =	vst v18;
	v18 =	vsel vm15, $0x477, v40  }
0x102: {  	[smem:$0x7FF] =	sst s8;
	v10 =	vsel vm15, $0xDE, v63;
	v58 =	vsel vm14, $0x434, v58;
	[tilespmem:$0x1FAF0] =	vst v18;
	v18 =	vsel vm15, $0x47C, v45  }
0x103: {  	s7 =	rddreg [dreg:$0x7];
	v22 =	vsel vm15, $0x487, v58;
	v58 =	vmul.u32 $0x11, v16;
	v63 =	vadd.s32 $0x6, v31;
	_ =	strace $0x80000047;
	[tilespmem:$0x1FB00] =	vst v18  }
0x104: {  	v35 =	vsel vm6, $0x2D3, v35;
	v37 =	vsel vm6, $0x2D5, v37;
	v40 =	vadd.s32 $0x7, v31;
	[tilespmem:$0x1FB60] =	vst v63  }
0x105: {  	v39 =	vsel vm6, $0x2D7, v39;
	v17 =	vsel vm13, $0x405, v17;
	v6 =	vadd.s32 $0x50, v58;
	[tilespmem:$0x1FB70] =	vst v40  }
0x106: {  	v42 =	vsel vm6, $0x2DA, v42;
	v17 =	vsel vm14, $0x458, v17;
	v5 =	vadd.s32 $0x15, v31;
	[tilespmem:$0x1FC20] =	vst v6  }
0x107: {  	v48 =	vsel vm6, $0x2E0, v48;
	v30 =	vsel vm4, $0x321, v30;
	v17 =	vsel vm15, $0x460, v17;
	[tilespmem:$0x1FC60] =	vst v5  }
0x108: {  	v35 =	vsel vm4, $0x326, v35;
	v37 =	vsel vm4, $0x328, v37;
	v39 =	vsel vm4, $0x32A, v39;
	[tilespmem:$0x1FD10] =	vst v17  }
0x109: {  	v42 =	vsel vm4, $0x32D, v42;
	v48 =	vsel vm4, $0x333, v48;
	v50 =	vsel vm0, $0x28F, v50;
	[tilespmem:$0x1FD20] =	vst v53  }
0x10a: {  	v30 =	vsel vm12, $0x374, v30;
	v35 =	vsel vm12, $0x379, v35;
	v37 =	vsel vm12, $0x37B, v37;
	[tilespmem:$0x1FD30] =	vst v0  }
0x10b: {  	v39 =	vsel vm12, $0x37D, v39;
	v42 =	vsel vm12, $0x380, v42;
	v48 =	vsel vm12, $0x386, v48;
	[tilespmem:$0x1FD40] =	vst v1  }
0x10c: {  	v36 =	vsel vm13, $0x3CD, v36;
	v38 =	vsel vm13, $0x3CF, v38;
	v41 =	vsel vm13, $0x3D2, v41;
	[tilespmem:$0x1FD50] =	vst v2  }
0x10d: {  	v43 =	vsel vm13, $0x3D4, v43;
	v44 =	vsel vm13, $0x3D5, v44;
	v47 =	vsel vm13, $0x3D8, v47;
	[tilespmem:$0x1FD60] =	vst v3  }
0x10e: {  	v49 =	vsel vm13, $0x3DA, v49;
	v56 =	vsel vm0, $0x293, v56;
	v50 =	vsel vm6, $0x2E2, v50;
	[tilespmem:$0x1FD70] =	vst v55  }
0x10f: {  	v30 =	vsel vm13, $0x3C7, v30;
	v35 =	vsel vm13, $0x3CC, v35;
	v37 =	vsel vm13, $0x3CE, v37;
	[tilespmem:$0x1FD80] =	vst v4  }
0x110: {  	v39 =	vsel vm13, $0x3D0, v39;
	v42 =	vsel vm13, $0x3D3, v42;
	v30 =	vsel vm14, $0x41A, v30;
	[tilespmem:$0x1FD90] =	vst v8  }
0x111: {  	v48 =	vsel vm13, $0x3D9, v48;
	v35 =	vsel vm14, $0x41F, v35;
	v25 =	vsel vm15, $0x46D, v30;
	[tilespmem:$0x1FDA0] =	vst v12  }
0x112: {  	v36 =	vsel vm14, $0x420, v36;
	v30 =	vsel vm15, $0x4E, v13;
	v13 =	vsel vm15, $0x472, v35;
	[tilespmem:$0x1FDB0] =	vst v25  }
0x113: {  	v38 =	vsel vm14, $0x422, v38;
	v37 =	vsel vm14, $0x421, v37;
	v36 =	vsel vm15, $0x473, v36;
	[tilespmem:$0x1FDC0] =	vst v13  }
0x114: {  	v41 =	vsel vm14, $0x425, v41;
	v43 =	vsel vm14, $0x427, v43;
	v37 =	vsel vm15, $0x474, v37;
	[tilespmem:$0x1FDD0] =	vst v36  }
0x115: {  	v44 =	vsel vm14, $0x428, v44;
	v39 =	vsel vm14, $0x423, v39;
	v38 =	vsel vm15, $0x475, v38;
	[tilespmem:$0x1FDE0] =	vst v37  }
0x116: {  	v47 =	vsel vm14, $0x42B, v47;
	v49 =	vsel vm14, $0x42D, v49;
	v39 =	vsel vm15, $0x476, v39;
	[tilespmem:$0x1FDF0] =	vst v38  }
0x117: {  	v51 =	vsel vm0, $0x290, v51;
	v42 =	vsel vm14, $0x426, v42;
	v41 =	vsel vm15, $0x478, v41;
	[tilespmem:$0x1FE00] =	vst v39  }
0x118: {  	v52 =	vsel vm0, $0x291, v52;
	v59 =	vsel vm0, $0x296, v59;
	v42 =	vsel vm15, $0x479, v42;
	[tilespmem:$0x1FE10] =	vst v41  }
0x119: {  	v56 =	vsel vm6, $0x2E6, v56;
	v50 =	vsel vm4, $0x335, v50;
	v43 =	vsel vm15, $0x47A, v43;
	[tilespmem:$0x1FE20] =	vst v42  }
0x11a: {  	v48 =	vsel vm14, $0x42C, v48;
	v44 =	vsel vm15, $0x47B, v44;
	v47 =	vsel vm15, $0x47E, v47;
	[tilespmem:$0x1FE30] =	vst v43  }
0x11b: {  	v49 =	vsel vm15, $0x480, v49;
	v54 =	vsel vm0, $0x292, v54;
	v51 =	vsel vm6, $0x2E3, v51;
	[tilespmem:$0x1FE40] =	vst v11  }
0x11c: {  	v52 =	vsel vm6, $0x2E4, v52;
	v56 =	vsel vm4, $0x339, v56;
	v50 =	vsel vm12, $0x388, v50;
	[tilespmem:$0x1FE50] =	vst v44  }
0x11d: {  	v48 =	vsel vm15, $0x47F, v48;
	v54 =	vsel vm6, $0x2E5, v54;
	v51 =	vsel vm4, $0x336, v51;
	[tilespmem:$0x1FE60] =	vst v46  }
0x11e: {  	v52 =	vsel vm4, $0x337, v52;
	v56 =	vsel vm12, $0x38C, v56;
	v50 =	vsel vm13, $0x3DB, v50;
	[tilespmem:$0x1FE70] =	vst v61  }
0x11f: {  	v54 =	vsel vm4, $0x338, v54;
	v51 =	vsel vm12, $0x389, v51;
	v52 =	vsel vm12, $0x38A, v52;
	[tilespmem:$0x1FE80] =	vst v47  }
0x120: {  	v50 =	vsel vm14, $0x42E, v50;
	v54 =	vsel vm12, $0x38B, v54;
	v51 =	vsel vm13, $0x3DC, v51;
	[tilespmem:$0x1FE90] =	vst v48  }
0x121: {  	v52 =	vsel vm13, $0x3DD, v52;
	v50 =	vsel vm15, $0x481, v50;
	v51 =	vsel vm14, $0x42F, v51;
	[tilespmem:$0x1FEA0] =	vst v49  }
0x122: {  	v54 =	vsel vm13, $0x3DE, v54;
	v52 =	vsel vm14, $0x430, v52;
	v51 =	vsel vm15, $0x482, v51;
	[tilespmem:$0x1FEB0] =	vst v50  }
0x123: {  	v56 =	vsel vm13, $0x3DF, v56;
	v54 =	vsel vm14, $0x431, v54;
	v52 =	vsel vm15, $0x483, v52;
	[tilespmem:$0x1FEC0] =	vst v51  }
0x124: {  	v59 =	vsel vm6, $0x2E9, v59;
	v56 =	vsel vm14, $0x432, v56;
	v54 =	vsel vm15, $0x484, v54;
	[tilespmem:$0x1FED0] =	vst v52  }
0x125: {  	v7 =	vcombine.low v14, v7;
	v59 =	vsel vm4, $0x33C, v59;
	v56 =	vsel vm15, $0x485, v56;
	[tilespmem:$0x1FEE0] =	vst v54  }
0x126: {  	v24 =	vsel vm0, $0x2C0, v24;
	v23 =	vsel vm0, $0x2BF, v23;
	v59 =	vsel vm12, $0x38F, v59;
	[tilespmem:$0x1FEF0] =	vst v56  }
0x127: {  	v19 =	vsel vm6, $0x30E, v19;
	v20 =	vsel vm6, $0x30F, v20;
	v59 =	vsel vm13, $0x3E2, v59;
	[tilespmem:$0x1FF00] =	vst v7  }
0x128: {  	v21 =	vsel vm6, $0x310, v21;
	v23 =	vsel vm6, $0x312, v23;
	v59 =	vsel vm14, $0x435, v59;
	[tilespmem:$0x1FF30] =	vst v10  }
0x129: {  	v24 =	vsel vm6, $0x313, v24;
	v19 =	vsel vm4, $0x361, v19;
	v27 =	vsel vm15, $0x488, v59;
	[tilespmem:$0x1FF40] =	vst v22  }
0x12a: {  	v20 =	vsel vm4, $0x362, v20;
	v21 =	vsel vm4, $0x363, v21;
	v16 =	vadd.s32 $0x30, v58;
	[tilespmem:$0x1FF60] =	vst v27  }
0x12b: {  	v23 =	vsel vm4, $0x365, v23;
	v24 =	vsel vm4, $0x366, v24;
	v19 =	vsel vm12, $0x3B4, v19;
	[tilespmem:$0x1FF90] =	vst v16  }
0x12c: {  	v20 =	vsel vm12, $0x3B5, v20;
	v57 =	vsel vm0, $0x294, v57;
	v35 =	vadd.s32 $0x1, v31;
	[tilespmem:$0x1FFA0] =	vst v31  }
0x12d: {  	v60 =	vsel vm0, $0x297, v60;
	v57 =	vsel vm6, $0x2E7, v57;
	v45 =	vadd.s32 $0x4, v31;
	[tilespmem:$0x1FFC0] =	vst v35  }
0x12e: {  	v60 =	vsel vm6, $0x2EA, v60;
	v57 =	vsel vm4, $0x33A, v57;
	v63 =	vadd.s32 $0x8, v31;
	[tilespmem:$0x1FFE0] =	vst v45  }
0x12f: {  	v60 =	vsel vm4, $0x33D, v60;
	v57 =	vsel vm12, $0x38D, v57;
	v40 =	vadd.s32 $0x9, v31;
	[tilespmem:$0x1FB80] =	vst v63  }
0x130: {  	v60 =	vsel vm12, $0x390, v60;
	v57 =	vsel vm13, $0x3E0, v57;
	v5 =	vadd.s32 $0x16, v31;
	[tilespmem:$0x1FB90] =	vst v40  }
0x131: {  	v60 =	vsel vm13, $0x3E3, v60;
	v57 =	vsel vm14, $0x433, v57;
	v6 =	vadd.s32 $0x1B, v31;
	[tilespmem:$0x1FC70] =	vst v5  }
0x132: {  	v21 =	vsel vm12, $0x3B6, v21;
	v60 =	vsel vm14, $0x436, v60;
	v18 =	vsel vm15, $0x486, v57;
	[tilespmem:$0x1FCD0] =	vst v6  }
0x133: {  	v23 =	vsel vm12, $0x3B8, v23;
	v24 =	vsel vm12, $0x3B9, v24;
	v57 =	vsel vm15, $0x489, v60;
	[tilespmem:$0x1FF20] =	vst v18  }
0x134: {  	s4 =	srdreg.scid;
	v14 =	vimm.f32 $0.0e+00;
	v26 =	vsel vm0, $0x2C2, v26;
	v63 =	vadd.s32 $0xA, v31;
	[tilespmem:$0x1FF70] =	vst v57  }
0x135: {  	s4 =	sand.u32 $0x1, s4;
	v28 =	vsel vm0, $0x2C4, v28;
	v29 =	vsel vm0, $0x2C5, v29;
	v40 =	vadd.s32 $0xB, v31;
	[tilespmem:$0x1FBA0] =	vst v63  }
0x136: {  	s5 =	stileid.u32;
	s6 =	sshll.u32 s4, $0x4;
	v32 =	vsel vm0, $0x2C8, v32;
	v33 =	vsel vm0, $0x2C9, v33;
	v5 =	vadd.s32 $0x17, v31;
	[tilespmem:$0x1FBB0] =	vst v40  }
0x137: {  	s6 =	sor.u32 s5, s6;
	v34 =	vsel vm0, $0x2CA, v34;
	v26 =	vsel vm6, $0x315, v26;
	v6 =	vadd.s32 $0x1C, v31;
	[tilespmem:$0x1FC80] =	vst v5  }
0x138: {  	s6 =	smul.u32 $0x4E20, s6;
	v28 =	vsel vm6, $0x317, v28;
	v29 =	vsel vm6, $0x318, v29;
	v63 =	vadd.s32 $0xC, v31;
	[tilespmem:$0x1FCE0] =	vst v6  }
0x139: {  	s11 =	sadd.s32 $0x16A00, s0;
	s25 =	smul.u32 $0x9C40, s5;
	v32 =	vsel vm6, $0x2D0, v32;
	v33 =	vsel vm6, $0x2D1, v33;
	v40 =	vadd.s32 $0xD, v31;
	[tilespmem:$0x1FBC0] =	vst v63  }
0x13a: {  	s24 =	sshrl.u32 s6, $0x3;
	v34 =	vsel vm6, $0x2D2, v34;
	v26 =	vsel vm4, $0x368, v26;
	[dreg:$0x9] =	wrdreg s11;
	v5 =	vadd.s32 $0x70, v58;
	[tilespmem:$0x1FBD0] =	vst v40  }
0x13b: {  	s26 =	sadd.s32 s2, s24;
	v28 =	vsel vm4, $0x36A, v28;
	v29 =	vsel vm4, $0x320, v29;
	[dreg:$0xa] =	wrdreg s25;
	v6 =	vadd.s32 $0x1D, v31;
	[tilespmem:$0x1FC90] =	vst v5  }
0x13c: {  	s10 =	smul.u32 $0x4E2, s4;
	s13 =	sadd.s32 s3, s24;
	v32 =	vsel vm4, $0x323, v32;
	v33 =	vsel vm4, $0x324, v33;
	[dreg:$0xb] =	wrdreg s26;
	v63 =	vadd.s32 $0xE, v31;
	[tilespmem:$0x1FCF0] =	vst v6  }
0x13d: {  	s14 =	sadd.s32 s1, s24;
	s15 =	sadd.s32 $0x32, s24;
	v34 =	vsel vm4, $0x325, v34;
	v26 =	vsel vm12, $0x370, v26;
	[dreg:$0xc] =	wrdreg s13;
	v40 =	vadd.s32 $0xF, v31;
	[tilespmem:$0x1FBE0] =	vst v63  }
0x13e: {  	s9 =	sadd.s32 $0x800, s0;
	s16 =	sadd.s32 s3, s15;
	v28 =	vsel vm12, $0x372, v28;
	v29 =	vsel vm12, $0x373, v29;
	[dreg:$0xd] =	wrdreg s14;
	v5 =	vadd.s32 $0x18, v31;
	[tilespmem:$0x1FBF0] =	vst v40  }
0x13f: {  	s0 =	sadd.s32 s10, s0;
	s10 =	sadd.s32 s1, s15;
	v32 =	vsel vm12, $0x376, v32;
	v33 =	vsel vm12, $0x377, v33;
	[dreg:$0xf] =	wrdreg s16;
	v6 =	vadd.s32 $0x90, v58;
	[tilespmem:$0x1FCA0] =	vst v5  }
0x140: {  	s4 =	ssub.s32 $0x2, s4;
	s17 =	sadd.s32 $0x320, s6;
	v34 =	vsel vm12, $0x378, v34;
	v19 =	vsel vm13, $0x407, v19;
	[dreg:$0x10] =	wrdreg s10;
	v59 =	vld [tilespmem:$0x1FB10];
	v40 =	vadd.s32 $0x10, v31;
	[tilespmem:$0x1FD00] =	vst v6  }
0x141: {  	s23 =	sshrl.u32 s4, $0x1;
	s6 =	sadd.s32 $0x4B0, s6;
	v20 =	vsel vm13, $0x408, v20;
	v21 =	vsel vm13, $0x409, v21;
	[dreg:$0x11] =	wrdreg s17;
	v5 =	vadd.s32 $0x19, v31;
	[tilespmem:$0x1FC00] =	vst v40  }
0x142: {  	s4 =	ssub.s32 s4, s23;
	s0 =	sadd.s32 $0x16C00, s0;
	v23 =	vsel vm13, $0x3C0, v23;
	v24 =	vsel vm13, $0x3C1, v24;
	[dreg:$0x12] =	wrdreg s6;
	v63 =	vadd.s32 $0x40, v58;
	[tilespmem:$0x1FCB0] =	vst v5  }
0x143: {  	s31 =	simm.s32 $0x4F0;
	s18 =	smax.u32 s4, $0x1;
	v26 =	vsel vm13, $0x3C3, v26;
	v28 =	vsel vm13, $0x3C5, v28;
	[dreg:$0x13] =	wrdreg s0;
	v40 =	vadd.s32 $0x11, v31;
	[tilespmem:$0x1FFB0] =	vst v63  }
0x144: {  	s29 =	simm.s32 $0x1;
	s19 =	sadd.s32 $0x7D0, s12;
	v29 =	vsel vm13, $0x3C6, v29;
	v32 =	vsel vm13, $0x3C9, v32;
	[dreg:$0x14] =	wrdreg s18;
	v60 =	vld [tilespmem:$0x1FB20];
	v5 =	vadd.s32 $0x1A, v31;
	[tilespmem:$0x1FC10] =	vst v40  }
0x145: {  	s28 =	simm.s32 $0x19A60;
	s20 =	sadd.s32 $0x7D0, s7;
	v33 =	vsel vm13, $0x3CA, v33;
	[dreg:$0x15] =	wrdreg s19;
	v59 =	vcombine.low v15, v59;
	v15 =	vadd.s32 $0x2, v31;
	[tilespmem:$0x1FCC0] =	vst v5  }
0x146: {  	s30 =	simm.s32 $0x198D0;
	s21 =	sadd.s32 $0xFA0, s12;
	v34 =	vsel vm13, $0x3CB, v34;
	v19 =	vsel vm14, $0x45A, v19;
	[dreg:$0x16] =	wrdreg s20;
	v40 =	vadd.s32 $0x12, v31;
	[tilespmem:$0x1FB30] =	vst v15  }
0x147: {  	p0 =	sne.s32 s5, $0x0;
	s22 =	sadd.s32 $0xFA0, s7;
	v20 =	vsel vm14, $0x410, v20;
	v21 =	vsel vm14, $0x411, v21;
	[dreg:$0x17] =	wrdreg s21;
	v5 =	vadd.s32 $0x80, v58;
	[tilespmem:$0x1FC30] =	vst v40  }
0x148: {  	s5 =	simm.s32 $0x5;
	s23 =	sadd.s32 $0x1770, s12;
	v23 =	vsel vm14, $0x413, v23;
	v24 =	vsel vm14, $0x414, v24;
	[dreg:$0x18] =	wrdreg s22;
	v15 =	vadd.s32 $0x3, v31;
	[tilespmem:$0x1FFF0] =	vst v5  }
0x149: {  	s4 =	simm.s32 $0x2C00;
	s24 =	sadd.s32 $0x1770, s7;
	v26 =	vsel vm14, $0x416, v26;
	[dreg:$0x19] =	wrdreg s23;
	v9 =	vcombine.low v9, v60;
	v40 =	vadd.s32 $0x13, v31;
	[tilespmem:$0x1FB40] =	vst v15  }
0x14a: {  	v28 =	vsel vm14, $0x418, v28;
	v29 =	vsel vm14, $0x419, v29;
	v32 =	vsel vm14, $0x41C, v32;
	s11 =	sadd.s32 s2, s15;
	[dreg:$0x1a] =	wrdreg s24;
	s25 =	sadd.s32 $0x1F40, s12;
	[tilespmem:$0x1FC40] =	vst v40  }
0x14b: {  	v33 =	vsel vm14, $0x41D, v33;
	v34 =	vsel vm14, $0x41E, v34;
	v19 =	vsel vm15, $0x462, v19;
	s26 =	sadd.s32 $0x1F40, s7;
	s6 =	simm.s32 $0x6;
	s22 =	simm.s32 $0x5310;
	[tilespmem:$0x1FF10] =	vst v9  }
.Ltmp0:
0x14c: {  	v20 =	vsel vm15, $0x463, v20;
	v21 =	vsel vm15, $0x464, v21;
	s23 =	simm.s32 $0x5370;
	s17 =	simm.s32 $0x2;
	v15 =	vadd.s32 $0x5, v31;
	[tilespmem:$0x1FF80] =	vst v59;
	(pc) =	sbr.rel .LBB2_1-.Ltmp0, $4  }
0x14d: {  	v23 =	vsel vm15, $0x466, v23;
	v24 =	vsel vm15, $0x467, v24;
	s20 =	simm.s32 $0x190;
	s24 =	simm.s32 $0x9D40;
	s10 =	simm.s32 $0x3;
	v40 =	vadd.s32 $0x14, v31;
	[tilespmem:$0x1FB50] =	vst v15  }
0x14e: {  	v26 =	vsel vm15, $0x469, v26;
	v28 =	vsel vm15, $0x46B, v28;
	s13 =	simm.s32 $0x11BD0;
	s21 =	simm.s32 $0x4;
	[dreg:$0xe] =	wrdreg s11;
	v15 =	vadd.s32 $0x20, v58;
	[tilespmem:$0x1FC50] =	vst v40  }
0x14f: {  	v29 =	vsel vm15, $0x46C, v29;
	v32 =	vsel vm15, $0x46F, v32;
	s18 =	simm.s32 $0x19BF0;
	s12 =	simm.s32 $0x0;
	[dreg:$0x1b] =	wrdreg s25;
	v40 =	vadd.s32 $0x60, v58;
	[tilespmem:$0x1FF50] =	vst v15  }
0x150: {  	v33 =	vsel vm15, $0x470, v33;
	v34 =	vsel vm15, $0x471, v34;
	[dreg:$0x1c] =	wrdreg s26;
	s25 =	simm.s32 $0x53D0;
	s26 =	simm.s32 $0x19D80;
	v60 =	vadd.s32 $0x10, v58;
	[tilespmem:$0x1FFD0] =	vst v40  }
.LBB2_24:
0x151: {  	_ =	strace $0x90000049  }
0x152: {  	[bflag:$0x0] =	sbarrier.arrive $0xFFFF  }
0x153: {  	s0 =	sshrl.u32 @!p0 s7, $0x3;
	s11 =	simm.s32 @!p0 $0x1C06;
	s12 =	rddreg [dreg:$0x13]  }
0x154: {  	[hbm:s12], [sflag:s11] =	dma.local @!p0 [spmem:s0], $0x4E2  }
0x155: {  	s0 =	simm.s32 @!p0 $0x6  }
0x156: {  	_ =	swait.ge @!p0 [sflag:s0], $0x4E2  }
0x157: {  	s16 =	rddreg [dreg:$0x1d]  }
0x158: {  	s19 =	rddreg [dreg:$0x14];
	s12 =	sadd.s32 $0x1, s16  }
0x159: {  	p1 =	sne.s32 s12, s19  }
.Ltmp1:
0x15a: {  	_ = 	snop;
	(pc) =	sbr.rel @!p1 .LBB2_25-.Ltmp1, $3  }
0x15b: {  	_ =	sdelay $0x1  }
0x15c: {  	[sflag:s0] =	ssyncset.done @!p0 $0x0  }
0x15d: {  	v14 =	vimm.f32 $0.0e+00;
	[sflag:s0] =	ssyncadd.s32 @!p0 $0xFFFFFB1E  }
.LBB2_1:
0x15e: {  	s0 =	rddreg [dreg:$0x0]  }
0x15f: {  	[tilespmem:s31], [sflag:$0x6] =	stream.linear.gather [hbm4b:s0+s8], $0x2710, $0x38;
	[tilespmem:$0x1A6E0] =	vst v63  }
0x160: {  	_ =	swait.ge [sflag:s6], $0x2710  }
0x161: {  	[sflag:s6] =	ssyncset.done $0x0  }
0x162: {  	[sflag:s6] =	ssyncadd.s32 $0xFFFFD8F0  }
0x163: {  	s16 =	rddreg [dreg:$0x5]  }
0x164: {  	[tilespmem:s22], [sflag:$0x6] =	stream.linear.gather [hbm4b:s16+s8], $0x60, $0x38;
	[tilespmem:$0x1A6E0] =	vst v63  }
0x165: {  	_ =	swait.ge [sflag:s6], $0x60  }
0x166: {  	[sflag:s6] =	ssyncset.done $0x0  }
.Ltmp2:
0x167: {  	s19 =	rddreg [dreg:$0x9];
	[sflag:s6] =	ssyncadd.s32 $0xFFFFFFA0;
	(pc) =	sbr.rel @p0 .LBB2_5-.Ltmp2, $4  }
0x168: {  	[tilespmem:s23], [sflag:$0x6] =	stream.linear.gather [hbm4b:s19+s8], $0x60, $0x38;
	[tilespmem:$0x1A6E0] =	vst v63  }
0x169: {  	_ =	swait.ge [sflag:s6], $0x60  }
0x16a: {  	[sflag:s6] =	ssyncset.done $0x0  }
0x16b: {  	[sflag:s6] =	ssyncadd.s32 $0xFFFFFFA0  }
0x16c: {  	s0 =	simm.s32 $0x40;
	s11 =	simm.s32 $0x0  }
.LBB2_3:
0x16d: {  	p1 =	sne.s32 s0, $0x1F00;
	[tilespmem:s11+$0x19F10] =	vst v14;
	s11 =	smov.u32 s0;
	s0 =	sadd.s32 $0x40, s0  }
.Ltmp3:
0x16e: {  	(pc) =	sbr.rel @p1 .LBB2_3-.Ltmp3, $2  }
0x16f: {  	_ =	sdelay $0x2  }
0x170: {  	s11 =	sshra.s32 s11, $0x2  }
0x171: {  	[tilespmem:s11+$0x19F10] =	vst v14;
	s0 =	rddreg [dreg:$0x6];
	s11 =	simm.s32 $0x19F10  }
0x172: {  	[spmem:s0] =	stream.linear.scatter [tilespmem:s11], [sflag:$0x6], $0x7D0, $0x38;
	[tilespmem:$0x1A6E0] =	vst v63  }
0x173: {  	_ =	swait.ge [sflag:s6], $0x7D0  }
0x174: {  	[sflag:s6] =	ssyncset.done $0x0  }
0x175: {  	[sflag:s6] =	ssyncadd.s32 $0xFFFFF830  }
0x176: {  	[spmem:s7] =	stream.linear.scatter [tilespmem:s11], [sflag:$0x6], $0x7D0, $0x38;
	[tilespmem:$0x1A6E0] =	vst v63  }
0x177: {  	_ =	swait.ge [sflag:s6], $0x7D0  }
0x178: {  	[sflag:s6] =	ssyncset.done $0x0  }
0x179: {  	s14 =	rddreg [dreg:$0x15];
	[sflag:s6] =	ssyncadd.s32 $0xFFFFF830  }
0x17a: {  	[spmem:s14] =	stream.linear.scatter [tilespmem:s11], [sflag:$0x6], $0x7D0, $0x38;
	[tilespmem:$0x1A6E0] =	vst v63  }
0x17b: {  	_ =	swait.ge [sflag:s6], $0x7D0  }
0x17c: {  	[sflag:s6] =	ssyncset.done $0x0  }
0x17d: {  	s15 =	rddreg [dreg:$0x16];
	[sflag:s6] =	ssyncadd.s32 $0xFFFFF830  }
0x17e: {  	[spmem:s15] =	stream.linear.scatter [tilespmem:s11], [sflag:$0x6], $0x7D0, $0x38;
	[tilespmem:$0x1A6E0] =	vst v63  }
0x17f: {  	_ =	swait.ge [sflag:s6], $0x7D0  }
0x180: {  	[sflag:s6] =	ssyncset.done $0x0  }
0x181: {  	s16 =	rddreg [dreg:$0x17];
	[sflag:s6] =	ssyncadd.s32 $0xFFFFF830  }
0x182: {  	[spmem:s16] =	stream.linear.scatter [tilespmem:s11], [sflag:$0x6], $0x7D0, $0x38;
	[tilespmem:$0x1A6E0] =	vst v63  }
0x183: {  	_ =	swait.ge [sflag:s6], $0x7D0  }
0x184: {  	[sflag:s6] =	ssyncset.done $0x0  }
0x185: {  	s19 =	rddreg [dreg:$0x18];
	[sflag:s6] =	ssyncadd.s32 $0xFFFFF830  }
0x186: {  	[spmem:s19] =	stream.linear.scatter [tilespmem:s11], [sflag:$0x6], $0x7D0, $0x38;
	[tilespmem:$0x1A6E0] =	vst v63  }
0x187: {  	_ =	swait.ge [sflag:s6], $0x7D0  }
0x188: {  	[sflag:s6] =	ssyncset.done $0x0  }
0x189: {  	s14 =	rddreg [dreg:$0x19];
	[sflag:s6] =	ssyncadd.s32 $0xFFFFF830  }
0x18a: {  	[spmem:s14] =	stream.linear.scatter [tilespmem:s11], [sflag:$0x6], $0x7D0, $0x38;
	[tilespmem:$0x1A6E0] =	vst v63  }
0x18b: {  	_ =	swait.ge [sflag:s6], $0x7D0  }
0x18c: {  	[sflag:s6] =	ssyncset.done $0x0  }
0x18d: {  	s15 =	rddreg [dreg:$0x1a];
	[sflag:s6] =	ssyncadd.s32 $0xFFFFF830  }
0x18e: {  	[spmem:s15] =	stream.linear.scatter [tilespmem:s11], [sflag:$0x6], $0x7D0, $0x38;
	[tilespmem:$0x1A6E0] =	vst v63  }
0x18f: {  	_ =	swait.ge [sflag:s6], $0x7D0  }
0x190: {  	[sflag:s6] =	ssyncset.done $0x0  }
0x191: {  	s16 =	rddreg [dreg:$0x1b];
	[sflag:s6] =	ssyncadd.s32 $0xFFFFF830  }
0x192: {  	[spmem:s16] =	stream.linear.scatter [tilespmem:s11], [sflag:$0x6], $0x7D0, $0x38;
	[tilespmem:$0x1A6E0] =	vst v63  }
0x193: {  	_ =	swait.ge [sflag:s6], $0x7D0  }
0x194: {  	[sflag:s6] =	ssyncset.done $0x0  }
0x195: {  	s19 =	rddreg [dreg:$0x1c];
	[sflag:s6] =	ssyncadd.s32 $0xFFFFF830  }
0x196: {  	[spmem:s19] =	stream.linear.scatter [tilespmem:s11], [sflag:$0x6], $0x7D0, $0x38;
	[tilespmem:$0x1A6E0] =	vst v63  }
0x197: {  	_ =	swait.ge [sflag:s6], $0x7D0  }
0x198: {  	[sflag:s6] =	ssyncset.done $0x0  }
0x199: {  	[sflag:s6] =	ssyncadd.s32 $0xFFFFF830  }
.LBB2_5:
0x19a: {  	[dreg:$0x1d] =	wrdreg s12  }
0x19b: {  	[bflag:$0x0] =	sbarrier.arrive $0xFFFF  }
0x19c: {  	s0 =	simm.s32 $0x0;
	s11 =	simm.s32 $0x0;
	_ =	strace $0x80000048  }
.LBB2_6:
0x19d: {  	s12 =	smul.u32 $0xFA0, s11  }
0x19e: {  	s14 =	rddreg [dreg:$0xa]  }
0x19f: {  	s12 =	sadd.s32 s14, s12  }
0x1a0: {  	s12 =	sshrl.u32 s12, $0x3  }
0x1a1: {  	s15 =	sadd.s32 s2, s12  }
0x1a2: {  	[tilespmem:s25], [sflag:$0x1] =	stream.linear.gather [hbm4b:s15+s0], $0xFA0, $0x200038;
	[tilespmem:$0x1A6E0] =	vst v63  }
0x1a3: {  	s16 =	sadd.s32 s3, s12;
	s15 =	simm.s32 $0x6370  }
0x1a4: {  	[tilespmem:s15], [sflag:$0x1] =	stream.linear.gather [hbm4b:s16+s0], $0xFA0, $0x200038;
	[tilespmem:$0x1A6E0] =	vst v63  }
0x1a5: {  	s19 =	simm.s32 $0x7310;
	s12 =	sadd.s32 s1, s12  }
0x1a6: {  	[tilespmem:s19], [sflag:$0x1] =	stream.linear.gather [hbm4b:s12+s0], $0xFA0, $0x200038;
	[tilespmem:$0x1A6E0] =	vst v63  }
0x1a7: {  	_ =	swait.ge [sflag:s29], $0xFA0  }
0x1a8: {  	[sflag:s29] =	ssyncset.done $0x0  }
0x1a9: {  	[sflag:s29] =	ssyncadd.s32 $0xFFFFF060  }
0x1aa: {  	_ =	swait.ge [sflag:s29], $0xFA0  }
0x1ab: {  	[sflag:s29] =	ssyncset.done $0x0  }
0x1ac: {  	[sflag:s29] =	ssyncadd.s32 $0xFFFFF060  }
0x1ad: {  	_ =	swait.ge [sflag:s29], $0xFA0  }
0x1ae: {  	[sflag:s29] =	ssyncset.done $0x0  }
0x1af: {  	s12 =	simm.s32 $0x0;
	[sflag:s29] =	ssyncadd.s32 $0xFFFFF060  }
0x1b0: {  	v5 =	vld [tilespmem:s12+$0x53D0]  }
0x1b1: {  	v6 =	vld [tilespmem:s12+$0x6370];
	_ =	sdelay $0x6  }
0x1b2: {  	v5 =	vld.idx.msk [tilespmem:v5+s31+$0x0], $0xffff  }
0x1b3: {  	v6 =	vld.idx.msk [tilespmem:v6+s31+$0x0], $0xffff;
	_ =	sdelay $0x1  }
0x1b4: {  	v7 =	vld [tilespmem:s12+$0x7310];
	_ =	sdelay $0x4  }
0x1b5: {  	(erf) = vrcp.f32 v7;
	v5 =	vld.idx.msk [tilespmem:v5+s22+$0x0], $0xffff  }
0x1b6: {  	v6 =	vld.idx.msk [tilespmem:v6+s22+$0x0], $0xffff;
	_ =	sdelay $0x4  }
0x1b7: {  	v5 =	vadd.f32 v6, v5;
	_ =	sdelay $0x1  }
0x1b8: {  	v5 =	vmul.f32 $5.291771890e-01, v5  }
0x1b9: {  	v6 =	vpop (erf)  }
0x1ba: {  	v5 =	vmul.f32 v5, v6;
	_ =	sdelay $0x1  }
0x1bb: {  	v5 =	vadd.f32 $-1.000000000e+00, v5;
	_ =	sdelay $0x1  }
0x1bc: {  	v5 =	vmul.f32 $-1.600000000e+01, v5;
	_ =	sdelay $0x1  }
0x1bd: {  	v5 =	vmul.f32 $1.442695020e+00, v5;
	_ =	sdelay $0x1  }
0x1be: {  	(erf) = vpow2.f32 v5;
	_ =	sdelay $0x8  }
0x1bf: {  	v5 =	vpop (erf)  }
0x1c0: {  	v5 =	vadd.f32 $1.000000000e+00, v5;
	_ =	sdelay $0x1  }
0x1c1: {  	(erf) = vrcp.f32 v5;
	_ =	sdelay $0x2  }
0x1c2: {  	v5 =	vld [tilespmem:s12+$0x53E0]  }
0x1c3: {  	v6 =	vld [tilespmem:s12+$0x6380];
	_ =	sdelay $0x4  }
0x1c4: {  	v15 =	vpop (erf)  }
0x1c5: {  	[tilespmem:s12+$0x82B0] =	vst v15  }
0x1c6: {  	v5 =	vld.idx.msk [tilespmem:v5+s31+$0x0], $0xffff  }
0x1c7: {  	v6 =	vld.idx.msk [tilespmem:v6+s31+$0x0], $0xffff;
	_ =	sdelay $0x1  }
0x1c8: {  	v7 =	vld [tilespmem:s12+$0x7320];
	_ =	sdelay $0x4  }
0x1c9: {  	(erf) = vrcp.f32 v7;
	v5 =	vld.idx.msk [tilespmem:v5+s22+$0x0], $0xffff  }
0x1ca: {  	v6 =	vld.idx.msk [tilespmem:v6+s22+$0x0], $0xffff;
	_ =	sdelay $0x4  }
0x1cb: {  	v5 =	vadd.f32 v6, v5;
	_ =	sdelay $0x1  }
0x1cc: {  	v5 =	vmul.f32 $5.291771890e-01, v5  }
0x1cd: {  	v6 =	vpop (erf)  }
0x1ce: {  	v5 =	vmul.f32 v5, v6;
	_ =	sdelay $0x1  }
0x1cf: {  	v5 =	vadd.f32 $-1.000000000e+00, v5;
	_ =	sdelay $0x1  }
0x1d0: {  	v5 =	vmul.f32 $-1.600000000e+01, v5;
	_ =	sdelay $0x1  }
0x1d1: {  	v5 =	vmul.f32 $1.442695020e+00, v5;
	_ =	sdelay $0x1  }
0x1d2: {  	(erf) = vpow2.f32 v5;
	_ =	sdelay $0x8  }
0x1d3: {  	v5 =	vpop (erf)  }
0x1d4: {  	v5 =	vadd.f32 $1.000000000e+00, v5;
	_ =	sdelay $0x1  }
0x1d5: {  	(erf) = vrcp.f32 v5;
	_ =	sdelay $0x2  }
0x1d6: {  	v5 =	vld [tilespmem:s12+$0x53F0]  }
0x1d7: {  	v6 =	vld [tilespmem:s12+$0x6390];
	_ =	sdelay $0x4  }
0x1d8: {  	v7 =	vpop (erf)  }
0x1d9: {  	[tilespmem:s12+$0x82C0] =	vst v7  }
0x1da: {  	v5 =	vld.idx.msk [tilespmem:v5+s31+$0x0], $0xffff  }
0x1db: {  	v6 =	vld.idx.msk [tilespmem:v6+s31+$0x0], $0xffff;
	_ =	sdelay $0x1  }
0x1dc: {  	v10 =	vld [tilespmem:s12+$0x7330];
	_ =	sdelay $0x4  }
0x1dd: {  	(erf) = vrcp.f32 v10;
	v5 =	vld.idx.msk [tilespmem:v5+s22+$0x0], $0xffff  }
0x1de: {  	v6 =	vld.idx.msk [tilespmem:v6+s22+$0x0], $0xffff;
	_ =	sdelay $0x4  }
0x1df: {  	v5 =	vadd.f32 v6, v5;
	_ =	sdelay $0x1  }
0x1e0: {  	v5 =	vmul.f32 $5.291771890e-01, v5  }
0x1e1: {  	v6 =	vpop (erf)  }
0x1e2: {  	v5 =	vmul.f32 v5, v6;
	_ =	sdelay $0x1  }
0x1e3: {  	v5 =	vadd.f32 $-1.000000000e+00, v5;
	_ =	sdelay $0x1  }
0x1e4: {  	v5 =	vmul.f32 $-1.600000000e+01, v5;
	_ =	sdelay $0x1  }
0x1e5: {  	v5 =	vmul.f32 $1.442695020e+00, v5;
	_ =	sdelay $0x1  }
0x1e6: {  	(erf) = vpow2.f32 v5;
	_ =	sdelay $0x8  }
0x1e7: {  	v5 =	vpop (erf)  }
0x1e8: {  	v5 =	vadd.f32 $1.000000000e+00, v5;
	_ =	sdelay $0x1  }
0x1e9: {  	(erf) = vrcp.f32 v5;
	_ =	sdelay $0x2  }
0x1ea: {  	v5 =	vld [tilespmem:s12+$0x5400]  }
0x1eb: {  	v6 =	vld [tilespmem:s12+$0x63A0];
	_ =	sdelay $0x4  }
0x1ec: {  	v7 =	vpop (erf)  }
0x1ed: {  	[tilespmem:s12+$0x82D0] =	vst v7  }
0x1ee: {  	v5 =	vld.idx.msk [tilespmem:v5+s31+$0x0], $0xffff  }
0x1ef: {  	v6 =	vld.idx.msk [tilespmem:v6+s31+$0x0], $0xffff;
	_ =	sdelay $0x1  }
0x1f0: {  	v11 =	vld [tilespmem:s12+$0x7340];
	_ =	sdelay $0x4  }
0x1f1: {  	(erf) = vrcp.f32 v11;
	v5 =	vld.idx.msk [tilespmem:v5+s22+$0x0], $0xffff  }
0x1f2: {  	v6 =	vld.idx.msk [tilespmem:v6+s22+$0x0], $0xffff;
	_ =	sdelay $0x4  }
0x1f3: {  	v5 =	vadd.f32 v6, v5;
	_ =	sdelay $0x1  }
0x1f4: {  	v5 =	vmul.f32 $5.291771890e-01, v5  }
0x1f5: {  	v6 =	vpop (erf)  }
0x1f6: {  	v5 =	vmul.f32 v5, v6;
	_ =	sdelay $0x1  }
0x1f7: {  	v5 =	vadd.f32 $-1.000000000e+00, v5;
	_ =	sdelay $0x1  }
0x1f8: {  	v5 =	vmul.f32 $-1.600000000e+01, v5;
	_ =	sdelay $0x1  }
0x1f9: {  	v5 =	vmul.f32 $1.442695020e+00, v5;
	_ =	sdelay $0x1  }
0x1fa: {  	(erf) = vpow2.f32 v5;
	_ =	sdelay $0x8  }
0x1fb: {  	v5 =	vpop (erf)  }
0x1fc: {  	v5 =	vadd.f32 $1.000000000e+00, v5;
	_ =	sdelay $0x1  }
0x1fd: {  	(erf) = vrcp.f32 v5;
	_ =	sdelay $0x2  }
0x1fe: {  	v5 =	vld [tilespmem:s12+$0x5410]  }
0x1ff: {  	v6 =	vld [tilespmem:s12+$0x63B0];
	_ =	sdelay $0x4  }
0x200: {  	v7 =	vpop (erf)  }
0x201: {  	[tilespmem:s12+$0x82E0] =	vst v7  }
0x202: {  	v5 =	vld.idx.msk [tilespmem:v5+s31+$0x0], $0xffff  }
0x203: {  	v6 =	vld.idx.msk [tilespmem:v6+s31+$0x0], $0xffff;
	_ =	sdelay $0x1  }
0x204: {  	v13 =	vld [tilespmem:s12+$0x7350];
	_ =	sdelay $0x4  }
0x205: {  	(erf) = vrcp.f32 v13;
	v5 =	vld.idx.msk [tilespmem:v5+s22+$0x0], $0xffff  }
0x206: {  	v6 =	vld.idx.msk [tilespmem:v6+s22+$0x0], $0xffff;
	_ =	sdelay $0x4  }
0x207: {  	v5 =	vadd.f32 v6, v5;
	_ =	sdelay $0x1  }
0x208: {  	v5 =	vmul.f32 $5.291771890e-01, v5  }
0x209: {  	v6 =	vpop (erf)  }
0x20a: {  	v5 =	vmul.f32 v5, v6;
	_ =	sdelay $0x1  }
0x20b: {  	v5 =	vadd.f32 $-1.000000000e+00, v5;
	_ =	sdelay $0x1  }
0x20c: {  	v5 =	vmul.f32 $-1.600000000e+01, v5;
	_ =	sdelay $0x1  }
0x20d: {  	v5 =	vmul.f32 $1.442695020e+00, v5;
	_ =	sdelay $0x1  }
0x20e: {  	(erf) = vpow2.f32 v5;
	_ =	sdelay $0x8  }
0x20f: {  	v5 =	vpop (erf)  }
0x210: {  	v5 =	vadd.f32 $1.000000000e+00, v5;
	_ =	sdelay $0x1  }
0x211: {  	(erf) = vrcp.f32 v5;
	_ =	sdelay $0x1  }
0x212: {  	s16 =	simm.s32 $0x50  }
0x213: {  	v7 =	vld [tilespmem:s16+$0x53D0]  }
0x214: {  	s14 =	simm.s32 $0x280;
	v10 =	vld [tilespmem:s16+$0x6370]  }
.LBB2_7:
0x215: {  	p1 =	sne.s32 s14, $0x3D40;
	v11 =	vld [tilespmem:s16+$0x7310];
	s15 =	smov.u32 s14;
	s14 =	sadd.s32 $0x140, s14  }
0x216: {  	v13 =	vld [tilespmem:s16+$0x7320]  }
0x217: {  	v6 =	vld [tilespmem:s16+$0x7330]  }
0x218: {  	v5 =	vld [tilespmem:s16+$0x7340]  }
0x219: {  	v46 =	vld [tilespmem:s16+$0x7350];
	v15 =	vpop (erf)  }
0x21a: {  	[tilespmem:s12+$0x82F0] =	vst v15;
	s12 =	smov.u32 s16  }
0x21b: {  	v7 =	vld.idx.msk [tilespmem:v7+s31+$0x0], $0xffff  }
0x21c: {  	v10 =	vld.idx.msk [tilespmem:v10+s31+$0x0], $0xffff;
	_ =	sdelay $0x6  }
0x21d: {  	v7 =	vld.idx.msk [tilespmem:v7+s22+$0x0], $0xffff;
	(erf) = vrcp.f32 v11  }
0x21e: {  	v10 =	vld.idx.msk [tilespmem:v10+s22+$0x0], $0xffff;
	_ =	sdelay $0x5  }
0x21f: {  	v7 =	vadd.f32 v10, v7;
	_ =	sdelay $0x1  }
0x220: {  	v7 =	vmul.f32 $5.291771890e-01, v7;
	v10 =	vpop (erf);
	_ =	sdelay $0x1  }
0x221: {  	v7 =	vmul.f32 v7, v10;
	_ =	sdelay $0x1  }
0x222: {  	v7 =	vadd.f32 $-1.000000000e+00, v7;
	_ =	sdelay $0x1  }
0x223: {  	v7 =	vmul.f32 $-1.600000000e+01, v7;
	_ =	sdelay $0x1  }
0x224: {  	v7 =	vmul.f32 $1.442695020e+00, v7;
	_ =	sdelay $0x1  }
0x225: {  	(erf) = vpow2.f32 v7;
	_ =	sdelay $0x8  }
0x226: {  	v7 =	vpop (erf)  }
0x227: {  	v7 =	vadd.f32 $1.000000000e+00, v7;
	_ =	sdelay $0x1  }
0x228: {  	(erf) = vrcp.f32 v7;
	_ =	sdelay $0x1  }
0x229: {  	v7 =	vld [tilespmem:s12+$0x6380]  }
0x22a: {  	v10 =	vld [tilespmem:s12+$0x53E0];
	_ =	sdelay $0x5  }
0x22b: {  	v11 =	vpop (erf)  }
0x22c: {  	[tilespmem:s12+$0x82B0] =	vst v11  }
0x22d: {  	v10 =	vld.idx.msk [tilespmem:v10+s31+$0x0], $0xffff  }
0x22e: {  	v7 =	vld.idx.msk [tilespmem:v7+s31+$0x0], $0xffff;
	_ =	sdelay $0x5  }
0x22f: {  	(erf) = vrcp.f32 v13  }
0x230: {  	v10 =	vld.idx.msk [tilespmem:v10+s22+$0x0], $0xffff  }
0x231: {  	v7 =	vld.idx.msk [tilespmem:v7+s22+$0x0], $0xffff;
	_ =	sdelay $0x5  }
0x232: {  	v7 =	vadd.f32 v7, v10  }
0x233: {  	v10 =	vpop (erf)  }
0x234: {  	v7 =	vmul.f32 $5.291771890e-01, v7;
	_ =	sdelay $0x1  }
0x235: {  	v7 =	vmul.f32 v7, v10;
	_ =	sdelay $0x1  }
0x236: {  	v7 =	vadd.f32 $-1.000000000e+00, v7;
	_ =	sdelay $0x1  }
0x237: {  	v7 =	vmul.f32 $-1.600000000e+01, v7;
	_ =	sdelay $0x1  }
0x238: {  	v7 =	vmul.f32 $1.442695020e+00, v7;
	_ =	sdelay $0x1  }
0x239: {  	(erf) = vpow2.f32 v7;
	_ =	sdelay $0x8  }
0x23a: {  	v7 =	vpop (erf)  }
0x23b: {  	v7 =	vadd.f32 $1.000000000e+00, v7;
	_ =	sdelay $0x1  }
0x23c: {  	(erf) = vrcp.f32 v7;
	_ =	sdelay $0x1  }
0x23d: {  	v7 =	vld [tilespmem:s12+$0x6390]  }
0x23e: {  	v10 =	vld [tilespmem:s12+$0x53F0];
	_ =	sdelay $0x5  }
0x23f: {  	v11 =	vpop (erf)  }
0x240: {  	[tilespmem:s12+$0x82C0] =	vst v11  }
0x241: {  	v10 =	vld.idx.msk [tilespmem:v10+s31+$0x0], $0xffff  }
0x242: {  	v7 =	vld.idx.msk [tilespmem:v7+s31+$0x0], $0xffff;
	_ =	sdelay $0x4  }
0x243: {  	(erf) = vrcp.f32 v6;
	_ =	sdelay $0x1  }
0x244: {  	v6 =	vld.idx.msk [tilespmem:v10+s22+$0x0], $0xffff  }
0x245: {  	v7 =	vld.idx.msk [tilespmem:v7+s22+$0x0], $0xffff;
	_ =	sdelay $0x5  }
0x246: {  	v6 =	vadd.f32 v7, v6;
	v7 =	vpop (erf);
	_ =	sdelay $0x1  }
0x247: {  	v6 =	vmul.f32 $5.291771890e-01, v6;
	_ =	sdelay $0x1  }
0x248: {  	v6 =	vmul.f32 v6, v7;
	_ =	sdelay $0x1  }
0x249: {  	v6 =	vadd.f32 $-1.000000000e+00, v6;
	_ =	sdelay $0x1  }
0x24a: {  	v6 =	vmul.f32 $-1.600000000e+01, v6;
	_ =	sdelay $0x1  }
0x24b: {  	v6 =	vmul.f32 $1.442695020e+00, v6;
	_ =	sdelay $0x1  }
0x24c: {  	(erf) = vpow2.f32 v6;
	_ =	sdelay $0x8  }
0x24d: {  	v6 =	vpop (erf)  }
0x24e: {  	v6 =	vadd.f32 $1.000000000e+00, v6;
	_ =	sdelay $0x1  }
0x24f: {  	(erf) = vrcp.f32 v6;
	_ =	sdelay $0x1  }
0x250: {  	v6 =	vld [tilespmem:s12+$0x63A0]  }
0x251: {  	v7 =	vld [tilespmem:s12+$0x5400];
	_ =	sdelay $0x5  }
0x252: {  	v10 =	vpop (erf)  }
0x253: {  	[tilespmem:s12+$0x82D0] =	vst v10  }
0x254: {  	v7 =	vld.idx.msk [tilespmem:v7+s31+$0x0], $0xffff  }
0x255: {  	v6 =	vld.idx.msk [tilespmem:v6+s31+$0x0], $0xffff;
	_ =	sdelay $0x3  }
0x256: {  	(erf) = vrcp.f32 v5;
	_ =	sdelay $0x2  }
0x257: {  	v5 =	vld.idx.msk [tilespmem:v7+s22+$0x0], $0xffff  }
0x258: {  	v6 =	vld.idx.msk [tilespmem:v6+s22+$0x0], $0xffff;
	_ =	sdelay $0x4  }
0x259: {  	v7 =	vpop (erf)  }
0x25a: {  	v5 =	vadd.f32 v6, v5;
	_ =	sdelay $0x1  }
0x25b: {  	v5 =	vmul.f32 $5.291771890e-01, v5;
	_ =	sdelay $0x1  }
0x25c: {  	v5 =	vmul.f32 v5, v7;
	_ =	sdelay $0x1  }
0x25d: {  	v5 =	vadd.f32 $-1.000000000e+00, v5;
	_ =	sdelay $0x1  }
0x25e: {  	v5 =	vmul.f32 $-1.600000000e+01, v5;
	_ =	sdelay $0x1  }
0x25f: {  	v5 =	vmul.f32 $1.442695020e+00, v5;
	_ =	sdelay $0x1  }
0x260: {  	(erf) = vpow2.f32 v5;
	_ =	sdelay $0x8  }
0x261: {  	v5 =	vpop (erf)  }
0x262: {  	v5 =	vadd.f32 $1.000000000e+00, v5;
	_ =	sdelay $0x1  }
0x263: {  	(erf) = vrcp.f32 v5;
	_ =	sdelay $0x1  }
0x264: {  	v5 =	vld [tilespmem:s12+$0x63B0]  }
0x265: {  	v6 =	vld [tilespmem:s12+$0x5410];
	_ =	sdelay $0x5  }
0x266: {  	v7 =	vpop (erf)  }
0x267: {  	[tilespmem:s12+$0x82E0] =	vst v7  }
0x268: {  	v6 =	vld.idx.msk [tilespmem:v6+s31+$0x0], $0xffff  }
0x269: {  	v5 =	vld.idx.msk [tilespmem:v5+s31+$0x0], $0xffff;
	_ =	sdelay $0x2  }
0x26a: {  	(erf) = vrcp.f32 v46;
	_ =	sdelay $0x3  }
0x26b: {  	v6 =	vld.idx.msk [tilespmem:v6+s22+$0x0], $0xffff  }
0x26c: {  	v5 =	vld.idx.msk [tilespmem:v5+s22+$0x0], $0xffff;
	_ =	sdelay $0x3  }
0x26d: {  	v7 =	vpop (erf);
	_ =	sdelay $0x1  }
0x26e: {  	v5 =	vadd.f32 v5, v6;
	_ =	sdelay $0x1  }
0x26f: {  	v5 =	vmul.f32 $5.291771890e-01, v5;
	_ =	sdelay $0x1  }
0x270: {  	v5 =	vmul.f32 v5, v7;
	_ =	sdelay $0x1  }
0x271: {  	v5 =	vadd.f32 $-1.000000000e+00, v5;
	_ =	sdelay $0x1  }
0x272: {  	v5 =	vmul.f32 $-1.600000000e+01, v5;
	_ =	sdelay $0x1  }
0x273: {  	v5 =	vmul.f32 $1.442695020e+00, v5;
	_ =	sdelay $0x1  }
0x274: {  	(erf) = vpow2.f32 v5;
	_ =	sdelay $0x8  }
0x275: {  	v5 =	vpop (erf)  }
0x276: {  	v5 =	vadd.f32 $1.000000000e+00, v5;
	_ =	sdelay $0x1  }
.Ltmp4:
0x277: {  	(erf) = vrcp.f32 v5;
	(pc) =	sbr.rel @p1 .LBB2_7-.Ltmp4, $4  }
0x278: {  	_ = 	snop  }
0x279: {  	s16 =	sshra.s32 s15, $0x2  }
0x27a: {  	v7 =	vld [tilespmem:s16+$0x53D0]  }
0x27b: {  	v10 =	vld [tilespmem:s16+$0x6370]  }
0x27c: {  	_ =	sdelay $0x1  }
0x27d: {  	v5 =	vld [tilespmem:s16+$0x7310]  }
0x27e: {  	v6 =	vld [tilespmem:s16+$0x7320]  }
0x27f: {  	v11 =	vld [tilespmem:s16+$0x7330]  }
0x280: {  	v13 =	vld [tilespmem:s16+$0x7340];
	v16 =	vpop (erf)  }
0x281: {  	v15 =	vld [tilespmem:s16+$0x7350];
	[tilespmem:s12+$0x82F0] =	vst v16  }
0x282: {  	v7 =	vld.idx.msk [tilespmem:v7+s31+$0x0], $0xffff  }
0x283: {  	v10 =	vld.idx.msk [tilespmem:v10+s31+$0x0], $0xffff;
	_ =	sdelay $0x6  }
0x284: {  	(erf) = vrcp.f32 v5;
	v7 =	vld.idx.msk [tilespmem:v7+s22+$0x0], $0xffff  }
0x285: {  	v42 =	vld.idx.msk [tilespmem:v10+s22+$0x0], $0xffff;
	_ =	sdelay $0x4  }
0x286: {  	v5 =	vadd.f32 v42, v7;
	_ =	sdelay $0x1  }
0x287: {  	v5 =	vmul.f32 $5.291771890e-01, v5  }
0x288: {  	v43 =	vpop (erf)  }
0x289: {  	v5 =	vmul.f32 v5, v43;
	_ =	sdelay $0x1  }
0x28a: {  	v5 =	vadd.f32 $-1.000000000e+00, v5;
	_ =	sdelay $0x1  }
0x28b: {  	v5 =	vmul.f32 $-1.600000000e+01, v5;
	_ =	sdelay $0x1  }
0x28c: {  	v5 =	vmul.f32 $1.442695020e+00, v5;
	_ =	sdelay $0x1  }
0x28d: {  	(erf) = vpow2.f32 v5;
	_ =	sdelay $0x8  }
0x28e: {  	v5 =	vpop (erf)  }
0x28f: {  	v5 =	vadd.f32 $1.000000000e+00, v5;
	_ =	sdelay $0x1  }
0x290: {  	(erf) = vrcp.f32 v5;
	_ =	sdelay $0x2  }
0x291: {  	v44 =	vld [tilespmem:s16+$0x53E0]  }
0x292: {  	v45 =	vld [tilespmem:s16+$0x6380];
	_ =	sdelay $0x4  }
0x293: {  	v46 =	vpop (erf)  }
0x294: {  	[tilespmem:s16+$0x82B0] =	vst v46  }
0x295: {  	v5 =	vld.idx.msk [tilespmem:v44+s31+$0x0], $0xffff  }
0x296: {  	v7 =	vld.idx.msk [tilespmem:v45+s31+$0x0], $0xffff;
	_ =	sdelay $0x6  }
0x297: {  	(erf) = vrcp.f32 v6;
	v5 =	vld.idx.msk [tilespmem:v5+s22+$0x0], $0xffff  }
0x298: {  	v47 =	vld.idx.msk [tilespmem:v7+s22+$0x0], $0xffff;
	_ =	sdelay $0x4  }
0x299: {  	v5 =	vadd.f32 v47, v5;
	_ =	sdelay $0x1  }
0x29a: {  	v5 =	vmul.f32 $5.291771890e-01, v5  }
0x29b: {  	v48 =	vpop (erf)  }
0x29c: {  	v5 =	vmul.f32 v5, v48;
	_ =	sdelay $0x1  }
0x29d: {  	v5 =	vadd.f32 $-1.000000000e+00, v5;
	_ =	sdelay $0x1  }
0x29e: {  	v5 =	vmul.f32 $-1.600000000e+01, v5;
	_ =	sdelay $0x1  }
0x29f: {  	v5 =	vmul.f32 $1.442695020e+00, v5;
	_ =	sdelay $0x1  }
0x2a0: {  	(erf) = vpow2.f32 v5;
	_ =	sdelay $0x8  }
0x2a1: {  	v5 =	vpop (erf)  }
0x2a2: {  	v5 =	vadd.f32 $1.000000000e+00, v5;
	_ =	sdelay $0x1  }
0x2a3: {  	(erf) = vrcp.f32 v5;
	_ =	sdelay $0x2  }
0x2a4: {  	v49 =	vld [tilespmem:s16+$0x53F0]  }
0x2a5: {  	v50 =	vld [tilespmem:s16+$0x6390];
	_ =	sdelay $0x4  }
0x2a6: {  	v51 =	vpop (erf)  }
0x2a7: {  	[tilespmem:s16+$0x82C0] =	vst v51  }
0x2a8: {  	v5 =	vld.idx.msk [tilespmem:v49+s31+$0x0], $0xffff  }
0x2a9: {  	v6 =	vld.idx.msk [tilespmem:v50+s31+$0x0], $0xffff;
	_ =	sdelay $0x6  }
0x2aa: {  	(erf) = vrcp.f32 v11;
	v5 =	vld.idx.msk [tilespmem:v5+s22+$0x0], $0xffff  }
0x2ab: {  	v6 =	vld.idx.msk [tilespmem:v6+s22+$0x0], $0xffff;
	_ =	sdelay $0x4  }
0x2ac: {  	v5 =	vadd.f32 v6, v5;
	_ =	sdelay $0x1  }
0x2ad: {  	v5 =	vmul.f32 $5.291771890e-01, v5  }
0x2ae: {  	v52 =	vpop (erf)  }
0x2af: {  	v5 =	vmul.f32 v5, v52;
	_ =	sdelay $0x1  }
0x2b0: {  	v5 =	vadd.f32 $-1.000000000e+00, v5;
	_ =	sdelay $0x1  }
0x2b1: {  	v5 =	vmul.f32 $-1.600000000e+01, v5;
	_ =	sdelay $0x1  }
0x2b2: {  	v5 =	vmul.f32 $1.442695020e+00, v5;
	_ =	sdelay $0x1  }
0x2b3: {  	(erf) = vpow2.f32 v5;
	_ =	sdelay $0x8  }
0x2b4: {  	v5 =	vpop (erf)  }
0x2b5: {  	v5 =	vadd.f32 $1.000000000e+00, v5;
	_ =	sdelay $0x1  }
0x2b6: {  	(erf) = vrcp.f32 v5;
	_ =	sdelay $0x2  }
0x2b7: {  	v53 =	vld [tilespmem:s16+$0x5400]  }
0x2b8: {  	v54 =	vld [tilespmem:s16+$0x63A0];
	_ =	sdelay $0x4  }
0x2b9: {  	v55 =	vpop (erf)  }
0x2ba: {  	[tilespmem:s16+$0x82D0] =	vst v55  }
0x2bb: {  	v5 =	vld.idx.msk [tilespmem:v53+s31+$0x0], $0xffff  }
0x2bc: {  	v6 =	vld.idx.msk [tilespmem:v54+s31+$0x0], $0xffff;
	_ =	sdelay $0x6  }
0x2bd: {  	(erf) = vrcp.f32 v13;
	v5 =	vld.idx.msk [tilespmem:v5+s22+$0x0], $0xffff  }
0x2be: {  	v6 =	vld.idx.msk [tilespmem:v6+s22+$0x0], $0xffff;
	_ =	sdelay $0x4  }
0x2bf: {  	v5 =	vadd.f32 v6, v5;
	_ =	sdelay $0x1  }
0x2c0: {  	v5 =	vmul.f32 $5.291771890e-01, v5  }
0x2c1: {  	v56 =	vpop (erf)  }
0x2c2: {  	v5 =	vmul.f32 v5, v56;
	_ =	sdelay $0x1  }
0x2c3: {  	v5 =	vadd.f32 $-1.000000000e+00, v5;
	_ =	sdelay $0x1  }
0x2c4: {  	v5 =	vmul.f32 $-1.600000000e+01, v5;
	_ =	sdelay $0x1  }
0x2c5: {  	v5 =	vmul.f32 $1.442695020e+00, v5;
	_ =	sdelay $0x1  }
0x2c6: {  	(erf) = vpow2.f32 v5;
	_ =	sdelay $0x8  }
0x2c7: {  	v5 =	vpop (erf)  }
0x2c8: {  	v5 =	vadd.f32 $1.000000000e+00, v5;
	_ =	sdelay $0x1  }
0x2c9: {  	(erf) = vrcp.f32 v5;
	_ =	sdelay $0x2  }
0x2ca: {  	v57 =	vld [tilespmem:s16+$0x5410]  }
0x2cb: {  	v59 =	vld [tilespmem:s16+$0x63B0];
	_ =	sdelay $0x4  }
0x2cc: {  	v61 =	vpop (erf)  }
0x2cd: {  	[tilespmem:s16+$0x82E0] =	vst v61  }
0x2ce: {  	v5 =	vld.idx.msk [tilespmem:v57+s31+$0x0], $0xffff  }
0x2cf: {  	v6 =	vld.idx.msk [tilespmem:v59+s31+$0x0], $0xffff;
	_ =	sdelay $0x6  }
0x2d0: {  	(erf) = vrcp.f32 v15;
	v5 =	vld.idx.msk [tilespmem:v5+s22+$0x0], $0xffff  }
0x2d1: {  	v6 =	vld.idx.msk [tilespmem:v6+s22+$0x0], $0xffff;
	_ =	sdelay $0x4  }
0x2d2: {  	v5 =	vadd.f32 v6, v5;
	_ =	sdelay $0x1  }
0x2d3: {  	v5 =	vmul.f32 $5.291771890e-01, v5  }
0x2d4: {  	v63 =	vpop (erf)  }
0x2d5: {  	v5 =	vmul.f32 v5, v63;
	_ =	sdelay $0x1  }
0x2d6: {  	v5 =	vadd.f32 $-1.000000000e+00, v5;
	_ =	sdelay $0x1  }
0x2d7: {  	v5 =	vmul.f32 $-1.600000000e+01, v5;
	_ =	sdelay $0x1  }
0x2d8: {  	v5 =	vmul.f32 $1.442695020e+00, v5;
	_ =	sdelay $0x1  }
0x2d9: {  	(erf) = vpow2.f32 v5;
	_ =	sdelay $0x8  }
0x2da: {  	v5 =	vpop (erf)  }
0x2db: {  	v5 =	vadd.f32 $1.000000000e+00, v5;
	_ =	sdelay $0x1  }
0x2dc: {  	(erf) = vrcp.f32 v5;
	_ =	sdelay $0x7  }
0x2dd: {  	s11 =	sadd.s32 $0x1, s11  }
0x2de: {  	s19 =	rddreg [dreg:$0x6];
	p1 =	sne.s32 s11, $0xA;
	v5 =	vpop (erf)  }
.Ltmp5:
0x2df: {  	s14 =	simm.s32 $0xFA0;
	s15 =	simm.s32 $0x82B0;
	[tilespmem:s16+$0x82F0] =	vst v5;
	(pc) =	sbr.rel @p1 .LBB2_6-.Ltmp5, $4  }
0x2e0: {  	[spmem:s19] =	stream.indirect.scatter.add.f32 [tilespmem:s15], [sflag:$0x6], $0x1, s25, s14, $0x2000b8;
	[tilespmem:$0x1A6E0] =	vst v63  }
0x2e1: {  	_ =	swait.ge [sflag:s6], $0xFA0  }
0x2e2: {  	[sflag:s6] =	ssyncset.done $0x0  }
0x2e3: {  	[sflag:s6] =	ssyncadd.s32 $0xFFFFF060  }
0x2e4: {  	_ =	strace $0x90000048  }
0x2e5: {  	[bflag:$0x0] =	sbarrier.arrive $0xFFFF  }
0x2e6: {  	s0 =	rddreg [dreg:$0x6]  }
0x2e7: {  	[tilespmem:s4], [sflag:$0x6] =	stream.linear.gather [spmem:s0], $0x2710, $0x38;
	[tilespmem:$0x1A6E0] =	vst v63  }
0x2e8: {  	_ =	swait.ge [sflag:s6], $0x2710  }
0x2e9: {  	s12 =	simm.s32 $0x9250;
	[sflag:s6] =	ssyncset.done $0x0  }
0x2ea: {  	s0 =	simm.s32 $0x0;
	s11 =	rddreg [dreg:$0xb];
	[sflag:s6] =	ssyncadd.s32 $0xFFFFD8F0  }
0x2eb: {  	[tilespmem:s12], [sflag:$0x2] =	stream.linear.gather [hbm4b:s11+s0], $0x190, $0x38;
	[tilespmem:$0x1A6E0] =	vst v63  }
0x2ec: {  	s19 =	simm.s32 $0x9570;
	s16 =	rddreg [dreg:$0xc]  }
0x2ed: {  	[tilespmem:s19], [sflag:$0x2] =	stream.linear.gather [hbm4b:s16+s0], $0x190, $0x38;
	[tilespmem:$0x1A6E0] =	vst v63  }
0x2ee: {  	s15 =	simm.s32 $0x9890;
	s14 =	rddreg [dreg:$0xd]  }
0x2ef: {  	[tilespmem:s15], [sflag:$0x2] =	stream.linear.gather [hbm4b:s14+s0], $0x190, $0x38;
	[tilespmem:$0x1A6E0] =	vst v63  }
0x2f0: {  	s16 =	rddreg [dreg:$0xe];
	s19 =	simm.s32 $0x93E0  }
0x2f1: {  	[tilespmem:s19], [sflag:$0x3] =	stream.linear.gather [hbm4b:s16+s0], $0x190, $0x38;
	[tilespmem:$0x1A6E0] =	vst v63  }
0x2f2: {  	s14 =	rddreg [dreg:$0xf];
	s15 =	simm.s32 $0x9700  }
0x2f3: {  	[tilespmem:s15], [sflag:$0x3] =	stream.linear.gather [hbm4b:s14+s0], $0x190, $0x38;
	[tilespmem:$0x1A6E0] =	vst v63  }
0x2f4: {  	s16 =	rddreg [dreg:$0x10];
	s19 =	simm.s32 $0x9A20  }
0x2f5: {  	[tilespmem:s19], [sflag:$0x3] =	stream.linear.gather [hbm4b:s16+s0], $0x190, $0x38;
	[tilespmem:$0x1A6E0] =	vst v63  }
0x2f6: {  	_ =	swait.ge [sflag:s17], $0x190  }
0x2f7: {  	[sflag:s17] =	ssyncset.done $0x0  }
0x2f8: {  	[sflag:s17] =	ssyncadd.s32 $0xFFFFFE70  }
0x2f9: {  	_ =	swait.ge [sflag:s17], $0x190  }
0x2fa: {  	[sflag:s17] =	ssyncset.done $0x0  }
0x2fb: {  	[sflag:s17] =	ssyncadd.s32 $0xFFFFFE70  }
0x2fc: {  	_ =	swait.ge [sflag:s17], $0x190  }
0x2fd: {  	[sflag:s17] =	ssyncset.done $0x0  }
0x2fe: {  	s11 =	simm.s32 $0x0;
	[sflag:s17] =	ssyncadd.s32 $0xFFFFFE70  }
0x2ff: {  	v5 =	vld [tilespmem:s11+$0x9250];
	_ =	sdelay $0x1  }
0x300: {  	v6 =	vld [tilespmem:s11+$0x9570];
	_ =	sdelay $0x5  }
0x301: {  	s0 =	simm.s32 $0x10;
	v7 =	vld.idx.msk [tilespmem:v5+s31+$0x0], $0xffff  }
0x302: {  	s12 =	simm.s32 $0x80;
	v5 =	vld [tilespmem:s0+$0x9250]  }
.LBB2_10:
0x303: {  	p1 =	sne.s32 s12, $0x600;
	v10 =	vld.idx.msk [tilespmem:v6+s31+$0x0], $0xffff;
	_ =	sdelay $0x1  }
0x304: {  	v6 =	vld [tilespmem:s0+$0x9570];
	_ =	sdelay $0x1  }
0x305: {  	v7 =	vmul.u32 $0x5F, v7  }
.Ltmp6:
0x306: {  	(pc) =	sbr.rel @p1 .LBB2_10-.Ltmp6, $4  }
0x307: {  	v7 =	vadd.s32 v10, v7  }
0x308: {  	[tilespmem:s11+$0x9BB0] =	vst v7;
	s11 =	smov.u32 s0  }
0x309: {  	s0 =	sshra.s32 s12, $0x2;
	v7 =	vld.idx.msk [tilespmem:v5+s31+$0x0], $0xffff  }
0x30a: {  	s12 =	sadd.s32 $0x40, s12;
	v5 =	vld [tilespmem:s0+$0x9250]  }
0x30b: {  	_ =	sdelay $0x3  }
0x30c: {  	v6 =	vld.idx.msk [tilespmem:v6+s31+$0x0], $0xffff  }
0x30d: {  	v10 =	vld [tilespmem:s0+$0x9570];
	_ =	sdelay $0x1  }
0x30e: {  	v7 =	vmul.u32 $0x5F, v7;
	_ =	sdelay $0x1  }
0x30f: {  	v6 =	vadd.s32 v6, v7  }
0x310: {  	[tilespmem:s11+$0x9BB0] =	vst v6  }
0x311: {  	v5 =	vld.idx.msk [tilespmem:v5+s31+$0x0], $0xffff;
	_ =	sdelay $0x1  }
0x312: {  	v6 =	vld.idx.msk [tilespmem:v10+s31+$0x0], $0xffff;
	_ =	sdelay $0x2  }
0x313: {  	v5 =	vmul.u32 $0x5F, v5;
	_ =	sdelay $0x1  }
0x314: {  	v5 =	vadd.s32 v6, v5  }
0x315: {  	s19 =	simm.s32 $0x9BB0;
	[tilespmem:s0+$0x9BB0] =	vst v5  }
0x316: {  	[tilespmem:s24], [sflag:$0x4] =	stream.indirect.gather [hbm4b:s9+s20], $0x50, s19, s20, $0xb8;
	[tilespmem:$0x1A6E0] =	vst v63  }
0x317: {  	_ =	strace $0x80000049  }
0x318: {  	v15 =	vld [tilespmem:$0x1FF50]  }
0x319: {  	s0 =	simm.s32 $0x0;
	v16 =	vld [tilespmem:$0x1FF90]  }
.LBB2_12:
0x31a: {  	_ =	swait.ge [sflag:s10], $0x190  }
0x31b: {  	[sflag:s10] =	ssyncset.done $0x0  }
0x31c: {  	[sflag:s10] =	ssyncadd.s32 $0xFFFFFE70  }
0x31d: {  	_ =	swait.ge [sflag:s10], $0x190  }
0x31e: {  	[sflag:s10] =	ssyncset.done $0x0  }
0x31f: {  	[sflag:s10] =	ssyncadd.s32 $0xFFFFFE70  }
0x320: {  	_ =	swait.ge [sflag:s10], $0x190  }
0x321: {  	[sflag:s10] =	ssyncset.done $0x0  }
0x322: {  	s12 =	simm.s32 $0x0;
	[sflag:s10] =	ssyncadd.s32 $0xFFFFFE70  }
0x323: {  	v5 =	vld [tilespmem:s12+$0x93E0];
	_ =	sdelay $0x1  }
0x324: {  	v6 =	vld [tilespmem:s12+$0x9700];
	_ =	sdelay $0x5  }
0x325: {  	s11 =	simm.s32 $0x10;
	v7 =	vld.idx.msk [tilespmem:v5+s31+$0x0], $0xffff  }
0x326: {  	s14 =	simm.s32 $0x80;
	v5 =	vld [tilespmem:s11+$0x93E0]  }
.LBB2_13:
0x327: {  	p1 =	sne.s32 s14, $0x600;
	v10 =	vld.idx.msk [tilespmem:v6+s31+$0x0], $0xffff;
	_ =	sdelay $0x1  }
0x328: {  	v6 =	vld [tilespmem:s11+$0x9700];
	_ =	sdelay $0x1  }
0x329: {  	v7 =	vmul.u32 $0x5F, v7  }
.Ltmp7:
0x32a: {  	(pc) =	sbr.rel @p1 .LBB2_13-.Ltmp7, $4  }
0x32b: {  	v7 =	vadd.s32 v10, v7  }
0x32c: {  	[tilespmem:s12+$0x11A40] =	vst v7;
	s12 =	smov.u32 s11  }
0x32d: {  	s11 =	sshra.s32 s14, $0x2;
	v7 =	vld.idx.msk [tilespmem:v5+s31+$0x0], $0xffff  }
0x32e: {  	s14 =	sadd.s32 $0x40, s14;
	v5 =	vld [tilespmem:s11+$0x93E0]  }
0x32f: {  	_ =	sdelay $0x3  }
0x330: {  	v6 =	vld.idx.msk [tilespmem:v6+s31+$0x0], $0xffff  }
0x331: {  	v10 =	vld [tilespmem:s11+$0x9700];
	_ =	sdelay $0x1  }
0x332: {  	v7 =	vmul.u32 $0x5F, v7;
	_ =	sdelay $0x1  }
0x333: {  	v6 =	vadd.s32 v6, v7  }
0x334: {  	[tilespmem:s12+$0x11A40] =	vst v6  }
0x335: {  	v5 =	vld.idx.msk [tilespmem:v5+s31+$0x0], $0xffff;
	_ =	sdelay $0x1  }
0x336: {  	v6 =	vld.idx.msk [tilespmem:v10+s31+$0x0], $0xffff;
	_ =	sdelay $0x2  }
0x337: {  	v5 =	vmul.u32 $0x5F, v5;
	_ =	sdelay $0x1  }
0x338: {  	v5 =	vadd.s32 v6, v5  }
0x339: {  	s19 =	simm.s32 $0x11A40;
	[tilespmem:s11+$0x11A40] =	vst v5  }
0x33a: {  	[tilespmem:s13], [sflag:$0x5] =	stream.indirect.gather [hbm4b:s9+s20], $0x50, s19, s20, $0x2000b8;
	[tilespmem:$0x1A6E0] =	vst v63  }
0x33b: {  	_ =	swait.ge [sflag:s21], $0x7D00  }
0x33c: {  	v8 =	vld [tilespmem:$0x1FD80]  }
0x33d: {  	v12 =	vld [tilespmem:$0x1FD90]  }
0x33e: {  	v25 =	vld [tilespmem:$0x1FDA0]  }
0x33f: {  	v59 =	vld [tilespmem:$0x1FE40]  }
0x340: {  	v61 =	vld [tilespmem:$0x1FE60]  }
0x341: {  	v14 =	vld [tilespmem:$0x1FF00]  }
0x342: {  	v18 =	vld [tilespmem:$0x1FF10]  }
0x343: {  	v27 =	vld [tilespmem:$0x1FF30]  }
0x344: {  	v31 =	vld [tilespmem:$0x1FF80]  }
0x345: {  	v35 =	vld [tilespmem:$0x1FFB0]  }
0x346: {  	v40 =	vld [tilespmem:$0x1FC20]  }
0x347: {  	v45 =	vld [tilespmem:$0x1FFD0]  }
0x348: {  	s14 =	simm.s32 $0x0;
	s15 =	simm.s32 $0x9250;
	v1 =	vld [tilespmem:$0x1FC90]  }
0x349: {  	s16 =	simm.s32 $0x9570;
	s12 =	simm.s32 $0x9890;
	[sflag:s21] =	ssyncset.done $0x0;
	v2 =	vld [tilespmem:$0x1FFF0]  }
0x34a: {  	s11 =	simm.s32 $0x19A60;
	s19 =	simm.s32 $0x198D0;
	v3 =	vld [tilespmem:$0x1FD00];
	[sflag:s21] =	ssyncadd.s32 $0xFFFF8300  }
.LBB2_15:
0x34b: {  	v5 =	vmov s14;
	v0 =	vld [tilespmem:$0x1FFC0]  }
0x34c: {  	v5 =	vmul.u32 $0x50, v5;
	_ =	sdelay $0x1  }
0x34d: {  	v46 =	vld [tilespmem:s15+$0x0];
	v53 =	vbroadcast v5, $0x0  }
0x34e: {  	v6 =	vld [tilespmem:s16+$0x0]  }
0x34f: {  	v5 =	vadd.s32 v0, v53;
	v0 =	vld [tilespmem:$0x1FB30];
	_ =	sdelay $0x4  }
0x350: {  	v7 =	vadd.s32 v0, v53;
	v0 =	vld [tilespmem:$0x1FFA0];
	_ =	sdelay $0x1  }
0x351: {  	v50 =	vld.idx.msk [tilespmem:v46+s4+$0x0], $0xffff  }
0x352: {  	v51 =	vld.idx.msk [tilespmem:v6+s4+$0x0], $0xffff  }
0x353: {  	v5 =	vld.idx.msk [tilespmem:v5+s24+$0x0], $0xffff  }
0x354: {  	v10 =	vadd.s32 v0, v53;
	v0 =	vld [tilespmem:$0x1FFE0]  }
0x355: {  	v7 =	vld.idx.msk [tilespmem:v7+s24+$0x0], $0xffff;
	_ =	sdelay $0x3  }
0x356: {  	v11 =	vadd.s32 v0, v53;
	v0 =	vld [tilespmem:$0x1FB50]  }
0x357: {  	v5 =	vsub.f32 v5, v50;
	v7 =	vsub.f32 v7, v51;
	_ =	sdelay $0x1  }
0x358: {  	v5 =	vmul.f32 v5, v5;
	v10 =	vld.idx.msk [tilespmem:v10+s24+$0x0], $0xffff;
	v7 =	vmul.f32 v7, v7  }
0x359: {  	v47 =	vld [tilespmem:s12+$0x0]  }
0x35a: {  	v54 =	vadd.f32 v7, v5;
	v5 =	vadd.s32 v0, v53;
	v0 =	vld [tilespmem:$0x1FB40]  }
0x35b: {  	v49 =	vld.idx.msk [tilespmem:v46+s31+$0x0], $0xffff  }
0x35c: {  	v48 =	vld.idx.msk [tilespmem:v6+s31+$0x0], $0xffff;
	[tilespmem:v58+s18+$0x0] =	vst.idx.msk $0xffff, v54  }
0x35d: {  	[tilespmem:v58+s26+$0x0] =	vst.idx.msk $0xffff, v10  }
0x35e: {  	v6 =	vld.idx.msk [tilespmem:v11+s24+$0x0], $0xffff  }
0x35f: {  	v7 =	vadd.s32 v0, v53;
	v0 =	vld [tilespmem:$0x1FB70]  }
0x360: {  	v5 =	vld.idx.msk [tilespmem:v5+s24+$0x0], $0xffff;
	_ =	sdelay $0x3  }
0x361: {  	v10 =	vadd.s32 v0, v53;
	v0 =	vld [tilespmem:$0x1FB80]  }
0x362: {  	v6 =	vsub.f32 v6, v50;
	v5 =	vsub.f32 v5, v51;
	_ =	sdelay $0x1  }
0x363: {  	v7 =	vld.idx.msk [tilespmem:v7+s24+$0x0], $0xffff;
	v6 =	vmul.f32 v6, v6;
	v5 =	vmul.f32 v5, v5;
	_ =	sdelay $0x1  }
0x364: {  	v55 =	vadd.f32 v5, v6;
	v5 =	vadd.s32 v0, v53;
	v0 =	vld [tilespmem:$0x1FB60];
	_ =	sdelay $0x1  }
0x365: {  	[tilespmem:v60+s18+$0x0] =	vst.idx.msk $0xffff, v55  }
0x366: {  	[tilespmem:v60+s26+$0x0] =	vst.idx.msk $0xffff, v7  }
0x367: {  	v6 =	vld.idx.msk [tilespmem:v10+s24+$0x0], $0xffff  }
0x368: {  	v7 =	vadd.s32 v0, v53;
	v0 =	vld [tilespmem:$0x1FBA0]  }
0x369: {  	v5 =	vld.idx.msk [tilespmem:v5+s24+$0x0], $0xffff;
	_ =	sdelay $0x3  }
0x36a: {  	v10 =	vadd.s32 v0, v53;
	v0 =	vld [tilespmem:$0x1FBB0]  }
0x36b: {  	v6 =	vsub.f32 v6, v50;
	v5 =	vsub.f32 v5, v51;
	_ =	sdelay $0x1  }
0x36c: {  	v7 =	vld.idx.msk [tilespmem:v7+s24+$0x0], $0xffff;
	v6 =	vmul.f32 v6, v6;
	v5 =	vmul.f32 v5, v5;
	_ =	sdelay $0x1  }
0x36d: {  	v9 =	vmov v58;
	v58 =	vadd.f32 v5, v6;
	v5 =	vadd.s32 v0, v53;
	v0 =	vld [tilespmem:$0x1FB90];
	_ =	sdelay $0x1  }
0x36e: {  	[tilespmem:v15+s18+$0x0] =	vst.idx.msk $0xffff, v58  }
0x36f: {  	[tilespmem:v15+s26+$0x0] =	vst.idx.msk $0xffff, v7  }
0x370: {  	v6 =	vld.idx.msk [tilespmem:v10+s24+$0x0], $0xffff  }
0x371: {  	v7 =	vadd.s32 v0, v53;
	v0 =	vld [tilespmem:$0x1FBD0]  }
0x372: {  	v5 =	vld.idx.msk [tilespmem:v5+s24+$0x0], $0xffff;
	_ =	sdelay $0x3  }
0x373: {  	v10 =	vadd.s32 v0, v53;
	v0 =	vld [tilespmem:$0x1FBE0]  }
0x374: {  	v6 =	vsub.f32 v6, v50;
	v5 =	vsub.f32 v5, v51;
	_ =	sdelay $0x1  }
0x375: {  	v7 =	vld.idx.msk [tilespmem:v7+s24+$0x0], $0xffff;
	v6 =	vmul.f32 v6, v6;
	v5 =	vmul.f32 v5, v5;
	_ =	sdelay $0x1  }
0x376: {  	v63 =	vmov v62;
	v62 =	vadd.f32 v5, v6;
	v5 =	vadd.s32 v0, v53;
	v0 =	vld [tilespmem:$0x1FBC0];
	_ =	sdelay $0x1  }
0x377: {  	[tilespmem:v16+s18+$0x0] =	vst.idx.msk $0xffff, v62  }
0x378: {  	[tilespmem:v16+s26+$0x0] =	vst.idx.msk $0xffff, v7  }
0x379: {  	v6 =	vld.idx.msk [tilespmem:v10+s24+$0x0], $0xffff  }
0x37a: {  	v7 =	vadd.s32 v0, v53;
	v0 =	vld [tilespmem:$0x1FC00]  }
0x37b: {  	v5 =	vld.idx.msk [tilespmem:v5+s24+$0x0], $0xffff;
	_ =	sdelay $0x3  }
0x37c: {  	v10 =	vadd.s32 v0, v53;
	v0 =	vld [tilespmem:$0x1FC10]  }
0x37d: {  	v6 =	vsub.f32 v6, v50;
	v5 =	vsub.f32 v5, v51;
	_ =	sdelay $0x1  }
0x37e: {  	v7 =	vld.idx.msk [tilespmem:v7+s24+$0x0], $0xffff;
	v6 =	vmul.f32 v6, v6;
	v5 =	vmul.f32 v5, v5;
	_ =	sdelay $0x1  }
0x37f: {  	v22 =	vmov v60;
	v60 =	vadd.f32 v5, v6;
	v5 =	vadd.s32 v0, v53;
	v0 =	vld [tilespmem:$0x1FBF0];
	_ =	sdelay $0x1  }
0x380: {  	[tilespmem:v35+s18+$0x0] =	vst.idx.msk $0xffff, v60  }
0x381: {  	[tilespmem:v35+s26+$0x0] =	vst.idx.msk $0xffff, v7  }
0x382: {  	v6 =	vld.idx.msk [tilespmem:v10+s24+$0x0], $0xffff  }
0x383: {  	v7 =	vadd.s32 v0, v53;
	v0 =	vld [tilespmem:$0x1FC40]  }
0x384: {  	v5 =	vld.idx.msk [tilespmem:v5+s24+$0x0], $0xffff;
	_ =	sdelay $0x3  }
0x385: {  	v10 =	vadd.s32 v0, v53;
	v0 =	vld [tilespmem:$0x1FC50]  }
0x386: {  	v6 =	vsub.f32 v6, v50;
	v5 =	vsub.f32 v5, v51;
	_ =	sdelay $0x1  }
0x387: {  	v7 =	vld.idx.msk [tilespmem:v7+s24+$0x0], $0xffff;
	v6 =	vmul.f32 v6, v6;
	v5 =	vmul.f32 v5, v5;
	_ =	sdelay $0x1  }
0x388: {  	v5 =	vadd.f32 v5, v6;
	v6 =	vadd.s32 v0, v53;
	v0 =	vld [tilespmem:$0x1FC30];
	_ =	sdelay $0x1  }
0x389: {  	[tilespmem:v40+s18+$0x0] =	vst.idx.msk $0xffff, v5  }
0x38a: {  	[tilespmem:v40+s26+$0x0] =	vst.idx.msk $0xffff, v7  }
0x38b: {  	v7 =	vld.idx.msk [tilespmem:v10+s24+$0x0], $0xffff  }
0x38c: {  	v10 =	vadd.s32 v0, v53;
	v0 =	vld [tilespmem:$0x1FC70]  }
0x38d: {  	v6 =	vld.idx.msk [tilespmem:v6+s24+$0x0], $0xffff;
	_ =	sdelay $0x3  }
0x38e: {  	v11 =	vadd.s32 v0, v53;
	v0 =	vld [tilespmem:$0x1FC80]  }
0x38f: {  	v7 =	vsub.f32 v7, v50;
	v6 =	vsub.f32 v6, v51;
	_ =	sdelay $0x1  }
0x390: {  	v10 =	vld.idx.msk [tilespmem:v10+s24+$0x0], $0xffff;
	v7 =	vmul.f32 v7, v7;
	v6 =	vmul.f32 v6, v6;
	_ =	sdelay $0x1  }
0x391: {  	v6 =	vadd.f32 v6, v7;
	v7 =	vadd.s32 v0, v53;
	v0 =	vld [tilespmem:$0x1FC60];
	_ =	sdelay $0x1  }
0x392: {  	[tilespmem:v45+s18+$0x0] =	vst.idx.msk $0xffff, v6  }
0x393: {  	[tilespmem:v45+s26+$0x0] =	vst.idx.msk $0xffff, v10  }
0x394: {  	v10 =	vld.idx.msk [tilespmem:v11+s24+$0x0], $0xffff  }
0x395: {  	v11 =	vadd.s32 v0, v53;
	v0 =	vld [tilespmem:$0x1FCB0]  }
0x396: {  	v7 =	vld.idx.msk [tilespmem:v7+s24+$0x0], $0xffff;
	_ =	sdelay $0x3  }
0x397: {  	v13 =	vadd.s32 v0, v53;
	v0 =	vld [tilespmem:$0x1FCC0]  }
0x398: {  	v10 =	vsub.f32 v10, v50;
	v7 =	vsub.f32 v7, v51;
	_ =	sdelay $0x1  }
0x399: {  	v11 =	vld.idx.msk [tilespmem:v11+s24+$0x0], $0xffff;
	v10 =	vmul.f32 v10, v10;
	v7 =	vmul.f32 v7, v7;
	_ =	sdelay $0x1  }
0x39a: {  	v7 =	vadd.f32 v7, v10;
	v10 =	vadd.s32 v0, v53;
	v0 =	vld [tilespmem:$0x1FCA0];
	_ =	sdelay $0x1  }
0x39b: {  	[tilespmem:v1+s18+$0x0] =	vst.idx.msk $0xffff, v7  }
0x39c: {  	[tilespmem:v1+s26+$0x0] =	vst.idx.msk $0xffff, v11  }
0x39d: {  	v11 =	vld.idx.msk [tilespmem:v13+s24+$0x0], $0xffff  }
0x39e: {  	v13 =	vadd.s32 v0, v53;
	v0 =	vld [tilespmem:$0x1FCE0]  }
0x39f: {  	v10 =	vld.idx.msk [tilespmem:v10+s24+$0x0], $0xffff;
	_ =	sdelay $0x3  }
0x3a0: {  	v15 =	vadd.s32 v0, v53;
	v0 =	vld [tilespmem:$0x1FCF0]  }
0x3a1: {  	v11 =	vsub.f32 v11, v50;
	v10 =	vsub.f32 v10, v51;
	_ =	sdelay $0x1  }
0x3a2: {  	v13 =	vld.idx.msk [tilespmem:v13+s24+$0x0], $0xffff;
	v11 =	vmul.f32 v11, v11;
	v10 =	vmul.f32 v10, v10;
	_ =	sdelay $0x1  }
0x3a3: {  	v10 =	vadd.f32 v10, v11;
	v11 =	vadd.s32 v0, v53;
	v0 =	vld [tilespmem:$0x1FCD0];
	_ =	sdelay $0x1  }
0x3a4: {  	[tilespmem:v2+s18+$0x0] =	vst.idx.msk $0xffff, v10  }
0x3a5: {  	[tilespmem:v2+s26+$0x0] =	vst.idx.msk $0xffff, v13  }
0x3a6: {  	v13 =	vld.idx.msk [tilespmem:v15+s24+$0x0], $0xffff  }
0x3a7: {  	v15 =	vadd.s32 v0, v53;
	v0 =	vld [tilespmem:$0x1FAA0]  }
0x3a8: {  	v11 =	vld.idx.msk [tilespmem:v11+s24+$0x0], $0xffff;
	_ =	sdelay $0x3  }
0x3a9: {  	v16 =	vadd.s32 v0, v53;
	v0 =	vld [tilespmem:$0x1FAB0]  }
0x3aa: {  	v13 =	vsub.f32 v13, v50;
	v11 =	vsub.f32 v11, v51;
	_ =	sdelay $0x1  }
0x3ab: {  	v15 =	vld.idx.msk [tilespmem:v15+s24+$0x0], $0xffff;
	v13 =	vmul.f32 v13, v13;
	v11 =	vmul.f32 v11, v11;
	_ =	sdelay $0x1  }
0x3ac: {  	v11 =	vadd.f32 v11, v13;
	v13 =	vadd.s32 v0, v53;
	_ =	sdelay $0x1  }
0x3ad: {  	v0 =	vld [tilespmem:$0x1FA90];
	[tilespmem:v3+s18+$0x0] =	vst.idx.msk $0xffff, v11  }
0x3ae: {  	[tilespmem:v3+s26+$0x0] =	vst.idx.msk $0xffff, v15  }
0x3af: {  	v15 =	vld.idx.msk [tilespmem:v16+s24+$0x0], $0xffff  }
0x3b0: {  	v13 =	vld.idx.msk [tilespmem:v13+s24+$0x0], $0xffff;
	_ =	sdelay $0x1  }
0x3b1: {  	v16 =	vadd.s32 v0, v53  }
0x3b2: {  	v0 =	vld [tilespmem:$0x1FD20];
	_ =	sdelay $0x1  }
0x3b3: {  	v15 =	vsub.f32 v15, v50;
	v13 =	vsub.f32 v13, v51;
	_ =	sdelay $0x1  }
0x3b4: {  	v16 =	vld.idx.msk [tilespmem:v16+s24+$0x0], $0xffff;
	v15 =	vmul.f32 v15, v15;
	v13 =	vmul.f32 v13, v13  }
0x3b5: {  	v17 =	vadd.s32 v0, v53  }
0x3b6: {  	v13 =	vadd.f32 v13, v15;
	v15 =	vadd.s32 v19, v53;
	_ =	sdelay $0x1  }
0x3b7: {  	v0 =	vld [tilespmem:$0x1FD10];
	[tilespmem:v12+s18+$0x0] =	vst.idx.msk $0xffff, v13  }
0x3b8: {  	[tilespmem:v12+s26+$0x0] =	vst.idx.msk $0xffff, v16  }
0x3b9: {  	v16 =	vld.idx.msk [tilespmem:v17+s24+$0x0], $0xffff  }
0x3ba: {  	v15 =	vld.idx.msk [tilespmem:v15+s24+$0x0], $0xffff;
	_ =	sdelay $0x1  }
0x3bb: {  	v17 =	vadd.s32 v0, v53;
	_ =	sdelay $0x1  }
0x3bc: {  	v0 =	vld [tilespmem:$0x1FD70]  }
0x3bd: {  	v16 =	vsub.f32 v16, v50;
	v15 =	vsub.f32 v15, v51;
	_ =	sdelay $0x1  }
0x3be: {  	v17 =	vld.idx.msk [tilespmem:v17+s24+$0x0], $0xffff;
	v16 =	vmul.f32 v16, v16;
	v15 =	vmul.f32 v15, v15  }
0x3bf: {  	v44 =	vmov v19;
	v19 =	vadd.s32 v21, v53  }
0x3c0: {  	v15 =	vadd.f32 v15, v16;
	v16 =	vadd.s32 v0, v53;
	_ =	sdelay $0x1  }
0x3c1: {  	[tilespmem:v25+s18+$0x0] =	vst.idx.msk $0xffff, v15  }
0x3c2: {  	[tilespmem:v25+s26+$0x0] =	vst.idx.msk $0xffff, v17  }
0x3c3: {  	v17 =	vld.idx.msk [tilespmem:v19+s24+$0x0], $0xffff  }
0x3c4: {  	v16 =	vld.idx.msk [tilespmem:v16+s24+$0x0], $0xffff;
	_ =	sdelay $0x3  }
0x3c5: {  	v4 =	vld [tilespmem:$0x1FAC0]  }
0x3c6: {  	v17 =	vsub.f32 v17, v50;
	v16 =	vsub.f32 v16, v51;
	_ =	sdelay $0x1  }
0x3c7: {  	v17 =	vmul.f32 v17, v17;
	v16 =	vmul.f32 v16, v16  }
0x3c8: {  	v19 =	vadd.s32 v20, v53  }
0x3c9: {  	v16 =	vadd.f32 v16, v17;
	v17 =	vadd.s32 v4, v53;
	v4 =	vld [tilespmem:$0x1FD60];
	_ =	sdelay $0x3  }
0x3ca: {  	v19 =	vld.idx.msk [tilespmem:v19+s24+$0x0], $0xffff  }
0x3cb: {  	v0 =	vmov v20;
	v20 =	vadd.s32 v24, v53;
	_ =	sdelay $0x2  }
0x3cc: {  	[tilespmem:v4+s18+$0x0] =	vst.idx.msk $0xffff, v16  }
0x3cd: {  	[tilespmem:v4+s26+$0x0] =	vst.idx.msk $0xffff, v19  }
0x3ce: {  	v19 =	vld.idx.msk [tilespmem:v20+s24+$0x0], $0xffff  }
0x3cf: {  	v17 =	vld.idx.msk [tilespmem:v17+s24+$0x0], $0xffff;
	_ =	sdelay $0x1  }
0x3d0: {  	v20 =	vadd.s32 v23, v53  }
0x3d1: {  	v4 =	vld [tilespmem:$0x1FAD0];
	_ =	sdelay $0x1  }
0x3d2: {  	v19 =	vsub.f32 v19, v50;
	v17 =	vsub.f32 v17, v51;
	_ =	sdelay $0x1  }
0x3d3: {  	v20 =	vld.idx.msk [tilespmem:v20+s24+$0x0], $0xffff;
	v19 =	vmul.f32 v19, v19;
	v17 =	vmul.f32 v17, v17  }
0x3d4: {  	v37 =	vmov v21;
	v21 =	vadd.s32 v4, v53  }
0x3d5: {  	v17 =	vadd.f32 v17, v19;
	v19 =	vadd.s32 v28, v53;
	_ =	sdelay $0x1  }
0x3d6: {  	[tilespmem:v8+s18+$0x0] =	vst.idx.msk $0xffff, v17  }
0x3d7: {  	v4 =	vld [tilespmem:$0x1FDB0];
	[tilespmem:v8+s26+$0x0] =	vst.idx.msk $0xffff, v20  }
0x3d8: {  	v20 =	vld.idx.msk [tilespmem:v21+s24+$0x0], $0xffff  }
0x3d9: {  	v19 =	vld.idx.msk [tilespmem:v19+s24+$0x0], $0xffff;
	_ =	sdelay $0x3  }
0x3da: {  	v41 =	vmov v23;
	v23 =	vadd.s32 v4, v53;
	v4 =	vld [tilespmem:$0x1FAE0]  }
0x3db: {  	v20 =	vsub.f32 v20, v50;
	v19 =	vsub.f32 v19, v51;
	_ =	sdelay $0x1  }
0x3dc: {  	v20 =	vmul.f32 v20, v20;
	v19 =	vmul.f32 v19, v19  }
0x3dd: {  	v21 =	vadd.s32 v26, v53  }
0x3de: {  	v19 =	vadd.f32 v19, v20;
	v20 =	vadd.s32 v4, v53;
	v4 =	vld [tilespmem:$0x1FD30];
	_ =	sdelay $0x3  }
0x3df: {  	v21 =	vld.idx.msk [tilespmem:v21+s24+$0x0], $0xffff;
	_ =	sdelay $0x3  }
0x3e0: {  	[tilespmem:v4+s18+$0x0] =	vst.idx.msk $0xffff, v19  }
0x3e1: {  	[tilespmem:v4+s26+$0x0] =	vst.idx.msk $0xffff, v21  }
0x3e2: {  	v21 =	vld.idx.msk [tilespmem:v23+s24+$0x0], $0xffff  }
0x3e3: {  	v20 =	vld.idx.msk [tilespmem:v20+s24+$0x0], $0xffff;
	_ =	sdelay $0x1  }
0x3e4: {  	v23 =	vadd.s32 v29, v53;
	_ =	sdelay $0x2  }
0x3e5: {  	v21 =	vsub.f32 v21, v50;
	v20 =	vsub.f32 v20, v51;
	_ =	sdelay $0x1  }
0x3e6: {  	v23 =	vld.idx.msk [tilespmem:v23+s24+$0x0], $0xffff;
	v21 =	vmul.f32 v21, v21;
	v20 =	vmul.f32 v20, v20  }
0x3e7: {  	v43 =	vmov v24;
	v24 =	vadd.s32 v33, v53  }
0x3e8: {  	v20 =	vadd.f32 v20, v21;
	v21 =	vadd.s32 v34, v53;
	_ =	sdelay $0x1  }
0x3e9: {  	[tilespmem:v30+s18+$0x0] =	vst.idx.msk $0xffff, v20  }
0x3ea: {  	v4 =	vld [tilespmem:$0x1FDD0];
	[tilespmem:v30+s26+$0x0] =	vst.idx.msk $0xffff, v23  }
0x3eb: {  	v23 =	vld.idx.msk [tilespmem:v24+s24+$0x0], $0xffff  }
0x3ec: {  	v21 =	vld.idx.msk [tilespmem:v21+s24+$0x0], $0xffff;
	_ =	sdelay $0x1  }
0x3ed: {  	v24 =	vadd.s32 v32, v53;
	_ =	sdelay $0x1  }
0x3ee: {  	v39 =	vmov v26;
	v26 =	vadd.s32 v4, v53;
	v4 =	vld [tilespmem:$0x1FDE0]  }
0x3ef: {  	v23 =	vsub.f32 v23, v50;
	v21 =	vsub.f32 v21, v51;
	_ =	sdelay $0x1  }
0x3f0: {  	v24 =	vld.idx.msk [tilespmem:v24+s24+$0x0], $0xffff;
	v23 =	vmul.f32 v23, v23;
	v21 =	vmul.f32 v21, v21;
	_ =	sdelay $0x1  }
0x3f1: {  	v21 =	vadd.f32 v21, v23;
	v23 =	vadd.s32 v4, v53;
	_ =	sdelay $0x1  }
0x3f2: {  	[tilespmem:v31+s18+$0x0] =	vst.idx.msk $0xffff, v21  }
0x3f3: {  	[tilespmem:v31+s26+$0x0] =	vst.idx.msk $0xffff, v24  }
0x3f4: {  	v24 =	vld.idx.msk [tilespmem:v26+s24+$0x0], $0xffff  }
0x3f5: {  	v23 =	vld.idx.msk [tilespmem:v23+s24+$0x0], $0xffff;
	_ =	sdelay $0x1  }
0x3f6: {  	v4 =	vld [tilespmem:$0x1FDC0];
	_ =	sdelay $0x2  }
0x3f7: {  	v24 =	vsub.f32 v24, v50;
	v23 =	vsub.f32 v23, v51;
	_ =	sdelay $0x1  }
0x3f8: {  	v26 =	vadd.s32 v4, v53;
	v24 =	vmul.f32 v24, v24;
	v23 =	vmul.f32 v23, v23  }
0x3f9: {  	v4 =	vmov v28;
	v28 =	vld [tilespmem:$0x1FE00]  }
0x3fa: {  	v23 =	vadd.f32 v23, v24;
	v24 =	vld [tilespmem:$0x1FAF0];
	_ =	sdelay $0x2  }
0x3fb: {  	v26 =	vld.idx.msk [tilespmem:v26+s24+$0x0], $0xffff  }
0x3fc: {  	v28 =	vadd.s32 v28, v53  }
0x3fd: {  	v24 =	vadd.s32 v24, v53;
	_ =	sdelay $0x1  }
0x3fe: {  	[tilespmem:v14+s18+$0x0] =	vst.idx.msk $0xffff, v23  }
0x3ff: {  	[tilespmem:v14+s26+$0x0] =	vst.idx.msk $0xffff, v26  }
0x400: {  	v26 =	vld.idx.msk [tilespmem:v28+s24+$0x0], $0xffff  }
0x401: {  	v24 =	vld.idx.msk [tilespmem:v24+s24+$0x0], $0xffff;
	_ =	sdelay $0x1  }
0x402: {  	v28 =	vld [tilespmem:$0x1FDF0];
	_ =	sdelay $0x2  }
0x403: {  	v26 =	vsub.f32 v26, v50;
	v24 =	vsub.f32 v24, v51;
	_ =	sdelay $0x1  }
0x404: {  	v42 =	vld [tilespmem:$0x1FD40];
	v28 =	vadd.s32 v28, v53;
	v26 =	vmul.f32 v26, v26;
	v24 =	vmul.f32 v24, v24  }
0x405: {  	v38 =	vmov v29;
	v29 =	vld [tilespmem:$0x1FE20]  }
0x406: {  	v24 =	vadd.f32 v24, v26;
	v26 =	vld [tilespmem:$0x1FE30];
	_ =	sdelay $0x2  }
0x407: {  	v28 =	vld.idx.msk [tilespmem:v28+s24+$0x0], $0xffff  }
0x408: {  	v29 =	vadd.s32 v29, v53  }
0x409: {  	v26 =	vadd.s32 v26, v53;
	_ =	sdelay $0x1  }
0x40a: {  	[tilespmem:v42+s18+$0x0] =	vst.idx.msk $0xffff, v24  }
0x40b: {  	[tilespmem:v42+s26+$0x0] =	vst.idx.msk $0xffff, v28  }
0x40c: {  	v28 =	vld.idx.msk [tilespmem:v29+s24+$0x0], $0xffff  }
0x40d: {  	v26 =	vld.idx.msk [tilespmem:v26+s24+$0x0], $0xffff;
	_ =	sdelay $0x1  }
0x40e: {  	v29 =	vld [tilespmem:$0x1FE10];
	_ =	sdelay $0x2  }
0x40f: {  	v28 =	vsub.f32 v28, v50;
	v26 =	vsub.f32 v26, v51;
	_ =	sdelay $0x1  }
0x410: {  	v29 =	vadd.s32 v29, v53;
	v28 =	vmul.f32 v28, v28;
	v26 =	vmul.f32 v26, v26  }
0x411: {  	v42 =	vmov v30;
	v30 =	vld [tilespmem:$0x1FB00]  }
0x412: {  	v26 =	vadd.f32 v26, v28;
	v28 =	vld [tilespmem:$0x1FE70];
	_ =	sdelay $0x2  }
0x413: {  	v29 =	vld.idx.msk [tilespmem:v29+s24+$0x0], $0xffff  }
0x414: {  	v30 =	vadd.s32 v30, v53  }
0x415: {  	v28 =	vadd.s32 v28, v53;
	_ =	sdelay $0x1  }
0x416: {  	[tilespmem:v59+s18+$0x0] =	vst.idx.msk $0xffff, v26  }
0x417: {  	[tilespmem:v59+s26+$0x0] =	vst.idx.msk $0xffff, v29  }
0x418: {  	v29 =	vld.idx.msk [tilespmem:v30+s24+$0x0], $0xffff  }
0x419: {  	v28 =	vld.idx.msk [tilespmem:v28+s24+$0x0], $0xffff;
	_ =	sdelay $0x1  }
0x41a: {  	v30 =	vld [tilespmem:$0x1FE50];
	_ =	sdelay $0x2  }
0x41b: {  	v29 =	vsub.f32 v29, v50;
	v28 =	vsub.f32 v28, v51;
	_ =	sdelay $0x1  }
0x41c: {  	v30 =	vadd.s32 v30, v53;
	v29 =	vmul.f32 v29, v29;
	v28 =	vmul.f32 v28, v28  }
0x41d: {  	v56 =	vld [tilespmem:$0x1FE90]  }
0x41e: {  	v28 =	vadd.f32 v28, v29;
	v29 =	vld [tilespmem:$0x1FEA0];
	_ =	sdelay $0x2  }
0x41f: {  	v30 =	vld.idx.msk [tilespmem:v30+s24+$0x0], $0xffff  }
0x420: {  	v52 =	vmov v32;
	v32 =	vadd.s32 v56, v53  }
0x421: {  	v29 =	vadd.s32 v29, v53;
	_ =	sdelay $0x1  }
0x422: {  	[tilespmem:v61+s18+$0x0] =	vst.idx.msk $0xffff, v28  }
0x423: {  	[tilespmem:v61+s26+$0x0] =	vst.idx.msk $0xffff, v30  }
0x424: {  	v30 =	vld.idx.msk [tilespmem:v32+s24+$0x0], $0xffff  }
0x425: {  	v29 =	vld.idx.msk [tilespmem:v29+s24+$0x0], $0xffff;
	_ =	sdelay $0x1  }
0x426: {  	v57 =	vld [tilespmem:$0x1FE80];
	_ =	sdelay $0x2  }
0x427: {  	v30 =	vsub.f32 v30, v50;
	v29 =	vsub.f32 v29, v51;
	_ =	sdelay $0x1  }
0x428: {  	v32 =	vadd.s32 v57, v53;
	v30 =	vmul.f32 v30, v30;
	v29 =	vmul.f32 v29, v29  }
0x429: {  	v36 =	vld [tilespmem:$0x1FEC0]  }
0x42a: {  	v29 =	vadd.f32 v29, v30;
	v30 =	vld [tilespmem:$0x1FED0];
	_ =	sdelay $0x2  }
0x42b: {  	v32 =	vld.idx.msk [tilespmem:v32+s24+$0x0], $0xffff  }
0x42c: {  	v56 =	vmov v33;
	v33 =	vadd.s32 v36, v53  }
0x42d: {  	v30 =	vadd.s32 v30, v53;
	_ =	sdelay $0x1  }
0x42e: {  	v36 =	vld [tilespmem:$0x1FEF0];
	[tilespmem:v18+s18+$0x0] =	vst.idx.msk $0xffff, v29  }
0x42f: {  	v57 =	vld [tilespmem:$0x1FEB0];
	[tilespmem:v18+s26+$0x0] =	vst.idx.msk $0xffff, v32  }
0x430: {  	v32 =	vld.idx.msk [tilespmem:v33+s24+$0x0], $0xffff  }
0x431: {  	v30 =	vld.idx.msk [tilespmem:v30+s24+$0x0], $0xffff;
	_ =	sdelay $0x3  }
0x432: {  	v33 =	vadd.s32 v57, v53;
	v57 =	vmov v34;
	v34 =	vadd.s32 v36, v53;
	v36 =	vld [tilespmem:$0x1FF20]  }
0x433: {  	v32 =	vsub.f32 v32, v50;
	v30 =	vsub.f32 v30, v51;
	_ =	sdelay $0x1  }
0x434: {  	v32 =	vmul.f32 v32, v32;
	v30 =	vmul.f32 v30, v30;
	_ =	sdelay $0x1  }
0x435: {  	v30 =	vadd.f32 v30, v32;
	v32 =	vadd.s32 v36, v53;
	v36 =	vld [tilespmem:$0x1FD50];
	_ =	sdelay $0x3  }
0x436: {  	v33 =	vld.idx.msk [tilespmem:v33+s24+$0x0], $0xffff;
	_ =	sdelay $0x3  }
0x437: {  	[tilespmem:v36+s18+$0x0] =	vst.idx.msk $0xffff, v30  }
0x438: {  	[tilespmem:v36+s26+$0x0] =	vst.idx.msk $0xffff, v33;
	v36 =	vld [tilespmem:$0x1FEE0];
	_ =	sdelay $0x1  }
0x439: {  	v33 =	vld.idx.msk [tilespmem:v34+s24+$0x0], $0xffff  }
0x43a: {  	v32 =	vld.idx.msk [tilespmem:v32+s24+$0x0], $0xffff;
	_ =	sdelay $0x1  }
0x43b: {  	v54 =	vmin.f32 v54, $1.000000020e+30;
	v34 =	vadd.s32 v36, v53  }
0x43c: {  	v54 =	vmin.f32 v54, v55;
	v55 =	vld [tilespmem:$0x1FF60]  }
0x43d: {  	v36 =	vld [tilespmem:$0x1FF70]  }
0x43e: {  	v54 =	vmin.f32 v54, v58;
	v33 =	vsub.f32 v33, v50;
	v32 =	vsub.f32 v32, v51  }
0x43f: {  	v54 =	vmin.f32 v54, v62  }
0x440: {  	v54 =	vmin.f32 v54, v60;
	v33 =	vmul.f32 v33, v33;
	v32 =	vmul.f32 v32, v32;
	v34 =	vld.idx.msk [tilespmem:v34+s24+$0x0], $0xffff  }
0x441: {  	v55 =	vadd.s32 v55, v53;
	v5 =	vmin.f32 v54, v5  }
0x442: {  	v5 =	vmin.f32 v5, v6;
	v32 =	vadd.f32 v32, v33;
	v33 =	vadd.s32 v36, v53  }
0x443: {  	v5 =	vmin.f32 v5, v7  }
0x444: {  	v5 =	vmin.f32 v5, v10;
	v10 =	vld [tilespmem:$0x1FF40];
	[tilespmem:v63+s18+$0x0] =	vst.idx.msk $0xffff, v32  }
0x445: {  	[tilespmem:v63+s26+$0x0] =	vst.idx.msk $0xffff, v34  }
0x446: {  	v6 =	vld.idx.msk [tilespmem:v55+s24+$0x0], $0xffff  }
0x447: {  	v7 =	vld.idx.msk [tilespmem:v33+s24+$0x0], $0xffff;
	_ =	sdelay $0x1  }
0x448: {  	v10 =	vadd.s32 v10, v53;
	v5 =	vmin.f32 v5, v11  }
0x449: {  	v5 =	vmin.f32 v5, v13  }
0x44a: {  	v5 =	vmin.f32 v5, v15  }
0x44b: {  	v5 =	vmin.f32 v5, v16;
	v6 =	vsub.f32 v6, v50;
	v7 =	vsub.f32 v7, v51  }
0x44c: {  	v5 =	vmin.f32 v5, v17  }
0x44d: {  	v5 =	vmin.f32 v5, v19;
	v10 =	vld.idx.msk [tilespmem:v10+s24+$0x0], $0xffff;
	v6 =	vmul.f32 v6, v6;
	v7 =	vmul.f32 v7, v7  }
0x44e: {  	v5 =	vmin.f32 v5, v20  }
0x44f: {  	v5 =	vmin.f32 v5, v21;
	v6 =	vadd.f32 v7, v6  }
0x450: {  	v5 =	vmin.f32 v5, v23  }
0x451: {  	v5 =	vmin.f32 v5, v24;
	[tilespmem:v27+s18+$0x0] =	vst.idx.msk $0xffff, v6  }
0x452: {  	v5 =	vmin.f32 v5, v26;
	[tilespmem:v27+s26+$0x0] =	vst.idx.msk $0xffff, v10  }
0x453: {  	v5 =	vmin.f32 v5, v28;
	v7 =	vld [tilespmem:$0x19BF0]  }
0x454: {  	v5 =	vmin.f32 v5, v29;
	v10 =	vld [tilespmem:$0x19C00]  }
0x455: {  	v5 =	vmin.f32 v5, v30  }
0x456: {  	v5 =	vmin.f32 v5, v32;
	v11 =	vld [tilespmem:$0x19C10]  }
0x457: {  	v5 =	vmin.f32 v5, v6  }
0x458: {  	v6 =	vsub.f32 v7, v5  }
0x459: {  	v7 =	vsub.f32 v10, v5  }
0x45a: {  	v13 =	vld [tilespmem:$0x19C30];
	v6 =	vmul.f32 $-4.000000000e+00, v6  }
0x45b: {  	v10 =	vld [tilespmem:$0x19C20];
	v11 =	vsub.f32 v11, v5;
	v7 =	vmul.f32 $-4.000000000e+00, v7  }
0x45c: {  	v6 =	vmul.f32 $1.442695020e+00, v6  }
0x45d: {  	v11 =	vmul.f32 $-4.000000000e+00, v11;
	v7 =	vmul.f32 $1.442695020e+00, v7  }
0x45e: {  	(erf) = vpow2.f32 v6  }
0x45f: {  	(erf) = vpow2.f32 v7;
	v7 =	vmul.f32 $1.442695020e+00, v11  }
0x460: {  	v10 =	vsub.f32 v10, v5;
	v11 =	vsub.f32 v13, v5  }
0x461: {  	v6 =	vld [tilespmem:$0x19C40];
	(erf) = vpow2.f32 v7  }
0x462: {  	v7 =	vmul.f32 $-4.000000000e+00, v10;
	v10 =	vld [tilespmem:$0x19C50];
	v11 =	vmul.f32 $-4.000000000e+00, v11  }
0x463: {  	v15 =	vld [tilespmem:$0x19C60]  }
0x464: {  	v13 =	vld [tilespmem:$0x19D80];
	v11 =	vmul.f32 $1.442695020e+00, v11  }
0x465: {  	v7 =	vmul.f32 $1.442695020e+00, v7  }
0x466: {  	v6 =	vsub.f32 v6, v5  }
0x467: {  	v16 =	vld [tilespmem:$0x19D90];
	(erf) = vpow2.f32 v7;
	v7 =	vsub.f32 v10, v5  }
0x468: {  	v6 =	vmul.f32 $-4.000000000e+00, v6;
	(erf) = vpow2.f32 v11;
	v10 =	vld [tilespmem:$0x19C70];
	v11 =	vpop (erf)  }
0x469: {  	v17 =	vld [tilespmem:$0x19DA0];
	v15 =	vsub.f32 v15, v5;
	v13 =	vmul.f32 v11, v13;
	v7 =	vmul.f32 $-4.000000000e+00, v7  }
0x46a: {  	v20 =	vld [tilespmem:$0x19DB0];
	v6 =	vmul.f32 $1.442695020e+00, v6  }
0x46b: {  	v21 =	vld [tilespmem:$0x19DC0];
	v15 =	vmul.f32 $-4.000000000e+00, v15;
	v19 =	vpop (erf);
	v11 =	vadd.f32 $0.0e+00, v11;
	v7 =	vmul.f32 $1.442695020e+00, v7  }
0x46c: {  	v23 =	vld [tilespmem:$0x19C80];
	v16 =	vmul.f32 v19, v16;
	(erf) = vpow2.f32 v6;
	v6 =	vadd.f32 $0.0e+00, v13  }
0x46d: {  	v11 =	vadd.f32 v19, v11;
	v19 =	vld [tilespmem:$0x19C90];
	v10 =	vsub.f32 v10, v5;
	v13 =	vpop (erf);
	(erf) = vpow2.f32 v7  }
0x46e: {  	v6 =	vadd.f32 v16, v6;
	v7 =	vmul.f32 $1.442695020e+00, v15;
	v17 =	vmul.f32 v13, v17  }
0x46f: {  	v10 =	vmul.f32 $-4.000000000e+00, v10  }
0x470: {  	v11 =	vadd.f32 v13, v11;
	v13 =	vpop (erf);
	(erf) = vpow2.f32 v7;
	v6 =	vadd.f32 v17, v6  }
0x471: {  	v7 =	vld [tilespmem:$0x19CA0];
	v15 =	vmul.f32 v13, v20;
	v16 =	vpop (erf);
	v10 =	vmul.f32 $1.442695020e+00, v10;
	v20 =	vsub.f32 v23, v5  }
0x472: {  	v17 =	vld [tilespmem:$0x19DD0];
	v11 =	vadd.f32 v13, v11;
	v19 =	vsub.f32 v19, v5;
	v13 =	vmul.f32 v16, v21  }
0x473: {  	v21 =	vld [tilespmem:$0x19CB0];
	v6 =	vadd.f32 v15, v6;
	(erf) = vpow2.f32 v10  }
0x474: {  	v15 =	vld [tilespmem:$0x19DE0];
	v10 =	vmul.f32 $-4.000000000e+00, v20;
	v19 =	vmul.f32 $-4.000000000e+00, v19  }
0x475: {  	v11 =	vadd.f32 v16, v11;
	v6 =	vadd.f32 v13, v6  }
0x476: {  	v16 =	vld [tilespmem:$0x19DF0];
	v10 =	vmul.f32 $1.442695020e+00, v10;
	v7 =	vsub.f32 v7, v5;
	v19 =	vmul.f32 $1.442695020e+00, v19;
	v13 =	vpop (erf)  }
0x477: {  	v20 =	vld [tilespmem:$0x19CC0];
	v11 =	vadd.f32 v13, v11;
	v13 =	vmul.f32 v13, v17  }
0x478: {  	v23 =	vpop (erf);
	(erf) = vpow2.f32 v10;
	v7 =	vmul.f32 $-4.000000000e+00, v7  }
0x479: {  	v10 =	vsub.f32 v21, v5;
	v21 =	vld [tilespmem:$0x19CD0];
	v6 =	vadd.f32 v13, v6;
	v13 =	vmul.f32 v23, v15  }
0x47a: {  	(erf) = vpow2.f32 v19;
	v15 =	vld [tilespmem:$0x19CE0];
	v19 =	vpop (erf);
	v7 =	vmul.f32 $1.442695020e+00, v7  }
0x47b: {  	v10 =	vmul.f32 $-4.000000000e+00, v10;
	v6 =	vadd.f32 v13, v6;
	v13 =	vmul.f32 v19, v16  }
0x47c: {  	v17 =	vld [tilespmem:$0x19E00];
	v11 =	vadd.f32 v23, v11;
	v16 =	vsub.f32 v20, v5  }
0x47d: {  	(erf) = vpow2.f32 v7;
	v7 =	vmul.f32 $1.442695020e+00, v10;
	v10 =	vld [tilespmem:$0x19CF0]  }
0x47e: {  	v11 =	vadd.f32 v19, v11;
	v19 =	vld [tilespmem:$0x19E10];
	v20 =	vsub.f32 v21, v5;
	v16 =	vmul.f32 $-4.000000000e+00, v16  }
0x47f: {  	v6 =	vadd.f32 v13, v6;
	v13 =	vpop (erf);
	(erf) = vpow2.f32 v7;
	v7 =	vsub.f32 v15, v5;
	v15 =	vld [tilespmem:$0x19D00]  }
0x480: {  	v21 =	vld [tilespmem:$0x19D10];
	v20 =	vmul.f32 $-4.000000000e+00, v20;
	v16 =	vmul.f32 $1.442695020e+00, v16  }
0x481: {  	v17 =	vmul.f32 v13, v17;
	v11 =	vadd.f32 v13, v11;
	v7 =	vmul.f32 $-4.000000000e+00, v7  }
0x482: {  	v13 =	vpop (erf);
	v10 =	vsub.f32 v10, v5;
	(erf) = vpow2.f32 v16;
	v16 =	vmul.f32 $1.442695020e+00, v20  }
0x483: {  	v11 =	vadd.f32 v13, v11;
	v13 =	vmul.f32 v13, v19;
	v19 =	vld [tilespmem:$0x19D20];
	v7 =	vmul.f32 $1.442695020e+00, v7  }
0x484: {  	v24 =	vld [tilespmem:$0x19D40];
	v10 =	vmul.f32 $-4.000000000e+00, v10;
	(erf) = vpow2.f32 v16;
	v15 =	vsub.f32 v15, v5  }
0x485: {  	v20 =	vpop (erf);
	v16 =	vld [tilespmem:$0x19D30];
	(erf) = vpow2.f32 v7;
	v7 =	vsub.f32 v21, v5  }
0x486: {  	v6 =	vadd.f32 v17, v6;
	v17 =	vld [tilespmem:$0x19E20];
	v10 =	vmul.f32 $1.442695020e+00, v10;
	v15 =	vmul.f32 $-4.000000000e+00, v15  }
0x487: {  	v11 =	vadd.f32 v20, v11;
	v7 =	vmul.f32 $-4.000000000e+00, v7  }
0x488: {  	v23 =	vld [tilespmem:$0x19E30];
	v21 =	vpop (erf);
	(erf) = vpow2.f32 v10;
	v10 =	vmul.f32 $1.442695020e+00, v15;
	v15 =	vsub.f32 v19, v5  }
0x489: {  	v6 =	vadd.f32 v13, v6;
	v11 =	vadd.f32 v21, v11;
	v7 =	vmul.f32 $1.442695020e+00, v7  }
0x48a: {  	v26 =	vpop (erf);
	v19 =	vld [tilespmem:$0x19D50];
	(erf) = vpow2.f32 v10;
	v10 =	vmul.f32 $-4.000000000e+00, v15;
	v15 =	vsub.f32 v16, v5  }
0x48b: {  	v17 =	vmul.f32 v20, v17;
	v20 =	vpop (erf);
	(erf) = vpow2.f32 v7;
	v7 =	vsub.f32 v24, v5  }
0x48c: {  	v13 =	vld [tilespmem:$0x19E40];
	v11 =	vadd.f32 v26, v11;
	v10 =	vmul.f32 $1.442695020e+00, v10;
	v15 =	vmul.f32 $-4.000000000e+00, v15  }
0x48d: {  	v16 =	vmul.f32 v21, v23;
	v21 =	vld [tilespmem:$0x19D60];
	v7 =	vmul.f32 $-4.000000000e+00, v7  }
0x48e: {  	v11 =	vadd.f32 v20, v11;
	(erf) = vpow2.f32 v10;
	v10 =	vld [tilespmem:$0x19E50];
	v15 =	vmul.f32 $1.442695020e+00, v15  }
0x48f: {  	v6 =	vadd.f32 v17, v6;
	v24 =	vld [tilespmem:$0x19D70];
	v23 =	vpop (erf);
	v19 =	vsub.f32 v19, v5;
	v7 =	vmul.f32 $1.442695020e+00, v7  }
0x490: {  	v11 =	vadd.f32 v23, v11;
	(erf) = vpow2.f32 v15;
	v15 =	vld [tilespmem:$0x19E60]  }
0x491: {  	v13 =	vmul.f32 v26, v13;
	v6 =	vadd.f32 v16, v6;
	v17 =	vpop (erf);
	v19 =	vmul.f32 $-4.000000000e+00, v19  }
0x492: {  	v11 =	vadd.f32 v17, v11;
	v21 =	vsub.f32 v21, v5;
	(erf) = vpow2.f32 v7  }
0x493: {  	v6 =	vadd.f32 v13, v6;
	v16 =	vmul.f32 $1.442695020e+00, v19;
	v7 =	vpop (erf);
	v10 =	vmul.f32 v20, v10  }
0x494: {  	v5 =	vsub.f32 v24, v5;
	v19 =	vmul.f32 $-4.000000000e+00, v21;
	v11 =	vadd.f32 v7, v11  }
0x495: {  	(erf) = vpow2.f32 v16;
	v16 =	vld [tilespmem:$0x19E70];
	v13 =	vpop (erf);
	v6 =	vadd.f32 v10, v6;
	v10 =	vmul.f32 v23, v15  }
0x496: {  	v5 =	vmul.f32 $-4.000000000e+00, v5;
	v19 =	vmul.f32 $1.442695020e+00, v19;
	v11 =	vadd.f32 v13, v11  }
0x497: {  	v15 =	vld [tilespmem:$0x19E80];
	v20 =	vpop (erf)  }
0x498: {  	v21 =	vld.idx.msk [tilespmem:v49+s23+$0x0], $0xffff;
	v5 =	vmul.f32 $1.442695020e+00, v5;
	(erf) = vpow2.f32 v19;
	v11 =	vadd.f32 v20, v11  }
0x499: {  	v19 =	vld [tilespmem:$0x19E90];
	v6 =	vadd.f32 v10, v6;
	v10 =	vpop (erf)  }
0x49a: {  	v16 =	vmul.f32 v17, v16;
	(erf) = vpow2.f32 v5;
	v5 =	vld.idx.msk [tilespmem:v48+s23+$0x0], $0xffff;
	v11 =	vadd.f32 v10, v11  }
0x49b: {  	v23 =	vld [tilespmem:$0x19EA0];
	v17 =	vpop (erf)  }
0x49c: {  	v6 =	vadd.f32 v16, v6;
	v7 =	vmul.f32 v7, v15;
	v11 =	vadd.f32 v17, v11  }
0x49d: {  	v15 =	vpop (erf)  }
0x49e: {  	v6 =	vadd.f32 v7, v6;
	v7 =	vmul.f32 v13, v19;
	v13 =	vld [tilespmem:$0x19EB0];
	v11 =	vadd.f32 v15, v11  }
0x49f: {  	v16 =	vld [tilespmem:$0x19EC0];
	v19 =	vpop (erf);
	v5 =	vmul.f32 v5, v21  }
0x4a0: {  	v6 =	vadd.f32 v7, v6;
	v7 =	vmul.f32 v20, v23;
	v11 =	vadd.f32 v19, v11  }
0x4a1: {  	v20 =	vld [tilespmem:$0x19ED0];
	v21 =	vpop (erf);
	v23 =	vmul.f32 $5.862991810e-01, v5  }
0x4a2: {  	v6 =	vadd.f32 v7, v6;
	v7 =	vadd.f32 v21, v11  }
0x4a3: {  	v24 =	vmul.f32 $1.889726160e+00, v47;
	v10 =	vmul.f32 v10, v13;
	v11 =	vld [tilespmem:$0x19EE0];
	v13 =	vpop (erf);
	v23 =	vadd.f32 $2.882999900e+00, v23  }
0x4a4: {  	v16 =	vmul.f32 v17, v16;
	v7 =	vadd.f32 v13, v7  }
0x4a5: {  	v17 =	vmul.f32 v24, v24;
	v6 =	vadd.f32 v10, v6;
	v10 =	vld [tilespmem:$0x19EF0];
	v23 =	vmul.f32 v23, v23  }
0x4a6: {  	v15 =	vmul.f32 v15, v20;
	(erf) = vrcp.f32 v7  }
0x4a7: {  	v6 =	vadd.f32 v16, v6;
	v7 =	vmul.f32 v17, v17;
	v16 =	vmul.f32 v23, v23  }
0x4a8: {  	v11 =	vmul.f32 v19, v11;
	v19 =	vld [tilespmem:$0x19F00]  }
0x4a9: {  	v6 =	vadd.f32 v15, v6;
	v7 =	vmul.f32 v7, v17;
	v15 =	vmul.f32 v16, v23  }
0x4aa: {  	v10 =	vmul.f32 v21, v10  }
0x4ab: {  	v6 =	vadd.f32 v11, v6;
	v11 =	vmul.f32 v7, v17;
	v16 =	vmul.f32 v15, v23  }
0x4ac: {  	v7 =	vadd.f32 v15, v7  }
0x4ad: {  	v6 =	vadd.f32 v10, v6;
	v10 =	vmul.f32 v13, v19;
	v11 =	vadd.f32 v16, v11  }
0x4ae: {  	(erf) = vrcp.f32 v7  }
0x4af: {  	v6 =	vadd.f32 v10, v6;
	(erf) = vrcp.f32 v11  }
0x4b0: {  	v7 =	vpop (erf)  }
0x4b1: {  	v6 =	vmul.f32 v7, v6;
	_ =	sdelay $0x1  }
0x4b2: {  	v5 =	vmul.f32 v5, v5;
	v7 =	vmul.f32 $-3.000000000e+00, v6;
	_ =	sdelay $0x1  }
0x4b3: {  	v5 =	vmul.f32 v7, v5;
	_ =	sdelay $0x1  }
0x4b4: {  	v6 =	vmul.f32 $-5.000000000e-01, v6;
	v7 =	vpop (erf);
	v5 =	vmul.f32 $4.585500060e-01, v5  }
0x4b5: {  	v10 =	vpop (erf)  }
0x4b6: {  	p1 =	sne.s32 s14, $0x180;
	v6 =	vmul.f32 v7, v6;
	v5 =	vmul.f32 v10, v5  }
.Ltmp8:
0x4b7: {  	_ = 	snop;
	(pc) =	sbr.rel @p1 .LBB2_15-.Ltmp8, $4  }
0x4b8: {  	v5 =	vadd.f32 v5, v6  }
0x4b9: {  	v58 =	vmovc v9;
	v62 =	vmovc v63;
	v60 =	vmov v22;
	v28 =	vmov v4;
	v29 =	vmov v38  }
0x4ba: {  	s15 =	sadd.s32 $0x10, s15;
	s16 =	sadd.s32 $0x10, s16;
	s12 =	sadd.s32 $0x10, s12;
	v30 =	vmovc v42;
	v32 =	vmovc v52;
	v34 =	vmov v57;
	v33 =	vmov v56;
	v26 =	vmov v39;
	v15 =	vld [tilespmem:$0x1FF50];
	[tilespmem:s19+$0x0] =	vst v5  }
0x4bb: {  	s14 =	sadd.s32 $0x10, s14;
	v24 =	vmovc v43;
	v20 =	vmovc v0;
	v21 =	vmov v37;
	v23 =	vmov v41;
	v19 =	vmov v44;
	v16 =	vld [tilespmem:$0x1FF90];
	s19 =	sadd.s32 $0x10, s19;
	[tilespmem:s11+$0x0] =	vst v46;
	s11 =	sadd.s32 $0x10, s11  }
0x4bc: {  	p1 =	seq.s32 s0, $0x18  }
.Ltmp9:
0x4bd: {  	_ = 	snop;
	(pc) =	sbr.rel @p1 .LBB2_20-.Ltmp9, $4  }
0x4be: {  	[spmem:s7] =	stream.indirect.scatter.add.f32 [tilespmem:s30], [sflag:$0x6], $0x1, s28, s20, $0x2000b8;
	[tilespmem:$0x1A6E0] =	vst v63  }
0x4bf: {  	_ =	swait.ge [sflag:s6], $0x190  }
0x4c0: {  	[sflag:s6] =	ssyncset.done $0x0  }
0x4c1: {  	[sflag:s6] =	ssyncadd.s32 $0xFFFFFE70  }
0x4c2: {  	s11 =	smul.u32 $0x320, s0  }
0x4c3: {  	s12 =	rddreg [dreg:$0x11]  }
0x4c4: {  	s11 =	sadd.s32 s11, s12  }
0x4c5: {  	s11 =	sshrl.u32 s11, $0x3  }
0x4c6: {  	s14 =	simm.s32 $0x0;
	s15 =	simm.s32 $0x9250;
	s19 =	sadd.s32 s2, s11  }
0x4c7: {  	[tilespmem:s15], [sflag:$0x2] =	stream.linear.gather [hbm4b:s19+s14], $0x190, $0x200038;
	[tilespmem:$0x1A6E0] =	vst v63  }
0x4c8: {  	s16 =	simm.s32 $0x9570;
	s15 =	sadd.s32 s3, s11  }
0x4c9: {  	[tilespmem:s16], [sflag:$0x2] =	stream.linear.gather [hbm4b:s15+s14], $0x190, $0x200038;
	[tilespmem:$0x1A6E0] =	vst v63  }
0x4ca: {  	s11 =	sadd.s32 s1, s11;
	s19 =	simm.s32 $0x9890  }
0x4cb: {  	[tilespmem:s19], [sflag:$0x2] =	stream.linear.gather [hbm4b:s11+s14], $0x190, $0x200038;
	[tilespmem:$0x1A6E0] =	vst v63  }
0x4cc: {  	_ =	swait.ge [sflag:s17], $0x190  }
0x4cd: {  	[sflag:s17] =	ssyncset.done $0x0  }
0x4ce: {  	[sflag:s17] =	ssyncadd.s32 $0xFFFFFE70  }
0x4cf: {  	_ =	swait.ge [sflag:s17], $0x190  }
0x4d0: {  	[sflag:s17] =	ssyncset.done $0x0  }
0x4d1: {  	[sflag:s17] =	ssyncadd.s32 $0xFFFFFE70  }
0x4d2: {  	_ =	swait.ge [sflag:s17], $0x190  }
0x4d3: {  	[sflag:s17] =	ssyncset.done $0x0  }
0x4d4: {  	s12 =	simm.s32 $0x0;
	[sflag:s17] =	ssyncadd.s32 $0xFFFFFE70  }
0x4d5: {  	v5 =	vld [tilespmem:s12+$0x9250];
	_ =	sdelay $0x1  }
0x4d6: {  	v6 =	vld [tilespmem:s12+$0x9570];
	_ =	sdelay $0x5  }
0x4d7: {  	s11 =	simm.s32 $0x10;
	v7 =	vld.idx.msk [tilespmem:v5+s31+$0x0], $0xffff  }
0x4d8: {  	s14 =	simm.s32 $0x80;
	v5 =	vld [tilespmem:s11+$0x9250]  }
.LBB2_18:
0x4d9: {  	p2 =	sne.s32 s14, $0x600;
	v10 =	vld.idx.msk [tilespmem:v6+s31+$0x0], $0xffff;
	_ =	sdelay $0x1  }
0x4da: {  	v6 =	vld [tilespmem:s11+$0x9570];
	_ =	sdelay $0x1  }
0x4db: {  	v7 =	vmul.u32 $0x5F, v7  }
.Ltmp10:
0x4dc: {  	(pc) =	sbr.rel @p2 .LBB2_18-.Ltmp10, $4  }
0x4dd: {  	v7 =	vadd.s32 v10, v7  }
0x4de: {  	[tilespmem:s12+$0x9BB0] =	vst v7;
	s12 =	smov.u32 s11  }
0x4df: {  	s11 =	sshra.s32 s14, $0x2;
	v7 =	vld.idx.msk [tilespmem:v5+s31+$0x0], $0xffff  }
0x4e0: {  	s14 =	sadd.s32 $0x40, s14;
	v5 =	vld [tilespmem:s11+$0x9250]  }
0x4e1: {  	_ =	sdelay $0x3  }
0x4e2: {  	v6 =	vld.idx.msk [tilespmem:v6+s31+$0x0], $0xffff  }
0x4e3: {  	v10 =	vld [tilespmem:s11+$0x9570];
	_ =	sdelay $0x1  }
0x4e4: {  	v7 =	vmul.u32 $0x5F, v7;
	_ =	sdelay $0x1  }
0x4e5: {  	v6 =	vadd.s32 v6, v7  }
0x4e6: {  	[tilespmem:s12+$0x9BB0] =	vst v6  }
0x4e7: {  	v5 =	vld.idx.msk [tilespmem:v5+s31+$0x0], $0xffff;
	_ =	sdelay $0x1  }
0x4e8: {  	v6 =	vld.idx.msk [tilespmem:v10+s31+$0x0], $0xffff;
	_ =	sdelay $0x2  }
0x4e9: {  	v5 =	vmul.u32 $0x5F, v5;
	_ =	sdelay $0x1  }
0x4ea: {  	v5 =	vadd.s32 v6, v5  }
0x4eb: {  	s19 =	simm.s32 $0x9BB0;
	[tilespmem:s11+$0x9BB0] =	vst v5  }
0x4ec: {  	[tilespmem:s24], [sflag:$0x4] =	stream.indirect.gather [hbm4b:s9+s20], $0x50, s19, s20, $0x2000b8;
	[tilespmem:$0x1A6E0] =	vst v63  }
.LBB2_20:
0x4ed: {  	_ =	swait.ge [sflag:s5], $0x7D00  }
0x4ee: {  	v8 =	vld [tilespmem:$0x1FD80]  }
0x4ef: {  	v12 =	vld [tilespmem:$0x1FD90]  }
0x4f0: {  	v25 =	vld [tilespmem:$0x1FDA0]  }
0x4f1: {  	v59 =	vld [tilespmem:$0x1FE40]  }
0x4f2: {  	v61 =	vld [tilespmem:$0x1FE60]  }
0x4f3: {  	v14 =	vld [tilespmem:$0x1FF00]  }
0x4f4: {  	v18 =	vld [tilespmem:$0x1FF10]  }
0x4f5: {  	v27 =	vld [tilespmem:$0x1FF30]  }
0x4f6: {  	v31 =	vld [tilespmem:$0x1FF80]  }
0x4f7: {  	v35 =	vld [tilespmem:$0x1FFB0]  }
0x4f8: {  	v40 =	vld [tilespmem:$0x1FC20]  }
0x4f9: {  	v45 =	vld [tilespmem:$0x1FFD0]  }
0x4fa: {  	s14 =	simm.s32 $0x0;
	s15 =	simm.s32 $0x198D0;
	v1 =	vld [tilespmem:$0x1FC90]  }
0x4fb: {  	s16 =	simm.s32 $0x19A60;
	s12 =	simm.s32 $0x93E0;
	[sflag:s5] =	ssyncset.done $0x0;
	v2 =	vld [tilespmem:$0x1FFF0]  }
0x4fc: {  	s19 =	simm.s32 $0x9700;
	s11 =	simm.s32 $0x9A20;
	v3 =	vld [tilespmem:$0x1FD00];
	[sflag:s5] =	ssyncadd.s32 $0xFFFF8300  }
.LBB2_21:
0x4fd: {  	v46 =	vld [tilespmem:s12+$0x0];
	v5 =	vmov s14  }
0x4fe: {  	v6 =	vld [tilespmem:s19+$0x0];
	v5 =	vmul.u32 $0x50, v5  }
0x4ff: {  	v7 =	vld [tilespmem:$0x1FB30]  }
0x500: {  	v53 =	vbroadcast v5, $0x0;
	v5 =	vld [tilespmem:$0x1FFC0];
	_ =	sdelay $0x3  }
0x501: {  	v7 =	vadd.s32 v7, v53  }
0x502: {  	v5 =	vadd.s32 v5, v53;
	_ =	sdelay $0x1  }
0x503: {  	v50 =	vld.idx.msk [tilespmem:v46+s4+$0x0], $0xffff  }
0x504: {  	v51 =	vld.idx.msk [tilespmem:v6+s4+$0x0], $0xffff  }
0x505: {  	v7 =	vld.idx.msk [tilespmem:v7+s13+$0x0], $0xffff  }
0x506: {  	v5 =	vld.idx.msk [tilespmem:v5+s13+$0x0], $0xffff;
	_ =	sdelay $0x1  }
0x507: {  	v10 =	vld [tilespmem:$0x1FFA0];
	_ =	sdelay $0x2  }
0x508: {  	v7 =	vsub.f32 v7, v51;
	v5 =	vsub.f32 v5, v50;
	_ =	sdelay $0x1  }
0x509: {  	v10 =	vadd.s32 v10, v53;
	v7 =	vmul.f32 v7, v7;
	v5 =	vmul.f32 v5, v5  }
0x50a: {  	v11 =	vld [tilespmem:$0x1FFE0]  }
0x50b: {  	v54 =	vadd.f32 v7, v5;
	v5 =	vld [tilespmem:$0x1FB50];
	_ =	sdelay $0x2  }
0x50c: {  	v10 =	vld.idx.msk [tilespmem:v10+s13+$0x0], $0xffff  }
0x50d: {  	v11 =	vadd.s32 v11, v53  }
0x50e: {  	v47 =	vld [tilespmem:s11+$0x0];
	v5 =	vadd.s32 v5, v53  }
0x50f: {  	v49 =	vld.idx.msk [tilespmem:v46+s31+$0x0], $0xffff  }
0x510: {  	v48 =	vld.idx.msk [tilespmem:v6+s31+$0x0], $0xffff;
	[tilespmem:v58+s18+$0x0] =	vst.idx.msk $0xffff, v54  }
0x511: {  	[tilespmem:v58+s26+$0x0] =	vst.idx.msk $0xffff, v10  }
0x512: {  	v6 =	vld.idx.msk [tilespmem:v11+s13+$0x0], $0xffff  }
0x513: {  	v5 =	vld.idx.msk [tilespmem:v5+s13+$0x0], $0xffff;
	_ =	sdelay $0x1  }
0x514: {  	v7 =	vld [tilespmem:$0x1FB40];
	_ =	sdelay $0x2  }
0x515: {  	v6 =	vsub.f32 v6, v50;
	v5 =	vsub.f32 v5, v51;
	_ =	sdelay $0x1  }
0x516: {  	v7 =	vadd.s32 v7, v53;
	v6 =	vmul.f32 v6, v6;
	v5 =	vmul.f32 v5, v5  }
0x517: {  	v10 =	vld [tilespmem:$0x1FB70]  }
0x518: {  	v55 =	vadd.f32 v5, v6;
	v5 =	vld [tilespmem:$0x1FB80];
	_ =	sdelay $0x2  }
0x519: {  	v7 =	vld.idx.msk [tilespmem:v7+s13+$0x0], $0xffff  }
0x51a: {  	v10 =	vadd.s32 v10, v53  }
0x51b: {  	v5 =	vadd.s32 v5, v53;
	_ =	sdelay $0x1  }
0x51c: {  	[tilespmem:v60+s18+$0x0] =	vst.idx.msk $0xffff, v55  }
0x51d: {  	[tilespmem:v60+s26+$0x0] =	vst.idx.msk $0xffff, v7  }
0x51e: {  	v6 =	vld.idx.msk [tilespmem:v10+s13+$0x0], $0xffff  }
0x51f: {  	v5 =	vld.idx.msk [tilespmem:v5+s13+$0x0], $0xffff;
	_ =	sdelay $0x1  }
0x520: {  	v7 =	vld [tilespmem:$0x1FB60];
	_ =	sdelay $0x2  }
0x521: {  	v6 =	vsub.f32 v6, v50;
	v5 =	vsub.f32 v5, v51;
	_ =	sdelay $0x1  }
0x522: {  	v7 =	vadd.s32 v7, v53;
	v6 =	vmul.f32 v6, v6;
	v5 =	vmul.f32 v5, v5  }
0x523: {  	v10 =	vld [tilespmem:$0x1FBA0]  }
0x524: {  	v58 =	vadd.f32 v5, v6;
	v5 =	vld [tilespmem:$0x1FBB0];
	_ =	sdelay $0x2  }
0x525: {  	v7 =	vld.idx.msk [tilespmem:v7+s13+$0x0], $0xffff  }
0x526: {  	v10 =	vadd.s32 v10, v53  }
0x527: {  	v5 =	vadd.s32 v5, v53;
	_ =	sdelay $0x1  }
0x528: {  	[tilespmem:v15+s18+$0x0] =	vst.idx.msk $0xffff, v58  }
0x529: {  	[tilespmem:v15+s26+$0x0] =	vst.idx.msk $0xffff, v7  }
0x52a: {  	v6 =	vld.idx.msk [tilespmem:v10+s13+$0x0], $0xffff  }
0x52b: {  	v5 =	vld.idx.msk [tilespmem:v5+s13+$0x0], $0xffff;
	_ =	sdelay $0x1  }
0x52c: {  	v7 =	vld [tilespmem:$0x1FB90];
	_ =	sdelay $0x2  }
0x52d: {  	v6 =	vsub.f32 v6, v50;
	v5 =	vsub.f32 v5, v51;
	_ =	sdelay $0x1  }
0x52e: {  	v7 =	vadd.s32 v7, v53;
	v6 =	vmul.f32 v6, v6;
	v5 =	vmul.f32 v5, v5  }
0x52f: {  	v10 =	vld [tilespmem:$0x1FBD0]  }
0x530: {  	v62 =	vadd.f32 v5, v6;
	v5 =	vld [tilespmem:$0x1FBE0];
	_ =	sdelay $0x2  }
0x531: {  	v7 =	vld.idx.msk [tilespmem:v7+s13+$0x0], $0xffff  }
0x532: {  	v10 =	vadd.s32 v10, v53  }
0x533: {  	v5 =	vadd.s32 v5, v53;
	_ =	sdelay $0x1  }
0x534: {  	[tilespmem:v16+s18+$0x0] =	vst.idx.msk $0xffff, v62  }
0x535: {  	[tilespmem:v16+s26+$0x0] =	vst.idx.msk $0xffff, v7  }
0x536: {  	v6 =	vld.idx.msk [tilespmem:v10+s13+$0x0], $0xffff  }
0x537: {  	v5 =	vld.idx.msk [tilespmem:v5+s13+$0x0], $0xffff;
	_ =	sdelay $0x1  }
0x538: {  	v7 =	vld [tilespmem:$0x1FBC0];
	_ =	sdelay $0x2  }
0x539: {  	v6 =	vsub.f32 v6, v50;
	v5 =	vsub.f32 v5, v51;
	_ =	sdelay $0x1  }
0x53a: {  	v7 =	vadd.s32 v7, v53;
	v6 =	vmul.f32 v6, v6;
	v5 =	vmul.f32 v5, v5  }
0x53b: {  	v10 =	vld [tilespmem:$0x1FC00]  }
0x53c: {  	v60 =	vadd.f32 v5, v6;
	v5 =	vld [tilespmem:$0x1FC10];
	_ =	sdelay $0x2  }
0x53d: {  	v7 =	vld.idx.msk [tilespmem:v7+s13+$0x0], $0xffff  }
0x53e: {  	v10 =	vadd.s32 v10, v53  }
0x53f: {  	v5 =	vadd.s32 v5, v53;
	_ =	sdelay $0x1  }
0x540: {  	[tilespmem:v35+s18+$0x0] =	vst.idx.msk $0xffff, v60  }
0x541: {  	[tilespmem:v35+s26+$0x0] =	vst.idx.msk $0xffff, v7  }
0x542: {  	v6 =	vld.idx.msk [tilespmem:v10+s13+$0x0], $0xffff  }
0x543: {  	v5 =	vld.idx.msk [tilespmem:v5+s13+$0x0], $0xffff;
	_ =	sdelay $0x1  }
0x544: {  	v7 =	vld [tilespmem:$0x1FBF0];
	_ =	sdelay $0x2  }
0x545: {  	v6 =	vsub.f32 v6, v50;
	v5 =	vsub.f32 v5, v51;
	_ =	sdelay $0x1  }
0x546: {  	v7 =	vadd.s32 v7, v53;
	v6 =	vmul.f32 v6, v6;
	v5 =	vmul.f32 v5, v5  }
0x547: {  	v10 =	vld [tilespmem:$0x1FC40]  }
0x548: {  	v5 =	vadd.f32 v5, v6;
	v6 =	vld [tilespmem:$0x1FC50];
	_ =	sdelay $0x2  }
0x549: {  	v7 =	vld.idx.msk [tilespmem:v7+s13+$0x0], $0xffff  }
0x54a: {  	v10 =	vadd.s32 v10, v53  }
0x54b: {  	v6 =	vadd.s32 v6, v53;
	_ =	sdelay $0x1  }
0x54c: {  	[tilespmem:v40+s18+$0x0] =	vst.idx.msk $0xffff, v5  }
0x54d: {  	[tilespmem:v40+s26+$0x0] =	vst.idx.msk $0xffff, v7  }
0x54e: {  	v7 =	vld.idx.msk [tilespmem:v10+s13+$0x0], $0xffff  }
0x54f: {  	v6 =	vld.idx.msk [tilespmem:v6+s13+$0x0], $0xffff;
	_ =	sdelay $0x1  }
0x550: {  	v10 =	vld [tilespmem:$0x1FC30];
	_ =	sdelay $0x2  }
0x551: {  	v7 =	vsub.f32 v7, v50;
	v6 =	vsub.f32 v6, v51;
	_ =	sdelay $0x1  }
0x552: {  	v10 =	vadd.s32 v10, v53;
	v7 =	vmul.f32 v7, v7;
	v6 =	vmul.f32 v6, v6  }
0x553: {  	v11 =	vld [tilespmem:$0x1FC70]  }
0x554: {  	v6 =	vadd.f32 v6, v7;
	v7 =	vld [tilespmem:$0x1FC80];
	_ =	sdelay $0x2  }
0x555: {  	v10 =	vld.idx.msk [tilespmem:v10+s13+$0x0], $0xffff  }
0x556: {  	v11 =	vadd.s32 v11, v53  }
0x557: {  	v7 =	vadd.s32 v7, v53;
	_ =	sdelay $0x1  }
0x558: {  	[tilespmem:v45+s18+$0x0] =	vst.idx.msk $0xffff, v6  }
0x559: {  	[tilespmem:v45+s26+$0x0] =	vst.idx.msk $0xffff, v10  }
0x55a: {  	v10 =	vld.idx.msk [tilespmem:v11+s13+$0x0], $0xffff  }
0x55b: {  	v7 =	vld.idx.msk [tilespmem:v7+s13+$0x0], $0xffff  }
0x55c: {  	v11 =	vld [tilespmem:$0x1FC60];
	_ =	sdelay $0x3  }
0x55d: {  	v10 =	vsub.f32 v10, v50;
	v7 =	vsub.f32 v7, v51  }
0x55e: {  	v11 =	vadd.s32 v11, v53  }
0x55f: {  	v13 =	vld [tilespmem:$0x1FCB0];
	v10 =	vmul.f32 v10, v10;
	v7 =	vmul.f32 v7, v7;
	_ =	sdelay $0x1  }
0x560: {  	v7 =	vadd.f32 v7, v10;
	v10 =	vld [tilespmem:$0x1FCC0];
	_ =	sdelay $0x1  }
0x561: {  	v11 =	vld.idx.msk [tilespmem:v11+s13+$0x0], $0xffff  }
0x562: {  	v13 =	vadd.s32 v13, v53;
	_ =	sdelay $0x1  }
0x563: {  	v10 =	vadd.s32 v10, v53  }
0x564: {  	[tilespmem:v1+s18+$0x0] =	vst.idx.msk $0xffff, v7  }
0x565: {  	[tilespmem:v1+s26+$0x0] =	vst.idx.msk $0xffff, v11  }
0x566: {  	v11 =	vld.idx.msk [tilespmem:v13+s13+$0x0], $0xffff  }
0x567: {  	v13 =	vld [tilespmem:$0x1FCA0]  }
0x568: {  	v10 =	vld.idx.msk [tilespmem:v10+s13+$0x0], $0xffff;
	_ =	sdelay $0x4  }
0x569: {  	v13 =	vadd.s32 v13, v53;
	v11 =	vsub.f32 v11, v50;
	v10 =	vsub.f32 v10, v51  }
0x56a: {  	v15 =	vld [tilespmem:$0x1FCE0]  }
0x56b: {  	v11 =	vmul.f32 v11, v11;
	v10 =	vmul.f32 v10, v10;
	_ =	sdelay $0x1  }
0x56c: {  	v10 =	vadd.f32 v10, v11;
	v11 =	vld [tilespmem:$0x1FCF0]  }
0x56d: {  	v13 =	vld.idx.msk [tilespmem:v13+s13+$0x0], $0xffff  }
0x56e: {  	v15 =	vadd.s32 v15, v53;
	_ =	sdelay $0x2  }
0x56f: {  	[tilespmem:v2+s18+$0x0] =	vst.idx.msk $0xffff, v10;
	v11 =	vadd.s32 v11, v53  }
0x570: {  	[tilespmem:v2+s26+$0x0] =	vst.idx.msk $0xffff, v13  }
0x571: {  	v13 =	vld.idx.msk [tilespmem:v15+s13+$0x0], $0xffff  }
0x572: {  	v15 =	vld [tilespmem:$0x1FCD0];
	_ =	sdelay $0x1  }
0x573: {  	v11 =	vld.idx.msk [tilespmem:v11+s13+$0x0], $0xffff;
	_ =	sdelay $0x2  }
0x574: {  	v15 =	vadd.s32 v15, v53;
	_ =	sdelay $0x1  }
0x575: {  	v16 =	vld [tilespmem:$0x1FAA0];
	v13 =	vsub.f32 v13, v50;
	v11 =	vsub.f32 v11, v51;
	_ =	sdelay $0x1  }
0x576: {  	v13 =	vmul.f32 v13, v13;
	v11 =	vmul.f32 v11, v11  }
0x577: {  	v15 =	vld.idx.msk [tilespmem:v15+s13+$0x0], $0xffff  }
0x578: {  	v11 =	vadd.f32 v11, v13;
	v13 =	vld [tilespmem:$0x1FAB0]  }
0x579: {  	v16 =	vadd.s32 v16, v53;
	_ =	sdelay $0x2  }
0x57a: {  	[tilespmem:v3+s18+$0x0] =	vst.idx.msk $0xffff, v11  }
0x57b: {  	[tilespmem:v3+s26+$0x0] =	vst.idx.msk $0xffff, v15;
	v13 =	vadd.s32 v13, v53  }
0x57c: {  	v15 =	vld.idx.msk [tilespmem:v16+s13+$0x0], $0xffff  }
0x57d: {  	v16 =	vld [tilespmem:$0x1FA90];
	_ =	sdelay $0x2  }
0x57e: {  	v13 =	vld.idx.msk [tilespmem:v13+s13+$0x0], $0xffff;
	_ =	sdelay $0x1  }
0x57f: {  	v16 =	vadd.s32 v16, v53  }
0x580: {  	v17 =	vld [tilespmem:$0x1FD20];
	_ =	sdelay $0x1  }
0x581: {  	v15 =	vsub.f32 v15, v50;
	v13 =	vsub.f32 v13, v51;
	_ =	sdelay $0x1  }
0x582: {  	v15 =	vmul.f32 v15, v15;
	v16 =	vld.idx.msk [tilespmem:v16+s13+$0x0], $0xffff;
	v13 =	vmul.f32 v13, v13  }
0x583: {  	v17 =	vadd.s32 v17, v53  }
0x584: {  	v13 =	vadd.f32 v13, v15;
	v15 =	vadd.s32 v19, v53;
	_ =	sdelay $0x1  }
0x585: {  	[tilespmem:v12+s18+$0x0] =	vst.idx.msk $0xffff, v13  }
0x586: {  	[tilespmem:v12+s26+$0x0] =	vst.idx.msk $0xffff, v16  }
0x587: {  	v16 =	vld.idx.msk [tilespmem:v17+s13+$0x0], $0xffff  }
0x588: {  	v15 =	vld.idx.msk [tilespmem:v15+s13+$0x0], $0xffff;
	_ =	sdelay $0x1  }
0x589: {  	v17 =	vld [tilespmem:$0x1FD10];
	_ =	sdelay $0x2  }
0x58a: {  	v16 =	vsub.f32 v16, v50;
	v15 =	vsub.f32 v15, v51;
	_ =	sdelay $0x1  }
0x58b: {  	v17 =	vadd.s32 v17, v53;
	v16 =	vmul.f32 v16, v16;
	v15 =	vmul.f32 v15, v15;
	_ =	sdelay $0x1  }
0x58c: {  	v15 =	vadd.f32 v15, v16;
	v16 =	vld [tilespmem:$0x1FD70];
	_ =	sdelay $0x2  }
0x58d: {  	v17 =	vld.idx.msk [tilespmem:v17+s13+$0x0], $0xffff  }
0x58e: {  	v19 =	vadd.s32 v21, v53  }
0x58f: {  	v16 =	vadd.s32 v16, v53;
	_ =	sdelay $0x1  }
0x590: {  	[tilespmem:v25+s18+$0x0] =	vst.idx.msk $0xffff, v15  }
0x591: {  	[tilespmem:v25+s26+$0x0] =	vst.idx.msk $0xffff, v17  }
0x592: {  	v17 =	vld.idx.msk [tilespmem:v19+s13+$0x0], $0xffff  }
0x593: {  	v16 =	vld.idx.msk [tilespmem:v16+s13+$0x0], $0xffff;
	_ =	sdelay $0x4  }
0x594: {  	v17 =	vsub.f32 v17, v50;
	v16 =	vsub.f32 v16, v51;
	_ =	sdelay $0x1  }
0x595: {  	v19 =	vadd.s32 v20, v53;
	v17 =	vmul.f32 v17, v17;
	v16 =	vmul.f32 v16, v16  }
0x596: {  	v21 =	vld [tilespmem:$0x1FD60]  }
0x597: {  	v16 =	vadd.f32 v16, v17;
	v17 =	vld [tilespmem:$0x1FAC0];
	_ =	sdelay $0x2  }
0x598: {  	v19 =	vld.idx.msk [tilespmem:v19+s13+$0x0], $0xffff  }
0x599: {  	v20 =	vadd.s32 v24, v53  }
0x59a: {  	v17 =	vadd.s32 v17, v53;
	_ =	sdelay $0x1  }
0x59b: {  	[tilespmem:v21+s18+$0x0] =	vst.idx.msk $0xffff, v16  }
0x59c: {  	[tilespmem:v21+s26+$0x0] =	vst.idx.msk $0xffff, v19  }
0x59d: {  	v19 =	vld.idx.msk [tilespmem:v20+s13+$0x0], $0xffff  }
0x59e: {  	v17 =	vld.idx.msk [tilespmem:v17+s13+$0x0], $0xffff;
	_ =	sdelay $0x1  }
0x59f: {  	v20 =	vadd.s32 v23, v53  }
0x5a0: {  	v21 =	vld [tilespmem:$0x1FAD0];
	_ =	sdelay $0x1  }
0x5a1: {  	v19 =	vsub.f32 v19, v50;
	v17 =	vsub.f32 v17, v51;
	_ =	sdelay $0x1  }
0x5a2: {  	v20 =	vld.idx.msk [tilespmem:v20+s13+$0x0], $0xffff;
	v19 =	vmul.f32 v19, v19;
	v17 =	vmul.f32 v17, v17  }
0x5a3: {  	v21 =	vadd.s32 v21, v53  }
0x5a4: {  	v17 =	vadd.f32 v17, v19;
	v19 =	vadd.s32 v28, v53;
	_ =	sdelay $0x1  }
0x5a5: {  	[tilespmem:v8+s18+$0x0] =	vst.idx.msk $0xffff, v17  }
0x5a6: {  	[tilespmem:v8+s26+$0x0] =	vst.idx.msk $0xffff, v20  }
0x5a7: {  	v20 =	vld.idx.msk [tilespmem:v21+s13+$0x0], $0xffff  }
0x5a8: {  	v19 =	vld.idx.msk [tilespmem:v19+s13+$0x0], $0xffff;
	_ =	sdelay $0x4  }
0x5a9: {  	v20 =	vsub.f32 v20, v50;
	v19 =	vsub.f32 v19, v51;
	_ =	sdelay $0x1  }
0x5aa: {  	v24 =	vld [tilespmem:$0x1FD30];
	v21 =	vadd.s32 v26, v53;
	v20 =	vmul.f32 v20, v20;
	v19 =	vmul.f32 v19, v19  }
0x5ab: {  	v23 =	vld [tilespmem:$0x1FDB0]  }
0x5ac: {  	v19 =	vadd.f32 v19, v20;
	v20 =	vld [tilespmem:$0x1FAE0];
	_ =	sdelay $0x2  }
0x5ad: {  	v21 =	vld.idx.msk [tilespmem:v21+s13+$0x0], $0xffff  }
0x5ae: {  	v23 =	vadd.s32 v23, v53  }
0x5af: {  	v20 =	vadd.s32 v20, v53;
	_ =	sdelay $0x1  }
0x5b0: {  	[tilespmem:v24+s18+$0x0] =	vst.idx.msk $0xffff, v19  }
0x5b1: {  	[tilespmem:v24+s26+$0x0] =	vst.idx.msk $0xffff, v21  }
0x5b2: {  	v21 =	vld.idx.msk [tilespmem:v23+s13+$0x0], $0xffff  }
0x5b3: {  	v20 =	vld.idx.msk [tilespmem:v20+s13+$0x0], $0xffff;
	_ =	sdelay $0x1  }
0x5b4: {  	v23 =	vadd.s32 v29, v53;
	_ =	sdelay $0x2  }
0x5b5: {  	v21 =	vsub.f32 v21, v50;
	v20 =	vsub.f32 v20, v51;
	_ =	sdelay $0x1  }
0x5b6: {  	v23 =	vld.idx.msk [tilespmem:v23+s13+$0x0], $0xffff;
	v21 =	vmul.f32 v21, v21;
	v20 =	vmul.f32 v20, v20  }
0x5b7: {  	v24 =	vadd.s32 v33, v53  }
0x5b8: {  	v20 =	vadd.f32 v20, v21;
	v21 =	vadd.s32 v34, v53;
	_ =	sdelay $0x1  }
0x5b9: {  	[tilespmem:v30+s18+$0x0] =	vst.idx.msk $0xffff, v20  }
0x5ba: {  	[tilespmem:v30+s26+$0x0] =	vst.idx.msk $0xffff, v23  }
0x5bb: {  	v23 =	vld.idx.msk [tilespmem:v24+s13+$0x0], $0xffff  }
0x5bc: {  	v21 =	vld.idx.msk [tilespmem:v21+s13+$0x0], $0xffff;
	_ =	sdelay $0x4  }
0x5bd: {  	v23 =	vsub.f32 v23, v50;
	v21 =	vsub.f32 v21, v51;
	_ =	sdelay $0x1  }
0x5be: {  	v24 =	vadd.s32 v32, v53;
	v23 =	vmul.f32 v23, v23;
	v21 =	vmul.f32 v21, v21  }
0x5bf: {  	v26 =	vld [tilespmem:$0x1FDD0]  }
0x5c0: {  	v21 =	vadd.f32 v21, v23;
	v23 =	vld [tilespmem:$0x1FDE0];
	_ =	sdelay $0x2  }
0x5c1: {  	v24 =	vld.idx.msk [tilespmem:v24+s13+$0x0], $0xffff  }
0x5c2: {  	v26 =	vadd.s32 v26, v53  }
0x5c3: {  	v23 =	vadd.s32 v23, v53;
	_ =	sdelay $0x1  }
0x5c4: {  	[tilespmem:v31+s18+$0x0] =	vst.idx.msk $0xffff, v21  }
0x5c5: {  	[tilespmem:v31+s26+$0x0] =	vst.idx.msk $0xffff, v24  }
0x5c6: {  	v24 =	vld.idx.msk [tilespmem:v26+s13+$0x0], $0xffff  }
0x5c7: {  	v23 =	vld.idx.msk [tilespmem:v23+s13+$0x0], $0xffff;
	_ =	sdelay $0x1  }
0x5c8: {  	v26 =	vld [tilespmem:$0x1FDC0];
	_ =	sdelay $0x2  }
0x5c9: {  	v24 =	vsub.f32 v24, v50;
	v23 =	vsub.f32 v23, v51;
	_ =	sdelay $0x1  }
0x5ca: {  	v26 =	vadd.s32 v26, v53;
	v24 =	vmul.f32 v24, v24;
	v23 =	vmul.f32 v23, v23  }
0x5cb: {  	v28 =	vld [tilespmem:$0x1FE00]  }
0x5cc: {  	v23 =	vadd.f32 v23, v24;
	v24 =	vld [tilespmem:$0x1FAF0];
	_ =	sdelay $0x2  }
0x5cd: {  	v26 =	vld.idx.msk [tilespmem:v26+s13+$0x0], $0xffff  }
0x5ce: {  	v28 =	vadd.s32 v28, v53  }
0x5cf: {  	v24 =	vadd.s32 v24, v53;
	_ =	sdelay $0x1  }
0x5d0: {  	[tilespmem:v14+s18+$0x0] =	vst.idx.msk $0xffff, v23  }
0x5d1: {  	[tilespmem:v14+s26+$0x0] =	vst.idx.msk $0xffff, v26  }
0x5d2: {  	v26 =	vld.idx.msk [tilespmem:v28+s13+$0x0], $0xffff  }
0x5d3: {  	v24 =	vld.idx.msk [tilespmem:v24+s13+$0x0], $0xffff;
	_ =	sdelay $0x1  }
0x5d4: {  	v28 =	vld [tilespmem:$0x1FDF0];
	_ =	sdelay $0x2  }
0x5d5: {  	v26 =	vsub.f32 v26, v50;
	v24 =	vsub.f32 v24, v51;
	_ =	sdelay $0x1  }
0x5d6: {  	v29 =	vld [tilespmem:$0x1FE20];
	v28 =	vadd.s32 v28, v53;
	v26 =	vmul.f32 v26, v26;
	v24 =	vmul.f32 v24, v24  }
0x5d7: {  	v30 =	vld [tilespmem:$0x1FD40]  }
0x5d8: {  	v24 =	vadd.f32 v24, v26;
	v26 =	vld [tilespmem:$0x1FE30];
	_ =	sdelay $0x2  }
0x5d9: {  	v28 =	vld.idx.msk [tilespmem:v28+s13+$0x0], $0xffff  }
0x5da: {  	v29 =	vadd.s32 v29, v53  }
0x5db: {  	v26 =	vadd.s32 v26, v53;
	_ =	sdelay $0x1  }
0x5dc: {  	[tilespmem:v30+s18+$0x0] =	vst.idx.msk $0xffff, v24  }
0x5dd: {  	[tilespmem:v30+s26+$0x0] =	vst.idx.msk $0xffff, v28  }
0x5de: {  	v28 =	vld.idx.msk [tilespmem:v29+s13+$0x0], $0xffff  }
0x5df: {  	v26 =	vld.idx.msk [tilespmem:v26+s13+$0x0], $0xffff;
	_ =	sdelay $0x1  }
0x5e0: {  	v29 =	vld [tilespmem:$0x1FE10];
	_ =	sdelay $0x2  }
0x5e1: {  	v28 =	vsub.f32 v28, v50;
	v26 =	vsub.f32 v26, v51;
	_ =	sdelay $0x1  }
0x5e2: {  	v29 =	vadd.s32 v29, v53;
	v28 =	vmul.f32 v28, v28;
	v26 =	vmul.f32 v26, v26  }
0x5e3: {  	v30 =	vld [tilespmem:$0x1FB00]  }
0x5e4: {  	v26 =	vadd.f32 v26, v28;
	v28 =	vld [tilespmem:$0x1FE70];
	_ =	sdelay $0x2  }
0x5e5: {  	v29 =	vld.idx.msk [tilespmem:v29+s13+$0x0], $0xffff  }
0x5e6: {  	v30 =	vadd.s32 v30, v53  }
0x5e7: {  	v28 =	vadd.s32 v28, v53;
	_ =	sdelay $0x1  }
0x5e8: {  	[tilespmem:v59+s18+$0x0] =	vst.idx.msk $0xffff, v26  }
0x5e9: {  	[tilespmem:v59+s26+$0x0] =	vst.idx.msk $0xffff, v29  }
0x5ea: {  	v29 =	vld.idx.msk [tilespmem:v30+s13+$0x0], $0xffff  }
0x5eb: {  	v28 =	vld.idx.msk [tilespmem:v28+s13+$0x0], $0xffff;
	_ =	sdelay $0x1  }
0x5ec: {  	v30 =	vld [tilespmem:$0x1FE50];
	_ =	sdelay $0x2  }
0x5ed: {  	v29 =	vsub.f32 v29, v50;
	v28 =	vsub.f32 v28, v51;
	_ =	sdelay $0x1  }
0x5ee: {  	v30 =	vadd.s32 v30, v53;
	v29 =	vmul.f32 v29, v29;
	v28 =	vmul.f32 v28, v28  }
0x5ef: {  	v36 =	vld [tilespmem:$0x1FE90]  }
0x5f0: {  	v28 =	vadd.f32 v28, v29;
	v29 =	vld [tilespmem:$0x1FEA0];
	_ =	sdelay $0x2  }
0x5f1: {  	v30 =	vld.idx.msk [tilespmem:v30+s13+$0x0], $0xffff  }
0x5f2: {  	v32 =	vadd.s32 v36, v53  }
0x5f3: {  	v29 =	vadd.s32 v29, v53;
	_ =	sdelay $0x1  }
0x5f4: {  	[tilespmem:v61+s18+$0x0] =	vst.idx.msk $0xffff, v28  }
0x5f5: {  	[tilespmem:v61+s26+$0x0] =	vst.idx.msk $0xffff, v30  }
0x5f6: {  	v30 =	vld.idx.msk [tilespmem:v32+s13+$0x0], $0xffff  }
0x5f7: {  	v29 =	vld.idx.msk [tilespmem:v29+s13+$0x0], $0xffff  }
0x5f8: {  	v36 =	vld [tilespmem:$0x1FE80];
	_ =	sdelay $0x3  }
0x5f9: {  	v30 =	vsub.f32 v30, v50;
	v29 =	vsub.f32 v29, v51  }
0x5fa: {  	v32 =	vadd.s32 v36, v53  }
0x5fb: {  	v36 =	vld [tilespmem:$0x1FEC0];
	v30 =	vmul.f32 v30, v30;
	v29 =	vmul.f32 v29, v29;
	_ =	sdelay $0x1  }
0x5fc: {  	v29 =	vadd.f32 v29, v30;
	v30 =	vld [tilespmem:$0x1FED0];
	_ =	sdelay $0x1  }
0x5fd: {  	v32 =	vld.idx.msk [tilespmem:v32+s13+$0x0], $0xffff  }
0x5fe: {  	v33 =	vadd.s32 v36, v53  }
0x5ff: {  	v36 =	vld [tilespmem:$0x1FEB0]  }
0x600: {  	v30 =	vadd.s32 v30, v53  }
0x601: {  	[tilespmem:v18+s18+$0x0] =	vst.idx.msk $0xffff, v29  }
0x602: {  	[tilespmem:v18+s26+$0x0] =	vst.idx.msk $0xffff, v32  }
0x603: {  	v32 =	vld.idx.msk [tilespmem:v33+s13+$0x0], $0xffff  }
0x604: {  	v33 =	vadd.s32 v36, v53;
	v36 =	vld [tilespmem:$0x1FEF0]  }
0x605: {  	v30 =	vld.idx.msk [tilespmem:v30+s13+$0x0], $0xffff;
	_ =	sdelay $0x3  }
0x606: {  	v34 =	vadd.s32 v36, v53;
	v36 =	vld [tilespmem:$0x1FF20]  }
0x607: {  	v32 =	vsub.f32 v32, v50;
	v30 =	vsub.f32 v30, v51;
	_ =	sdelay $0x1  }
0x608: {  	v32 =	vmul.f32 v32, v32;
	v30 =	vmul.f32 v30, v30;
	_ =	sdelay $0x1  }
0x609: {  	v30 =	vadd.f32 v30, v32;
	v32 =	vadd.s32 v36, v53;
	v36 =	vld [tilespmem:$0x1FD50];
	_ =	sdelay $0x3  }
0x60a: {  	v33 =	vld.idx.msk [tilespmem:v33+s13+$0x0], $0xffff;
	_ =	sdelay $0x3  }
0x60b: {  	[tilespmem:v36+s18+$0x0] =	vst.idx.msk $0xffff, v30  }
0x60c: {  	[tilespmem:v36+s26+$0x0] =	vst.idx.msk $0xffff, v33;
	v36 =	vld [tilespmem:$0x1FEE0];
	_ =	sdelay $0x1  }
0x60d: {  	v33 =	vld.idx.msk [tilespmem:v34+s13+$0x0], $0xffff  }
0x60e: {  	v32 =	vld.idx.msk [tilespmem:v32+s13+$0x0], $0xffff;
	_ =	sdelay $0x1  }
0x60f: {  	v54 =	vmin.f32 v54, $1.000000020e+30;
	v34 =	vadd.s32 v36, v53  }
0x610: {  	v54 =	vmin.f32 v54, v55;
	v55 =	vld [tilespmem:$0x1FF60]  }
0x611: {  	v36 =	vld [tilespmem:$0x1FF70]  }
0x612: {  	v54 =	vmin.f32 v54, v58;
	v33 =	vsub.f32 v33, v50;
	v32 =	vsub.f32 v32, v51  }
0x613: {  	v54 =	vmin.f32 v54, v62  }
0x614: {  	v54 =	vmin.f32 v54, v60;
	v33 =	vmul.f32 v33, v33;
	v32 =	vmul.f32 v32, v32;
	v34 =	vld.idx.msk [tilespmem:v34+s13+$0x0], $0xffff  }
0x615: {  	v55 =	vadd.s32 v55, v53;
	v5 =	vmin.f32 v54, v5  }
0x616: {  	v5 =	vmin.f32 v5, v6;
	v32 =	vadd.f32 v32, v33;
	v33 =	vadd.s32 v36, v53  }
0x617: {  	v5 =	vmin.f32 v5, v7  }
0x618: {  	v5 =	vmin.f32 v5, v10;
	v10 =	vld [tilespmem:$0x1FF40];
	[tilespmem:v63+s18+$0x0] =	vst.idx.msk $0xffff, v32  }
0x619: {  	[tilespmem:v63+s26+$0x0] =	vst.idx.msk $0xffff, v34  }
0x61a: {  	v6 =	vld.idx.msk [tilespmem:v55+s13+$0x0], $0xffff  }
0x61b: {  	v7 =	vld.idx.msk [tilespmem:v33+s13+$0x0], $0xffff;
	_ =	sdelay $0x1  }
0x61c: {  	v10 =	vadd.s32 v10, v53;
	v5 =	vmin.f32 v5, v11  }
0x61d: {  	v5 =	vmin.f32 v5, v13  }
0x61e: {  	v5 =	vmin.f32 v5, v15  }
0x61f: {  	v5 =	vmin.f32 v5, v16;
	v6 =	vsub.f32 v6, v50;
	v7 =	vsub.f32 v7, v51  }
0x620: {  	v5 =	vmin.f32 v5, v17  }
0x621: {  	v5 =	vmin.f32 v5, v19;
	v10 =	vld.idx.msk [tilespmem:v10+s13+$0x0], $0xffff;
	v6 =	vmul.f32 v6, v6;
	v7 =	vmul.f32 v7, v7  }
0x622: {  	v5 =	vmin.f32 v5, v20  }
0x623: {  	v5 =	vmin.f32 v5, v21;
	v6 =	vadd.f32 v7, v6  }
0x624: {  	v5 =	vmin.f32 v5, v23  }
0x625: {  	v5 =	vmin.f32 v5, v24;
	[tilespmem:v27+s18+$0x0] =	vst.idx.msk $0xffff, v6  }
0x626: {  	v5 =	vmin.f32 v5, v26;
	[tilespmem:v27+s26+$0x0] =	vst.idx.msk $0xffff, v10  }
0x627: {  	v5 =	vmin.f32 v5, v28;
	v7 =	vld [tilespmem:$0x19BF0]  }
0x628: {  	v5 =	vmin.f32 v5, v29;
	v10 =	vld [tilespmem:$0x19C00]  }
0x629: {  	v5 =	vmin.f32 v5, v30  }
0x62a: {  	v5 =	vmin.f32 v5, v32;
	v11 =	vld [tilespmem:$0x19C10]  }
0x62b: {  	v5 =	vmin.f32 v5, v6  }
0x62c: {  	v6 =	vsub.f32 v7, v5  }
0x62d: {  	v7 =	vsub.f32 v10, v5  }
0x62e: {  	v13 =	vld [tilespmem:$0x19C30];
	v6 =	vmul.f32 $-4.000000000e+00, v6  }
0x62f: {  	v10 =	vld [tilespmem:$0x19C20];
	v11 =	vsub.f32 v11, v5;
	v7 =	vmul.f32 $-4.000000000e+00, v7  }
0x630: {  	v6 =	vmul.f32 $1.442695020e+00, v6  }
0x631: {  	v11 =	vmul.f32 $-4.000000000e+00, v11;
	v7 =	vmul.f32 $1.442695020e+00, v7  }
0x632: {  	(erf) = vpow2.f32 v6  }
0x633: {  	(erf) = vpow2.f32 v7;
	v7 =	vmul.f32 $1.442695020e+00, v11  }
0x634: {  	v10 =	vsub.f32 v10, v5;
	v11 =	vsub.f32 v13, v5  }
0x635: {  	v6 =	vld [tilespmem:$0x19C40];
	(erf) = vpow2.f32 v7  }
0x636: {  	v7 =	vmul.f32 $-4.000000000e+00, v10;
	v10 =	vld [tilespmem:$0x19C50];
	v11 =	vmul.f32 $-4.000000000e+00, v11  }
0x637: {  	v15 =	vld [tilespmem:$0x19C60]  }
0x638: {  	v13 =	vld [tilespmem:$0x19D80];
	v11 =	vmul.f32 $1.442695020e+00, v11  }
0x639: {  	v7 =	vmul.f32 $1.442695020e+00, v7  }
0x63a: {  	v6 =	vsub.f32 v6, v5  }
0x63b: {  	v16 =	vld [tilespmem:$0x19D90];
	(erf) = vpow2.f32 v7;
	v7 =	vsub.f32 v10, v5  }
0x63c: {  	v6 =	vmul.f32 $-4.000000000e+00, v6;
	(erf) = vpow2.f32 v11;
	v10 =	vld [tilespmem:$0x19C70];
	v11 =	vpop (erf)  }
0x63d: {  	v17 =	vld [tilespmem:$0x19DA0];
	v15 =	vsub.f32 v15, v5;
	v13 =	vmul.f32 v11, v13;
	v7 =	vmul.f32 $-4.000000000e+00, v7  }
0x63e: {  	v20 =	vld [tilespmem:$0x19DB0];
	v6 =	vmul.f32 $1.442695020e+00, v6  }
0x63f: {  	v21 =	vld [tilespmem:$0x19DC0];
	v15 =	vmul.f32 $-4.000000000e+00, v15;
	v19 =	vpop (erf);
	v11 =	vadd.f32 $0.0e+00, v11;
	v7 =	vmul.f32 $1.442695020e+00, v7  }
0x640: {  	v23 =	vld [tilespmem:$0x19C80];
	v16 =	vmul.f32 v19, v16;
	(erf) = vpow2.f32 v6;
	v6 =	vadd.f32 $0.0e+00, v13  }
0x641: {  	v11 =	vadd.f32 v19, v11;
	v19 =	vld [tilespmem:$0x19C90];
	v10 =	vsub.f32 v10, v5;
	v13 =	vpop (erf);
	(erf) = vpow2.f32 v7  }
0x642: {  	v6 =	vadd.f32 v16, v6;
	v7 =	vmul.f32 $1.442695020e+00, v15;
	v17 =	vmul.f32 v13, v17  }
0x643: {  	v10 =	vmul.f32 $-4.000000000e+00, v10  }
0x644: {  	v11 =	vadd.f32 v13, v11;
	v13 =	vpop (erf);
	(erf) = vpow2.f32 v7;
	v6 =	vadd.f32 v17, v6  }
0x645: {  	v7 =	vld [tilespmem:$0x19CA0];
	v15 =	vmul.f32 v13, v20;
	v16 =	vpop (erf);
	v10 =	vmul.f32 $1.442695020e+00, v10;
	v20 =	vsub.f32 v23, v5  }
0x646: {  	v17 =	vld [tilespmem:$0x19DD0];
	v11 =	vadd.f32 v13, v11;
	v19 =	vsub.f32 v19, v5;
	v13 =	vmul.f32 v16, v21  }
0x647: {  	v21 =	vld [tilespmem:$0x19CB0];
	v6 =	vadd.f32 v15, v6;
	(erf) = vpow2.f32 v10  }
0x648: {  	v15 =	vld [tilespmem:$0x19DE0];
	v10 =	vmul.f32 $-4.000000000e+00, v20;
	v19 =	vmul.f32 $-4.000000000e+00, v19  }
0x649: {  	v11 =	vadd.f32 v16, v11;
	v6 =	vadd.f32 v13, v6  }
0x64a: {  	v16 =	vld [tilespmem:$0x19DF0];
	v10 =	vmul.f32 $1.442695020e+00, v10;
	v7 =	vsub.f32 v7, v5;
	v19 =	vmul.f32 $1.442695020e+00, v19;
	v13 =	vpop (erf)  }
0x64b: {  	v20 =	vld [tilespmem:$0x19CC0];
	v11 =	vadd.f32 v13, v11;
	v13 =	vmul.f32 v13, v17  }
0x64c: {  	v23 =	vpop (erf);
	(erf) = vpow2.f32 v10;
	v7 =	vmul.f32 $-4.000000000e+00, v7  }
0x64d: {  	v10 =	vsub.f32 v21, v5;
	v21 =	vld [tilespmem:$0x19CD0];
	v6 =	vadd.f32 v13, v6;
	v13 =	vmul.f32 v23, v15  }
0x64e: {  	(erf) = vpow2.f32 v19;
	v15 =	vld [tilespmem:$0x19CE0];
	v19 =	vpop (erf);
	v7 =	vmul.f32 $1.442695020e+00, v7  }
0x64f: {  	v10 =	vmul.f32 $-4.000000000e+00, v10;
	v6 =	vadd.f32 v13, v6;
	v13 =	vmul.f32 v19, v16  }
0x650: {  	v17 =	vld [tilespmem:$0x19E00];
	v11 =	vadd.f32 v23, v11;
	v16 =	vsub.f32 v20, v5  }
0x651: {  	(erf) = vpow2.f32 v7;
	v7 =	vmul.f32 $1.442695020e+00, v10;
	v10 =	vld [tilespmem:$0x19CF0]  }
0x652: {  	v11 =	vadd.f32 v19, v11;
	v19 =	vld [tilespmem:$0x19E10];
	v20 =	vsub.f32 v21, v5;
	v16 =	vmul.f32 $-4.000000000e+00, v16  }
0x653: {  	v6 =	vadd.f32 v13, v6;
	v13 =	vpop (erf);
	(erf) = vpow2.f32 v7;
	v7 =	vsub.f32 v15, v5;
	v15 =	vld [tilespmem:$0x19D00]  }
0x654: {  	v21 =	vld [tilespmem:$0x19D10];
	v20 =	vmul.f32 $-4.000000000e+00, v20;
	v16 =	vmul.f32 $1.442695020e+00, v16  }
0x655: {  	v17 =	vmul.f32 v13, v17;
	v11 =	vadd.f32 v13, v11;
	v7 =	vmul.f32 $-4.000000000e+00, v7  }
0x656: {  	v13 =	vpop (erf);
	v10 =	vsub.f32 v10, v5;
	(erf) = vpow2.f32 v16;
	v16 =	vmul.f32 $1.442695020e+00, v20  }
0x657: {  	v11 =	vadd.f32 v13, v11;
	v13 =	vmul.f32 v13, v19;
	v19 =	vld [tilespmem:$0x19D20];
	v7 =	vmul.f32 $1.442695020e+00, v7  }
0x658: {  	v24 =	vld [tilespmem:$0x19D40];
	v10 =	vmul.f32 $-4.000000000e+00, v10;
	(erf) = vpow2.f32 v16;
	v15 =	vsub.f32 v15, v5  }
0x659: {  	v20 =	vpop (erf);
	v16 =	vld [tilespmem:$0x19D30];
	(erf) = vpow2.f32 v7;
	v7 =	vsub.f32 v21, v5  }
0x65a: {  	v6 =	vadd.f32 v17, v6;
	v17 =	vld [tilespmem:$0x19E20];
	v10 =	vmul.f32 $1.442695020e+00, v10;
	v15 =	vmul.f32 $-4.000000000e+00, v15  }
0x65b: {  	v11 =	vadd.f32 v20, v11;
	v7 =	vmul.f32 $-4.000000000e+00, v7  }
0x65c: {  	v23 =	vld [tilespmem:$0x19E30];
	v21 =	vpop (erf);
	(erf) = vpow2.f32 v10;
	v10 =	vmul.f32 $1.442695020e+00, v15;
	v15 =	vsub.f32 v19, v5  }
0x65d: {  	v6 =	vadd.f32 v13, v6;
	v11 =	vadd.f32 v21, v11;
	v7 =	vmul.f32 $1.442695020e+00, v7  }
0x65e: {  	v26 =	vpop (erf);
	v19 =	vld [tilespmem:$0x19D50];
	(erf) = vpow2.f32 v10;
	v10 =	vmul.f32 $-4.000000000e+00, v15;
	v15 =	vsub.f32 v16, v5  }
0x65f: {  	v17 =	vmul.f32 v20, v17;
	v20 =	vpop (erf);
	(erf) = vpow2.f32 v7;
	v7 =	vsub.f32 v24, v5  }
0x660: {  	v13 =	vld [tilespmem:$0x19E40];
	v11 =	vadd.f32 v26, v11;
	v10 =	vmul.f32 $1.442695020e+00, v10;
	v15 =	vmul.f32 $-4.000000000e+00, v15  }
0x661: {  	v16 =	vmul.f32 v21, v23;
	v21 =	vld [tilespmem:$0x19D60];
	v7 =	vmul.f32 $-4.000000000e+00, v7  }
0x662: {  	v11 =	vadd.f32 v20, v11;
	(erf) = vpow2.f32 v10;
	v10 =	vld [tilespmem:$0x19E50];
	v15 =	vmul.f32 $1.442695020e+00, v15  }
0x663: {  	v6 =	vadd.f32 v17, v6;
	v24 =	vld [tilespmem:$0x19D70];
	v23 =	vpop (erf);
	v19 =	vsub.f32 v19, v5;
	v7 =	vmul.f32 $1.442695020e+00, v7  }
0x664: {  	v11 =	vadd.f32 v23, v11;
	(erf) = vpow2.f32 v15;
	v15 =	vld [tilespmem:$0x19E60]  }
0x665: {  	v13 =	vmul.f32 v26, v13;
	v6 =	vadd.f32 v16, v6;
	v17 =	vpop (erf);
	v19 =	vmul.f32 $-4.000000000e+00, v19  }
0x666: {  	v11 =	vadd.f32 v17, v11;
	v21 =	vsub.f32 v21, v5;
	(erf) = vpow2.f32 v7  }
0x667: {  	v6 =	vadd.f32 v13, v6;
	v16 =	vmul.f32 $1.442695020e+00, v19;
	v7 =	vpop (erf);
	v10 =	vmul.f32 v20, v10  }
0x668: {  	v5 =	vsub.f32 v24, v5;
	v19 =	vmul.f32 $-4.000000000e+00, v21;
	v11 =	vadd.f32 v7, v11  }
0x669: {  	(erf) = vpow2.f32 v16;
	v16 =	vld [tilespmem:$0x19E70];
	v13 =	vpop (erf);
	v6 =	vadd.f32 v10, v6;
	v10 =	vmul.f32 v23, v15  }
0x66a: {  	v5 =	vmul.f32 $-4.000000000e+00, v5;
	v19 =	vmul.f32 $1.442695020e+00, v19;
	v11 =	vadd.f32 v13, v11  }
0x66b: {  	v15 =	vld [tilespmem:$0x19E80];
	v20 =	vpop (erf)  }
0x66c: {  	v21 =	vld.idx.msk [tilespmem:v49+s23+$0x0], $0xffff;
	v5 =	vmul.f32 $1.442695020e+00, v5;
	(erf) = vpow2.f32 v19;
	v11 =	vadd.f32 v20, v11  }
0x66d: {  	v19 =	vld [tilespmem:$0x19E90];
	v6 =	vadd.f32 v10, v6;
	v10 =	vpop (erf)  }
0x66e: {  	v16 =	vmul.f32 v17, v16;
	(erf) = vpow2.f32 v5;
	v5 =	vld.idx.msk [tilespmem:v48+s23+$0x0], $0xffff;
	v11 =	vadd.f32 v10, v11  }
0x66f: {  	v23 =	vld [tilespmem:$0x19EA0];
	v17 =	vpop (erf)  }
0x670: {  	v6 =	vadd.f32 v16, v6;
	v7 =	vmul.f32 v7, v15;
	v11 =	vadd.f32 v17, v11  }
0x671: {  	v15 =	vpop (erf)  }
0x672: {  	v6 =	vadd.f32 v7, v6;
	v7 =	vmul.f32 v13, v19;
	v13 =	vld [tilespmem:$0x19EB0];
	v11 =	vadd.f32 v15, v11  }
0x673: {  	v16 =	vld [tilespmem:$0x19EC0];
	v19 =	vpop (erf);
	v5 =	vmul.f32 v5, v21  }
0x674: {  	v6 =	vadd.f32 v7, v6;
	v7 =	vmul.f32 v20, v23;
	v11 =	vadd.f32 v19, v11  }
0x675: {  	v20 =	vld [tilespmem:$0x19ED0];
	v21 =	vpop (erf);
	v23 =	vmul.f32 $5.862991810e-01, v5  }
0x676: {  	v6 =	vadd.f32 v7, v6;
	v7 =	vadd.f32 v21, v11  }
0x677: {  	v24 =	vmul.f32 $1.889726160e+00, v47;
	v10 =	vmul.f32 v10, v13;
	v11 =	vld [tilespmem:$0x19EE0];
	v13 =	vpop (erf);
	v23 =	vadd.f32 $2.882999900e+00, v23  }
0x678: {  	v16 =	vmul.f32 v17, v16;
	v7 =	vadd.f32 v13, v7  }
0x679: {  	v17 =	vmul.f32 v24, v24;
	v6 =	vadd.f32 v10, v6;
	v10 =	vld [tilespmem:$0x19EF0];
	v23 =	vmul.f32 v23, v23  }
0x67a: {  	v15 =	vmul.f32 v15, v20;
	(erf) = vrcp.f32 v7  }
0x67b: {  	v6 =	vadd.f32 v16, v6;
	v7 =	vmul.f32 v17, v17;
	v16 =	vmul.f32 v23, v23  }
0x67c: {  	v11 =	vmul.f32 v19, v11;
	v19 =	vld [tilespmem:$0x19F00]  }
0x67d: {  	v6 =	vadd.f32 v15, v6;
	v7 =	vmul.f32 v7, v17;
	v15 =	vmul.f32 v16, v23  }
0x67e: {  	v10 =	vmul.f32 v21, v10  }
0x67f: {  	v6 =	vadd.f32 v11, v6;
	v11 =	vmul.f32 v7, v17;
	v16 =	vmul.f32 v15, v23  }
0x680: {  	v7 =	vadd.f32 v15, v7  }
0x681: {  	v6 =	vadd.f32 v10, v6;
	v10 =	vmul.f32 v13, v19;
	v11 =	vadd.f32 v16, v11  }
0x682: {  	(erf) = vrcp.f32 v7  }
0x683: {  	v6 =	vadd.f32 v10, v6;
	(erf) = vrcp.f32 v11  }
0x684: {  	v7 =	vpop (erf)  }
0x685: {  	v6 =	vmul.f32 v7, v6;
	_ =	sdelay $0x1  }
0x686: {  	v5 =	vmul.f32 v5, v5;
	v7 =	vmul.f32 $-3.000000000e+00, v6;
	_ =	sdelay $0x1  }
0x687: {  	v5 =	vmul.f32 v7, v5;
	_ =	sdelay $0x1  }
0x688: {  	v6 =	vmul.f32 $-5.000000000e-01, v6;
	v7 =	vpop (erf);
	v5 =	vmul.f32 $4.585500060e-01, v5  }
0x689: {  	v10 =	vpop (erf)  }
0x68a: {  	p2 =	sne.s32 s14, $0x180;
	v6 =	vmul.f32 v7, v6;
	v5 =	vmul.f32 v10, v5  }
.Ltmp11:
0x68b: {  	_ = 	snop;
	(pc) =	sbr.rel @p2 .LBB2_21-.Ltmp11, $4  }
0x68c: {  	v5 =	vadd.f32 v5, v6  }
0x68d: {  	v58 =	vmovc v9;
	v60 =	vmov v22;
	v28 =	vmov v4;
	v29 =	vmov v38  }
0x68e: {  	s12 =	sadd.s32 $0x10, s12;
	s19 =	sadd.s32 $0x10, s19;
	s11 =	sadd.s32 $0x10, s11;
	v30 =	vmovc v42;
	v32 =	vmovc v52;
	v34 =	vmov v57;
	v33 =	vmov v56;
	v26 =	vmov v39;
	v15 =	vld [tilespmem:$0x1FF50];
	[tilespmem:s15+$0x0] =	vst v5  }
0x68f: {  	s14 =	sadd.s32 $0x10, s14;
	v24 =	vmovc v43;
	v20 =	vmovc v0;
	v21 =	vmov v37;
	v23 =	vmov v41;
	v19 =	vmov v44;
	v16 =	vld [tilespmem:$0x1FF90];
	s15 =	sadd.s32 $0x10, s15;
	[tilespmem:s16+$0x0] =	vst v46;
	s16 =	sadd.s32 $0x10, s16  }
.Ltmp12:
0x690: {  	(pc) =	sbr.rel @p1 .LBB2_24-.Ltmp12, $4  }
0x691: {  	[spmem:s7] =	stream.indirect.scatter.add.f32 [tilespmem:s30], [sflag:$0x6], $0x1, s28, s20, $0x2000b8;
	[tilespmem:$0x1A6E0] =	vst v63  }
0x692: {  	_ =	swait.ge [sflag:s6], $0x190  }
0x693: {  	[sflag:s6] =	ssyncset.done $0x0  }
0x694: {  	v62 =	vmov v63;
	[sflag:s6] =	ssyncadd.s32 $0xFFFFFE70  }
0x695: {  	s11 =	smul.u32 $0x320, s0  }
0x696: {  	s12 =	rddreg [dreg:$0x12]  }
0x697: {  	s11 =	sadd.s32 s11, s12  }
0x698: {  	s11 =	sshrl.u32 s11, $0x3  }
0x699: {  	s14 =	simm.s32 $0x93E0;
	s19 =	sadd.s32 s2, s11  }
0x69a: {  	[tilespmem:s14], [sflag:$0x3] =	stream.linear.gather [hbm4b:s19+s8], $0x190, $0x200038;
	[tilespmem:$0x1A6E0] =	vst v63  }
.Ltmp13:
0x69b: {  	_ = 	snop;
	(pc) =	sbr.rel .LBB2_12-.Ltmp13, $4  }
0x69c: {  	s16 =	simm.s32 $0x9700;
	s15 =	sadd.s32 s3, s11  }
0x69d: {  	[tilespmem:s16], [sflag:$0x3] =	stream.linear.gather [hbm4b:s15+s8], $0x190, $0x200038;
	[tilespmem:$0x1A6E0] =	vst v63  }
0x69e: {  	s0 =	sadd.s32 $0x1, s0;
	s11 =	sadd.s32 s1, s11;
	s19 =	simm.s32 $0x9A20  }
0x69f: {  	[tilespmem:s19], [sflag:$0x3] =	stream.linear.gather [hbm4b:s11+s8], $0x190, $0x200038;
	[tilespmem:$0x1A6E0] =	vst v63  }
.LBB2_25:
0x6a0: {  	_ =	sfence.sel $0x180000  }
0x6a1: {  	[bflag:$0x0] =	sbarrier.arrive $0xFFFF  }
0x6a2: {  	_ =	strace $0x90000047  }
0x6a3: {  	[bflag:$0x2] =	sbarrier.arrive $0xFFFF  }
0x6a4: {  	s0 =	rddreg [dreg:$0x8]  }
0x6a5: {  	s0 =	sadd.s32 @!p0 $0x100000, s0  }
0x6a6: {  	[sflag:s0] =	ssyncadd.tile.s32 @!p0 $0x1;
	_ =	shalt  }
.Lfunc_end2:
_tile_overlayer_lowered:
.L_overlay_start_2:
0x6a7: {  	(tag) =	ssettag $0x2  }
0x6a8: {  	s0 =	rddreg [dreg:$0x0];
	s2 =	stileid.u32  }
0x6a9: {  	s1 =	rddreg [dreg:$0x1];
	p0 =	sne.s32 s2, $0x0  }
0x6aa: {  	s3 =	rddreg [dreg:$0x2];
	[bflag:$0x3] =	sbarrier.arrive $0xFFFF;
	s2 =	simm.s32 @!p0 $0x1C06  }
0x6ab: {  	[timem:s3], [sflag:s2] =	dma.local @!p0 [hbm:s0], s1  }
0x6ac: {  	s0 =	simm.s32 @!p0 $0x6  }
0x6ad: {  	_ =	swait.ge @!p0 [sflag:s0], s1  }
0x6ae: {  	s1 =	ssub.s32 @!p0 $0x0, s1;
	[sflag:s0] =	ssyncset.done @!p0 $0x0  }
0x6af: {  	[sflag:s0] =	ssyncadd.s32 @!p0 s1  }
0x6b0: {  	[bflag:$0x3] =	sbarrier.arrive $0xFFFF  }
0x6b1: {  	_ =	shalt  }

</sc_bundles>
